<compile_context>
chip_gen: v7x
topology: tpu7x:2x2x1
jax: 0.10.2.dev20260603
libtpu: 0.0.44.dev20260713+nightly
codegen_flags: <defaults>
</compile_context>

<pallas_src>
import functools

import jax
import jax.numpy as jnp
from jax import lax
from jax.experimental import pallas as pl
from jax.experimental.pallas import tpu as pltpu
from jax.experimental.pallas import tpu_sc as plsc

N = 10000
E = 320000
FEAT_LEN = 150
FEAT_PAD = 152
DIM = 128
NUM_GRAPHS = 64

NC = 2
NS = 16
NW = NC * NS
EPT = E // NW
NP = 10240
ROWS_PER_SUB = NP // NS

_mesh = plsc.VectorSubcoreMesh(core_axis_name="c", subcore_axis_name="s")


_DEG_CH = 2000


@functools.partial(
    pl.kernel,
    mesh=_mesh,
    out_type=[
        jax.ShapeDtypeStruct((NW, 1, N), jnp.float32),
        jax.ShapeDtypeStruct((NW, 1, N), jnp.float32),
    ],
    scratch_types=[
        pltpu.VMEM((_DEG_CH,), jnp.int32),
        pltpu.VMEM((_DEG_CH,), jnp.int32),
        pltpu.VMEM((_DEG_CH,), jnp.int32),
        pltpu.VMEM((_DEG_CH,), jnp.int32),
        pltpu.VMEM((N,), jnp.float32),
        pltpu.VMEM((N,), jnp.float32),
        pltpu.SemaphoreType.DMA,
    ],
    compiler_params=pltpu.CompilerParams(needs_layout_passes=False),
)
def _deg_kernel(src_hbm, dst_hbm, osrc_hbm, odst_hbm,
                s0, s1, d0, d1, scnt, dcnt, isem):
    c = lax.axis_index("c")
    s = lax.axis_index("s")
    wid = s * NC + c
    base = wid * EPT
    sbuf = (s0, s1)
    dbuf = (d0, d1)
    nchunk = EPT // _DEG_CH

    zeros16 = jnp.zeros((16,), jnp.float32)

    def zero_body(i, carry):
        for u in range(5):
            scnt[pl.ds((i * 5 + u) * 16, 16)] = zeros16
            dcnt[pl.ds((i * 5 + u) * 16, 16)] = zeros16
        return carry

    lax.fori_loop(0, N // 80, zero_body, 0)

    ones16 = jnp.ones((16,), jnp.float32)

    def load_chunk(k, p):
        off = base + k * _DEG_CH
        pltpu.async_copy(src_hbm.at[pl.ds(off, _DEG_CH)], sbuf[p], isem)
        pltpu.async_copy(dst_hbm.at[pl.ds(off, _DEG_CH)], dbuf[p], isem)

    def wait_chunk(p):
        pltpu.make_async_copy(src_hbm.at[pl.ds(0, _DEG_CH)], sbuf[p], isem).wait()
        pltpu.make_async_copy(dst_hbm.at[pl.ds(0, _DEG_CH)], dbuf[p], isem).wait()

    load_chunk(0, 0)
    for k in range(nchunk):
        p = k % 2
        wait_chunk(p)
        if k + 1 < nchunk:
            load_chunk(k + 1, 1 - p)

        def vec_body(i, inner):
            for u in range(5):
                si = sbuf[p][pl.ds((i * 5 + u) * 16, 16)]
                plsc.addupdate_scatter(scnt, [si], ones16)
                di = dbuf[p][pl.ds((i * 5 + u) * 16, 16)]
                plsc.addupdate_scatter(dcnt, [di], ones16)
            return inner

        lax.fori_loop(0, _DEG_CH // 80, vec_body, 0)

    pltpu.sync_copy(scnt, osrc_hbm.at[wid, 0])
    pltpu.sync_copy(dcnt, odst_hbm.at[wid, 0])


_AGG_CH = 80
_NBUF = 4
_GROUP = _NBUF * _AGG_CH
_NGRP = EPT // _GROUP
_TAIL = EPT - _NGRP * _GROUP


@functools.partial(
    pl.kernel,
    mesh=_mesh,
    out_type=jax.ShapeDtypeStruct((NC, NP, DIM), jnp.float32),
    scratch_types=[
        pltpu.VMEM((_GROUP,), jnp.int32),
        pltpu.VMEM((_GROUP,), jnp.int32),
        pltpu.VMEM((_GROUP,), jnp.int32),
        pltpu.VMEM((_GROUP,), jnp.int32),
    ] + [pltpu.VMEM((_AGG_CH,), jnp.int32) for _ in range(2 * _NBUF)]
    + [
        pltpu.VMEM((_NBUF, _AGG_CH, DIM), jnp.float32),
        pltpu.VMEM((32, DIM), jnp.float32),
        pltpu.VMEM_SHARED((NP, DIM), jnp.float32),
        pltpu.SemaphoreType.DMA,
    ]
    + [pltpu.SemaphoreType.DMA for _ in range(2 * _NBUF)],
    compiler_params=pltpu.CompilerParams(needs_layout_passes=False),
)
def _agg_kernel(x_hbm, src_hbm, dst_hbm, out_hbm, sflat0, sflat1,
                dflat0, dflat1,
                d00, d01, d02, d03, d10, d11, d12, d13,
                rows, zbuf, acc, isem,
                gsem0, gsem1, gsem2, gsem3, ssem0, ssem1, ssem2, ssem3):
    c = lax.axis_index("c")
    s = lax.axis_index("s")
    wid = s * NC + c
    base = wid * EPT
    sflat = (sflat0, sflat1)
    dflat = (dflat0, dflat1)
    didx = ((d00, d01, d02, d03), (d10, d11, d12, d13))
    gsem = (gsem0, gsem1, gsem2, gsem3)
    ssem = (ssem0, ssem1, ssem2, ssem3)

    zeros16 = jnp.zeros((16,), jnp.float32)

    def zfill(i, carry):
        def zlane(j, inner):
            zbuf[i, pl.ds(j * 16, 16)] = zeros16
            return inner

        return lax.fori_loop(0, DIM // 16, zlane, carry)

    lax.fori_loop(0, 32, zfill, 0)

    def zcopy(t, carry):
        pltpu.async_copy(zbuf, acc.at[pl.ds(s * ROWS_PER_SUB + t * 32, 32)], isem)
        return carry

    lax.fori_loop(0, ROWS_PER_SUB // 32, zcopy, 0)

    def zdrain(t, carry):
        pltpu.make_async_copy(zbuf, acc.at[pl.ds(0, 32)], isem).wait()
        return carry

    lax.fori_loop(0, ROWS_PER_SUB // 32, zdrain, 0)
    plsc.subcore_barrier()

    def load_idx_group(g, p):
        off = base + g * _GROUP
        pltpu.async_copy(src_hbm.at[pl.ds(off, _GROUP)], sflat[p], isem)
        pltpu.async_copy(dst_hbm.at[pl.ds(off, _GROUP)], dflat[p], isem)

    def wait_idx(p):
        pltpu.make_async_copy(src_hbm.at[pl.ds(0, _GROUP)], sflat[p], isem).wait()
        pltpu.make_async_copy(dst_hbm.at[pl.ds(0, _GROUP)], dflat[p], isem).wait()

    def spread_didx(p):
        for b in range(_NBUF):
            for j in range(_AGG_CH // 16):
                didx[p][b][pl.ds(j * 16, 16)] = (
                    dflat[p][pl.ds(b * _AGG_CH + j * 16, 16)])

    def gather_start(p, b):
        pltpu.async_copy(
            x_hbm.at[sflat[p].at[pl.ds(b * _AGG_CH, _AGG_CH)]], rows.at[b], gsem[b])

    def gather_wait(b):
        pltpu.make_async_copy(
            x_hbm.at[sflat[0].at[pl.ds(0, _AGG_CH)]], rows.at[b], gsem[b]).wait()

    def scat_start(p, b):
        pltpu.async_copy(rows.at[b], acc.at[didx[p][b]], ssem[b], add=True)

    def scat_wait(p, b):
        pltpu.make_async_copy(rows.at[b], acc.at[didx[p][b]], ssem[b]).wait()

    pltpu.sync_copy(src_hbm.at[pl.ds(base + _NGRP * _GROUP, _TAIL)],
                    sflat0.at[pl.ds(0, _TAIL)])
    pltpu.sync_copy(dst_hbm.at[pl.ds(base + _NGRP * _GROUP, _TAIL)], d00)
    pltpu.async_copy(
        x_hbm.at[sflat0.at[pl.ds(0, _TAIL)]], rows.at[0], gsem[0]).wait()
    pltpu.async_copy(rows.at[0], acc.at[d00], ssem[0], add=True).wait()

    load_idx_group(0, 0)
    wait_idx(0)
    spread_didx(0)
    for b in range(_NBUF):
        gather_start(0, b)
    load_idx_group(1, 1)

    def step(g, p):
        wait_idx(p)
        spread_didx(p)
        for b in range(_NBUF):
            gather_wait(b)
            scat_start(1 - p, b)
        for b in range(_NBUF):
            scat_wait(1 - p, b)
            gather_start(p, b)

        @pl.when(g + 1 < _NGRP)
        def _():
            load_idx_group(g + 1, 1 - p)

    def pair_body(i, carry):
        step(2 * i + 1, 1)
        step(2 * i + 2, 0)
        return carry

    lax.fori_loop(0, (_NGRP - 1) // 2, pair_body, 0)
    if (_NGRP - 1) % 2 == 1:
        step(_NGRP - 1, (_NGRP - 1) % 2)
    _last_p = (_NGRP - 1) % 2

    for b in range(_NBUF):
        gather_wait(b)
        scat_start(_last_p, b)
    for b in range(_NBUF):
        scat_wait(_last_p, b)
    plsc.subcore_barrier()

    half = ROWS_PER_SUB // 2
    pltpu.async_copy(
        acc.at[pl.ds(s * ROWS_PER_SUB, half)],
        out_hbm.at[c, pl.ds(s * ROWS_PER_SUB, half)], gsem[0])
    pltpu.async_copy(
        acc.at[pl.ds(s * ROWS_PER_SUB + half, half)],
        out_hbm.at[c, pl.ds(s * ROWS_PER_SUB + half, half)], gsem[1])
    pltpu.make_async_copy(
        acc.at[pl.ds(0, half)],
        out_hbm.at[c, pl.ds(0, half)], gsem[0]).wait()
    pltpu.make_async_copy(
        acc.at[pl.ds(0, half)],
        out_hbm.at[c, pl.ds(0, half)], gsem[1]).wait()


def _tc0_body(featT_ref, w0_ref, x0_ref):
    feat = featT_ref[...]
    cols = lax.broadcasted_iota(jnp.int32, (1, FEAT_PAD), 1)
    h = jnp.zeros((N, FEAT_PAD), jnp.float32)
    for j in range(8):
        h = h + (feat[j][:, None] == cols).astype(jnp.float32)
    x0_ref[...] = jnp.dot(h, w0_ref[...], preferred_element_type=jnp.float32)


def _tc0_call(featT, w0p):
    return pl.pallas_call(
        _tc0_body,
        out_shape=jax.ShapeDtypeStruct((N, DIM), jnp.float32),
    )(featT, w0p)


def _tc1_body(cs_ref, cd_ref, x0_ref, onorm_ref, inorm_ref, x0n_ref):
    cs = jnp.sum(cs_ref[...], axis=(0, 1))
    cd = jnp.sum(cd_ref[...], axis=(0, 1))
    onorm = lax.rsqrt(jnp.maximum(cs, 1.0))
    inorm = lax.rsqrt(jnp.maximum(cd, 1.0))
    onorm_ref[...] = onorm
    inorm_ref[...] = inorm
    x0n_ref[...] = x0_ref[...] * onorm[:, None]


def _tc1_call(cnt_src, cnt_dst, x0):
    return pl.pallas_call(
        _tc1_body,
        out_shape=[
            jax.ShapeDtypeStruct((N,), jnp.float32),
            jax.ShapeDtypeStruct((N,), jnp.float32),
            jax.ShapeDtypeStruct((N, DIM), jnp.float32),
        ],
    )(cnt_src, cnt_dst, x0)


def _tc2_body(aggp_ref, inorm_ref, onorm_ref, w1_ref, b0_ref, x1n_ref):
    agg = aggp_ref[0, :N, :] + aggp_ref[1, :N, :]
    h1 = jnp.maximum(agg * inorm_ref[...][:, None] + b0_ref[...][None, :], 0.0)
    x1 = jnp.dot(h1, w1_ref[...], preferred_element_type=jnp.float32)
    x1n_ref[...] = x1 * onorm_ref[...][:, None]


def _tc2_call(aggp, inorm, onorm, w1, b0):
    return pl.pallas_call(
        _tc2_body,
        out_shape=jax.ShapeDtypeStruct((N, DIM), jnp.float32),
    )(aggp, inorm, onorm, w1, b0)


def _tc3_body(aggp_ref, inorm_ref, b1_ref, gid_ref, out_ref):
    h2 = (aggp_ref[0, :N, :] + aggp_ref[1, :N, :]) * inorm_ref[...][:, None] + b1_ref[...][None, :]
    nrm = jnp.sqrt(jnp.sum(h2 * h2, axis=1))
    factor = jnp.sqrt(jnp.float32(DIM)) / jnp.mean(nrm)
    h = h2 * factor
    seg = (gid_ref[...][None, :]
           == lax.broadcasted_iota(jnp.int32, (NUM_GRAPHS, 1), 0)).astype(jnp.float32)
    out_ref[...] = jnp.dot(seg, h, preferred_element_type=jnp.float32)


def _tc3_call(aggp, inorm, b1, gid):
    return pl.pallas_call(
        _tc3_body,
        out_shape=jax.ShapeDtypeStruct((NUM_GRAPHS, DIM), jnp.float32),
    )(aggp, inorm, b1, gid)


def kernel(feature, edge_index, graph_ids, W0, b0, W1, b1):
    edges = edge_index.astype(jnp.int32)
    src = edges[0]
    dst = edges[1]
    featT = feature.astype(jnp.int32).T
    w0p = jnp.pad(W0, ((0, FEAT_PAD - FEAT_LEN), (0, 0)))
    cnt_src, cnt_dst = _deg_kernel(src, dst)
    x0 = _tc0_call(featT, w0p)
    onorm, inorm, x0n = _tc1_call(cnt_src, cnt_dst, x0)
    agg1p = _agg_kernel(x0n, src, dst)
    x1n = _tc2_call(agg1p, inorm, onorm, W1, b0)
    agg2p = _agg_kernel(x1n, src, dst)
    return _tc3_call(agg2p, inorm, b1, graph_ids)

# --- scband reference (transcript-rebuilt; emitter-appended) ---
"""Pipeline reference for scband-gnn-85607288144349 (READ-ONLY COPY).

The authoritative reference and input builder live on the scoring server;
editing this copy changes nothing except your own understanding.
"""

import jax, jax.numpy as jnp
import numpy as np

N = 10000
E = 320000
FEAT_LEN = 150
DIM = 128
NUM_GRAPHS = 64


def setup_inputs(seed: int = 0) -> dict:
    key = jax.random.key(seed)
    ks = jax.random.split(key, 8)
    feature = jax.random.randint(ks[0], (N, 8), 0, FEAT_LEN)
    edge_index = jax.random.randint(ks[1], (2, E), 0, N)
    graph_ids = jnp.sort(jax.random.randint(ks[2], (N,), 0, NUM_GRAPHS))
    W0 = jax.random.normal(ks[3], (FEAT_LEN, DIM), dtype=jnp.float32) * (1.0 / np.sqrt(FEAT_LEN))
    b0 = jnp.zeros((DIM,), dtype=jnp.float32)
    W1 = jax.random.normal(ks[4], (DIM, DIM), dtype=jnp.float32) * (1.0 / np.sqrt(DIM))
    b1 = jnp.zeros((DIM,), dtype=jnp.float32)
    return {"feature": feature, "edge_index": edge_index, "graph_ids": graph_ids,
            "W0": W0, "b0": b0, "W1": W1, "b1": b1}


def reference(feature, edge_index, graph_ids, W0, b0, W1, b1):
    # h = sum of one-hot categorical node features -> [N, feature_len]
    h = jax.nn.one_hot(feature, FEAT_LEN, dtype=jnp.float32).sum(axis=1)
    src = edge_index[0]
    dst = edge_index[1]
    # DGL GraphConv with norm='both': symmetric degree normalization, degrees clamped to >= 1
    out_deg = jnp.maximum(jnp.bincount(src, length=N).astype(jnp.float32), 1.0)
    in_deg = jnp.maximum(jnp.bincount(dst, length=N).astype(jnp.float32), 1.0)
    out_norm = out_deg ** -0.5
    in_norm = in_deg ** -0.5

    def gcn_layer(hh, W, b, act):
        hn = hh * out_norm[:, None]
        agg = jnp.zeros((N, hh.shape[1]), hh.dtype).at[dst].add(hn[src])
        agg = agg * in_norm[:, None]
        out = agg @ W + b
        return jax.nn.relu(out) if act else out

    h = gcn_layer(h, W0, b0, True)   # layer 0 with relu
    h = gcn_layer(h, W1, b1, False)  # last layer, no activation

    # factor = sqrt(dim) / float(mean(||h||)) -- python float in torch, so detached
    factor = jax.lax.stop_gradient(
        jnp.sqrt(jnp.float32(DIM)) / jnp.mean(jnp.linalg.norm(h, axis=1)))
    h = h * factor
    # SumPooling over the batched graph
    graph_embedding = jax.ops.segment_sum(h, graph_ids, num_segments=NUM_GRAPHS)
    return graph_embedding

if __name__ == "__main__":
    import jax
    _d = setup_inputs()
    print(jax.jit(kernel)(*tuple(_d.values())))

</pallas_src>

<mosaic_0001>
#map = affine_map<(d0, d1) -> (0)>
#map1 = affine_map<(d0, d1) -> (0, 0, 0)>
module attributes {stable_mosaic.version = 14 : i64} {
  func.func @_deg_kernel(%arg0: i32, %arg1: i32, %arg2: memref<320000xi32, #tpu.memory_space<hbm>>, %arg3: memref<320000xi32, #tpu.memory_space<hbm>>, %arg4: memref<32x1x10000xf32, #tpu.memory_space<hbm>>, %arg5: memref<32x1x10000xf32, #tpu.memory_space<hbm>>, %arg6: memref<2000xi32, #tpu.memory_space<vmem>>, %arg7: memref<2000xi32, #tpu.memory_space<vmem>>, %arg8: memref<2000xi32, #tpu.memory_space<vmem>>, %arg9: memref<2000xi32, #tpu.memory_space<vmem>>, %arg10: memref<10000xf32, #tpu.memory_space<vmem>>, %arg11: memref<10000xf32, #tpu.memory_space<vmem>>, %arg12: memref<!tpu.dma_semaphore, #tpu.memory_space<semaphore_mem>>) attributes {dimension_semantics = [#tpu.dimension_semantics<core_parallel>, #tpu.dimension_semantics<subcore_parallel>], iteration_bounds = array<i64: 2, 16>, scalar_prefetch = 0 : i64, scratch_operands = 7 : i64, tpu.core_type = #tpu.core_type<sc_vector_subcore>, window_params = [{transform_indices = #map}, {transform_indices = #map}, {transform_indices = #map1}, {transform_indices = #map1}]} {
    %mul3A = arith.constant 2 : i32
    %mul3A_0 = arith.muli %arg1, %mul3A : i32
    %add3A = arith.addi %mul3A_0, %arg0 : i32
    %mul3A_1 = arith.constant 10000 : i32
    %mul3A_2 = arith.muli %add3A, %mul3A_1 : i32
    %broadcast_in_dim3A = arith.constant 0.000000e+00 : f32
    %broadcast_in_dim3A_3 = vector.broadcast %broadcast_in_dim3A : f32 to vector<16xf32>
    %scan3A = arith.constant 0 : i32
    %scan3A_4 = arith.constant 0 : i32
    %scan3A_5 = arith.constant 125 : i32
    %scan3A_6 = arith.addi %scan3A_4, %scan3A_5 : i32
    %scan3A_7 = arith.constant 1 : i32
    scf.for %scan3A_110 = %scan3A_4 to %scan3A_6 step %scan3A_7  : i32 {
      %mul3A_111 = arith.constant 5 : i32
      %mul3A_112 = arith.muli %scan3A_110, %mul3A_111 : i32
      %add3A_113 = arith.constant 0 : i32
      %add3A_114 = arith.addi %mul3A_112, %add3A_113 : i32
      %mul3A_115 = arith.constant 16 : i32
      %mul3A_116 = arith.muli %add3A_114, %mul3A_115 : i32
      %swap3A = arith.index_cast %mul3A_116 : i32 to index
      %swap3A_117 = tpu.vector_load %arg10[%swap3A] {strides = array<i32>} : memref<10000xf32, #tpu.memory_space<vmem>>, vector<16xf32>,
      tpu.vector_store %arg10[%swap3A], %broadcast_in_dim3A_3 {strides = array<i32>} : memref<10000xf32, #tpu.memory_space<vmem>>, vector<16xf32>,
      %mul3A_118 = arith.constant 5 : i32
      %mul3A_119 = arith.muli %scan3A_110, %mul3A_118 : i32
      %add3A_120 = arith.constant 0 : i32
      %add3A_121 = arith.addi %mul3A_119, %add3A_120 : i32
      %mul3A_122 = arith.constant 16 : i32
      %mul3A_123 = arith.muli %add3A_121, %mul3A_122 : i32
      %swap3A_124 = arith.index_cast %mul3A_123 : i32 to index
      %swap3A_125 = tpu.vector_load %arg11[%swap3A_124] {strides = array<i32>} : memref<10000xf32, #tpu.memory_space<vmem>>, vector<16xf32>,
      tpu.vector_store %arg11[%swap3A_124], %broadcast_in_dim3A_3 {strides = array<i32>} : memref<10000xf32, #tpu.memory_space<vmem>>, vector<16xf32>,
      %mul3A_126 = arith.constant 5 : i32
      %mul3A_127 = arith.muli %scan3A_110, %mul3A_126 : i32
      %add3A_128 = arith.constant 1 : i32
      %add3A_129 = arith.addi %mul3A_127, %add3A_128 : i32
      %mul3A_130 = arith.constant 16 : i32
      %mul3A_131 = arith.muli %add3A_129, %mul3A_130 : i32
      %swap3A_132 = arith.index_cast %mul3A_131 : i32 to index
      %swap3A_133 = tpu.vector_load %arg10[%swap3A_132] {strides = array<i32>} : memref<10000xf32, #tpu.memory_space<vmem>>, vector<16xf32>,
      tpu.vector_store %arg10[%swap3A_132], %broadcast_in_dim3A_3 {strides = array<i32>} : memref<10000xf32, #tpu.memory_space<vmem>>, vector<16xf32>,
      %mul3A_134 = arith.constant 5 : i32
      %mul3A_135 = arith.muli %scan3A_110, %mul3A_134 : i32
      %add3A_136 = arith.constant 1 : i32
      %add3A_137 = arith.addi %mul3A_135, %add3A_136 : i32
      %mul3A_138 = arith.constant 16 : i32
      %mul3A_139 = arith.muli %add3A_137, %mul3A_138 : i32
      %swap3A_140 = arith.index_cast %mul3A_139 : i32 to index
      %swap3A_141 = tpu.vector_load %arg11[%swap3A_140] {strides = array<i32>} : memref<10000xf32, #tpu.memory_space<vmem>>, vector<16xf32>,
      tpu.vector_store %arg11[%swap3A_140], %broadcast_in_dim3A_3 {strides = array<i32>} : memref<10000xf32, #tpu.memory_space<vmem>>, vector<16xf32>,
      %mul3A_142 = arith.constant 5 : i32
      %mul3A_143 = arith.muli %scan3A_110, %mul3A_142 : i32
      %add3A_144 = arith.constant 2 : i32
      %add3A_145 = arith.addi %mul3A_143, %add3A_144 : i32
      %mul3A_146 = arith.constant 16 : i32
      %mul3A_147 = arith.muli %add3A_145, %mul3A_146 : i32
      %swap3A_148 = arith.index_cast %mul3A_147 : i32 to index
      %swap3A_149 = tpu.vector_load %arg10[%swap3A_148] {strides = array<i32>} : memref<10000xf32, #tpu.memory_space<vmem>>, vector<16xf32>,
      tpu.vector_store %arg10[%swap3A_148], %broadcast_in_dim3A_3 {strides = array<i32>} : memref<10000xf32, #tpu.memory_space<vmem>>, vector<16xf32>,
      %mul3A_150 = arith.constant 5 : i32
      %mul3A_151 = arith.muli %scan3A_110, %mul3A_150 : i32
      %add3A_152 = arith.constant 2 : i32
      %add3A_153 = arith.addi %mul3A_151, %add3A_152 : i32
      %mul3A_154 = arith.constant 16 : i32
      %mul3A_155 = arith.muli %add3A_153, %mul3A_154 : i32
      %swap3A_156 = arith.index_cast %mul3A_155 : i32 to index
      %swap3A_157 = tpu.vector_load %arg11[%swap3A_156] {strides = array<i32>} : memref<10000xf32, #tpu.memory_space<vmem>>, vector<16xf32>,
      tpu.vector_store %arg11[%swap3A_156], %broadcast_in_dim3A_3 {strides = array<i32>} : memref<10000xf32, #tpu.memory_space<vmem>>, vector<16xf32>,
      %mul3A_158 = arith.constant 5 : i32
      %mul3A_159 = arith.muli %scan3A_110, %mul3A_158 : i32
      %add3A_160 = arith.constant 3 : i32
      %add3A_161 = arith.addi %mul3A_159, %add3A_160 : i32
      %mul3A_162 = arith.constant 16 : i32
      %mul3A_163 = arith.muli %add3A_161, %mul3A_162 : i32
      %swap3A_164 = arith.index_cast %mul3A_163 : i32 to index
      %swap3A_165 = tpu.vector_load %arg10[%swap3A_164] {strides = array<i32>} : memref<10000xf32, #tpu.memory_space<vmem>>, vector<16xf32>,
      tpu.vector_store %arg10[%swap3A_164], %broadcast_in_dim3A_3 {strides = array<i32>} : memref<10000xf32, #tpu.memory_space<vmem>>, vector<16xf32>,
      %mul3A_166 = arith.constant 5 : i32
      %mul3A_167 = arith.muli %scan3A_110, %mul3A_166 : i32
      %add3A_168 = arith.constant 3 : i32
      %add3A_169 = arith.addi %mul3A_167, %add3A_168 : i32
      %mul3A_170 = arith.constant 16 : i32
      %mul3A_171 = arith.muli %add3A_169, %mul3A_170 : i32
      %swap3A_172 = arith.index_cast %mul3A_171 : i32 to index
      %swap3A_173 = tpu.vector_load %arg11[%swap3A_172] {strides = array<i32>} : memref<10000xf32, #tpu.memory_space<vmem>>, vector<16xf32>,
      tpu.vector_store %arg11[%swap3A_172], %broadcast_in_dim3A_3 {strides = array<i32>} : memref<10000xf32, #tpu.memory_space<vmem>>, vector<16xf32>,
      %mul3A_174 = arith.constant 5 : i32
      %mul3A_175 = arith.muli %scan3A_110, %mul3A_174 : i32
      %add3A_176 = arith.constant 4 : i32
      %add3A_177 = arith.addi %mul3A_175, %add3A_176 : i32
      %mul3A_178 = arith.constant 16 : i32
      %mul3A_179 = arith.muli %add3A_177, %mul3A_178 : i32
      %swap3A_180 = arith.index_cast %mul3A_179 : i32 to index
      %swap3A_181 = tpu.vector_load %arg10[%swap3A_180] {strides = array<i32>} : memref<10000xf32, #tpu.memory_space<vmem>>, vector<16xf32>,
      tpu.vector_store %arg10[%swap3A_180], %broadcast_in_dim3A_3 {strides = array<i32>} : memref<10000xf32, #tpu.memory_space<vmem>>, vector<16xf32>,
      %mul3A_182 = arith.constant 5 : i32
      %mul3A_183 = arith.muli %scan3A_110, %mul3A_182 : i32
      %add3A_184 = arith.constant 4 : i32
      %add3A_185 = arith.addi %mul3A_183, %add3A_184 : i32
      %mul3A_186 = arith.constant 16 : i32
      %mul3A_187 = arith.muli %add3A_185, %mul3A_186 : i32
      %swap3A_188 = arith.index_cast %mul3A_187 : i32 to index
      %swap3A_189 = tpu.vector_load %arg11[%swap3A_188] {strides = array<i32>} : memref<10000xf32, #tpu.memory_space<vmem>>, vector<16xf32>,
      tpu.vector_store %arg11[%swap3A_188], %broadcast_in_dim3A_3 {strides = array<i32>} : memref<10000xf32, #tpu.memory_space<vmem>>, vector<16xf32>,
    }
    %scan3A_8 = arith.constant 125 : i32
    %broadcast_in_dim3A_9 = arith.constant 1.000000e+00 : f32
    %broadcast_in_dim3A_10 = vector.broadcast %broadcast_in_dim3A_9 : f32 to vector<16xf32>
    %add3A_11 = arith.constant 0 : i32
    %add3A_12 = arith.addi %mul3A_2, %add3A_11 : i32
    %dma_start3A = tpu.memref_slice %arg2[%add3A_12] : memref<320000xi32, #tpu.memory_space<hbm>> -> memref<2000xi32, #tpu.memory_space<hbm>>
    %dma_start3A_13 = tpu.memref_slice %arg2[%add3A_12] : memref<320000xi32, #tpu.memory_space<hbm>> -> memref<2000xi32, #tpu.memory_space<hbm>>
    tpu.enqueue_dma source(%dma_start3A_13 : memref<2000xi32, #tpu.memory_space<hbm>>) target(%arg6 : memref<2000xi32, #tpu.memory_space<vmem>>) target_semaphore(%arg12 : memref<!tpu.dma_semaphore, #tpu.memory_space<semaphore_mem>>)
    %dma_start3A_14 = tpu.memref_slice %arg3[%add3A_12] : memref<320000xi32, #tpu.memory_space<hbm>> -> memref<2000xi32, #tpu.memory_space<hbm>>
    %dma_start3A_15 = tpu.memref_slice %arg3[%add3A_12] : memref<320000xi32, #tpu.memory_space<hbm>> -> memref<2000xi32, #tpu.memory_space<hbm>>
    tpu.enqueue_dma source(%dma_start3A_15 : memref<2000xi32, #tpu.memory_space<hbm>>) target(%arg8 : memref<2000xi32, #tpu.memory_space<vmem>>) target_semaphore(%arg12 : memref<!tpu.dma_semaphore, #tpu.memory_space<semaphore_mem>>)
    %dma_wait3A = arith.constant 0 : i32
    %dma_wait3A_16 = tpu.memref_slice %arg2[%dma_wait3A] : memref<320000xi32, #tpu.memory_space<hbm>> -> memref<2000xi32, #tpu.memory_space<hbm>>
    %dma_wait3A_17 = arith.constant 0 : i32
    %dma_wait3A_18 = tpu.memref_slice %arg2[%dma_wait3A_17] : memref<320000xi32, #tpu.memory_space<hbm>> -> memref<2000xi32, #tpu.memory_space<hbm>>
    tpu.wait_dma2 semaphore(%arg12 : memref<!tpu.dma_semaphore, #tpu.memory_space<semaphore_mem>>) src(%dma_wait3A_18 : memref<2000xi32, #tpu.memory_space<hbm>>) dst(%arg6 : memref<2000xi32, #tpu.memory_space<vmem>>)
    %dma_wait3A_19 = arith.constant 0 : i32
    %dma_wait3A_20 = tpu.memref_slice %arg3[%dma_wait3A_19] : memref<320000xi32, #tpu.memory_space<hbm>> -> memref<2000xi32, #tpu.memory_space<hbm>>
    %dma_wait3A_21 = arith.constant 0 : i32
    %dma_wait3A_22 = tpu.memref_slice %arg3[%dma_wait3A_21] : memref<320000xi32, #tpu.memory_space<hbm>> -> memref<2000xi32, #tpu.memory_space<hbm>>
    tpu.wait_dma2 semaphore(%arg12 : memref<!tpu.dma_semaphore, #tpu.memory_space<semaphore_mem>>) src(%dma_wait3A_22 : memref<2000xi32, #tpu.memory_space<hbm>>) dst(%arg8 : memref<2000xi32, #tpu.memory_space<vmem>>)
    %add3A_23 = arith.constant 2000 : i32
    %add3A_24 = arith.addi %mul3A_2, %add3A_23 : i32
    %dma_start3A_25 = tpu.memref_slice %arg2[%add3A_24] : memref<320000xi32, #tpu.memory_space<hbm>> -> memref<2000xi32, #tpu.memory_space<hbm>>
    %dma_start3A_26 = tpu.memref_slice %arg2[%add3A_24] : memref<320000xi32, #tpu.memory_space<hbm>> -> memref<2000xi32, #tpu.memory_space<hbm>>
    tpu.enqueue_dma source(%dma_start3A_26 : memref<2000xi32, #tpu.memory_space<hbm>>) target(%arg7 : memref<2000xi32, #tpu.memory_space<vmem>>) target_semaphore(%arg12 : memref<!tpu.dma_semaphore, #tpu.memory_space<semaphore_mem>>)
    %dma_start3A_27 = tpu.memref_slice %arg3[%add3A_24] : memref<320000xi32, #tpu.memory_space<hbm>> -> memref<2000xi32, #tpu.memory_space<hbm>>
    %dma_start3A_28 = tpu.memref_slice %arg3[%add3A_24] : memref<320000xi32, #tpu.memory_space<hbm>> -> memref<2000xi32, #tpu.memory_space<hbm>>
    tpu.enqueue_dma source(%dma_start3A_28 : memref<2000xi32, #tpu.memory_space<hbm>>) target(%arg9 : memref<2000xi32, #tpu.memory_space<vmem>>) target_semaphore(%arg12 : memref<!tpu.dma_semaphore, #tpu.memory_space<semaphore_mem>>)
    %scan3A_29 = arith.constant 0 : i32
    %scan3A_30 = arith.constant 0 : i32
    %scan3A_31 = arith.constant 25 : i32
    %scan3A_32 = arith.addi %scan3A_30, %scan3A_31 : i32
    %scan3A_33 = arith.constant 1 : i32
    scf.for %scan3A_110 = %scan3A_30 to %scan3A_32 step %scan3A_33  : i32 {
      %mul3A_111 = arith.constant 5 : i32
      %mul3A_112 = arith.muli %scan3A_110, %mul3A_111 : i32
      %add3A_113 = arith.constant 0 : i32
      %add3A_114 = arith.addi %mul3A_112, %add3A_113 : i32
      %mul3A_115 = arith.constant 16 : i32
      %mul3A_116 = arith.muli %add3A_114, %mul3A_115 : i32
      %get3A = arith.index_cast %mul3A_116 : i32 to index
      %get3A_117 = tpu.vector_load %arg6[%get3A] {strides = array<i32>} : memref<2000xi32, #tpu.memory_space<vmem>>, vector<16xi32>,
      tpu.vector_store_idx %arg10[%get3A_117], %broadcast_in_dim3A_10 {add = true} : memref<10000xf32, #tpu.memory_space<vmem>>[vector<16xi32>], vector<16xf32>,
      %mul3A_118 = arith.constant 5 : i32
      %mul3A_119 = arith.muli %scan3A_110, %mul3A_118 : i32
      %add3A_120 = arith.constant 0 : i32
      %add3A_121 = arith.addi %mul3A_119, %add3A_120 : i32
      %mul3A_122 = arith.constant 16 : i32
      %mul3A_123 = arith.muli %add3A_121, %mul3A_122 : i32
      %get3A_124 = arith.index_cast %mul3A_123 : i32 to index
      %get3A_125 = tpu.vector_load %arg8[%get3A_124] {strides = array<i32>} : memref<2000xi32, #tpu.memory_space<vmem>>, vector<16xi32>,
      tpu.vector_store_idx %arg11[%get3A_125], %broadcast_in_dim3A_10 {add = true} : memref<10000xf32, #tpu.memory_space<vmem>>[vector<16xi32>], vector<16xf32>,
      %mul3A_126 = arith.constant 5 : i32
      %mul3A_127 = arith.muli %scan3A_110, %mul3A_126 : i32
      %add3A_128 = arith.constant 1 : i32
      %add3A_129 = arith.addi %mul3A_127, %add3A_128 : i32
      %mul3A_130 = arith.constant 16 : i32
      %mul3A_131 = arith.muli %add3A_129, %mul3A_130 : i32
      %get3A_132 = arith.index_cast %mul3A_131 : i32 to index
      %get3A_133 = tpu.vector_load %arg6[%get3A_132] {strides = array<i32>} : memref<2000xi32, #tpu.memory_space<vmem>>, vector<16xi32>,
      tpu.vector_store_idx %arg10[%get3A_133], %broadcast_in_dim3A_10 {add = true} : memref<10000xf32, #tpu.memory_space<vmem>>[vector<16xi32>], vector<16xf32>,
      %mul3A_134 = arith.constant 5 : i32
      %mul3A_135 = arith.muli %scan3A_110, %mul3A_134 : i32
      %add3A_136 = arith.constant 1 : i32
      %add3A_137 = arith.addi %mul3A_135, %add3A_136 : i32
      %mul3A_138 = arith.constant 16 : i32
      %mul3A_139 = arith.muli %add3A_137, %mul3A_138 : i32
      %get3A_140 = arith.index_cast %mul3A_139 : i32 to index
      %get3A_141 = tpu.vector_load %arg8[%get3A_140] {strides = array<i32>} : memref<2000xi32, #tpu.memory_space<vmem>>, vector<16xi32>,
      tpu.vector_store_idx %arg11[%get3A_141], %broadcast_in_dim3A_10 {add = true} : memref<10000xf32, #tpu.memory_space<vmem>>[vector<16xi32>], vector<16xf32>,
      %mul3A_142 = arith.constant 5 : i32
      %mul3A_143 = arith.muli %scan3A_110, %mul3A_142 : i32
      %add3A_144 = arith.constant 2 : i32
      %add3A_145 = arith.addi %mul3A_143, %add3A_144 : i32
      %mul3A_146 = arith.constant 16 : i32
      %mul3A_147 = arith.muli %add3A_145, %mul3A_146 : i32
      %get3A_148 = arith.index_cast %mul3A_147 : i32 to index
      %get3A_149 = tpu.vector_load %arg6[%get3A_148] {strides = array<i32>} : memref<2000xi32, #tpu.memory_space<vmem>>, vector<16xi32>,
      tpu.vector_store_idx %arg10[%get3A_149], %broadcast_in_dim3A_10 {add = true} : memref<10000xf32, #tpu.memory_space<vmem>>[vector<16xi32>], vector<16xf32>,
      %mul3A_150 = arith.constant 5 : i32
      %mul3A_151 = arith.muli %scan3A_110, %mul3A_150 : i32
      %add3A_152 = arith.constant 2 : i32
      %add3A_153 = arith.addi %mul3A_151, %add3A_152 : i32
      %mul3A_154 = arith.constant 16 : i32
      %mul3A_155 = arith.muli %add3A_153, %mul3A_154 : i32
      %get3A_156 = arith.index_cast %mul3A_155 : i32 to index
      %get3A_157 = tpu.vector_load %arg8[%get3A_156] {strides = array<i32>} : memref<2000xi32, #tpu.memory_space<vmem>>, vector<16xi32>,
      tpu.vector_store_idx %arg11[%get3A_157], %broadcast_in_dim3A_10 {add = true} : memref<10000xf32, #tpu.memory_space<vmem>>[vector<16xi32>], vector<16xf32>,
      %mul3A_158 = arith.constant 5 : i32
      %mul3A_159 = arith.muli %scan3A_110, %mul3A_158 : i32
      %add3A_160 = arith.constant 3 : i32
      %add3A_161 = arith.addi %mul3A_159, %add3A_160 : i32
      %mul3A_162 = arith.constant 16 : i32
      %mul3A_163 = arith.muli %add3A_161, %mul3A_162 : i32
      %get3A_164 = arith.index_cast %mul3A_163 : i32 to index
      %get3A_165 = tpu.vector_load %arg6[%get3A_164] {strides = array<i32>} : memref<2000xi32, #tpu.memory_space<vmem>>, vector<16xi32>,
      tpu.vector_store_idx %arg10[%get3A_165], %broadcast_in_dim3A_10 {add = true} : memref<10000xf32, #tpu.memory_space<vmem>>[vector<16xi32>], vector<16xf32>,
      %mul3A_166 = arith.constant 5 : i32
      %mul3A_167 = arith.muli %scan3A_110, %mul3A_166 : i32
      %add3A_168 = arith.constant 3 : i32
      %add3A_169 = arith.addi %mul3A_167, %add3A_168 : i32
      %mul3A_170 = arith.constant 16 : i32
      %mul3A_171 = arith.muli %add3A_169, %mul3A_170 : i32
      %get3A_172 = arith.index_cast %mul3A_171 : i32 to index
      %get3A_173 = tpu.vector_load %arg8[%get3A_172] {strides = array<i32>} : memref<2000xi32, #tpu.memory_space<vmem>>, vector<16xi32>,
      tpu.vector_store_idx %arg11[%get3A_173], %broadcast_in_dim3A_10 {add = true} : memref<10000xf32, #tpu.memory_space<vmem>>[vector<16xi32>], vector<16xf32>,
      %mul3A_174 = arith.constant 5 : i32
      %mul3A_175 = arith.muli %scan3A_110, %mul3A_174 : i32
      %add3A_176 = arith.constant 4 : i32
      %add3A_177 = arith.addi %mul3A_175, %add3A_176 : i32
      %mul3A_178 = arith.constant 16 : i32
      %mul3A_179 = arith.muli %add3A_177, %mul3A_178 : i32
      %get3A_180 = arith.index_cast %mul3A_179 : i32 to index
      %get3A_181 = tpu.vector_load %arg6[%get3A_180] {strides = array<i32>} : memref<2000xi32, #tpu.memory_space<vmem>>, vector<16xi32>,
      tpu.vector_store_idx %arg10[%get3A_181], %broadcast_in_dim3A_10 {add = true} : memref<10000xf32, #tpu.memory_space<vmem>>[vector<16xi32>], vector<16xf32>,
      %mul3A_182 = arith.constant 5 : i32
      %mul3A_183 = arith.muli %scan3A_110, %mul3A_182 : i32
      %add3A_184 = arith.constant 4 : i32
      %add3A_185 = arith.addi %mul3A_183, %add3A_184 : i32
      %mul3A_186 = arith.constant 16 : i32
      %mul3A_187 = arith.muli %add3A_185, %mul3A_186 : i32
      %get3A_188 = arith.index_cast %mul3A_187 : i32 to index
      %get3A_189 = tpu.vector_load %arg8[%get3A_188] {strides = array<i32>} : memref<2000xi32, #tpu.memory_space<vmem>>, vector<16xi32>,
      tpu.vector_store_idx %arg11[%get3A_189], %broadcast_in_dim3A_10 {add = true} : memref<10000xf32, #tpu.memory_space<vmem>>[vector<16xi32>], vector<16xf32>,
    }
    %scan3A_34 = arith.constant 25 : i32
    %dma_wait3A_35 = arith.constant 0 : i32
    %dma_wait3A_36 = tpu.memref_slice %arg2[%dma_wait3A_35] : memref<320000xi32, #tpu.memory_space<hbm>> -> memref<2000xi32, #tpu.memory_space<hbm>>
    %dma_wait3A_37 = arith.constant 0 : i32
    %dma_wait3A_38 = tpu.memref_slice %arg2[%dma_wait3A_37] : memref<320000xi32, #tpu.memory_space<hbm>> -> memref<2000xi32, #tpu.memory_space<hbm>>
    tpu.wait_dma2 semaphore(%arg12 : memref<!tpu.dma_semaphore, #tpu.memory_space<semaphore_mem>>) src(%dma_wait3A_38 : memref<2000xi32, #tpu.memory_space<hbm>>) dst(%arg7 : memref<2000xi32, #tpu.memory_space<vmem>>)
    %dma_wait3A_39 = arith.constant 0 : i32
    %dma_wait3A_40 = tpu.memref_slice %arg3[%dma_wait3A_39] : memref<320000xi32, #tpu.memory_space<hbm>> -> memref<2000xi32, #tpu.memory_space<hbm>>
    %dma_wait3A_41 = arith.constant 0 : i32
    %dma_wait3A_42 = tpu.memref_slice %arg3[%dma_wait3A_41] : memref<320000xi32, #tpu.memory_space<hbm>> -> memref<2000xi32, #tpu.memory_space<hbm>>
    tpu.wait_dma2 semaphore(%arg12 : memref<!tpu.dma_semaphore, #tpu.memory_space<semaphore_mem>>) src(%dma_wait3A_42 : memref<2000xi32, #tpu.memory_space<hbm>>) dst(%arg9 : memref<2000xi32, #tpu.memory_space<vmem>>)
    %add3A_43 = arith.constant 4000 : i32
    %add3A_44 = arith.addi %mul3A_2, %add3A_43 : i32
    %dma_start3A_45 = tpu.memref_slice %arg2[%add3A_44] : memref<320000xi32, #tpu.memory_space<hbm>> -> memref<2000xi32, #tpu.memory_space<hbm>>
    %dma_start3A_46 = tpu.memref_slice %arg2[%add3A_44] : memref<320000xi32, #tpu.memory_space<hbm>> -> memref<2000xi32, #tpu.memory_space<hbm>>
    tpu.enqueue_dma source(%dma_start3A_46 : memref<2000xi32, #tpu.memory_space<hbm>>) target(%arg6 : memref<2000xi32, #tpu.memory_space<vmem>>) target_semaphore(%arg12 : memref<!tpu.dma_semaphore, #tpu.memory_space<semaphore_mem>>)
    %dma_start3A_47 = tpu.memref_slice %arg3[%add3A_44] : memref<320000xi32, #tpu.memory_space<hbm>> -> memref<2000xi32, #tpu.memory_space<hbm>>
    %dma_start3A_48 = tpu.memref_slice %arg3[%add3A_44] : memref<320000xi32, #tpu.memory_space<hbm>> -> memref<2000xi32, #tpu.memory_space<hbm>>
    tpu.enqueue_dma source(%dma_start3A_48 : memref<2000xi32, #tpu.memory_space<hbm>>) target(%arg8 : memref<2000xi32, #tpu.memory_space<vmem>>) target_semaphore(%arg12 : memref<!tpu.dma_semaphore, #tpu.memory_space<semaphore_mem>>)
    %scan3A_49 = arith.constant 0 : i32
    %scan3A_50 = arith.constant 0 : i32
    %scan3A_51 = arith.constant 25 : i32
    %scan3A_52 = arith.addi %scan3A_50, %scan3A_51 : i32
    %scan3A_53 = arith.constant 1 : i32
    scf.for %scan3A_110 = %scan3A_50 to %scan3A_52 step %scan3A_53  : i32 {
      %mul3A_111 = arith.constant 5 : i32
      %mul3A_112 = arith.muli %scan3A_110, %mul3A_111 : i32
      %add3A_113 = arith.constant 0 : i32
      %add3A_114 = arith.addi %mul3A_112, %add3A_113 : i32
      %mul3A_115 = arith.constant 16 : i32
      %mul3A_116 = arith.muli %add3A_114, %mul3A_115 : i32
      %get3A = arith.index_cast %mul3A_116 : i32 to index
      %get3A_117 = tpu.vector_load %arg7[%get3A] {strides = array<i32>} : memref<2000xi32, #tpu.memory_space<vmem>>, vector<16xi32>,
      tpu.vector_store_idx %arg10[%get3A_117], %broadcast_in_dim3A_10 {add = true} : memref<10000xf32, #tpu.memory_space<vmem>>[vector<16xi32>], vector<16xf32>,
      %mul3A_118 = arith.constant 5 : i32
      %mul3A_119 = arith.muli %scan3A_110, %mul3A_118 : i32
      %add3A_120 = arith.constant 0 : i32
      %add3A_121 = arith.addi %mul3A_119, %add3A_120 : i32
      %mul3A_122 = arith.constant 16 : i32
      %mul3A_123 = arith.muli %add3A_121, %mul3A_122 : i32
      %get3A_124 = arith.index_cast %mul3A_123 : i32 to index
      %get3A_125 = tpu.vector_load %arg9[%get3A_124] {strides = array<i32>} : memref<2000xi32, #tpu.memory_space<vmem>>, vector<16xi32>,
      tpu.vector_store_idx %arg11[%get3A_125], %broadcast_in_dim3A_10 {add = true} : memref<10000xf32, #tpu.memory_space<vmem>>[vector<16xi32>], vector<16xf32>,
      %mul3A_126 = arith.constant 5 : i32
      %mul3A_127 = arith.muli %scan3A_110, %mul3A_126 : i32
      %add3A_128 = arith.constant 1 : i32
      %add3A_129 = arith.addi %mul3A_127, %add3A_128 : i32
      %mul3A_130 = arith.constant 16 : i32
      %mul3A_131 = arith.muli %add3A_129, %mul3A_130 : i32
      %get3A_132 = arith.index_cast %mul3A_131 : i32 to index
      %get3A_133 = tpu.vector_load %arg7[%get3A_132] {strides = array<i32>} : memref<2000xi32, #tpu.memory_space<vmem>>, vector<16xi32>,
      tpu.vector_store_idx %arg10[%get3A_133], %broadcast_in_dim3A_10 {add = true} : memref<10000xf32, #tpu.memory_space<vmem>>[vector<16xi32>], vector<16xf32>,
      %mul3A_134 = arith.constant 5 : i32
      %mul3A_135 = arith.muli %scan3A_110, %mul3A_134 : i32
      %add3A_136 = arith.constant 1 : i32
      %add3A_137 = arith.addi %mul3A_135, %add3A_136 : i32
      %mul3A_138 = arith.constant 16 : i32
      %mul3A_139 = arith.muli %add3A_137, %mul3A_138 : i32
      %get3A_140 = arith.index_cast %mul3A_139 : i32 to index
      %get3A_141 = tpu.vector_load %arg9[%get3A_140] {strides = array<i32>} : memref<2000xi32, #tpu.memory_space<vmem>>, vector<16xi32>,
      tpu.vector_store_idx %arg11[%get3A_141], %broadcast_in_dim3A_10 {add = true} : memref<10000xf32, #tpu.memory_space<vmem>>[vector<16xi32>], vector<16xf32>,
      %mul3A_142 = arith.constant 5 : i32
      %mul3A_143 = arith.muli %scan3A_110, %mul3A_142 : i32
      %add3A_144 = arith.constant 2 : i32
      %add3A_145 = arith.addi %mul3A_143, %add3A_144 : i32
      %mul3A_146 = arith.constant 16 : i32
      %mul3A_147 = arith.muli %add3A_145, %mul3A_146 : i32
      %get3A_148 = arith.index_cast %mul3A_147 : i32 to index
      %get3A_149 = tpu.vector_load %arg7[%get3A_148] {strides = array<i32>} : memref<2000xi32, #tpu.memory_space<vmem>>, vector<16xi32>,
      tpu.vector_store_idx %arg10[%get3A_149], %broadcast_in_dim3A_10 {add = true} : memref<10000xf32, #tpu.memory_space<vmem>>[vector<16xi32>], vector<16xf32>,
      %mul3A_150 = arith.constant 5 : i32
      %mul3A_151 = arith.muli %scan3A_110, %mul3A_150 : i32
      %add3A_152 = arith.constant 2 : i32
      %add3A_153 = arith.addi %mul3A_151, %add3A_152 : i32
      %mul3A_154 = arith.constant 16 : i32
      %mul3A_155 = arith.muli %add3A_153, %mul3A_154 : i32
      %get3A_156 = arith.index_cast %mul3A_155 : i32 to index
      %get3A_157 = tpu.vector_load %arg9[%get3A_156] {strides = array<i32>} : memref<2000xi32, #tpu.memory_space<vmem>>, vector<16xi32>,
      tpu.vector_store_idx %arg11[%get3A_157], %broadcast_in_dim3A_10 {add = true} : memref<10000xf32, #tpu.memory_space<vmem>>[vector<16xi32>], vector<16xf32>,
      %mul3A_158 = arith.constant 5 : i32
      %mul3A_159 = arith.muli %scan3A_110, %mul3A_158 : i32
      %add3A_160 = arith.constant 3 : i32
      %add3A_161 = arith.addi %mul3A_159, %add3A_160 : i32
      %mul3A_162 = arith.constant 16 : i32
      %mul3A_163 = arith.muli %add3A_161, %mul3A_162 : i32
      %get3A_164 = arith.index_cast %mul3A_163 : i32 to index
      %get3A_165 = tpu.vector_load %arg7[%get3A_164] {strides = array<i32>} : memref<2000xi32, #tpu.memory_space<vmem>>, vector<16xi32>,
      tpu.vector_store_idx %arg10[%get3A_165], %broadcast_in_dim3A_10 {add = true} : memref<10000xf32, #tpu.memory_space<vmem>>[vector<16xi32>], vector<16xf32>,
      %mul3A_166 = arith.constant 5 : i32
      %mul3A_167 = arith.muli %scan3A_110, %mul3A_166 : i32
      %add3A_168 = arith.constant 3 : i32
      %add3A_169 = arith.addi %mul3A_167, %add3A_168 : i32
      %mul3A_170 = arith.constant 16 : i32
      %mul3A_171 = arith.muli %add3A_169, %mul3A_170 : i32
      %get3A_172 = arith.index_cast %mul3A_171 : i32 to index
      %get3A_173 = tpu.vector_load %arg9[%get3A_172] {strides = array<i32>} : memref<2000xi32, #tpu.memory_space<vmem>>, vector<16xi32>,
      tpu.vector_store_idx %arg11[%get3A_173], %broadcast_in_dim3A_10 {add = true} : memref<10000xf32, #tpu.memory_space<vmem>>[vector<16xi32>], vector<16xf32>,
      %mul3A_174 = arith.constant 5 : i32
      %mul3A_175 = arith.muli %scan3A_110, %mul3A_174 : i32
      %add3A_176 = arith.constant 4 : i32
      %add3A_177 = arith.addi %mul3A_175, %add3A_176 : i32
      %mul3A_178 = arith.constant 16 : i32
      %mul3A_179 = arith.muli %add3A_177, %mul3A_178 : i32
      %get3A_180 = arith.index_cast %mul3A_179 : i32 to index
      %get3A_181 = tpu.vector_load %arg7[%get3A_180] {strides = array<i32>} : memref<2000xi32, #tpu.memory_space<vmem>>, vector<16xi32>,
      tpu.vector_store_idx %arg10[%get3A_181], %broadcast_in_dim3A_10 {add = true} : memref<10000xf32, #tpu.memory_space<vmem>>[vector<16xi32>], vector<16xf32>,
      %mul3A_182 = arith.constant 5 : i32
      %mul3A_183 = arith.muli %scan3A_110, %mul3A_182 : i32
      %add3A_184 = arith.constant 4 : i32
      %add3A_185 = arith.addi %mul3A_183, %add3A_184 : i32
      %mul3A_186 = arith.constant 16 : i32
      %mul3A_187 = arith.muli %add3A_185, %mul3A_186 : i32
      %get3A_188 = arith.index_cast %mul3A_187 : i32 to index
      %get3A_189 = tpu.vector_load %arg9[%get3A_188] {strides = array<i32>} : memref<2000xi32, #tpu.memory_space<vmem>>, vector<16xi32>,
      tpu.vector_store_idx %arg11[%get3A_189], %broadcast_in_dim3A_10 {add = true} : memref<10000xf32, #tpu.memory_space<vmem>>[vector<16xi32>], vector<16xf32>,
    }
    %scan3A_54 = arith.constant 25 : i32
    %dma_wait3A_55 = arith.constant 0 : i32
    %dma_wait3A_56 = tpu.memref_slice %arg2[%dma_wait3A_55] : memref<320000xi32, #tpu.memory_space<hbm>> -> memref<2000xi32, #tpu.memory_space<hbm>>
    %dma_wait3A_57 = arith.constant 0 : i32
    %dma_wait3A_58 = tpu.memref_slice %arg2[%dma_wait3A_57] : memref<320000xi32, #tpu.memory_space<hbm>> -> memref<2000xi32, #tpu.memory_space<hbm>>
    tpu.wait_dma2 semaphore(%arg12 : memref<!tpu.dma_semaphore, #tpu.memory_space<semaphore_mem>>) src(%dma_wait3A_58 : memref<2000xi32, #tpu.memory_space<hbm>>) dst(%arg6 : memref<2000xi32, #tpu.memory_space<vmem>>)
    %dma_wait3A_59 = arith.constant 0 : i32
    %dma_wait3A_60 = tpu.memref_slice %arg3[%dma_wait3A_59] : memref<320000xi32, #tpu.memory_space<hbm>> -> memref<2000xi32, #tpu.memory_space<hbm>>
    %dma_wait3A_61 = arith.constant 0 : i32
    %dma_wait3A_62 = tpu.memref_slice %arg3[%dma_wait3A_61] : memref<320000xi32, #tpu.memory_space<hbm>> -> memref<2000xi32, #tpu.memory_space<hbm>>
    tpu.wait_dma2 semaphore(%arg12 : memref<!tpu.dma_semaphore, #tpu.memory_space<semaphore_mem>>) src(%dma_wait3A_62 : memref<2000xi32, #tpu.memory_space<hbm>>) dst(%arg8 : memref<2000xi32, #tpu.memory_space<vmem>>)
    %add3A_63 = arith.constant 6000 : i32
    %add3A_64 = arith.addi %mul3A_2, %add3A_63 : i32
    %dma_start3A_65 = tpu.memref_slice %arg2[%add3A_64] : memref<320000xi32, #tpu.memory_space<hbm>> -> memref<2000xi32, #tpu.memory_space<hbm>>
    %dma_start3A_66 = tpu.memref_slice %arg2[%add3A_64] : memref<320000xi32, #tpu.memory_space<hbm>> -> memref<2000xi32, #tpu.memory_space<hbm>>
    tpu.enqueue_dma source(%dma_start3A_66 : memref<2000xi32, #tpu.memory_space<hbm>>) target(%arg7 : memref<2000xi32, #tpu.memory_space<vmem>>) target_semaphore(%arg12 : memref<!tpu.dma_semaphore, #tpu.memory_space<semaphore_mem>>)
    %dma_start3A_67 = tpu.memref_slice %arg3[%add3A_64] : memref<320000xi32, #tpu.memory_space<hbm>> -> memref<2000xi32, #tpu.memory_space<hbm>>
    %dma_start3A_68 = tpu.memref_slice %arg3[%add3A_64] : memref<320000xi32, #tpu.memory_space<hbm>> -> memref<2000xi32, #tpu.memory_space<hbm>>
    tpu.enqueue_dma source(%dma_start3A_68 : memref<2000xi32, #tpu.memory_space<hbm>>) target(%arg9 : memref<2000xi32, #tpu.memory_space<vmem>>) target_semaphore(%arg12 : memref<!tpu.dma_semaphore, #tpu.memory_space<semaphore_mem>>)
    %scan3A_69 = arith.constant 0 : i32
    %scan3A_70 = arith.constant 0 : i32
    %scan3A_71 = arith.constant 25 : i32
    %scan3A_72 = arith.addi %scan3A_70, %scan3A_71 : i32
    %scan3A_73 = arith.constant 1 : i32
    scf.for %scan3A_110 = %scan3A_70 to %scan3A_72 step %scan3A_73  : i32 {
      %mul3A_111 = arith.constant 5 : i32
      %mul3A_112 = arith.muli %scan3A_110, %mul3A_111 : i32
      %add3A_113 = arith.constant 0 : i32
      %add3A_114 = arith.addi %mul3A_112, %add3A_113 : i32
      %mul3A_115 = arith.constant 16 : i32
      %mul3A_116 = arith.muli %add3A_114, %mul3A_115 : i32
      %get3A = arith.index_cast %mul3A_116 : i32 to index
      %get3A_117 = tpu.vector_load %arg6[%get3A] {strides = array<i32>} : memref<2000xi32, #tpu.memory_space<vmem>>, vector<16xi32>,
      tpu.vector_store_idx %arg10[%get3A_117], %broadcast_in_dim3A_10 {add = true} : memref<10000xf32, #tpu.memory_space<vmem>>[vector<16xi32>], vector<16xf32>,
      %mul3A_118 = arith.constant 5 : i32
      %mul3A_119 = arith.muli %scan3A_110, %mul3A_118 : i32
      %add3A_120 = arith.constant 0 : i32
      %add3A_121 = arith.addi %mul3A_119, %add3A_120 : i32
      %mul3A_122 = arith.constant 16 : i32
      %mul3A_123 = arith.muli %add3A_121, %mul3A_122 : i32
      %get3A_124 = arith.index_cast %mul3A_123 : i32 to index
      %get3A_125 = tpu.vector_load %arg8[%get3A_124] {strides = array<i32>} : memref<2000xi32, #tpu.memory_space<vmem>>, vector<16xi32>,
      tpu.vector_store_idx %arg11[%get3A_125], %broadcast_in_dim3A_10 {add = true} : memref<10000xf32, #tpu.memory_space<vmem>>[vector<16xi32>], vector<16xf32>,
      %mul3A_126 = arith.constant 5 : i32
      %mul3A_127 = arith.muli %scan3A_110, %mul3A_126 : i32
      %add3A_128 = arith.constant 1 : i32
      %add3A_129 = arith.addi %mul3A_127, %add3A_128 : i32
      %mul3A_130 = arith.constant 16 : i32
      %mul3A_131 = arith.muli %add3A_129, %mul3A_130 : i32
      %get3A_132 = arith.index_cast %mul3A_131 : i32 to index
      %get3A_133 = tpu.vector_load %arg6[%get3A_132] {strides = array<i32>} : memref<2000xi32, #tpu.memory_space<vmem>>, vector<16xi32>,
      tpu.vector_store_idx %arg10[%get3A_133], %broadcast_in_dim3A_10 {add = true} : memref<10000xf32, #tpu.memory_space<vmem>>[vector<16xi32>], vector<16xf32>,
      %mul3A_134 = arith.constant 5 : i32
      %mul3A_135 = arith.muli %scan3A_110, %mul3A_134 : i32
      %add3A_136 = arith.constant 1 : i32
      %add3A_137 = arith.addi %mul3A_135, %add3A_136 : i32
      %mul3A_138 = arith.constant 16 : i32
      %mul3A_139 = arith.muli %add3A_137, %mul3A_138 : i32
      %get3A_140 = arith.index_cast %mul3A_139 : i32 to index
      %get3A_141 = tpu.vector_load %arg8[%get3A_140] {strides = array<i32>} : memref<2000xi32, #tpu.memory_space<vmem>>, vector<16xi32>,
      tpu.vector_store_idx %arg11[%get3A_141], %broadcast_in_dim3A_10 {add = true} : memref<10000xf32, #tpu.memory_space<vmem>>[vector<16xi32>], vector<16xf32>,
      %mul3A_142 = arith.constant 5 : i32
      %mul3A_143 = arith.muli %scan3A_110, %mul3A_142 : i32
      %add3A_144 = arith.constant 2 : i32
      %add3A_145 = arith.addi %mul3A_143, %add3A_144 : i32
      %mul3A_146 = arith.constant 16 : i32
      %mul3A_147 = arith.muli %add3A_145, %mul3A_146 : i32
      %get3A_148 = arith.index_cast %mul3A_147 : i32 to index
      %get3A_149 = tpu.vector_load %arg6[%get3A_148] {strides = array<i32>} : memref<2000xi32, #tpu.memory_space<vmem>>, vector<16xi32>,
      tpu.vector_store_idx %arg10[%get3A_149], %broadcast_in_dim3A_10 {add = true} : memref<10000xf32, #tpu.memory_space<vmem>>[vector<16xi32>], vector<16xf32>,
      %mul3A_150 = arith.constant 5 : i32
      %mul3A_151 = arith.muli %scan3A_110, %mul3A_150 : i32
      %add3A_152 = arith.constant 2 : i32
      %add3A_153 = arith.addi %mul3A_151, %add3A_152 : i32
      %mul3A_154 = arith.constant 16 : i32
      %mul3A_155 = arith.muli %add3A_153, %mul3A_154 : i32
      %get3A_156 = arith.index_cast %mul3A_155 : i32 to index
      %get3A_157 = tpu.vector_load %arg8[%get3A_156] {strides = array<i32>} : memref<2000xi32, #tpu.memory_space<vmem>>, vector<16xi32>,
      tpu.vector_store_idx %arg11[%get3A_157], %broadcast_in_dim3A_10 {add = true} : memref<10000xf32, #tpu.memory_space<vmem>>[vector<16xi32>], vector<16xf32>,
      %mul3A_158 = arith.constant 5 : i32
      %mul3A_159 = arith.muli %scan3A_110, %mul3A_158 : i32
      %add3A_160 = arith.constant 3 : i32
      %add3A_161 = arith.addi %mul3A_159, %add3A_160 : i32
      %mul3A_162 = arith.constant 16 : i32
      %mul3A_163 = arith.muli %add3A_161, %mul3A_162 : i32
      %get3A_164 = arith.index_cast %mul3A_163 : i32 to index
      %get3A_165 = tpu.vector_load %arg6[%get3A_164] {strides = array<i32>} : memref<2000xi32, #tpu.memory_space<vmem>>, vector<16xi32>,
      tpu.vector_store_idx %arg10[%get3A_165], %broadcast_in_dim3A_10 {add = true} : memref<10000xf32, #tpu.memory_space<vmem>>[vector<16xi32>], vector<16xf32>,
      %mul3A_166 = arith.constant 5 : i32
      %mul3A_167 = arith.muli %scan3A_110, %mul3A_166 : i32
      %add3A_168 = arith.constant 3 : i32
      %add3A_169 = arith.addi %mul3A_167, %add3A_168 : i32
      %mul3A_170 = arith.constant 16 : i32
      %mul3A_171 = arith.muli %add3A_169, %mul3A_170 : i32
      %get3A_172 = arith.index_cast %mul3A_171 : i32 to index
      %get3A_173 = tpu.vector_load %arg8[%get3A_172] {strides = array<i32>} : memref<2000xi32, #tpu.memory_space<vmem>>, vector<16xi32>,
      tpu.vector_store_idx %arg11[%get3A_173], %broadcast_in_dim3A_10 {add = true} : memref<10000xf32, #tpu.memory_space<vmem>>[vector<16xi32>], vector<16xf32>,
      %mul3A_174 = arith.constant 5 : i32
      %mul3A_175 = arith.muli %scan3A_110, %mul3A_174 : i32
      %add3A_176 = arith.constant 4 : i32
      %add3A_177 = arith.addi %mul3A_175, %add3A_176 : i32
      %mul3A_178 = arith.constant 16 : i32
      %mul3A_179 = arith.muli %add3A_177, %mul3A_178 : i32
      %get3A_180 = arith.index_cast %mul3A_179 : i32 to index
      %get3A_181 = tpu.vector_load %arg6[%get3A_180] {strides = array<i32>} : memref<2000xi32, #tpu.memory_space<vmem>>, vector<16xi32>,
      tpu.vector_store_idx %arg10[%get3A_181], %broadcast_in_dim3A_10 {add = true} : memref<10000xf32, #tpu.memory_space<vmem>>[vector<16xi32>], vector<16xf32>,
      %mul3A_182 = arith.constant 5 : i32
      %mul3A_183 = arith.muli %scan3A_110, %mul3A_182 : i32
      %add3A_184 = arith.constant 4 : i32
      %add3A_185 = arith.addi %mul3A_183, %add3A_184 : i32
      %mul3A_186 = arith.constant 16 : i32
      %mul3A_187 = arith.muli %add3A_185, %mul3A_186 : i32
      %get3A_188 = arith.index_cast %mul3A_187 : i32 to index
      %get3A_189 = tpu.vector_load %arg8[%get3A_188] {strides = array<i32>} : memref<2000xi32, #tpu.memory_space<vmem>>, vector<16xi32>,
      tpu.vector_store_idx %arg11[%get3A_189], %broadcast_in_dim3A_10 {add = true} : memref<10000xf32, #tpu.memory_space<vmem>>[vector<16xi32>], vector<16xf32>,
    }
    %scan3A_74 = arith.constant 25 : i32
    %dma_wait3A_75 = arith.constant 0 : i32
    %dma_wait3A_76 = tpu.memref_slice %arg2[%dma_wait3A_75] : memref<320000xi32, #tpu.memory_space<hbm>> -> memref<2000xi32, #tpu.memory_space<hbm>>
    %dma_wait3A_77 = arith.constant 0 : i32
    %dma_wait3A_78 = tpu.memref_slice %arg2[%dma_wait3A_77] : memref<320000xi32, #tpu.memory_space<hbm>> -> memref<2000xi32, #tpu.memory_space<hbm>>
    tpu.wait_dma2 semaphore(%arg12 : memref<!tpu.dma_semaphore, #tpu.memory_space<semaphore_mem>>) src(%dma_wait3A_78 : memref<2000xi32, #tpu.memory_space<hbm>>) dst(%arg7 : memref<2000xi32, #tpu.memory_space<vmem>>)
    %dma_wait3A_79 = arith.constant 0 : i32
    %dma_wait3A_80 = tpu.memref_slice %arg3[%dma_wait3A_79] : memref<320000xi32, #tpu.memory_space<hbm>> -> memref<2000xi32, #tpu.memory_space<hbm>>
    %dma_wait3A_81 = arith.constant 0 : i32
    %dma_wait3A_82 = tpu.memref_slice %arg3[%dma_wait3A_81] : memref<320000xi32, #tpu.memory_space<hbm>> -> memref<2000xi32, #tpu.memory_space<hbm>>
    tpu.wait_dma2 semaphore(%arg12 : memref<!tpu.dma_semaphore, #tpu.memory_space<semaphore_mem>>) src(%dma_wait3A_82 : memref<2000xi32, #tpu.memory_space<hbm>>) dst(%arg9 : memref<2000xi32, #tpu.memory_space<vmem>>)
    %add3A_83 = arith.constant 8000 : i32
    %add3A_84 = arith.addi %mul3A_2, %add3A_83 : i32
    %dma_start3A_85 = tpu.memref_slice %arg2[%add3A_84] : memref<320000xi32, #tpu.memory_space<hbm>> -> memref<2000xi32, #tpu.memory_space<hbm>>
    %dma_start3A_86 = tpu.memref_slice %arg2[%add3A_84] : memref<320000xi32, #tpu.memory_space<hbm>> -> memref<2000xi32, #tpu.memory_space<hbm>>
    tpu.enqueue_dma source(%dma_start3A_86 : memref<2000xi32, #tpu.memory_space<hbm>>) target(%arg6 : memref<2000xi32, #tpu.memory_space<vmem>>) target_semaphore(%arg12 : memref<!tpu.dma_semaphore, #tpu.memory_space<semaphore_mem>>)
    %dma_start3A_87 = tpu.memref_slice %arg3[%add3A_84] : memref<320000xi32, #tpu.memory_space<hbm>> -> memref<2000xi32, #tpu.memory_space<hbm>>
    %dma_start3A_88 = tpu.memref_slice %arg3[%add3A_84] : memref<320000xi32, #tpu.memory_space<hbm>> -> memref<2000xi32, #tpu.memory_space<hbm>>
    tpu.enqueue_dma source(%dma_start3A_88 : memref<2000xi32, #tpu.memory_space<hbm>>) target(%arg8 : memref<2000xi32, #tpu.memory_space<vmem>>) target_semaphore(%arg12 : memref<!tpu.dma_semaphore, #tpu.memory_space<semaphore_mem>>)
    %scan3A_89 = arith.constant 0 : i32
    %scan3A_90 = arith.constant 0 : i32
    %scan3A_91 = arith.constant 25 : i32
    %scan3A_92 = arith.addi %scan3A_90, %scan3A_91 : i32
    %scan3A_93 = arith.constant 1 : i32
    scf.for %scan3A_110 = %scan3A_90 to %scan3A_92 step %scan3A_93  : i32 {
      %mul3A_111 = arith.constant 5 : i32
      %mul3A_112 = arith.muli %scan3A_110, %mul3A_111 : i32
      %add3A_113 = arith.constant 0 : i32
      %add3A_114 = arith.addi %mul3A_112, %add3A_113 : i32
      %mul3A_115 = arith.constant 16 : i32
      %mul3A_116 = arith.muli %add3A_114, %mul3A_115 : i32
      %get3A = arith.index_cast %mul3A_116 : i32 to index
      %get3A_117 = tpu.vector_load %arg7[%get3A] {strides = array<i32>} : memref<2000xi32, #tpu.memory_space<vmem>>, vector<16xi32>,
      tpu.vector_store_idx %arg10[%get3A_117], %broadcast_in_dim3A_10 {add = true} : memref<10000xf32, #tpu.memory_space<vmem>>[vector<16xi32>], vector<16xf32>,
      %mul3A_118 = arith.constant 5 : i32
      %mul3A_119 = arith.muli %scan3A_110, %mul3A_118 : i32
      %add3A_120 = arith.constant 0 : i32
      %add3A_121 = arith.addi %mul3A_119, %add3A_120 : i32
      %mul3A_122 = arith.constant 16 : i32
      %mul3A_123 = arith.muli %add3A_121, %mul3A_122 : i32
      %get3A_124 = arith.index_cast %mul3A_123 : i32 to index
      %get3A_125 = tpu.vector_load %arg9[%get3A_124] {strides = array<i32>} : memref<2000xi32, #tpu.memory_space<vmem>>, vector<16xi32>,
      tpu.vector_store_idx %arg11[%get3A_125], %broadcast_in_dim3A_10 {add = true} : memref<10000xf32, #tpu.memory_space<vmem>>[vector<16xi32>], vector<16xf32>,
      %mul3A_126 = arith.constant 5 : i32
      %mul3A_127 = arith.muli %scan3A_110, %mul3A_126 : i32
      %add3A_128 = arith.constant 1 : i32
      %add3A_129 = arith.addi %mul3A_127, %add3A_128 : i32
      %mul3A_130 = arith.constant 16 : i32
      %mul3A_131 = arith.muli %add3A_129, %mul3A_130 : i32
      %get3A_132 = arith.index_cast %mul3A_131 : i32 to index
      %get3A_133 = tpu.vector_load %arg7[%get3A_132] {strides = array<i32>} : memref<2000xi32, #tpu.memory_space<vmem>>, vector<16xi32>,
      tpu.vector_store_idx %arg10[%get3A_133], %broadcast_in_dim3A_10 {add = true} : memref<10000xf32, #tpu.memory_space<vmem>>[vector<16xi32>], vector<16xf32>,
      %mul3A_134 = arith.constant 5 : i32
      %mul3A_135 = arith.muli %scan3A_110, %mul3A_134 : i32
      %add3A_136 = arith.constant 1 : i32
      %add3A_137 = arith.addi %mul3A_135, %add3A_136 : i32
      %mul3A_138 = arith.constant 16 : i32
      %mul3A_139 = arith.muli %add3A_137, %mul3A_138 : i32
      %get3A_140 = arith.index_cast %mul3A_139 : i32 to index
      %get3A_141 = tpu.vector_load %arg9[%get3A_140] {strides = array<i32>} : memref<2000xi32, #tpu.memory_space<vmem>>, vector<16xi32>,
      tpu.vector_store_idx %arg11[%get3A_141], %broadcast_in_dim3A_10 {add = true} : memref<10000xf32, #tpu.memory_space<vmem>>[vector<16xi32>], vector<16xf32>,
      %mul3A_142 = arith.constant 5 : i32
      %mul3A_143 = arith.muli %scan3A_110, %mul3A_142 : i32
      %add3A_144 = arith.constant 2 : i32
      %add3A_145 = arith.addi %mul3A_143, %add3A_144 : i32
      %mul3A_146 = arith.constant 16 : i32
      %mul3A_147 = arith.muli %add3A_145, %mul3A_146 : i32
      %get3A_148 = arith.index_cast %mul3A_147 : i32 to index
      %get3A_149 = tpu.vector_load %arg7[%get3A_148] {strides = array<i32>} : memref<2000xi32, #tpu.memory_space<vmem>>, vector<16xi32>,
      tpu.vector_store_idx %arg10[%get3A_149], %broadcast_in_dim3A_10 {add = true} : memref<10000xf32, #tpu.memory_space<vmem>>[vector<16xi32>], vector<16xf32>,
      %mul3A_150 = arith.constant 5 : i32
      %mul3A_151 = arith.muli %scan3A_110, %mul3A_150 : i32
      %add3A_152 = arith.constant 2 : i32
      %add3A_153 = arith.addi %mul3A_151, %add3A_152 : i32
      %mul3A_154 = arith.constant 16 : i32
      %mul3A_155 = arith.muli %add3A_153, %mul3A_154 : i32
      %get3A_156 = arith.index_cast %mul3A_155 : i32 to index
      %get3A_157 = tpu.vector_load %arg9[%get3A_156] {strides = array<i32>} : memref<2000xi32, #tpu.memory_space<vmem>>, vector<16xi32>,
      tpu.vector_store_idx %arg11[%get3A_157], %broadcast_in_dim3A_10 {add = true} : memref<10000xf32, #tpu.memory_space<vmem>>[vector<16xi32>], vector<16xf32>,
      %mul3A_158 = arith.constant 5 : i32
      %mul3A_159 = arith.muli %scan3A_110, %mul3A_158 : i32
      %add3A_160 = arith.constant 3 : i32
      %add3A_161 = arith.addi %mul3A_159, %add3A_160 : i32
      %mul3A_162 = arith.constant 16 : i32
      %mul3A_163 = arith.muli %add3A_161, %mul3A_162 : i32
      %get3A_164 = arith.index_cast %mul3A_163 : i32 to index
      %get3A_165 = tpu.vector_load %arg7[%get3A_164] {strides = array<i32>} : memref<2000xi32, #tpu.memory_space<vmem>>, vector<16xi32>,
      tpu.vector_store_idx %arg10[%get3A_165], %broadcast_in_dim3A_10 {add = true} : memref<10000xf32, #tpu.memory_space<vmem>>[vector<16xi32>], vector<16xf32>,
      %mul3A_166 = arith.constant 5 : i32
      %mul3A_167 = arith.muli %scan3A_110, %mul3A_166 : i32
      %add3A_168 = arith.constant 3 : i32
      %add3A_169 = arith.addi %mul3A_167, %add3A_168 : i32
      %mul3A_170 = arith.constant 16 : i32
      %mul3A_171 = arith.muli %add3A_169, %mul3A_170 : i32
      %get3A_172 = arith.index_cast %mul3A_171 : i32 to index
      %get3A_173 = tpu.vector_load %arg9[%get3A_172] {strides = array<i32>} : memref<2000xi32, #tpu.memory_space<vmem>>, vector<16xi32>,
      tpu.vector_store_idx %arg11[%get3A_173], %broadcast_in_dim3A_10 {add = true} : memref<10000xf32, #tpu.memory_space<vmem>>[vector<16xi32>], vector<16xf32>,
      %mul3A_174 = arith.constant 5 : i32
      %mul3A_175 = arith.muli %scan3A_110, %mul3A_174 : i32
      %add3A_176 = arith.constant 4 : i32
      %add3A_177 = arith.addi %mul3A_175, %add3A_176 : i32
      %mul3A_178 = arith.constant 16 : i32
      %mul3A_179 = arith.muli %add3A_177, %mul3A_178 : i32
      %get3A_180 = arith.index_cast %mul3A_179 : i32 to index
      %get3A_181 = tpu.vector_load %arg7[%get3A_180] {strides = array<i32>} : memref<2000xi32, #tpu.memory_space<vmem>>, vector<16xi32>,
      tpu.vector_store_idx %arg10[%get3A_181], %broadcast_in_dim3A_10 {add = true} : memref<10000xf32, #tpu.memory_space<vmem>>[vector<16xi32>], vector<16xf32>,
      %mul3A_182 = arith.constant 5 : i32
      %mul3A_183 = arith.muli %scan3A_110, %mul3A_182 : i32
      %add3A_184 = arith.constant 4 : i32
      %add3A_185 = arith.addi %mul3A_183, %add3A_184 : i32
      %mul3A_186 = arith.constant 16 : i32
      %mul3A_187 = arith.muli %add3A_185, %mul3A_186 : i32
      %get3A_188 = arith.index_cast %mul3A_187 : i32 to index
      %get3A_189 = tpu.vector_load %arg9[%get3A_188] {strides = array<i32>} : memref<2000xi32, #tpu.memory_space<vmem>>, vector<16xi32>,
      tpu.vector_store_idx %arg11[%get3A_189], %broadcast_in_dim3A_10 {add = true} : memref<10000xf32, #tpu.memory_space<vmem>>[vector<16xi32>], vector<16xf32>,
    }
    %scan3A_94 = arith.constant 25 : i32
    %dma_wait3A_95 = arith.constant 0 : i32
    %dma_wait3A_96 = tpu.memref_slice %arg2[%dma_wait3A_95] : memref<320000xi32, #tpu.memory_space<hbm>> -> memref<2000xi32, #tpu.memory_space<hbm>>
    %dma_wait3A_97 = arith.constant 0 : i32
    %dma_wait3A_98 = tpu.memref_slice %arg2[%dma_wait3A_97] : memref<320000xi32, #tpu.memory_space<hbm>> -> memref<2000xi32, #tpu.memory_space<hbm>>
    tpu.wait_dma2 semaphore(%arg12 : memref<!tpu.dma_semaphore, #tpu.memory_space<semaphore_mem>>) src(%dma_wait3A_98 : memref<2000xi32, #tpu.memory_space<hbm>>) dst(%arg6 : memref<2000xi32, #tpu.memory_space<vmem>>)
    %dma_wait3A_99 = arith.constant 0 : i32
    %dma_wait3A_100 = tpu.memref_slice %arg3[%dma_wait3A_99] : memref<320000xi32, #tpu.memory_space<hbm>> -> memref<2000xi32, #tpu.memory_space<hbm>>
    %dma_wait3A_101 = arith.constant 0 : i32
    %dma_wait3A_102 = tpu.memref_slice %arg3[%dma_wait3A_101] : memref<320000xi32, #tpu.memory_space<hbm>> -> memref<2000xi32, #tpu.memory_space<hbm>>
    tpu.wait_dma2 semaphore(%arg12 : memref<!tpu.dma_semaphore, #tpu.memory_space<semaphore_mem>>) src(%dma_wait3A_102 : memref<2000xi32, #tpu.memory_space<hbm>>) dst(%arg8 : memref<2000xi32, #tpu.memory_space<vmem>>)
    %scan3A_103 = arith.constant 0 : i32
    %scan3A_104 = arith.constant 0 : i32
    %scan3A_105 = arith.constant 25 : i32
    %scan3A_106 = arith.addi %scan3A_104, %scan3A_105 : i32
    %scan3A_107 = arith.constant 1 : i32
    scf.for %scan3A_110 = %scan3A_104 to %scan3A_106 step %scan3A_107  : i32 {
      %mul3A_111 = arith.constant 5 : i32
      %mul3A_112 = arith.muli %scan3A_110, %mul3A_111 : i32
      %add3A_113 = arith.constant 0 : i32
      %add3A_114 = arith.addi %mul3A_112, %add3A_113 : i32
      %mul3A_115 = arith.constant 16 : i32
      %mul3A_116 = arith.muli %add3A_114, %mul3A_115 : i32
      %get3A = arith.index_cast %mul3A_116 : i32 to index
      %get3A_117 = tpu.vector_load %arg6[%get3A] {strides = array<i32>} : memref<2000xi32, #tpu.memory_space<vmem>>, vector<16xi32>,
      tpu.vector_store_idx %arg10[%get3A_117], %broadcast_in_dim3A_10 {add = true} : memref<10000xf32, #tpu.memory_space<vmem>>[vector<16xi32>], vector<16xf32>,
      %mul3A_118 = arith.constant 5 : i32
      %mul3A_119 = arith.muli %scan3A_110, %mul3A_118 : i32
      %add3A_120 = arith.constant 0 : i32
      %add3A_121 = arith.addi %mul3A_119, %add3A_120 : i32
      %mul3A_122 = arith.constant 16 : i32
      %mul3A_123 = arith.muli %add3A_121, %mul3A_122 : i32
      %get3A_124 = arith.index_cast %mul3A_123 : i32 to index
      %get3A_125 = tpu.vector_load %arg8[%get3A_124] {strides = array<i32>} : memref<2000xi32, #tpu.memory_space<vmem>>, vector<16xi32>,
      tpu.vector_store_idx %arg11[%get3A_125], %broadcast_in_dim3A_10 {add = true} : memref<10000xf32, #tpu.memory_space<vmem>>[vector<16xi32>], vector<16xf32>,
      %mul3A_126 = arith.constant 5 : i32
      %mul3A_127 = arith.muli %scan3A_110, %mul3A_126 : i32
      %add3A_128 = arith.constant 1 : i32
      %add3A_129 = arith.addi %mul3A_127, %add3A_128 : i32
      %mul3A_130 = arith.constant 16 : i32
      %mul3A_131 = arith.muli %add3A_129, %mul3A_130 : i32
      %get3A_132 = arith.index_cast %mul3A_131 : i32 to index
      %get3A_133 = tpu.vector_load %arg6[%get3A_132] {strides = array<i32>} : memref<2000xi32, #tpu.memory_space<vmem>>, vector<16xi32>,
      tpu.vector_store_idx %arg10[%get3A_133], %broadcast_in_dim3A_10 {add = true} : memref<10000xf32, #tpu.memory_space<vmem>>[vector<16xi32>], vector<16xf32>,
      %mul3A_134 = arith.constant 5 : i32
      %mul3A_135 = arith.muli %scan3A_110, %mul3A_134 : i32
      %add3A_136 = arith.constant 1 : i32
      %add3A_137 = arith.addi %mul3A_135, %add3A_136 : i32
      %mul3A_138 = arith.constant 16 : i32
      %mul3A_139 = arith.muli %add3A_137, %mul3A_138 : i32
      %get3A_140 = arith.index_cast %mul3A_139 : i32 to index
      %get3A_141 = tpu.vector_load %arg8[%get3A_140] {strides = array<i32>} : memref<2000xi32, #tpu.memory_space<vmem>>, vector<16xi32>,
      tpu.vector_store_idx %arg11[%get3A_141], %broadcast_in_dim3A_10 {add = true} : memref<10000xf32, #tpu.memory_space<vmem>>[vector<16xi32>], vector<16xf32>,
      %mul3A_142 = arith.constant 5 : i32
      %mul3A_143 = arith.muli %scan3A_110, %mul3A_142 : i32
      %add3A_144 = arith.constant 2 : i32
      %add3A_145 = arith.addi %mul3A_143, %add3A_144 : i32
      %mul3A_146 = arith.constant 16 : i32
      %mul3A_147 = arith.muli %add3A_145, %mul3A_146 : i32
      %get3A_148 = arith.index_cast %mul3A_147 : i32 to index
      %get3A_149 = tpu.vector_load %arg6[%get3A_148] {strides = array<i32>} : memref<2000xi32, #tpu.memory_space<vmem>>, vector<16xi32>,
      tpu.vector_store_idx %arg10[%get3A_149], %broadcast_in_dim3A_10 {add = true} : memref<10000xf32, #tpu.memory_space<vmem>>[vector<16xi32>], vector<16xf32>,
      %mul3A_150 = arith.constant 5 : i32
      %mul3A_151 = arith.muli %scan3A_110, %mul3A_150 : i32
      %add3A_152 = arith.constant 2 : i32
      %add3A_153 = arith.addi %mul3A_151, %add3A_152 : i32
      %mul3A_154 = arith.constant 16 : i32
      %mul3A_155 = arith.muli %add3A_153, %mul3A_154 : i32
      %get3A_156 = arith.index_cast %mul3A_155 : i32 to index
      %get3A_157 = tpu.vector_load %arg8[%get3A_156] {strides = array<i32>} : memref<2000xi32, #tpu.memory_space<vmem>>, vector<16xi32>,
      tpu.vector_store_idx %arg11[%get3A_157], %broadcast_in_dim3A_10 {add = true} : memref<10000xf32, #tpu.memory_space<vmem>>[vector<16xi32>], vector<16xf32>,
      %mul3A_158 = arith.constant 5 : i32
      %mul3A_159 = arith.muli %scan3A_110, %mul3A_158 : i32
      %add3A_160 = arith.constant 3 : i32
      %add3A_161 = arith.addi %mul3A_159, %add3A_160 : i32
      %mul3A_162 = arith.constant 16 : i32
      %mul3A_163 = arith.muli %add3A_161, %mul3A_162 : i32
      %get3A_164 = arith.index_cast %mul3A_163 : i32 to index
      %get3A_165 = tpu.vector_load %arg6[%get3A_164] {strides = array<i32>} : memref<2000xi32, #tpu.memory_space<vmem>>, vector<16xi32>,
      tpu.vector_store_idx %arg10[%get3A_165], %broadcast_in_dim3A_10 {add = true} : memref<10000xf32, #tpu.memory_space<vmem>>[vector<16xi32>], vector<16xf32>,
      %mul3A_166 = arith.constant 5 : i32
      %mul3A_167 = arith.muli %scan3A_110, %mul3A_166 : i32
      %add3A_168 = arith.constant 3 : i32
      %add3A_169 = arith.addi %mul3A_167, %add3A_168 : i32
      %mul3A_170 = arith.constant 16 : i32
      %mul3A_171 = arith.muli %add3A_169, %mul3A_170 : i32
      %get3A_172 = arith.index_cast %mul3A_171 : i32 to index
      %get3A_173 = tpu.vector_load %arg8[%get3A_172] {strides = array<i32>} : memref<2000xi32, #tpu.memory_space<vmem>>, vector<16xi32>,
      tpu.vector_store_idx %arg11[%get3A_173], %broadcast_in_dim3A_10 {add = true} : memref<10000xf32, #tpu.memory_space<vmem>>[vector<16xi32>], vector<16xf32>,
      %mul3A_174 = arith.constant 5 : i32
      %mul3A_175 = arith.muli %scan3A_110, %mul3A_174 : i32
      %add3A_176 = arith.constant 4 : i32
      %add3A_177 = arith.addi %mul3A_175, %add3A_176 : i32
      %mul3A_178 = arith.constant 16 : i32
      %mul3A_179 = arith.muli %add3A_177, %mul3A_178 : i32
      %get3A_180 = arith.index_cast %mul3A_179 : i32 to index
      %get3A_181 = tpu.vector_load %arg6[%get3A_180] {strides = array<i32>} : memref<2000xi32, #tpu.memory_space<vmem>>, vector<16xi32>,
      tpu.vector_store_idx %arg10[%get3A_181], %broadcast_in_dim3A_10 {add = true} : memref<10000xf32, #tpu.memory_space<vmem>>[vector<16xi32>], vector<16xf32>,
      %mul3A_182 = arith.constant 5 : i32
      %mul3A_183 = arith.muli %scan3A_110, %mul3A_182 : i32
      %add3A_184 = arith.constant 4 : i32
      %add3A_185 = arith.addi %mul3A_183, %add3A_184 : i32
      %mul3A_186 = arith.constant 16 : i32
      %mul3A_187 = arith.muli %add3A_185, %mul3A_186 : i32
      %get3A_188 = arith.index_cast %mul3A_187 : i32 to index
      %get3A_189 = tpu.vector_load %arg8[%get3A_188] {strides = array<i32>} : memref<2000xi32, #tpu.memory_space<vmem>>, vector<16xi32>,
      tpu.vector_store_idx %arg11[%get3A_189], %broadcast_in_dim3A_10 {add = true} : memref<10000xf32, #tpu.memory_space<vmem>>[vector<16xi32>], vector<16xf32>,
    }
    %scan3A_108 = arith.constant 25 : i32
    %run_scoped3A = arith.constant 0 : i32
    "tpu.region"() ({
      %run_scoped3A_110 = tpu.sem_alloc : memref<!tpu.dma_semaphore, #tpu.memory_space<semaphore_mem>>
      %dma_start3A_111 = arith.constant 0 : i32
      %dma_start3A_112 = tpu.memref_slice %arg4[%add3A, %run_scoped3A, %dma_start3A_111] : memref<32x1x10000xf32, #tpu.memory_space<hbm>> -> memref<1x1x10000xf32, #tpu.memory_space<hbm>>
      %dma_start3A_113 = tpu.memref_squeeze %dma_start3A_112 : memref<1x1x10000xf32, #tpu.memory_space<hbm>> -> memref<10000xf32, #tpu.memory_space<hbm>>
      %dma_start3A_114 = arith.constant 0 : i32
      %dma_start3A_115 = tpu.memref_slice %arg4[%add3A, %run_scoped3A, %dma_start3A_114] : memref<32x1x10000xf32, #tpu.memory_space<hbm>> -> memref<1x1x10000xf32, #tpu.memory_space<hbm>>
      %dma_start3A_116 = tpu.memref_squeeze %dma_start3A_115 : memref<1x1x10000xf32, #tpu.memory_space<hbm>> -> memref<10000xf32, #tpu.memory_space<hbm>>
      tpu.enqueue_dma source(%arg10 : memref<10000xf32, #tpu.memory_space<vmem>>) target(%dma_start3A_116 : memref<10000xf32, #tpu.memory_space<hbm>>) target_semaphore(%run_scoped3A_110 : memref<!tpu.dma_semaphore, #tpu.memory_space<semaphore_mem>>)
      %dma_wait3A_117 = arith.constant 0 : i32
      %dma_wait3A_118 = tpu.memref_slice %arg4[%add3A, %run_scoped3A, %dma_wait3A_117] : memref<32x1x10000xf32, #tpu.memory_space<hbm>> -> memref<1x1x10000xf32, #tpu.memory_space<hbm>>
      %dma_wait3A_119 = tpu.memref_squeeze %dma_wait3A_118 : memref<1x1x10000xf32, #tpu.memory_space<hbm>> -> memref<10000xf32, #tpu.memory_space<hbm>>
      %dma_wait3A_120 = arith.constant 0 : i32
      %dma_wait3A_121 = tpu.memref_slice %arg4[%add3A, %run_scoped3A, %dma_wait3A_120] : memref<32x1x10000xf32, #tpu.memory_space<hbm>> -> memref<1x1x10000xf32, #tpu.memory_space<hbm>>
      %dma_wait3A_122 = tpu.memref_squeeze %dma_wait3A_121 : memref<1x1x10000xf32, #tpu.memory_space<hbm>> -> memref<10000xf32, #tpu.memory_space<hbm>>
      tpu.wait_dma2 semaphore(%run_scoped3A_110 : memref<!tpu.dma_semaphore, #tpu.memory_space<semaphore_mem>>) src(%arg10 : memref<10000xf32, #tpu.memory_space<vmem>>) dst(%dma_wait3A_122 : memref<10000xf32, #tpu.memory_space<hbm>>)
      tpu.yield
    }) : () -> ()
    %run_scoped3A_109 = arith.constant 0 : i32
    "tpu.region"() ({
      %run_scoped3A_110 = tpu.sem_alloc : memref<!tpu.dma_semaphore, #tpu.memory_space<semaphore_mem>>
      %dma_start3A_111 = arith.constant 0 : i32
      %dma_start3A_112 = tpu.memref_slice %arg5[%add3A, %run_scoped3A_109, %dma_start3A_111] : memref<32x1x10000xf32, #tpu.memory_space<hbm>> -> memref<1x1x10000xf32, #tpu.memory_space<hbm>>
      %dma_start3A_113 = tpu.memref_squeeze %dma_start3A_112 : memref<1x1x10000xf32, #tpu.memory_space<hbm>> -> memref<10000xf32, #tpu.memory_space<hbm>>
      %dma_start3A_114 = arith.constant 0 : i32
      %dma_start3A_115 = tpu.memref_slice %arg5[%add3A, %run_scoped3A_109, %dma_start3A_114] : memref<32x1x10000xf32, #tpu.memory_space<hbm>> -> memref<1x1x10000xf32, #tpu.memory_space<hbm>>
      %dma_start3A_116 = tpu.memref_squeeze %dma_start3A_115 : memref<1x1x10000xf32, #tpu.memory_space<hbm>> -> memref<10000xf32, #tpu.memory_space<hbm>>
      tpu.enqueue_dma source(%arg11 : memref<10000xf32, #tpu.memory_space<vmem>>) target(%dma_start3A_116 : memref<10000xf32, #tpu.memory_space<hbm>>) target_semaphore(%run_scoped3A_110 : memref<!tpu.dma_semaphore, #tpu.memory_space<semaphore_mem>>)
      %dma_wait3A_117 = arith.constant 0 : i32
      %dma_wait3A_118 = tpu.memref_slice %arg5[%add3A, %run_scoped3A_109, %dma_wait3A_117] : memref<32x1x10000xf32, #tpu.memory_space<hbm>> -> memref<1x1x10000xf32, #tpu.memory_space<hbm>>
      %dma_wait3A_119 = tpu.memref_squeeze %dma_wait3A_118 : memref<1x1x10000xf32, #tpu.memory_space<hbm>> -> memref<10000xf32, #tpu.memory_space<hbm>>
      %dma_wait3A_120 = arith.constant 0 : i32
      %dma_wait3A_121 = tpu.memref_slice %arg5[%add3A, %run_scoped3A_109, %dma_wait3A_120] : memref<32x1x10000xf32, #tpu.memory_space<hbm>> -> memref<1x1x10000xf32, #tpu.memory_space<hbm>>
      %dma_wait3A_122 = tpu.memref_squeeze %dma_wait3A_121 : memref<1x1x10000xf32, #tpu.memory_space<hbm>> -> memref<10000xf32, #tpu.memory_space<hbm>>
      tpu.wait_dma2 semaphore(%run_scoped3A_110 : memref<!tpu.dma_semaphore, #tpu.memory_space<semaphore_mem>>) src(%arg11 : memref<10000xf32, #tpu.memory_space<vmem>>) dst(%dma_wait3A_122 : memref<10000xf32, #tpu.memory_space<hbm>>)
      tpu.yield
    }) : () -> ()
    return
  }
}

#map = affine_map<(d0, d1) -> (0, 0)>
#map1 = affine_map<(d0, d1) -> (0)>
#map2 = affine_map<(d0, d1) -> (0, 0, 0)>
module attributes {stable_mosaic.version = 14 : i64} {
  func.func @_agg_kernel(%arg0: i32, %arg1: i32, %arg2: memref<10000x128xf32, #tpu.memory_space<hbm>>, %arg3: memref<320000xi32, #tpu.memory_space<hbm>>, %arg4: memref<320000xi32, #tpu.memory_space<hbm>>, %arg5: memref<2x10240x128xf32, #tpu.memory_space<hbm>>, %arg6: memref<320xi32, #tpu.memory_space<vmem>>, %arg7: memref<320xi32, #tpu.memory_space<vmem>>, %arg8: memref<320xi32, #tpu.memory_space<vmem>>, %arg9: memref<320xi32, #tpu.memory_space<vmem>>, %arg10: memref<80xi32, #tpu.memory_space<vmem>>, %arg11: memref<80xi32, #tpu.memory_space<vmem>>, %arg12: memref<80xi32, #tpu.memory_space<vmem>>, %arg13: memref<80xi32, #tpu.memory_space<vmem>>, %arg14: memref<80xi32, #tpu.memory_space<vmem>>, %arg15: memref<80xi32, #tpu.memory_space<vmem>>, %arg16: memref<80xi32, #tpu.memory_space<vmem>>, %arg17: memref<80xi32, #tpu.memory_space<vmem>>, %arg18: memref<4x80x128xf32, #tpu.memory_space<vmem>>, %arg19: memref<32x128xf32, #tpu.memory_space<vmem>>, %arg20: memref<10240x128xf32, #tpu.memory_space<vmem_shared>>, %arg21: memref<!tpu.dma_semaphore, #tpu.memory_space<semaphore_mem>>, %arg22: memref<!tpu.dma_semaphore, #tpu.memory_space<semaphore_mem>>, %arg23: memref<!tpu.dma_semaphore, #tpu.memory_space<semaphore_mem>>, %arg24: memref<!tpu.dma_semaphore, #tpu.memory_space<semaphore_mem>>, %arg25: memref<!tpu.dma_semaphore, #tpu.memory_space<semaphore_mem>>, %arg26: memref<!tpu.dma_semaphore, #tpu.memory_space<semaphore_mem>>, %arg27: memref<!tpu.dma_semaphore, #tpu.memory_space<semaphore_mem>>, %arg28: memref<!tpu.dma_semaphore, #tpu.memory_space<semaphore_mem>>, %arg29: memref<!tpu.dma_semaphore, #tpu.memory_space<semaphore_mem>>) attributes {dimension_semantics = [#tpu.dimension_semantics<core_parallel>, #tpu.dimension_semantics<subcore_parallel>], iteration_bounds = array<i64: 2, 16>, scalar_prefetch = 0 : i64, scratch_operands = 24 : i64, tpu.core_type = #tpu.core_type<sc_vector_subcore>, window_params = [{transform_indices = #map}, {transform_indices = #map1}, {transform_indices = #map1}, {transform_indices = #map2}]} {
    %mul3A = arith.constant 2 : i32
    %mul3A_0 = arith.muli %arg1, %mul3A : i32
    %add3A = arith.addi %mul3A_0, %arg0 : i32
    %mul3A_1 = arith.constant 10000 : i32
    %mul3A_2 = arith.muli %add3A, %mul3A_1 : i32
    %broadcast_in_dim3A = arith.constant 0.000000e+00 : f32
    %broadcast_in_dim3A_3 = vector.broadcast %broadcast_in_dim3A : f32 to vector<16xf32>
    %scan3A = arith.constant 0 : i32
    %scan3A_4 = arith.constant 0 : i32
    %scan3A_5 = arith.constant 32 : i32
    %scan3A_6 = arith.addi %scan3A_4, %scan3A_5 : i32
    %scan3A_7 = arith.constant 1 : i32
    scf.for %scan3A_344 = %scan3A_4 to %scan3A_6 step %scan3A_7  : i32 {
      %scan3A_345 = arith.constant 0 : i32
      %scan3A_346 = arith.constant 8 : i32
      %scan3A_347 = arith.addi %scan3A_345, %scan3A_346 : i32
      %scan3A_348 = arith.constant 1 : i32
      scf.for %scan3A_350 = %scan3A_345 to %scan3A_347 step %scan3A_348  : i32 {
        %mul3A_351 = arith.constant 16 : i32
        %mul3A_352 = arith.muli %scan3A_350, %mul3A_351 : i32
        %swap3A_353 = arith.index_cast %scan3A_344 : i32 to index
        %swap3A_354 = arith.index_cast %mul3A_352 : i32 to index
        %swap3A_355 = tpu.vector_load %arg19[%swap3A_353, %swap3A_354] {strides = array<i32>} : memref<32x128xf32, #tpu.memory_space<vmem>>, vector<16xf32>,
        tpu.vector_store %arg19[%swap3A_353, %swap3A_354], %broadcast_in_dim3A_3 {strides = array<i32>} : memref<32x128xf32, #tpu.memory_space<vmem>>, vector<16xf32>,
      }
      %scan3A_349 = arith.constant 8 : i32
    }
    %scan3A_8 = arith.constant 32 : i32
    %scan3A_9 = arith.constant 0 : i32
    %scan3A_10 = arith.constant 0 : i32
    %scan3A_11 = arith.constant 20 : i32
    %scan3A_12 = arith.addi %scan3A_10, %scan3A_11 : i32
    %scan3A_13 = arith.constant 1 : i32
    scf.for %scan3A_344 = %scan3A_10 to %scan3A_12 step %scan3A_13  : i32 {
      %mul3A_345 = arith.constant 640 : i32
      %mul3A_346 = arith.muli %arg1, %mul3A_345 : i32
      %mul3A_347 = arith.constant 32 : i32
      %mul3A_348 = arith.muli %scan3A_344, %mul3A_347 : i32
      %add3A_349 = arith.addi %mul3A_346, %mul3A_348 : i32
      %dma_start3A_350 = arith.constant 0 : i32
      %dma_start3A_351 = tpu.memref_slice %arg20[%add3A_349, %dma_start3A_350] : memref<10240x128xf32, #tpu.memory_space<vmem_shared>> -> memref<32x128xf32, #tpu.memory_space<vmem_shared>>
      %dma_start3A_352 = arith.constant 0 : i32
      %dma_start3A_353 = tpu.memref_slice %arg20[%add3A_349, %dma_start3A_352] : memref<10240x128xf32, #tpu.memory_space<vmem_shared>> -> memref<32x128xf32, #tpu.memory_space<vmem_shared>>
      tpu.enqueue_dma source(%arg19 : memref<32x128xf32, #tpu.memory_space<vmem>>) target(%dma_start3A_353 : memref<32x128xf32, #tpu.memory_space<vmem_shared>>) target_semaphore(%arg21 : memref<!tpu.dma_semaphore, #tpu.memory_space<semaphore_mem>>)
    }
    %scan3A_14 = arith.constant 20 : i32
    %scan3A_15 = arith.constant 0 : i32
    %scan3A_16 = arith.constant 0 : i32
    %scan3A_17 = arith.constant 20 : i32
    %scan3A_18 = arith.addi %scan3A_16, %scan3A_17 : i32
    %scan3A_19 = arith.constant 1 : i32
    scf.for %scan3A_344 = %scan3A_16 to %scan3A_18 step %scan3A_19  : i32 {
      %dma_wait3A_345 = arith.constant 0 : i32
      %dma_wait3A_346 = arith.constant 0 : i32
      %dma_wait3A_347 = tpu.memref_slice %arg20[%dma_wait3A_345, %dma_wait3A_346] : memref<10240x128xf32, #tpu.memory_space<vmem_shared>> -> memref<32x128xf32, #tpu.memory_space<vmem_shared>>
      %dma_wait3A_348 = arith.constant 0 : i32
      %dma_wait3A_349 = arith.constant 0 : i32
      %dma_wait3A_350 = tpu.memref_slice %arg20[%dma_wait3A_348, %dma_wait3A_349] : memref<10240x128xf32, #tpu.memory_space<vmem_shared>> -> memref<32x128xf32, #tpu.memory_space<vmem_shared>>
      tpu.wait_dma2 semaphore(%arg21 : memref<!tpu.dma_semaphore, #tpu.memory_space<semaphore_mem>>) src(%arg19 : memref<32x128xf32, #tpu.memory_space<vmem>>) dst(%dma_wait3A_350 : memref<32x128xf32, #tpu.memory_space<vmem_shared>>)
    }
    %scan3A_20 = arith.constant 20 : i32
    %barrier3A = arith.constant 0 : index
    tpu.barrier barrier_id(%barrier3A)
    %add3A_21 = arith.constant 9920 : i32
    %add3A_22 = arith.addi %mul3A_2, %add3A_21 : i32
    "tpu.region"() ({
      %run_scoped3A = tpu.sem_alloc : memref<!tpu.dma_semaphore, #tpu.memory_space<semaphore_mem>>
      %dma_start3A_344 = arith.constant 0 : i32
      %dma_start3A_345 = tpu.memref_slice %arg6[%dma_start3A_344] : memref<320xi32, #tpu.memory_space<vmem>> -> memref<80xi32, #tpu.memory_space<vmem>>
      %dma_start3A_346 = tpu.memref_slice %arg3[%add3A_22] : memref<320000xi32, #tpu.memory_space<hbm>> -> memref<80xi32, #tpu.memory_space<hbm>>
      %dma_start3A_347 = arith.constant 0 : i32
      %dma_start3A_348 = tpu.memref_slice %arg6[%dma_start3A_347] : memref<320xi32, #tpu.memory_space<vmem>> -> memref<80xi32, #tpu.memory_space<vmem>>
      %dma_start3A_349 = tpu.memref_slice %arg3[%add3A_22] : memref<320000xi32, #tpu.memory_space<hbm>> -> memref<80xi32, #tpu.memory_space<hbm>>
      tpu.enqueue_dma source(%dma_start3A_349 : memref<80xi32, #tpu.memory_space<hbm>>) target(%dma_start3A_348 : memref<80xi32, #tpu.memory_space<vmem>>) target_semaphore(%run_scoped3A : memref<!tpu.dma_semaphore, #tpu.memory_space<semaphore_mem>>)
      %dma_wait3A_350 = arith.constant 0 : i32
      %dma_wait3A_351 = tpu.memref_slice %arg6[%dma_wait3A_350] : memref<320xi32, #tpu.memory_space<vmem>> -> memref<80xi32, #tpu.memory_space<vmem>>
      %dma_wait3A_352 = tpu.memref_slice %arg3[%add3A_22] : memref<320000xi32, #tpu.memory_space<hbm>> -> memref<80xi32, #tpu.memory_space<hbm>>
      %dma_wait3A_353 = arith.constant 0 : i32
      %dma_wait3A_354 = tpu.memref_slice %arg6[%dma_wait3A_353] : memref<320xi32, #tpu.memory_space<vmem>> -> memref<80xi32, #tpu.memory_space<vmem>>
      %dma_wait3A_355 = tpu.memref_slice %arg3[%add3A_22] : memref<320000xi32, #tpu.memory_space<hbm>> -> memref<80xi32, #tpu.memory_space<hbm>>
      tpu.wait_dma2 semaphore(%run_scoped3A : memref<!tpu.dma_semaphore, #tpu.memory_space<semaphore_mem>>) src(%dma_wait3A_355 : memref<80xi32, #tpu.memory_space<hbm>>) dst(%dma_wait3A_354 : memref<80xi32, #tpu.memory_space<vmem>>)
      tpu.yield
    }) : () -> ()
    %add3A_23 = arith.constant 9920 : i32
    %add3A_24 = arith.addi %mul3A_2, %add3A_23 : i32
    "tpu.region"() ({
      %run_scoped3A = tpu.sem_alloc : memref<!tpu.dma_semaphore, #tpu.memory_space<semaphore_mem>>
      %dma_start3A_344 = tpu.memref_slice %arg4[%add3A_24] : memref<320000xi32, #tpu.memory_space<hbm>> -> memref<80xi32, #tpu.memory_space<hbm>>
      %dma_start3A_345 = tpu.memref_slice %arg4[%add3A_24] : memref<320000xi32, #tpu.memory_space<hbm>> -> memref<80xi32, #tpu.memory_space<hbm>>
      tpu.enqueue_dma source(%dma_start3A_345 : memref<80xi32, #tpu.memory_space<hbm>>) target(%arg10 : memref<80xi32, #tpu.memory_space<vmem>>) target_semaphore(%run_scoped3A : memref<!tpu.dma_semaphore, #tpu.memory_space<semaphore_mem>>)
      %dma_wait3A_346 = tpu.memref_slice %arg4[%add3A_24] : memref<320000xi32, #tpu.memory_space<hbm>> -> memref<80xi32, #tpu.memory_space<hbm>>
      %dma_wait3A_347 = tpu.memref_slice %arg4[%add3A_24] : memref<320000xi32, #tpu.memory_space<hbm>> -> memref<80xi32, #tpu.memory_space<hbm>>
      tpu.wait_dma2 semaphore(%run_scoped3A : memref<!tpu.dma_semaphore, #tpu.memory_space<semaphore_mem>>) src(%dma_wait3A_347 : memref<80xi32, #tpu.memory_space<hbm>>) dst(%arg10 : memref<80xi32, #tpu.memory_space<vmem>>)
      tpu.yield
    }) : () -> ()
    %dma_start3A = arith.constant 0 : i32
    %dma_start3A_25 = arith.constant 0 : i32
    %dma_start3A_26 = arith.constant 0 : i32
    %dma_start3A_27 = tpu.memref_slice %arg18[%dma_start3A, %dma_start3A_25, %dma_start3A_26] : memref<4x80x128xf32, #tpu.memory_space<vmem>> -> memref<1x80x128xf32, #tpu.memory_space<vmem>>
    %dma_start3A_28 = tpu.memref_squeeze %dma_start3A_27 : memref<1x80x128xf32, #tpu.memory_space<vmem>> -> memref<80x128xf32, #tpu.memory_space<vmem>>
    %dma_start3A_29 = arith.constant 0 : i32
    %dma_start3A_30 = tpu.memref_slice %arg6[%dma_start3A_29] : memref<320xi32, #tpu.memory_space<vmem>> -> memref<80xi32, #tpu.memory_space<vmem>>
    %dma_start3A_31 = arith.constant 0 : i32
    %dma_start3A_32 = arith.constant 0 : i32
    %dma_start3A_33 = tpu.memref_slice %arg2[%dma_start3A_31, %dma_start3A_32] : memref<10000x128xf32, #tpu.memory_space<hbm>> -> memref<10000x128xf32, #tpu.memory_space<hbm>>
    tpu.enqueue_indirect_dma source(%dma_start3A_33 : memref<10000x128xf32, #tpu.memory_space<hbm>>) target(%dma_start3A_28 : memref<80x128xf32, #tpu.memory_space<vmem>>) offsets(%dma_start3A_30 : memref<80xi32, #tpu.memory_space<vmem>>) semaphore(%arg22 : memref<!tpu.dma_semaphore, #tpu.memory_space<semaphore_mem>>)
    %dma_wait3A = arith.constant 0 : i32
    %dma_wait3A_34 = arith.constant 0 : i32
    %dma_wait3A_35 = arith.constant 0 : i32
    %dma_wait3A_36 = tpu.memref_slice %arg18[%dma_wait3A, %dma_wait3A_34, %dma_wait3A_35] : memref<4x80x128xf32, #tpu.memory_space<vmem>> -> memref<1x80x128xf32, #tpu.memory_space<vmem>>
    %dma_wait3A_37 = tpu.memref_squeeze %dma_wait3A_36 : memref<1x80x128xf32, #tpu.memory_space<vmem>> -> memref<80x128xf32, #tpu.memory_space<vmem>>
    %dma_wait3A_38 = arith.constant 0 : i32
    %dma_wait3A_39 = tpu.memref_slice %arg6[%dma_wait3A_38] : memref<320xi32, #tpu.memory_space<vmem>> -> memref<80xi32, #tpu.memory_space<vmem>>
    %dma_wait3A_40 = arith.constant 0 : i32
    %dma_wait3A_41 = arith.constant 0 : i32
    %dma_wait3A_42 = tpu.memref_slice %arg2[%dma_wait3A_40, %dma_wait3A_41] : memref<10000x128xf32, #tpu.memory_space<hbm>> -> memref<10000x128xf32, #tpu.memory_space<hbm>>
    tpu.wait_indirect_dma semaphore(%arg22 : memref<!tpu.dma_semaphore, #tpu.memory_space<semaphore_mem>>) src(%dma_wait3A_42 : memref<10000x128xf32, #tpu.memory_space<hbm>>) dst(%dma_wait3A_37 : memref<80x128xf32, #tpu.memory_space<vmem>>)
    %dma_start3A_43 = arith.constant 0 : i32
    %dma_start3A_44 = arith.constant 0 : i32
    %dma_start3A_45 = arith.constant 0 : i32
    %dma_start3A_46 = tpu.memref_slice %arg18[%dma_start3A_43, %dma_start3A_44, %dma_start3A_45] : memref<4x80x128xf32, #tpu.memory_space<vmem>> -> memref<1x80x128xf32, #tpu.memory_space<vmem>>
    %dma_start3A_47 = tpu.memref_squeeze %dma_start3A_46 : memref<1x80x128xf32, #tpu.memory_space<vmem>> -> memref<80x128xf32, #tpu.memory_space<vmem>>
    %dma_start3A_48 = arith.constant 0 : i32
    %dma_start3A_49 = arith.constant 0 : i32
    %dma_start3A_50 = tpu.memref_slice %arg20[%dma_start3A_48, %dma_start3A_49] : memref<10240x128xf32, #tpu.memory_space<vmem_shared>> -> memref<10240x128xf32, #tpu.memory_space<vmem_shared>>
    tpu.enqueue_indirect_dma source(%dma_start3A_47 : memref<80x128xf32, #tpu.memory_space<vmem>>) target(%dma_start3A_50 : memref<10240x128xf32, #tpu.memory_space<vmem_shared>>) offsets(%arg10 : memref<80xi32, #tpu.memory_space<vmem>>) semaphore(%arg26 : memref<!tpu.dma_semaphore, #tpu.memory_space<semaphore_mem>>) {add = true}
    %dma_wait3A_51 = arith.constant 0 : i32
    %dma_wait3A_52 = arith.constant 0 : i32
    %dma_wait3A_53 = arith.constant 0 : i32
    %dma_wait3A_54 = tpu.memref_slice %arg18[%dma_wait3A_51, %dma_wait3A_52, %dma_wait3A_53] : memref<4x80x128xf32, #tpu.memory_space<vmem>> -> memref<1x80x128xf32, #tpu.memory_space<vmem>>
    %dma_wait3A_55 = tpu.memref_squeeze %dma_wait3A_54 : memref<1x80x128xf32, #tpu.memory_space<vmem>> -> memref<80x128xf32, #tpu.memory_space<vmem>>
    %dma_wait3A_56 = arith.constant 0 : i32
    %dma_wait3A_57 = arith.constant 0 : i32
    %dma_wait3A_58 = tpu.memref_slice %arg20[%dma_wait3A_56, %dma_wait3A_57] : memref<10240x128xf32, #tpu.memory_space<vmem_shared>> -> memref<10240x128xf32, #tpu.memory_space<vmem_shared>>
    tpu.wait_indirect_dma semaphore(%arg26 : memref<!tpu.dma_semaphore, #tpu.memory_space<semaphore_mem>>) src(%dma_wait3A_55 : memref<80x128xf32, #tpu.memory_space<vmem>>) dst(%dma_wait3A_58 : memref<10240x128xf32, #tpu.memory_space<vmem_shared>>)
    %add3A_59 = arith.constant 0 : i32
    %add3A_60 = arith.addi %mul3A_2, %add3A_59 : i32
    %dma_start3A_61 = tpu.memref_slice %arg3[%add3A_60] : memref<320000xi32, #tpu.memory_space<hbm>> -> memref<320xi32, #tpu.memory_space<hbm>>
    %dma_start3A_62 = tpu.memref_slice %arg3[%add3A_60] : memref<320000xi32, #tpu.memory_space<hbm>> -> memref<320xi32, #tpu.memory_space<hbm>>
    tpu.enqueue_dma source(%dma_start3A_62 : memref<320xi32, #tpu.memory_space<hbm>>) target(%arg6 : memref<320xi32, #tpu.memory_space<vmem>>) target_semaphore(%arg21 : memref<!tpu.dma_semaphore, #tpu.memory_space<semaphore_mem>>)
    %dma_start3A_63 = tpu.memref_slice %arg4[%add3A_60] : memref<320000xi32, #tpu.memory_space<hbm>> -> memref<320xi32, #tpu.memory_space<hbm>>
    %dma_start3A_64 = tpu.memref_slice %arg4[%add3A_60] : memref<320000xi32, #tpu.memory_space<hbm>> -> memref<320xi32, #tpu.memory_space<hbm>>
    tpu.enqueue_dma source(%dma_start3A_64 : memref<320xi32, #tpu.memory_space<hbm>>) target(%arg8 : memref<320xi32, #tpu.memory_space<vmem>>) target_semaphore(%arg21 : memref<!tpu.dma_semaphore, #tpu.memory_space<semaphore_mem>>)
    %dma_wait3A_65 = arith.constant 0 : i32
    %dma_wait3A_66 = tpu.memref_slice %arg3[%dma_wait3A_65] : memref<320000xi32, #tpu.memory_space<hbm>> -> memref<320xi32, #tpu.memory_space<hbm>>
    %dma_wait3A_67 = arith.constant 0 : i32
    %dma_wait3A_68 = tpu.memref_slice %arg3[%dma_wait3A_67] : memref<320000xi32, #tpu.memory_space<hbm>> -> memref<320xi32, #tpu.memory_space<hbm>>
    tpu.wait_dma2 semaphore(%arg21 : memref<!tpu.dma_semaphore, #tpu.memory_space<semaphore_mem>>) src(%dma_wait3A_68 : memref<320xi32, #tpu.memory_space<hbm>>) dst(%arg6 : memref<320xi32, #tpu.memory_space<vmem>>)
    %dma_wait3A_69 = arith.constant 0 : i32
    %dma_wait3A_70 = tpu.memref_slice %arg4[%dma_wait3A_69] : memref<320000xi32, #tpu.memory_space<hbm>> -> memref<320xi32, #tpu.memory_space<hbm>>
    %dma_wait3A_71 = arith.constant 0 : i32
    %dma_wait3A_72 = tpu.memref_slice %arg4[%dma_wait3A_71] : memref<320000xi32, #tpu.memory_space<hbm>> -> memref<320xi32, #tpu.memory_space<hbm>>
    tpu.wait_dma2 semaphore(%arg21 : memref<!tpu.dma_semaphore, #tpu.memory_space<semaphore_mem>>) src(%dma_wait3A_72 : memref<320xi32, #tpu.memory_space<hbm>>) dst(%arg8 : memref<320xi32, #tpu.memory_space<vmem>>)
    %get3A = arith.constant 0 : index
    %get3A_73 = tpu.vector_load %arg8[%get3A] {strides = array<i32>} : memref<320xi32, #tpu.memory_space<vmem>>, vector<16xi32>,
    %swap3A = arith.constant 0 : index
    %swap3A_74 = tpu.vector_load %arg10[%swap3A] {strides = array<i32>} : memref<80xi32, #tpu.memory_space<vmem>>, vector<16xi32>,
    tpu.vector_store %arg10[%swap3A], %get3A_73 {strides = array<i32>} : memref<80xi32, #tpu.memory_space<vmem>>, vector<16xi32>,
    %get3A_75 = arith.constant 16 : index
    %get3A_76 = tpu.vector_load %arg8[%get3A_75] {strides = array<i32>} : memref<320xi32, #tpu.memory_space<vmem>>, vector<16xi32>,
    %swap3A_77 = arith.constant 16 : index
    %swap3A_78 = tpu.vector_load %arg10[%swap3A_77] {strides = array<i32>} : memref<80xi32, #tpu.memory_space<vmem>>, vector<16xi32>,
    tpu.vector_store %arg10[%swap3A_77], %get3A_76 {strides = array<i32>} : memref<80xi32, #tpu.memory_space<vmem>>, vector<16xi32>,
    %get3A_79 = arith.constant 32 : index
    %get3A_80 = tpu.vector_load %arg8[%get3A_79] {strides = array<i32>} : memref<320xi32, #tpu.memory_space<vmem>>, vector<16xi32>,
    %swap3A_81 = arith.constant 32 : index
    %swap3A_82 = tpu.vector_load %arg10[%swap3A_81] {strides = array<i32>} : memref<80xi32, #tpu.memory_space<vmem>>, vector<16xi32>,
    tpu.vector_store %arg10[%swap3A_81], %get3A_80 {strides = array<i32>} : memref<80xi32, #tpu.memory_space<vmem>>, vector<16xi32>,
    %get3A_83 = arith.constant 48 : index
    %get3A_84 = tpu.vector_load %arg8[%get3A_83] {strides = array<i32>} : memref<320xi32, #tpu.memory_space<vmem>>, vector<16xi32>,
    %swap3A_85 = arith.constant 48 : index
    %swap3A_86 = tpu.vector_load %arg10[%swap3A_85] {strides = array<i32>} : memref<80xi32, #tpu.memory_space<vmem>>, vector<16xi32>,
    tpu.vector_store %arg10[%swap3A_85], %get3A_84 {strides = array<i32>} : memref<80xi32, #tpu.memory_space<vmem>>, vector<16xi32>,
    %get3A_87 = arith.constant 64 : index
    %get3A_88 = tpu.vector_load %arg8[%get3A_87] {strides = array<i32>} : memref<320xi32, #tpu.memory_space<vmem>>, vector<16xi32>,
    %swap3A_89 = arith.constant 64 : index
    %swap3A_90 = tpu.vector_load %arg10[%swap3A_89] {strides = array<i32>} : memref<80xi32, #tpu.memory_space<vmem>>, vector<16xi32>,
    tpu.vector_store %arg10[%swap3A_89], %get3A_88 {strides = array<i32>} : memref<80xi32, #tpu.memory_space<vmem>>, vector<16xi32>,
    %get3A_91 = arith.constant 80 : index
    %get3A_92 = tpu.vector_load %arg8[%get3A_91] {strides = array<i32>} : memref<320xi32, #tpu.memory_space<vmem>>, vector<16xi32>,
    %swap3A_93 = arith.constant 0 : index
    %swap3A_94 = tpu.vector_load %arg11[%swap3A_93] {strides = array<i32>} : memref<80xi32, #tpu.memory_space<vmem>>, vector<16xi32>,
    tpu.vector_store %arg11[%swap3A_93], %get3A_92 {strides = array<i32>} : memref<80xi32, #tpu.memory_space<vmem>>, vector<16xi32>,
    %get3A_95 = arith.constant 96 : index
    %get3A_96 = tpu.vector_load %arg8[%get3A_95] {strides = array<i32>} : memref<320xi32, #tpu.memory_space<vmem>>, vector<16xi32>,
    %swap3A_97 = arith.constant 16 : index
    %swap3A_98 = tpu.vector_load %arg11[%swap3A_97] {strides = array<i32>} : memref<80xi32, #tpu.memory_space<vmem>>, vector<16xi32>,
    tpu.vector_store %arg11[%swap3A_97], %get3A_96 {strides = array<i32>} : memref<80xi32, #tpu.memory_space<vmem>>, vector<16xi32>,
    %get3A_99 = arith.constant 112 : index
    %get3A_100 = tpu.vector_load %arg8[%get3A_99] {strides = array<i32>} : memref<320xi32, #tpu.memory_space<vmem>>, vector<16xi32>,
    %swap3A_101 = arith.constant 32 : index
    %swap3A_102 = tpu.vector_load %arg11[%swap3A_101] {strides = array<i32>} : memref<80xi32, #tpu.memory_space<vmem>>, vector<16xi32>,
    tpu.vector_store %arg11[%swap3A_101], %get3A_100 {strides = array<i32>} : memref<80xi32, #tpu.memory_space<vmem>>, vector<16xi32>,
    %get3A_103 = arith.constant 128 : index
    %get3A_104 = tpu.vector_load %arg8[%get3A_103] {strides = array<i32>} : memref<320xi32, #tpu.memory_space<vmem>>, vector<16xi32>,
    %swap3A_105 = arith.constant 48 : index
    %swap3A_106 = tpu.vector_load %arg11[%swap3A_105] {strides = array<i32>} : memref<80xi32, #tpu.memory_space<vmem>>, vector<16xi32>,
    tpu.vector_store %arg11[%swap3A_105], %get3A_104 {strides = array<i32>} : memref<80xi32, #tpu.memory_space<vmem>>, vector<16xi32>,
    %get3A_107 = arith.constant 144 : index
    %get3A_108 = tpu.vector_load %arg8[%get3A_107] {strides = array<i32>} : memref<320xi32, #tpu.memory_space<vmem>>, vector<16xi32>,
    %swap3A_109 = arith.constant 64 : index
    %swap3A_110 = tpu.vector_load %arg11[%swap3A_109] {strides = array<i32>} : memref<80xi32, #tpu.memory_space<vmem>>, vector<16xi32>,
    tpu.vector_store %arg11[%swap3A_109], %get3A_108 {strides = array<i32>} : memref<80xi32, #tpu.memory_space<vmem>>, vector<16xi32>,
    %get3A_111 = arith.constant 160 : index
    %get3A_112 = tpu.vector_load %arg8[%get3A_111] {strides = array<i32>} : memref<320xi32, #tpu.memory_space<vmem>>, vector<16xi32>,
    %swap3A_113 = arith.constant 0 : index
    %swap3A_114 = tpu.vector_load %arg12[%swap3A_113] {strides = array<i32>} : memref<80xi32, #tpu.memory_space<vmem>>, vector<16xi32>,
    tpu.vector_store %arg12[%swap3A_113], %get3A_112 {strides = array<i32>} : memref<80xi32, #tpu.memory_space<vmem>>, vector<16xi32>,
    %get3A_115 = arith.constant 176 : index
    %get3A_116 = tpu.vector_load %arg8[%get3A_115] {strides = array<i32>} : memref<320xi32, #tpu.memory_space<vmem>>, vector<16xi32>,
    %swap3A_117 = arith.constant 16 : index
    %swap3A_118 = tpu.vector_load %arg12[%swap3A_117] {strides = array<i32>} : memref<80xi32, #tpu.memory_space<vmem>>, vector<16xi32>,
    tpu.vector_store %arg12[%swap3A_117], %get3A_116 {strides = array<i32>} : memref<80xi32, #tpu.memory_space<vmem>>, vector<16xi32>,
    %get3A_119 = arith.constant 192 : index
    %get3A_120 = tpu.vector_load %arg8[%get3A_119] {strides = array<i32>} : memref<320xi32, #tpu.memory_space<vmem>>, vector<16xi32>,
    %swap3A_121 = arith.constant 32 : index
    %swap3A_122 = tpu.vector_load %arg12[%swap3A_121] {strides = array<i32>} : memref<80xi32, #tpu.memory_space<vmem>>, vector<16xi32>,
    tpu.vector_store %arg12[%swap3A_121], %get3A_120 {strides = array<i32>} : memref<80xi32, #tpu.memory_space<vmem>>, vector<16xi32>,
    %get3A_123 = arith.constant 208 : index
    %get3A_124 = tpu.vector_load %arg8[%get3A_123] {strides = array<i32>} : memref<320xi32, #tpu.memory_space<vmem>>, vector<16xi32>,
    %swap3A_125 = arith.constant 48 : index
    %swap3A_126 = tpu.vector_load %arg12[%swap3A_125] {strides = array<i32>} : memref<80xi32, #tpu.memory_space<vmem>>, vector<16xi32>,
    tpu.vector_store %arg12[%swap3A_125], %get3A_124 {strides = array<i32>} : memref<80xi32, #tpu.memory_space<vmem>>, vector<16xi32>,
    %get3A_127 = arith.constant 224 : index
    %get3A_128 = tpu.vector_load %arg8[%get3A_127] {strides = array<i32>} : memref<320xi32, #tpu.memory_space<vmem>>, vector<16xi32>,
    %swap3A_129 = arith.constant 64 : index
    %swap3A_130 = tpu.vector_load %arg12[%swap3A_129] {strides = array<i32>} : memref<80xi32, #tpu.memory_space<vmem>>, vector<16xi32>,
    tpu.vector_store %arg12[%swap3A_129], %get3A_128 {strides = array<i32>} : memref<80xi32, #tpu.memory_space<vmem>>, vector<16xi32>,
    %get3A_131 = arith.constant 240 : index
    %get3A_132 = tpu.vector_load %arg8[%get3A_131] {strides = array<i32>} : memref<320xi32, #tpu.memory_space<vmem>>, vector<16xi32>,
    %swap3A_133 = arith.constant 0 : index
    %swap3A_134 = tpu.vector_load %arg13[%swap3A_133] {strides = array<i32>} : memref<80xi32, #tpu.memory_space<vmem>>, vector<16xi32>,
    tpu.vector_store %arg13[%swap3A_133], %get3A_132 {strides = array<i32>} : memref<80xi32, #tpu.memory_space<vmem>>, vector<16xi32>,
    %get3A_135 = arith.constant 256 : index
    %get3A_136 = tpu.vector_load %arg8[%get3A_135] {strides = array<i32>} : memref<320xi32, #tpu.memory_space<vmem>>, vector<16xi32>,
    %swap3A_137 = arith.constant 16 : index
    %swap3A_138 = tpu.vector_load %arg13[%swap3A_137] {strides = array<i32>} : memref<80xi32, #tpu.memory_space<vmem>>, vector<16xi32>,
    tpu.vector_store %arg13[%swap3A_137], %get3A_136 {strides = array<i32>} : memref<80xi32, #tpu.memory_space<vmem>>, vector<16xi32>,
    %get3A_139 = arith.constant 272 : index
    %get3A_140 = tpu.vector_load %arg8[%get3A_139] {strides = array<i32>} : memref<320xi32, #tpu.memory_space<vmem>>, vector<16xi32>,
    %swap3A_141 = arith.constant 32 : index
    %swap3A_142 = tpu.vector_load %arg13[%swap3A_141] {strides = array<i32>} : memref<80xi32, #tpu.memory_space<vmem>>, vector<16xi32>,
    tpu.vector_store %arg13[%swap3A_141], %get3A_140 {strides = array<i32>} : memref<80xi32, #tpu.memory_space<vmem>>, vector<16xi32>,
    %get3A_143 = arith.constant 288 : index
    %get3A_144 = tpu.vector_load %arg8[%get3A_143] {strides = array<i32>} : memref<320xi32, #tpu.memory_space<vmem>>, vector<16xi32>,
    %swap3A_145 = arith.constant 48 : index
    %swap3A_146 = tpu.vector_load %arg13[%swap3A_145] {strides = array<i32>} : memref<80xi32, #tpu.memory_space<vmem>>, vector<16xi32>,
    tpu.vector_store %arg13[%swap3A_145], %get3A_144 {strides = array<i32>} : memref<80xi32, #tpu.memory_space<vmem>>, vector<16xi32>,
    %get3A_147 = arith.constant 304 : index
    %get3A_148 = tpu.vector_load %arg8[%get3A_147] {strides = array<i32>} : memref<320xi32, #tpu.memory_space<vmem>>, vector<16xi32>,
    %swap3A_149 = arith.constant 64 : index
    %swap3A_150 = tpu.vector_load %arg13[%swap3A_149] {strides = array<i32>} : memref<80xi32, #tpu.memory_space<vmem>>, vector<16xi32>,
    tpu.vector_store %arg13[%swap3A_149], %get3A_148 {strides = array<i32>} : memref<80xi32, #tpu.memory_space<vmem>>, vector<16xi32>,
    %dma_start3A_151 = arith.constant 0 : i32
    %dma_start3A_152 = arith.constant 0 : i32
    %dma_start3A_153 = arith.constant 0 : i32
    %dma_start3A_154 = tpu.memref_slice %arg18[%dma_start3A_151, %dma_start3A_152, %dma_start3A_153] : memref<4x80x128xf32, #tpu.memory_space<vmem>> -> memref<1x80x128xf32, #tpu.memory_space<vmem>>
    %dma_start3A_155 = tpu.memref_squeeze %dma_start3A_154 : memref<1x80x128xf32, #tpu.memory_space<vmem>> -> memref<80x128xf32, #tpu.memory_space<vmem>>
    %dma_start3A_156 = arith.constant 0 : i32
    %dma_start3A_157 = tpu.memref_slice %arg6[%dma_start3A_156] : memref<320xi32, #tpu.memory_space<vmem>> -> memref<80xi32, #tpu.memory_space<vmem>>
    %dma_start3A_158 = arith.constant 0 : i32
    %dma_start3A_159 = arith.constant 0 : i32
    %dma_start3A_160 = tpu.memref_slice %arg2[%dma_start3A_158, %dma_start3A_159] : memref<10000x128xf32, #tpu.memory_space<hbm>> -> memref<10000x128xf32, #tpu.memory_space<hbm>>
    tpu.enqueue_indirect_dma source(%dma_start3A_160 : memref<10000x128xf32, #tpu.memory_space<hbm>>) target(%dma_start3A_155 : memref<80x128xf32, #tpu.memory_space<vmem>>) offsets(%dma_start3A_157 : memref<80xi32, #tpu.memory_space<vmem>>) semaphore(%arg22 : memref<!tpu.dma_semaphore, #tpu.memory_space<semaphore_mem>>)
    %dma_start3A_161 = arith.constant 1 : i32
    %dma_start3A_162 = arith.constant 0 : i32
    %dma_start3A_163 = arith.constant 0 : i32
    %dma_start3A_164 = tpu.memref_slice %arg18[%dma_start3A_161, %dma_start3A_162, %dma_start3A_163] : memref<4x80x128xf32, #tpu.memory_space<vmem>> -> memref<1x80x128xf32, #tpu.memory_space<vmem>>
    %dma_start3A_165 = tpu.memref_squeeze %dma_start3A_164 : memref<1x80x128xf32, #tpu.memory_space<vmem>> -> memref<80x128xf32, #tpu.memory_space<vmem>>
    %dma_start3A_166 = arith.constant 80 : i32
    %dma_start3A_167 = tpu.memref_slice %arg6[%dma_start3A_166] : memref<320xi32, #tpu.memory_space<vmem>> -> memref<80xi32, #tpu.memory_space<vmem>>
    %dma_start3A_168 = arith.constant 0 : i32
    %dma_start3A_169 = arith.constant 0 : i32
    %dma_start3A_170 = tpu.memref_slice %arg2[%dma_start3A_168, %dma_start3A_169] : memref<10000x128xf32, #tpu.memory_space<hbm>> -> memref<10000x128xf32, #tpu.memory_space<hbm>>
    tpu.enqueue_indirect_dma source(%dma_start3A_170 : memref<10000x128xf32, #tpu.memory_space<hbm>>) target(%dma_start3A_165 : memref<80x128xf32, #tpu.memory_space<vmem>>) offsets(%dma_start3A_167 : memref<80xi32, #tpu.memory_space<vmem>>) semaphore(%arg23 : memref<!tpu.dma_semaphore, #tpu.memory_space<semaphore_mem>>)
    %dma_start3A_171 = arith.constant 2 : i32
    %dma_start3A_172 = arith.constant 0 : i32
    %dma_start3A_173 = arith.constant 0 : i32
    %dma_start3A_174 = tpu.memref_slice %arg18[%dma_start3A_171, %dma_start3A_172, %dma_start3A_173] : memref<4x80x128xf32, #tpu.memory_space<vmem>> -> memref<1x80x128xf32, #tpu.memory_space<vmem>>
    %dma_start3A_175 = tpu.memref_squeeze %dma_start3A_174 : memref<1x80x128xf32, #tpu.memory_space<vmem>> -> memref<80x128xf32, #tpu.memory_space<vmem>>
    %dma_start3A_176 = arith.constant 160 : i32
    %dma_start3A_177 = tpu.memref_slice %arg6[%dma_start3A_176] : memref<320xi32, #tpu.memory_space<vmem>> -> memref<80xi32, #tpu.memory_space<vmem>>
    %dma_start3A_178 = arith.constant 0 : i32
    %dma_start3A_179 = arith.constant 0 : i32
    %dma_start3A_180 = tpu.memref_slice %arg2[%dma_start3A_178, %dma_start3A_179] : memref<10000x128xf32, #tpu.memory_space<hbm>> -> memref<10000x128xf32, #tpu.memory_space<hbm>>
    tpu.enqueue_indirect_dma source(%dma_start3A_180 : memref<10000x128xf32, #tpu.memory_space<hbm>>) target(%dma_start3A_175 : memref<80x128xf32, #tpu.memory_space<vmem>>) offsets(%dma_start3A_177 : memref<80xi32, #tpu.memory_space<vmem>>) semaphore(%arg24 : memref<!tpu.dma_semaphore, #tpu.memory_space<semaphore_mem>>)
    %dma_start3A_181 = arith.constant 3 : i32
    %dma_start3A_182 = arith.constant 0 : i32
    %dma_start3A_183 = arith.constant 0 : i32
    %dma_start3A_184 = tpu.memref_slice %arg18[%dma_start3A_181, %dma_start3A_182, %dma_start3A_183] : memref<4x80x128xf32, #tpu.memory_space<vmem>> -> memref<1x80x128xf32, #tpu.memory_space<vmem>>
    %dma_start3A_185 = tpu.memref_squeeze %dma_start3A_184 : memref<1x80x128xf32, #tpu.memory_space<vmem>> -> memref<80x128xf32, #tpu.memory_space<vmem>>
    %dma_start3A_186 = arith.constant 240 : i32
    %dma_start3A_187 = tpu.memref_slice %arg6[%dma_start3A_186] : memref<320xi32, #tpu.memory_space<vmem>> -> memref<80xi32, #tpu.memory_space<vmem>>
    %dma_start3A_188 = arith.constant 0 : i32
    %dma_start3A_189 = arith.constant 0 : i32
    %dma_start3A_190 = tpu.memref_slice %arg2[%dma_start3A_188, %dma_start3A_189] : memref<10000x128xf32, #tpu.memory_space<hbm>> -> memref<10000x128xf32, #tpu.memory_space<hbm>>
    tpu.enqueue_indirect_dma source(%dma_start3A_190 : memref<10000x128xf32, #tpu.memory_space<hbm>>) target(%dma_start3A_185 : memref<80x128xf32, #tpu.memory_space<vmem>>) offsets(%dma_start3A_187 : memref<80xi32, #tpu.memory_space<vmem>>) semaphore(%arg25 : memref<!tpu.dma_semaphore, #tpu.memory_space<semaphore_mem>>)
    %add3A_191 = arith.constant 320 : i32
    %add3A_192 = arith.addi %mul3A_2, %add3A_191 : i32
    %dma_start3A_193 = tpu.memref_slice %arg3[%add3A_192] : memref<320000xi32, #tpu.memory_space<hbm>> -> memref<320xi32, #tpu.memory_space<hbm>>
    %dma_start3A_194 = tpu.memref_slice %arg3[%add3A_192] : memref<320000xi32, #tpu.memory_space<hbm>> -> memref<320xi32, #tpu.memory_space<hbm>>
    tpu.enqueue_dma source(%dma_start3A_194 : memref<320xi32, #tpu.memory_space<hbm>>) target(%arg7 : memref<320xi32, #tpu.memory_space<vmem>>) target_semaphore(%arg21 : memref<!tpu.dma_semaphore, #tpu.memory_space<semaphore_mem>>)
    %dma_start3A_195 = tpu.memref_slice %arg4[%add3A_192] : memref<320000xi32, #tpu.memory_space<hbm>> -> memref<320xi32, #tpu.memory_space<hbm>>
    %dma_start3A_196 = tpu.memref_slice %arg4[%add3A_192] : memref<320000xi32, #tpu.memory_space<hbm>> -> memref<320xi32, #tpu.memory_space<hbm>>
    tpu.enqueue_dma source(%dma_start3A_196 : memref<320xi32, #tpu.memory_space<hbm>>) target(%arg9 : memref<320xi32, #tpu.memory_space<vmem>>) target_semaphore(%arg21 : memref<!tpu.dma_semaphore, #tpu.memory_space<semaphore_mem>>)
    %scan3A_197 = arith.constant 0 : i32
    %scan3A_198 = arith.constant 0 : i32
    %scan3A_199 = arith.constant 15 : i32
    %scan3A_200 = arith.addi %scan3A_198, %scan3A_199 : i32
    %scan3A_201 = arith.constant 1 : i32
    scf.for %scan3A_344 = %scan3A_198 to %scan3A_200 step %scan3A_201  : i32 {
      %mul3A_345 = arith.constant 2 : i32
      %mul3A_346 = arith.muli %mul3A_345, %scan3A_344 : i32
      %add3A_347 = arith.constant 1 : i32
      %add3A_348 = arith.addi %mul3A_346, %add3A_347 : i32
      %dma_wait3A_349 = arith.constant 0 : i32
      %dma_wait3A_350 = tpu.memref_slice %arg3[%dma_wait3A_349] : memref<320000xi32, #tpu.memory_space<hbm>> -> memref<320xi32, #tpu.memory_space<hbm>>
      %dma_wait3A_351 = arith.constant 0 : i32
      %dma_wait3A_352 = tpu.memref_slice %arg3[%dma_wait3A_351] : memref<320000xi32, #tpu.memory_space<hbm>> -> memref<320xi32, #tpu.memory_space<hbm>>
      tpu.wait_dma2 semaphore(%arg21 : memref<!tpu.dma_semaphore, #tpu.memory_space<semaphore_mem>>) src(%dma_wait3A_352 : memref<320xi32, #tpu.memory_space<hbm>>) dst(%arg7 : memref<320xi32, #tpu.memory_space<vmem>>)
      %dma_wait3A_353 = arith.constant 0 : i32
      %dma_wait3A_354 = tpu.memref_slice %arg4[%dma_wait3A_353] : memref<320000xi32, #tpu.memory_space<hbm>> -> memref<320xi32, #tpu.memory_space<hbm>>
      %dma_wait3A_355 = arith.constant 0 : i32
      %dma_wait3A_356 = tpu.memref_slice %arg4[%dma_wait3A_355] : memref<320000xi32, #tpu.memory_space<hbm>> -> memref<320xi32, #tpu.memory_space<hbm>>
      tpu.wait_dma2 semaphore(%arg21 : memref<!tpu.dma_semaphore, #tpu.memory_space<semaphore_mem>>) src(%dma_wait3A_356 : memref<320xi32, #tpu.memory_space<hbm>>) dst(%arg9 : memref<320xi32, #tpu.memory_space<vmem>>)
      %get3A_357 = arith.constant 0 : index
      %get3A_358 = tpu.vector_load %arg9[%get3A_357] {strides = array<i32>} : memref<320xi32, #tpu.memory_space<vmem>>, vector<16xi32>,
      %swap3A_359 = arith.constant 0 : index
      %swap3A_360 = tpu.vector_load %arg14[%swap3A_359] {strides = array<i32>} : memref<80xi32, #tpu.memory_space<vmem>>, vector<16xi32>,
      tpu.vector_store %arg14[%swap3A_359], %get3A_358 {strides = array<i32>} : memref<80xi32, #tpu.memory_space<vmem>>, vector<16xi32>,
      %get3A_361 = arith.constant 16 : index
      %get3A_362 = tpu.vector_load %arg9[%get3A_361] {strides = array<i32>} : memref<320xi32, #tpu.memory_space<vmem>>, vector<16xi32>,
      %swap3A_363 = arith.constant 16 : index
      %swap3A_364 = tpu.vector_load %arg14[%swap3A_363] {strides = array<i32>} : memref<80xi32, #tpu.memory_space<vmem>>, vector<16xi32>,
      tpu.vector_store %arg14[%swap3A_363], %get3A_362 {strides = array<i32>} : memref<80xi32, #tpu.memory_space<vmem>>, vector<16xi32>,
      %get3A_365 = arith.constant 32 : index
      %get3A_366 = tpu.vector_load %arg9[%get3A_365] {strides = array<i32>} : memref<320xi32, #tpu.memory_space<vmem>>, vector<16xi32>,
      %swap3A_367 = arith.constant 32 : index
      %swap3A_368 = tpu.vector_load %arg14[%swap3A_367] {strides = array<i32>} : memref<80xi32, #tpu.memory_space<vmem>>, vector<16xi32>,
      tpu.vector_store %arg14[%swap3A_367], %get3A_366 {strides = array<i32>} : memref<80xi32, #tpu.memory_space<vmem>>, vector<16xi32>,
      %get3A_369 = arith.constant 48 : index
      %get3A_370 = tpu.vector_load %arg9[%get3A_369] {strides = array<i32>} : memref<320xi32, #tpu.memory_space<vmem>>, vector<16xi32>,
      %swap3A_371 = arith.constant 48 : index
      %swap3A_372 = tpu.vector_load %arg14[%swap3A_371] {strides = array<i32>} : memref<80xi32, #tpu.memory_space<vmem>>, vector<16xi32>,
      tpu.vector_store %arg14[%swap3A_371], %get3A_370 {strides = array<i32>} : memref<80xi32, #tpu.memory_space<vmem>>, vector<16xi32>,
      %get3A_373 = arith.constant 64 : index
      %get3A_374 = tpu.vector_load %arg9[%get3A_373] {strides = array<i32>} : memref<320xi32, #tpu.memory_space<vmem>>, vector<16xi32>,
      %swap3A_375 = arith.constant 64 : index
      %swap3A_376 = tpu.vector_load %arg14[%swap3A_375] {strides = array<i32>} : memref<80xi32, #tpu.memory_space<vmem>>, vector<16xi32>,
      tpu.vector_store %arg14[%swap3A_375], %get3A_374 {strides = array<i32>} : memref<80xi32, #tpu.memory_space<vmem>>, vector<16xi32>,
      %get3A_377 = arith.constant 80 : index
      %get3A_378 = tpu.vector_load %arg9[%get3A_377] {strides = array<i32>} : memref<320xi32, #tpu.memory_space<vmem>>, vector<16xi32>,
      %swap3A_379 = arith.constant 0 : index
      %swap3A_380 = tpu.vector_load %arg15[%swap3A_379] {strides = array<i32>} : memref<80xi32, #tpu.memory_space<vmem>>, vector<16xi32>,
      tpu.vector_store %arg15[%swap3A_379], %get3A_378 {strides = array<i32>} : memref<80xi32, #tpu.memory_space<vmem>>, vector<16xi32>,
      %get3A_381 = arith.constant 96 : index
      %get3A_382 = tpu.vector_load %arg9[%get3A_381] {strides = array<i32>} : memref<320xi32, #tpu.memory_space<vmem>>, vector<16xi32>,
      %swap3A_383 = arith.constant 16 : index
      %swap3A_384 = tpu.vector_load %arg15[%swap3A_383] {strides = array<i32>} : memref<80xi32, #tpu.memory_space<vmem>>, vector<16xi32>,
      tpu.vector_store %arg15[%swap3A_383], %get3A_382 {strides = array<i32>} : memref<80xi32, #tpu.memory_space<vmem>>, vector<16xi32>,
      %get3A_385 = arith.constant 112 : index
      %get3A_386 = tpu.vector_load %arg9[%get3A_385] {strides = array<i32>} : memref<320xi32, #tpu.memory_space<vmem>>, vector<16xi32>,
      %swap3A_387 = arith.constant 32 : index
      %swap3A_388 = tpu.vector_load %arg15[%swap3A_387] {strides = array<i32>} : memref<80xi32, #tpu.memory_space<vmem>>, vector<16xi32>,
      tpu.vector_store %arg15[%swap3A_387], %get3A_386 {strides = array<i32>} : memref<80xi32, #tpu.memory_space<vmem>>, vector<16xi32>,
      %get3A_389 = arith.constant 128 : index
      %get3A_390 = tpu.vector_load %arg9[%get3A_389] {strides = array<i32>} : memref<320xi32, #tpu.memory_space<vmem>>, vector<16xi32>,
      %swap3A_391 = arith.constant 48 : index
      %swap3A_392 = tpu.vector_load %arg15[%swap3A_391] {strides = array<i32>} : memref<80xi32, #tpu.memory_space<vmem>>, vector<16xi32>,
      tpu.vector_store %arg15[%swap3A_391], %get3A_390 {strides = array<i32>} : memref<80xi32, #tpu.memory_space<vmem>>, vector<16xi32>,
      %get3A_393 = arith.constant 144 : index
      %get3A_394 = tpu.vector_load %arg9[%get3A_393] {strides = array<i32>} : memref<320xi32, #tpu.memory_space<vmem>>, vector<16xi32>,
      %swap3A_395 = arith.constant 64 : index
      %swap3A_396 = tpu.vector_load %arg15[%swap3A_395] {strides = array<i32>} : memref<80xi32, #tpu.memory_space<vmem>>, vector<16xi32>,
      tpu.vector_store %arg15[%swap3A_395], %get3A_394 {strides = array<i32>} : memref<80xi32, #tpu.memory_space<vmem>>, vector<16xi32>,
      %get3A_397 = arith.constant 160 : index
      %get3A_398 = tpu.vector_load %arg9[%get3A_397] {strides = array<i32>} : memref<320xi32, #tpu.memory_space<vmem>>, vector<16xi32>,
      %swap3A_399 = arith.constant 0 : index
      %swap3A_400 = tpu.vector_load %arg16[%swap3A_399] {strides = array<i32>} : memref<80xi32, #tpu.memory_space<vmem>>, vector<16xi32>,
      tpu.vector_store %arg16[%swap3A_399], %get3A_398 {strides = array<i32>} : memref<80xi32, #tpu.memory_space<vmem>>, vector<16xi32>,
      %get3A_401 = arith.constant 176 : index
      %get3A_402 = tpu.vector_load %arg9[%get3A_401] {strides = array<i32>} : memref<320xi32, #tpu.memory_space<vmem>>, vector<16xi32>,
      %swap3A_403 = arith.constant 16 : index
      %swap3A_404 = tpu.vector_load %arg16[%swap3A_403] {strides = array<i32>} : memref<80xi32, #tpu.memory_space<vmem>>, vector<16xi32>,
      tpu.vector_store %arg16[%swap3A_403], %get3A_402 {strides = array<i32>} : memref<80xi32, #tpu.memory_space<vmem>>, vector<16xi32>,
      %get3A_405 = arith.constant 192 : index
      %get3A_406 = tpu.vector_load %arg9[%get3A_405] {strides = array<i32>} : memref<320xi32, #tpu.memory_space<vmem>>, vector<16xi32>,
      %swap3A_407 = arith.constant 32 : index
      %swap3A_408 = tpu.vector_load %arg16[%swap3A_407] {strides = array<i32>} : memref<80xi32, #tpu.memory_space<vmem>>, vector<16xi32>,
      tpu.vector_store %arg16[%swap3A_407], %get3A_406 {strides = array<i32>} : memref<80xi32, #tpu.memory_space<vmem>>, vector<16xi32>,
      %get3A_409 = arith.constant 208 : index
      %get3A_410 = tpu.vector_load %arg9[%get3A_409] {strides = array<i32>} : memref<320xi32, #tpu.memory_space<vmem>>, vector<16xi32>,
      %swap3A_411 = arith.constant 48 : index
      %swap3A_412 = tpu.vector_load %arg16[%swap3A_411] {strides = array<i32>} : memref<80xi32, #tpu.memory_space<vmem>>, vector<16xi32>,
      tpu.vector_store %arg16[%swap3A_411], %get3A_410 {strides = array<i32>} : memref<80xi32, #tpu.memory_space<vmem>>, vector<16xi32>,
      %get3A_413 = arith.constant 224 : index
      %get3A_414 = tpu.vector_load %arg9[%get3A_413] {strides = array<i32>} : memref<320xi32, #tpu.memory_space<vmem>>, vector<16xi32>,
      %swap3A_415 = arith.constant 64 : index
      %swap3A_416 = tpu.vector_load %arg16[%swap3A_415] {strides = array<i32>} : memref<80xi32, #tpu.memory_space<vmem>>, vector<16xi32>,
      tpu.vector_store %arg16[%swap3A_415], %get3A_414 {strides = array<i32>} : memref<80xi32, #tpu.memory_space<vmem>>, vector<16xi32>,
      %get3A_417 = arith.constant 240 : index
      %get3A_418 = tpu.vector_load %arg9[%get3A_417] {strides = array<i32>} : memref<320xi32, #tpu.memory_space<vmem>>, vector<16xi32>,
      %swap3A_419 = arith.constant 0 : index
      %swap3A_420 = tpu.vector_load %arg17[%swap3A_419] {strides = array<i32>} : memref<80xi32, #tpu.memory_space<vmem>>, vector<16xi32>,
      tpu.vector_store %arg17[%swap3A_419], %get3A_418 {strides = array<i32>} : memref<80xi32, #tpu.memory_space<vmem>>, vector<16xi32>,
      %get3A_421 = arith.constant 256 : index
      %get3A_422 = tpu.vector_load %arg9[%get3A_421] {strides = array<i32>} : memref<320xi32, #tpu.memory_space<vmem>>, vector<16xi32>,
      %swap3A_423 = arith.constant 16 : index
      %swap3A_424 = tpu.vector_load %arg17[%swap3A_423] {strides = array<i32>} : memref<80xi32, #tpu.memory_space<vmem>>, vector<16xi32>,
      tpu.vector_store %arg17[%swap3A_423], %get3A_422 {strides = array<i32>} : memref<80xi32, #tpu.memory_space<vmem>>, vector<16xi32>,
      %get3A_425 = arith.constant 272 : index
      %get3A_426 = tpu.vector_load %arg9[%get3A_425] {strides = array<i32>} : memref<320xi32, #tpu.memory_space<vmem>>, vector<16xi32>,
      %swap3A_427 = arith.constant 32 : index
      %swap3A_428 = tpu.vector_load %arg17[%swap3A_427] {strides = array<i32>} : memref<80xi32, #tpu.memory_space<vmem>>, vector<16xi32>,
      tpu.vector_store %arg17[%swap3A_427], %get3A_426 {strides = array<i32>} : memref<80xi32, #tpu.memory_space<vmem>>, vector<16xi32>,
      %get3A_429 = arith.constant 288 : index
      %get3A_430 = tpu.vector_load %arg9[%get3A_429] {strides = array<i32>} : memref<320xi32, #tpu.memory_space<vmem>>, vector<16xi32>,
      %swap3A_431 = arith.constant 48 : index
      %swap3A_432 = tpu.vector_load %arg17[%swap3A_431] {strides = array<i32>} : memref<80xi32, #tpu.memory_space<vmem>>, vector<16xi32>,
      tpu.vector_store %arg17[%swap3A_431], %get3A_430 {strides = array<i32>} : memref<80xi32, #tpu.memory_space<vmem>>, vector<16xi32>,
      %get3A_433 = arith.constant 304 : index
      %get3A_434 = tpu.vector_load %arg9[%get3A_433] {strides = array<i32>} : memref<320xi32, #tpu.memory_space<vmem>>, vector<16xi32>,
      %swap3A_435 = arith.constant 64 : index
      %swap3A_436 = tpu.vector_load %arg17[%swap3A_435] {strides = array<i32>} : memref<80xi32, #tpu.memory_space<vmem>>, vector<16xi32>,
      tpu.vector_store %arg17[%swap3A_435], %get3A_434 {strides = array<i32>} : memref<80xi32, #tpu.memory_space<vmem>>, vector<16xi32>,
      %dma_wait3A_437 = arith.constant 0 : i32
      %dma_wait3A_438 = arith.constant 0 : i32
      %dma_wait3A_439 = arith.constant 0 : i32
      %dma_wait3A_440 = tpu.memref_slice %arg18[%dma_wait3A_437, %dma_wait3A_438, %dma_wait3A_439] : memref<4x80x128xf32, #tpu.memory_space<vmem>> -> memref<1x80x128xf32, #tpu.memory_space<vmem>>
      %dma_wait3A_441 = tpu.memref_squeeze %dma_wait3A_440 : memref<1x80x128xf32, #tpu.memory_space<vmem>> -> memref<80x128xf32, #tpu.memory_space<vmem>>
      %dma_wait3A_442 = arith.constant 0 : i32
      %dma_wait3A_443 = tpu.memref_slice %arg6[%dma_wait3A_442] : memref<320xi32, #tpu.memory_space<vmem>> -> memref<80xi32, #tpu.memory_space<vmem>>
      %dma_wait3A_444 = arith.constant 0 : i32
      %dma_wait3A_445 = arith.constant 0 : i32
      %dma_wait3A_446 = tpu.memref_slice %arg2[%dma_wait3A_444, %dma_wait3A_445] : memref<10000x128xf32, #tpu.memory_space<hbm>> -> memref<10000x128xf32, #tpu.memory_space<hbm>>
      tpu.wait_indirect_dma semaphore(%arg22 : memref<!tpu.dma_semaphore, #tpu.memory_space<semaphore_mem>>) src(%dma_wait3A_446 : memref<10000x128xf32, #tpu.memory_space<hbm>>) dst(%dma_wait3A_441 : memref<80x128xf32, #tpu.memory_space<vmem>>)
      %dma_start3A_447 = arith.constant 0 : i32
      %dma_start3A_448 = arith.constant 0 : i32
      %dma_start3A_449 = arith.constant 0 : i32
      %dma_start3A_450 = tpu.memref_slice %arg18[%dma_start3A_447, %dma_start3A_448, %dma_start3A_449] : memref<4x80x128xf32, #tpu.memory_space<vmem>> -> memref<1x80x128xf32, #tpu.memory_space<vmem>>
      %dma_start3A_451 = tpu.memref_squeeze %dma_start3A_450 : memref<1x80x128xf32, #tpu.memory_space<vmem>> -> memref<80x128xf32, #tpu.memory_space<vmem>>
      %dma_start3A_452 = arith.constant 0 : i32
      %dma_start3A_453 = arith.constant 0 : i32
      %dma_start3A_454 = tpu.memref_slice %arg20[%dma_start3A_452, %dma_start3A_453] : memref<10240x128xf32, #tpu.memory_space<vmem_shared>> -> memref<10240x128xf32, #tpu.memory_space<vmem_shared>>
      tpu.enqueue_indirect_dma source(%dma_start3A_451 : memref<80x128xf32, #tpu.memory_space<vmem>>) target(%dma_start3A_454 : memref<10240x128xf32, #tpu.memory_space<vmem_shared>>) offsets(%arg10 : memref<80xi32, #tpu.memory_space<vmem>>) semaphore(%arg26 : memref<!tpu.dma_semaphore, #tpu.memory_space<semaphore_mem>>) {add = true}
      %dma_wait3A_455 = arith.constant 1 : i32
      %dma_wait3A_456 = arith.constant 0 : i32
      %dma_wait3A_457 = arith.constant 0 : i32
      %dma_wait3A_458 = tpu.memref_slice %arg18[%dma_wait3A_455, %dma_wait3A_456, %dma_wait3A_457] : memref<4x80x128xf32, #tpu.memory_space<vmem>> -> memref<1x80x128xf32, #tpu.memory_space<vmem>>
      %dma_wait3A_459 = tpu.memref_squeeze %dma_wait3A_458 : memref<1x80x128xf32, #tpu.memory_space<vmem>> -> memref<80x128xf32, #tpu.memory_space<vmem>>
      %dma_wait3A_460 = arith.constant 0 : i32
      %dma_wait3A_461 = tpu.memref_slice %arg6[%dma_wait3A_460] : memref<320xi32, #tpu.memory_space<vmem>> -> memref<80xi32, #tpu.memory_space<vmem>>
      %dma_wait3A_462 = arith.constant 0 : i32
      %dma_wait3A_463 = arith.constant 0 : i32
      %dma_wait3A_464 = tpu.memref_slice %arg2[%dma_wait3A_462, %dma_wait3A_463] : memref<10000x128xf32, #tpu.memory_space<hbm>> -> memref<10000x128xf32, #tpu.memory_space<hbm>>
      tpu.wait_indirect_dma semaphore(%arg23 : memref<!tpu.dma_semaphore, #tpu.memory_space<semaphore_mem>>) src(%dma_wait3A_464 : memref<10000x128xf32, #tpu.memory_space<hbm>>) dst(%dma_wait3A_459 : memref<80x128xf32, #tpu.memory_space<vmem>>)
      %dma_start3A_465 = arith.constant 1 : i32
      %dma_start3A_466 = arith.constant 0 : i32
      %dma_start3A_467 = arith.constant 0 : i32
      %dma_start3A_468 = tpu.memref_slice %arg18[%dma_start3A_465, %dma_start3A_466, %dma_start3A_467] : memref<4x80x128xf32, #tpu.memory_space<vmem>> -> memref<1x80x128xf32, #tpu.memory_space<vmem>>
      %dma_start3A_469 = tpu.memref_squeeze %dma_start3A_468 : memref<1x80x128xf32, #tpu.memory_space<vmem>> -> memref<80x128xf32, #tpu.memory_space<vmem>>
      %dma_start3A_470 = arith.constant 0 : i32
      %dma_start3A_471 = arith.constant 0 : i32
      %dma_start3A_472 = tpu.memref_slice %arg20[%dma_start3A_470, %dma_start3A_471] : memref<10240x128xf32, #tpu.memory_space<vmem_shared>> -> memref<10240x128xf32, #tpu.memory_space<vmem_shared>>
      tpu.enqueue_indirect_dma source(%dma_start3A_469 : memref<80x128xf32, #tpu.memory_space<vmem>>) target(%dma_start3A_472 : memref<10240x128xf32, #tpu.memory_space<vmem_shared>>) offsets(%arg11 : memref<80xi32, #tpu.memory_space<vmem>>) semaphore(%arg27 : memref<!tpu.dma_semaphore, #tpu.memory_space<semaphore_mem>>) {add = true}
      %dma_wait3A_473 = arith.constant 2 : i32
      %dma_wait3A_474 = arith.constant 0 : i32
      %dma_wait3A_475 = arith.constant 0 : i32
      %dma_wait3A_476 = tpu.memref_slice %arg18[%dma_wait3A_473, %dma_wait3A_474, %dma_wait3A_475] : memref<4x80x128xf32, #tpu.memory_space<vmem>> -> memref<1x80x128xf32, #tpu.memory_space<vmem>>
      %dma_wait3A_477 = tpu.memref_squeeze %dma_wait3A_476 : memref<1x80x128xf32, #tpu.memory_space<vmem>> -> memref<80x128xf32, #tpu.memory_space<vmem>>
      %dma_wait3A_478 = arith.constant 0 : i32
      %dma_wait3A_479 = tpu.memref_slice %arg6[%dma_wait3A_478] : memref<320xi32, #tpu.memory_space<vmem>> -> memref<80xi32, #tpu.memory_space<vmem>>
      %dma_wait3A_480 = arith.constant 0 : i32
      %dma_wait3A_481 = arith.constant 0 : i32
      %dma_wait3A_482 = tpu.memref_slice %arg2[%dma_wait3A_480, %dma_wait3A_481] : memref<10000x128xf32, #tpu.memory_space<hbm>> -> memref<10000x128xf32, #tpu.memory_space<hbm>>
      tpu.wait_indirect_dma semaphore(%arg24 : memref<!tpu.dma_semaphore, #tpu.memory_space<semaphore_mem>>) src(%dma_wait3A_482 : memref<10000x128xf32, #tpu.memory_space<hbm>>) dst(%dma_wait3A_477 : memref<80x128xf32, #tpu.memory_space<vmem>>)
      %dma_start3A_483 = arith.constant 2 : i32
      %dma_start3A_484 = arith.constant 0 : i32
      %dma_start3A_485 = arith.constant 0 : i32
      %dma_start3A_486 = tpu.memref_slice %arg18[%dma_start3A_483, %dma_start3A_484, %dma_start3A_485] : memref<4x80x128xf32, #tpu.memory_space<vmem>> -> memref<1x80x128xf32, #tpu.memory_space<vmem>>
      %dma_start3A_487 = tpu.memref_squeeze %dma_start3A_486 : memref<1x80x128xf32, #tpu.memory_space<vmem>> -> memref<80x128xf32, #tpu.memory_space<vmem>>
      %dma_start3A_488 = arith.constant 0 : i32
      %dma_start3A_489 = arith.constant 0 : i32
      %dma_start3A_490 = tpu.memref_slice %arg20[%dma_start3A_488, %dma_start3A_489] : memref<10240x128xf32, #tpu.memory_space<vmem_shared>> -> memref<10240x128xf32, #tpu.memory_space<vmem_shared>>
      tpu.enqueue_indirect_dma source(%dma_start3A_487 : memref<80x128xf32, #tpu.memory_space<vmem>>) target(%dma_start3A_490 : memref<10240x128xf32, #tpu.memory_space<vmem_shared>>) offsets(%arg12 : memref<80xi32, #tpu.memory_space<vmem>>) semaphore(%arg28 : memref<!tpu.dma_semaphore, #tpu.memory_space<semaphore_mem>>) {add = true}
      %dma_wait3A_491 = arith.constant 3 : i32
      %dma_wait3A_492 = arith.constant 0 : i32
      %dma_wait3A_493 = arith.constant 0 : i32
      %dma_wait3A_494 = tpu.memref_slice %arg18[%dma_wait3A_491, %dma_wait3A_492, %dma_wait3A_493] : memref<4x80x128xf32, #tpu.memory_space<vmem>> -> memref<1x80x128xf32, #tpu.memory_space<vmem>>
      %dma_wait3A_495 = tpu.memref_squeeze %dma_wait3A_494 : memref<1x80x128xf32, #tpu.memory_space<vmem>> -> memref<80x128xf32, #tpu.memory_space<vmem>>
      %dma_wait3A_496 = arith.constant 0 : i32
      %dma_wait3A_497 = tpu.memref_slice %arg6[%dma_wait3A_496] : memref<320xi32, #tpu.memory_space<vmem>> -> memref<80xi32, #tpu.memory_space<vmem>>
      %dma_wait3A_498 = arith.constant 0 : i32
      %dma_wait3A_499 = arith.constant 0 : i32
      %dma_wait3A_500 = tpu.memref_slice %arg2[%dma_wait3A_498, %dma_wait3A_499] : memref<10000x128xf32, #tpu.memory_space<hbm>> -> memref<10000x128xf32, #tpu.memory_space<hbm>>
      tpu.wait_indirect_dma semaphore(%arg25 : memref<!tpu.dma_semaphore, #tpu.memory_space<semaphore_mem>>) src(%dma_wait3A_500 : memref<10000x128xf32, #tpu.memory_space<hbm>>) dst(%dma_wait3A_495 : memref<80x128xf32, #tpu.memory_space<vmem>>)
      %dma_start3A_501 = arith.constant 3 : i32
      %dma_start3A_502 = arith.constant 0 : i32
      %dma_start3A_503 = arith.constant 0 : i32
      %dma_start3A_504 = tpu.memref_slice %arg18[%dma_start3A_501, %dma_start3A_502, %dma_start3A_503] : memref<4x80x128xf32, #tpu.memory_space<vmem>> -> memref<1x80x128xf32, #tpu.memory_space<vmem>>
      %dma_start3A_505 = tpu.memref_squeeze %dma_start3A_504 : memref<1x80x128xf32, #tpu.memory_space<vmem>> -> memref<80x128xf32, #tpu.memory_space<vmem>>
      %dma_start3A_506 = arith.constant 0 : i32
      %dma_start3A_507 = arith.constant 0 : i32
      %dma_start3A_508 = tpu.memref_slice %arg20[%dma_start3A_506, %dma_start3A_507] : memref<10240x128xf32, #tpu.memory_space<vmem_shared>> -> memref<10240x128xf32, #tpu.memory_space<vmem_shared>>
      tpu.enqueue_indirect_dma source(%dma_start3A_505 : memref<80x128xf32, #tpu.memory_space<vmem>>) target(%dma_start3A_508 : memref<10240x128xf32, #tpu.memory_space<vmem_shared>>) offsets(%arg13 : memref<80xi32, #tpu.memory_space<vmem>>) semaphore(%arg29 : memref<!tpu.dma_semaphore, #tpu.memory_space<semaphore_mem>>) {add = true}
      %dma_wait3A_509 = arith.constant 0 : i32
      %dma_wait3A_510 = arith.constant 0 : i32
      %dma_wait3A_511 = arith.constant 0 : i32
      %dma_wait3A_512 = tpu.memref_slice %arg18[%dma_wait3A_509, %dma_wait3A_510, %dma_wait3A_511] : memref<4x80x128xf32, #tpu.memory_space<vmem>> -> memref<1x80x128xf32, #tpu.memory_space<vmem>>
      %dma_wait3A_513 = tpu.memref_squeeze %dma_wait3A_512 : memref<1x80x128xf32, #tpu.memory_space<vmem>> -> memref<80x128xf32, #tpu.memory_space<vmem>>
      %dma_wait3A_514 = arith.constant 0 : i32
      %dma_wait3A_515 = arith.constant 0 : i32
      %dma_wait3A_516 = tpu.memref_slice %arg20[%dma_wait3A_514, %dma_wait3A_515] : memref<10240x128xf32, #tpu.memory_space<vmem_shared>> -> memref<10240x128xf32, #tpu.memory_space<vmem_shared>>
      tpu.wait_indirect_dma semaphore(%arg26 : memref<!tpu.dma_semaphore, #tpu.memory_space<semaphore_mem>>) src(%dma_wait3A_513 : memref<80x128xf32, #tpu.memory_space<vmem>>) dst(%dma_wait3A_516 : memref<10240x128xf32, #tpu.memory_space<vmem_shared>>)
      %dma_start3A_517 = arith.constant 0 : i32
      %dma_start3A_518 = arith.constant 0 : i32
      %dma_start3A_519 = arith.constant 0 : i32
      %dma_start3A_520 = tpu.memref_slice %arg18[%dma_start3A_517, %dma_start3A_518, %dma_start3A_519] : memref<4x80x128xf32, #tpu.memory_space<vmem>> -> memref<1x80x128xf32, #tpu.memory_space<vmem>>
      %dma_start3A_521 = tpu.memref_squeeze %dma_start3A_520 : memref<1x80x128xf32, #tpu.memory_space<vmem>> -> memref<80x128xf32, #tpu.memory_space<vmem>>
      %dma_start3A_522 = arith.constant 0 : i32
      %dma_start3A_523 = tpu.memref_slice %arg7[%dma_start3A_522] : memref<320xi32, #tpu.memory_space<vmem>> -> memref<80xi32, #tpu.memory_space<vmem>>
      %dma_start3A_524 = arith.constant 0 : i32
      %dma_start3A_525 = arith.constant 0 : i32
      %dma_start3A_526 = tpu.memref_slice %arg2[%dma_start3A_524, %dma_start3A_525] : memref<10000x128xf32, #tpu.memory_space<hbm>> -> memref<10000x128xf32, #tpu.memory_space<hbm>>
      tpu.enqueue_indirect_dma source(%dma_start3A_526 : memref<10000x128xf32, #tpu.memory_space<hbm>>) target(%dma_start3A_521 : memref<80x128xf32, #tpu.memory_space<vmem>>) offsets(%dma_start3A_523 : memref<80xi32, #tpu.memory_space<vmem>>) semaphore(%arg22 : memref<!tpu.dma_semaphore, #tpu.memory_space<semaphore_mem>>)
      %dma_wait3A_527 = arith.constant 1 : i32
      %dma_wait3A_528 = arith.constant 0 : i32
      %dma_wait3A_529 = arith.constant 0 : i32
      %dma_wait3A_530 = tpu.memref_slice %arg18[%dma_wait3A_527, %dma_wait3A_528, %dma_wait3A_529] : memref<4x80x128xf32, #tpu.memory_space<vmem>> -> memref<1x80x128xf32, #tpu.memory_space<vmem>>
      %dma_wait3A_531 = tpu.memref_squeeze %dma_wait3A_530 : memref<1x80x128xf32, #tpu.memory_space<vmem>> -> memref<80x128xf32, #tpu.memory_space<vmem>>
      %dma_wait3A_532 = arith.constant 0 : i32
      %dma_wait3A_533 = arith.constant 0 : i32
      %dma_wait3A_534 = tpu.memref_slice %arg20[%dma_wait3A_532, %dma_wait3A_533] : memref<10240x128xf32, #tpu.memory_space<vmem_shared>> -> memref<10240x128xf32, #tpu.memory_space<vmem_shared>>
      tpu.wait_indirect_dma semaphore(%arg27 : memref<!tpu.dma_semaphore, #tpu.memory_space<semaphore_mem>>) src(%dma_wait3A_531 : memref<80x128xf32, #tpu.memory_space<vmem>>) dst(%dma_wait3A_534 : memref<10240x128xf32, #tpu.memory_space<vmem_shared>>)
      %dma_start3A_535 = arith.constant 1 : i32
      %dma_start3A_536 = arith.constant 0 : i32
      %dma_start3A_537 = arith.constant 0 : i32
      %dma_start3A_538 = tpu.memref_slice %arg18[%dma_start3A_535, %dma_start3A_536, %dma_start3A_537] : memref<4x80x128xf32, #tpu.memory_space<vmem>> -> memref<1x80x128xf32, #tpu.memory_space<vmem>>
      %dma_start3A_539 = tpu.memref_squeeze %dma_start3A_538 : memref<1x80x128xf32, #tpu.memory_space<vmem>> -> memref<80x128xf32, #tpu.memory_space<vmem>>
      %dma_start3A_540 = arith.constant 80 : i32
      %dma_start3A_541 = tpu.memref_slice %arg7[%dma_start3A_540] : memref<320xi32, #tpu.memory_space<vmem>> -> memref<80xi32, #tpu.memory_space<vmem>>
      %dma_start3A_542 = arith.constant 0 : i32
      %dma_start3A_543 = arith.constant 0 : i32
      %dma_start3A_544 = tpu.memref_slice %arg2[%dma_start3A_542, %dma_start3A_543] : memref<10000x128xf32, #tpu.memory_space<hbm>> -> memref<10000x128xf32, #tpu.memory_space<hbm>>
      tpu.enqueue_indirect_dma source(%dma_start3A_544 : memref<10000x128xf32, #tpu.memory_space<hbm>>) target(%dma_start3A_539 : memref<80x128xf32, #tpu.memory_space<vmem>>) offsets(%dma_start3A_541 : memref<80xi32, #tpu.memory_space<vmem>>) semaphore(%arg23 : memref<!tpu.dma_semaphore, #tpu.memory_space<semaphore_mem>>)
      %dma_wait3A_545 = arith.constant 2 : i32
      %dma_wait3A_546 = arith.constant 0 : i32
      %dma_wait3A_547 = arith.constant 0 : i32
      %dma_wait3A_548 = tpu.memref_slice %arg18[%dma_wait3A_545, %dma_wait3A_546, %dma_wait3A_547] : memref<4x80x128xf32, #tpu.memory_space<vmem>> -> memref<1x80x128xf32, #tpu.memory_space<vmem>>
      %dma_wait3A_549 = tpu.memref_squeeze %dma_wait3A_548 : memref<1x80x128xf32, #tpu.memory_space<vmem>> -> memref<80x128xf32, #tpu.memory_space<vmem>>
      %dma_wait3A_550 = arith.constant 0 : i32
      %dma_wait3A_551 = arith.constant 0 : i32
      %dma_wait3A_552 = tpu.memref_slice %arg20[%dma_wait3A_550, %dma_wait3A_551] : memref<10240x128xf32, #tpu.memory_space<vmem_shared>> -> memref<10240x128xf32, #tpu.memory_space<vmem_shared>>
      tpu.wait_indirect_dma semaphore(%arg28 : memref<!tpu.dma_semaphore, #tpu.memory_space<semaphore_mem>>) src(%dma_wait3A_549 : memref<80x128xf32, #tpu.memory_space<vmem>>) dst(%dma_wait3A_552 : memref<10240x128xf32, #tpu.memory_space<vmem_shared>>)
      %dma_start3A_553 = arith.constant 2 : i32
      %dma_start3A_554 = arith.constant 0 : i32
      %dma_start3A_555 = arith.constant 0 : i32
      %dma_start3A_556 = tpu.memref_slice %arg18[%dma_start3A_553, %dma_start3A_554, %dma_start3A_555] : memref<4x80x128xf32, #tpu.memory_space<vmem>> -> memref<1x80x128xf32, #tpu.memory_space<vmem>>
      %dma_start3A_557 = tpu.memref_squeeze %dma_start3A_556 : memref<1x80x128xf32, #tpu.memory_space<vmem>> -> memref<80x128xf32, #tpu.memory_space<vmem>>
      %dma_start3A_558 = arith.constant 160 : i32
      %dma_start3A_559 = tpu.memref_slice %arg7[%dma_start3A_558] : memref<320xi32, #tpu.memory_space<vmem>> -> memref<80xi32, #tpu.memory_space<vmem>>
      %dma_start3A_560 = arith.constant 0 : i32
      %dma_start3A_561 = arith.constant 0 : i32
      %dma_start3A_562 = tpu.memref_slice %arg2[%dma_start3A_560, %dma_start3A_561] : memref<10000x128xf32, #tpu.memory_space<hbm>> -> memref<10000x128xf32, #tpu.memory_space<hbm>>
      tpu.enqueue_indirect_dma source(%dma_start3A_562 : memref<10000x128xf32, #tpu.memory_space<hbm>>) target(%dma_start3A_557 : memref<80x128xf32, #tpu.memory_space<vmem>>) offsets(%dma_start3A_559 : memref<80xi32, #tpu.memory_space<vmem>>) semaphore(%arg24 : memref<!tpu.dma_semaphore, #tpu.memory_space<semaphore_mem>>)
      %dma_wait3A_563 = arith.constant 3 : i32
      %dma_wait3A_564 = arith.constant 0 : i32
      %dma_wait3A_565 = arith.constant 0 : i32
      %dma_wait3A_566 = tpu.memref_slice %arg18[%dma_wait3A_563, %dma_wait3A_564, %dma_wait3A_565] : memref<4x80x128xf32, #tpu.memory_space<vmem>> -> memref<1x80x128xf32, #tpu.memory_space<vmem>>
      %dma_wait3A_567 = tpu.memref_squeeze %dma_wait3A_566 : memref<1x80x128xf32, #tpu.memory_space<vmem>> -> memref<80x128xf32, #tpu.memory_space<vmem>>
      %dma_wait3A_568 = arith.constant 0 : i32
      %dma_wait3A_569 = arith.constant 0 : i32
      %dma_wait3A_570 = tpu.memref_slice %arg20[%dma_wait3A_568, %dma_wait3A_569] : memref<10240x128xf32, #tpu.memory_space<vmem_shared>> -> memref<10240x128xf32, #tpu.memory_space<vmem_shared>>
      tpu.wait_indirect_dma semaphore(%arg29 : memref<!tpu.dma_semaphore, #tpu.memory_space<semaphore_mem>>) src(%dma_wait3A_567 : memref<80x128xf32, #tpu.memory_space<vmem>>) dst(%dma_wait3A_570 : memref<10240x128xf32, #tpu.memory_space<vmem_shared>>)
      %dma_start3A_571 = arith.constant 3 : i32
      %dma_start3A_572 = arith.constant 0 : i32
      %dma_start3A_573 = arith.constant 0 : i32
      %dma_start3A_574 = tpu.memref_slice %arg18[%dma_start3A_571, %dma_start3A_572, %dma_start3A_573] : memref<4x80x128xf32, #tpu.memory_space<vmem>> -> memref<1x80x128xf32, #tpu.memory_space<vmem>>
      %dma_start3A_575 = tpu.memref_squeeze %dma_start3A_574 : memref<1x80x128xf32, #tpu.memory_space<vmem>> -> memref<80x128xf32, #tpu.memory_space<vmem>>
      %dma_start3A_576 = arith.constant 240 : i32
      %dma_start3A_577 = tpu.memref_slice %arg7[%dma_start3A_576] : memref<320xi32, #tpu.memory_space<vmem>> -> memref<80xi32, #tpu.memory_space<vmem>>
      %dma_start3A_578 = arith.constant 0 : i32
      %dma_start3A_579 = arith.constant 0 : i32
      %dma_start3A_580 = tpu.memref_slice %arg2[%dma_start3A_578, %dma_start3A_579] : memref<10000x128xf32, #tpu.memory_space<hbm>> -> memref<10000x128xf32, #tpu.memory_space<hbm>>
      tpu.enqueue_indirect_dma source(%dma_start3A_580 : memref<10000x128xf32, #tpu.memory_space<hbm>>) target(%dma_start3A_575 : memref<80x128xf32, #tpu.memory_space<vmem>>) offsets(%dma_start3A_577 : memref<80xi32, #tpu.memory_space<vmem>>) semaphore(%arg25 : memref<!tpu.dma_semaphore, #tpu.memory_space<semaphore_mem>>)
      %add3A_581 = arith.constant 1 : i32
      %add3A_582 = arith.addi %add3A_348, %add3A_581 : i32
      %lt3A = arith.constant 31 : i32
      %lt3A_583 = arith.cmpi slt, %add3A_582, %lt3A : i32
      %convert_element_type3A = arith.extui %lt3A_583 : i1 to i32
      %cond3A = arith.constant 0 : i32
      %cond3A_584 = arith.cmpi ne, %convert_element_type3A, %cond3A : i32
      scf.if %cond3A_584 {
        %add3A_828 = arith.constant 1 : i32
        %add3A_829 = arith.addi %add3A_348, %add3A_828 : i32
        %mul3A_830 = arith.constant 320 : i32
        %mul3A_831 = arith.muli %add3A_829, %mul3A_830 : i32
        %add3A_832 = arith.addi %mul3A_2, %mul3A_831 : i32
        %dma_start3A_833 = tpu.memref_slice %arg3[%add3A_832] : memref<320000xi32, #tpu.memory_space<hbm>> -> memref<320xi32, #tpu.memory_space<hbm>>
        %dma_start3A_834 = tpu.memref_slice %arg3[%add3A_832] : memref<320000xi32, #tpu.memory_space<hbm>> -> memref<320xi32, #tpu.memory_space<hbm>>
        tpu.enqueue_dma source(%dma_start3A_834 : memref<320xi32, #tpu.memory_space<hbm>>) target(%arg6 : memref<320xi32, #tpu.memory_space<vmem>>) target_semaphore(%arg21 : memref<!tpu.dma_semaphore, #tpu.memory_space<semaphore_mem>>)
        %dma_start3A_835 = tpu.memref_slice %arg4[%add3A_832] : memref<320000xi32, #tpu.memory_space<hbm>> -> memref<320xi32, #tpu.memory_space<hbm>>
        %dma_start3A_836 = tpu.memref_slice %arg4[%add3A_832] : memref<320000xi32, #tpu.memory_space<hbm>> -> memref<320xi32, #tpu.memory_space<hbm>>
        tpu.enqueue_dma source(%dma_start3A_836 : memref<320xi32, #tpu.memory_space<hbm>>) target(%arg8 : memref<320xi32, #tpu.memory_space<vmem>>) target_semaphore(%arg21 : memref<!tpu.dma_semaphore, #tpu.memory_space<semaphore_mem>>)
      } else {
      }
      %mul3A_585 = arith.constant 2 : i32
      %mul3A_586 = arith.muli %mul3A_585, %scan3A_344 : i32
      %add3A_587 = arith.constant 2 : i32
      %add3A_588 = arith.addi %mul3A_586, %add3A_587 : i32
      %dma_wait3A_589 = arith.constant 0 : i32
      %dma_wait3A_590 = tpu.memref_slice %arg3[%dma_wait3A_589] : memref<320000xi32, #tpu.memory_space<hbm>> -> memref<320xi32, #tpu.memory_space<hbm>>
      %dma_wait3A_591 = arith.constant 0 : i32
      %dma_wait3A_592 = tpu.memref_slice %arg3[%dma_wait3A_591] : memref<320000xi32, #tpu.memory_space<hbm>> -> memref<320xi32, #tpu.memory_space<hbm>>
      tpu.wait_dma2 semaphore(%arg21 : memref<!tpu.dma_semaphore, #tpu.memory_space<semaphore_mem>>) src(%dma_wait3A_592 : memref<320xi32, #tpu.memory_space<hbm>>) dst(%arg6 : memref<320xi32, #tpu.memory_space<vmem>>)
      %dma_wait3A_593 = arith.constant 0 : i32
      %dma_wait3A_594 = tpu.memref_slice %arg4[%dma_wait3A_593] : memref<320000xi32, #tpu.memory_space<hbm>> -> memref<320xi32, #tpu.memory_space<hbm>>
      %dma_wait3A_595 = arith.constant 0 : i32
      %dma_wait3A_596 = tpu.memref_slice %arg4[%dma_wait3A_595] : memref<320000xi32, #tpu.memory_space<hbm>> -> memref<320xi32, #tpu.memory_space<hbm>>
      tpu.wait_dma2 semaphore(%arg21 : memref<!tpu.dma_semaphore, #tpu.memory_space<semaphore_mem>>) src(%dma_wait3A_596 : memref<320xi32, #tpu.memory_space<hbm>>) dst(%arg8 : memref<320xi32, #tpu.memory_space<vmem>>)
      %get3A_597 = arith.constant 0 : index
      %get3A_598 = tpu.vector_load %arg8[%get3A_597] {strides = array<i32>} : memref<320xi32, #tpu.memory_space<vmem>>, vector<16xi32>,
      %swap3A_599 = arith.constant 0 : index
      %swap3A_600 = tpu.vector_load %arg10[%swap3A_599] {strides = array<i32>} : memref<80xi32, #tpu.memory_space<vmem>>, vector<16xi32>,
      tpu.vector_store %arg10[%swap3A_599], %get3A_598 {strides = array<i32>} : memref<80xi32, #tpu.memory_space<vmem>>, vector<16xi32>,
      %get3A_601 = arith.constant 16 : index
      %get3A_602 = tpu.vector_load %arg8[%get3A_601] {strides = array<i32>} : memref<320xi32, #tpu.memory_space<vmem>>, vector<16xi32>,
      %swap3A_603 = arith.constant 16 : index
      %swap3A_604 = tpu.vector_load %arg10[%swap3A_603] {strides = array<i32>} : memref<80xi32, #tpu.memory_space<vmem>>, vector<16xi32>,
      tpu.vector_store %arg10[%swap3A_603], %get3A_602 {strides = array<i32>} : memref<80xi32, #tpu.memory_space<vmem>>, vector<16xi32>,
      %get3A_605 = arith.constant 32 : index
      %get3A_606 = tpu.vector_load %arg8[%get3A_605] {strides = array<i32>} : memref<320xi32, #tpu.memory_space<vmem>>, vector<16xi32>,
      %swap3A_607 = arith.constant 32 : index
      %swap3A_608 = tpu.vector_load %arg10[%swap3A_607] {strides = array<i32>} : memref<80xi32, #tpu.memory_space<vmem>>, vector<16xi32>,
      tpu.vector_store %arg10[%swap3A_607], %get3A_606 {strides = array<i32>} : memref<80xi32, #tpu.memory_space<vmem>>, vector<16xi32>,
      %get3A_609 = arith.constant 48 : index
      %get3A_610 = tpu.vector_load %arg8[%get3A_609] {strides = array<i32>} : memref<320xi32, #tpu.memory_space<vmem>>, vector<16xi32>,
      %swap3A_611 = arith.constant 48 : index
      %swap3A_612 = tpu.vector_load %arg10[%swap3A_611] {strides = array<i32>} : memref<80xi32, #tpu.memory_space<vmem>>, vector<16xi32>,
      tpu.vector_store %arg10[%swap3A_611], %get3A_610 {strides = array<i32>} : memref<80xi32, #tpu.memory_space<vmem>>, vector<16xi32>,
      %get3A_613 = arith.constant 64 : index
      %get3A_614 = tpu.vector_load %arg8[%get3A_613] {strides = array<i32>} : memref<320xi32, #tpu.memory_space<vmem>>, vector<16xi32>,
      %swap3A_615 = arith.constant 64 : index
      %swap3A_616 = tpu.vector_load %arg10[%swap3A_615] {strides = array<i32>} : memref<80xi32, #tpu.memory_space<vmem>>, vector<16xi32>,
      tpu.vector_store %arg10[%swap3A_615], %get3A_614 {strides = array<i32>} : memref<80xi32, #tpu.memory_space<vmem>>, vector<16xi32>,
      %get3A_617 = arith.constant 80 : index
      %get3A_618 = tpu.vector_load %arg8[%get3A_617] {strides = array<i32>} : memref<320xi32, #tpu.memory_space<vmem>>, vector<16xi32>,
      %swap3A_619 = arith.constant 0 : index
      %swap3A_620 = tpu.vector_load %arg11[%swap3A_619] {strides = array<i32>} : memref<80xi32, #tpu.memory_space<vmem>>, vector<16xi32>,
      tpu.vector_store %arg11[%swap3A_619], %get3A_618 {strides = array<i32>} : memref<80xi32, #tpu.memory_space<vmem>>, vector<16xi32>,
      %get3A_621 = arith.constant 96 : index
      %get3A_622 = tpu.vector_load %arg8[%get3A_621] {strides = array<i32>} : memref<320xi32, #tpu.memory_space<vmem>>, vector<16xi32>,
      %swap3A_623 = arith.constant 16 : index
      %swap3A_624 = tpu.vector_load %arg11[%swap3A_623] {strides = array<i32>} : memref<80xi32, #tpu.memory_space<vmem>>, vector<16xi32>,
      tpu.vector_store %arg11[%swap3A_623], %get3A_622 {strides = array<i32>} : memref<80xi32, #tpu.memory_space<vmem>>, vector<16xi32>,
      %get3A_625 = arith.constant 112 : index
      %get3A_626 = tpu.vector_load %arg8[%get3A_625] {strides = array<i32>} : memref<320xi32, #tpu.memory_space<vmem>>, vector<16xi32>,
      %swap3A_627 = arith.constant 32 : index
      %swap3A_628 = tpu.vector_load %arg11[%swap3A_627] {strides = array<i32>} : memref<80xi32, #tpu.memory_space<vmem>>, vector<16xi32>,
      tpu.vector_store %arg11[%swap3A_627], %get3A_626 {strides = array<i32>} : memref<80xi32, #tpu.memory_space<vmem>>, vector<16xi32>,
      %get3A_629 = arith.constant 128 : index
      %get3A_630 = tpu.vector_load %arg8[%get3A_629] {strides = array<i32>} : memref<320xi32, #tpu.memory_space<vmem>>, vector<16xi32>,
      %swap3A_631 = arith.constant 48 : index
      %swap3A_632 = tpu.vector_load %arg11[%swap3A_631] {strides = array<i32>} : memref<80xi32, #tpu.memory_space<vmem>>, vector<16xi32>,
      tpu.vector_store %arg11[%swap3A_631], %get3A_630 {strides = array<i32>} : memref<80xi32, #tpu.memory_space<vmem>>, vector<16xi32>,
      %get3A_633 = arith.constant 144 : index
      %get3A_634 = tpu.vector_load %arg8[%get3A_633] {strides = array<i32>} : memref<320xi32, #tpu.memory_space<vmem>>, vector<16xi32>,
      %swap3A_635 = arith.constant 64 : index
      %swap3A_636 = tpu.vector_load %arg11[%swap3A_635] {strides = array<i32>} : memref<80xi32, #tpu.memory_space<vmem>>, vector<16xi32>,
      tpu.vector_store %arg11[%swap3A_635], %get3A_634 {strides = array<i32>} : memref<80xi32, #tpu.memory_space<vmem>>, vector<16xi32>,
      %get3A_637 = arith.constant 160 : index
      %get3A_638 = tpu.vector_load %arg8[%get3A_637] {strides = array<i32>} : memref<320xi32, #tpu.memory_space<vmem>>, vector<16xi32>,
      %swap3A_639 = arith.constant 0 : index
      %swap3A_640 = tpu.vector_load %arg12[%swap3A_639] {strides = array<i32>} : memref<80xi32, #tpu.memory_space<vmem>>, vector<16xi32>,
      tpu.vector_store %arg12[%swap3A_639], %get3A_638 {strides = array<i32>} : memref<80xi32, #tpu.memory_space<vmem>>, vector<16xi32>,
      %get3A_641 = arith.constant 176 : index
      %get3A_642 = tpu.vector_load %arg8[%get3A_641] {strides = array<i32>} : memref<320xi32, #tpu.memory_space<vmem>>, vector<16xi32>,
      %swap3A_643 = arith.constant 16 : index
      %swap3A_644 = tpu.vector_load %arg12[%swap3A_643] {strides = array<i32>} : memref<80xi32, #tpu.memory_space<vmem>>, vector<16xi32>,
      tpu.vector_store %arg12[%swap3A_643], %get3A_642 {strides = array<i32>} : memref<80xi32, #tpu.memory_space<vmem>>, vector<16xi32>,
      %get3A_645 = arith.constant 192 : index
      %get3A_646 = tpu.vector_load %arg8[%get3A_645] {strides = array<i32>} : memref<320xi32, #tpu.memory_space<vmem>>, vector<16xi32>,
      %swap3A_647 = arith.constant 32 : index
      %swap3A_648 = tpu.vector_load %arg12[%swap3A_647] {strides = array<i32>} : memref<80xi32, #tpu.memory_space<vmem>>, vector<16xi32>,
      tpu.vector_store %arg12[%swap3A_647], %get3A_646 {strides = array<i32>} : memref<80xi32, #tpu.memory_space<vmem>>, vector<16xi32>,
      %get3A_649 = arith.constant 208 : index
      %get3A_650 = tpu.vector_load %arg8[%get3A_649] {strides = array<i32>} : memref<320xi32, #tpu.memory_space<vmem>>, vector<16xi32>,
      %swap3A_651 = arith.constant 48 : index
      %swap3A_652 = tpu.vector_load %arg12[%swap3A_651] {strides = array<i32>} : memref<80xi32, #tpu.memory_space<vmem>>, vector<16xi32>,
      tpu.vector_store %arg12[%swap3A_651], %get3A_650 {strides = array<i32>} : memref<80xi32, #tpu.memory_space<vmem>>, vector<16xi32>,
      %get3A_653 = arith.constant 224 : index
      %get3A_654 = tpu.vector_load %arg8[%get3A_653] {strides = array<i32>} : memref<320xi32, #tpu.memory_space<vmem>>, vector<16xi32>,
      %swap3A_655 = arith.constant 64 : index
      %swap3A_656 = tpu.vector_load %arg12[%swap3A_655] {strides = array<i32>} : memref<80xi32, #tpu.memory_space<vmem>>, vector<16xi32>,
      tpu.vector_store %arg12[%swap3A_655], %get3A_654 {strides = array<i32>} : memref<80xi32, #tpu.memory_space<vmem>>, vector<16xi32>,
      %get3A_657 = arith.constant 240 : index
      %get3A_658 = tpu.vector_load %arg8[%get3A_657] {strides = array<i32>} : memref<320xi32, #tpu.memory_space<vmem>>, vector<16xi32>,
      %swap3A_659 = arith.constant 0 : index
      %swap3A_660 = tpu.vector_load %arg13[%swap3A_659] {strides = array<i32>} : memref<80xi32, #tpu.memory_space<vmem>>, vector<16xi32>,
      tpu.vector_store %arg13[%swap3A_659], %get3A_658 {strides = array<i32>} : memref<80xi32, #tpu.memory_space<vmem>>, vector<16xi32>,
      %get3A_661 = arith.constant 256 : index
      %get3A_662 = tpu.vector_load %arg8[%get3A_661] {strides = array<i32>} : memref<320xi32, #tpu.memory_space<vmem>>, vector<16xi32>,
      %swap3A_663 = arith.constant 16 : index
      %swap3A_664 = tpu.vector_load %arg13[%swap3A_663] {strides = array<i32>} : memref<80xi32, #tpu.memory_space<vmem>>, vector<16xi32>,
      tpu.vector_store %arg13[%swap3A_663], %get3A_662 {strides = array<i32>} : memref<80xi32, #tpu.memory_space<vmem>>, vector<16xi32>,
      %get3A_665 = arith.constant 272 : index
      %get3A_666 = tpu.vector_load %arg8[%get3A_665] {strides = array<i32>} : memref<320xi32, #tpu.memory_space<vmem>>, vector<16xi32>,
      %swap3A_667 = arith.constant 32 : index
      %swap3A_668 = tpu.vector_load %arg13[%swap3A_667] {strides = array<i32>} : memref<80xi32, #tpu.memory_space<vmem>>, vector<16xi32>,
      tpu.vector_store %arg13[%swap3A_667], %get3A_666 {strides = array<i32>} : memref<80xi32, #tpu.memory_space<vmem>>, vector<16xi32>,
      %get3A_669 = arith.constant 288 : index
      %get3A_670 = tpu.vector_load %arg8[%get3A_669] {strides = array<i32>} : memref<320xi32, #tpu.memory_space<vmem>>, vector<16xi32>,
      %swap3A_671 = arith.constant 48 : index
      %swap3A_672 = tpu.vector_load %arg13[%swap3A_671] {strides = array<i32>} : memref<80xi32, #tpu.memory_space<vmem>>, vector<16xi32>,
      tpu.vector_store %arg13[%swap3A_671], %get3A_670 {strides = array<i32>} : memref<80xi32, #tpu.memory_space<vmem>>, vector<16xi32>,
      %get3A_673 = arith.constant 304 : index
      %get3A_674 = tpu.vector_load %arg8[%get3A_673] {strides = array<i32>} : memref<320xi32, #tpu.memory_space<vmem>>, vector<16xi32>,
      %swap3A_675 = arith.constant 64 : index
      %swap3A_676 = tpu.vector_load %arg13[%swap3A_675] {strides = array<i32>} : memref<80xi32, #tpu.memory_space<vmem>>, vector<16xi32>,
      tpu.vector_store %arg13[%swap3A_675], %get3A_674 {strides = array<i32>} : memref<80xi32, #tpu.memory_space<vmem>>, vector<16xi32>,
      %dma_wait3A_677 = arith.constant 0 : i32
      %dma_wait3A_678 = arith.constant 0 : i32
      %dma_wait3A_679 = arith.constant 0 : i32
      %dma_wait3A_680 = tpu.memref_slice %arg18[%dma_wait3A_677, %dma_wait3A_678, %dma_wait3A_679] : memref<4x80x128xf32, #tpu.memory_space<vmem>> -> memref<1x80x128xf32, #tpu.memory_space<vmem>>
      %dma_wait3A_681 = tpu.memref_squeeze %dma_wait3A_680 : memref<1x80x128xf32, #tpu.memory_space<vmem>> -> memref<80x128xf32, #tpu.memory_space<vmem>>
      %dma_wait3A_682 = arith.constant 0 : i32
      %dma_wait3A_683 = tpu.memref_slice %arg6[%dma_wait3A_682] : memref<320xi32, #tpu.memory_space<vmem>> -> memref<80xi32, #tpu.memory_space<vmem>>
      %dma_wait3A_684 = arith.constant 0 : i32
      %dma_wait3A_685 = arith.constant 0 : i32
      %dma_wait3A_686 = tpu.memref_slice %arg2[%dma_wait3A_684, %dma_wait3A_685] : memref<10000x128xf32, #tpu.memory_space<hbm>> -> memref<10000x128xf32, #tpu.memory_space<hbm>>
      tpu.wait_indirect_dma semaphore(%arg22 : memref<!tpu.dma_semaphore, #tpu.memory_space<semaphore_mem>>) src(%dma_wait3A_686 : memref<10000x128xf32, #tpu.memory_space<hbm>>) dst(%dma_wait3A_681 : memref<80x128xf32, #tpu.memory_space<vmem>>)
      %dma_start3A_687 = arith.constant 0 : i32
      %dma_start3A_688 = arith.constant 0 : i32
      %dma_start3A_689 = arith.constant 0 : i32
      %dma_start3A_690 = tpu.memref_slice %arg18[%dma_start3A_687, %dma_start3A_688, %dma_start3A_689] : memref<4x80x128xf32, #tpu.memory_space<vmem>> -> memref<1x80x128xf32, #tpu.memory_space<vmem>>
      %dma_start3A_691 = tpu.memref_squeeze %dma_start3A_690 : memref<1x80x128xf32, #tpu.memory_space<vmem>> -> memref<80x128xf32, #tpu.memory_space<vmem>>
      %dma_start3A_692 = arith.constant 0 : i32
      %dma_start3A_693 = arith.constant 0 : i32
      %dma_start3A_694 = tpu.memref_slice %arg20[%dma_start3A_692, %dma_start3A_693] : memref<10240x128xf32, #tpu.memory_space<vmem_shared>> -> memref<10240x128xf32, #tpu.memory_space<vmem_shared>>
      tpu.enqueue_indirect_dma source(%dma_start3A_691 : memref<80x128xf32, #tpu.memory_space<vmem>>) target(%dma_start3A_694 : memref<10240x128xf32, #tpu.memory_space<vmem_shared>>) offsets(%arg14 : memref<80xi32, #tpu.memory_space<vmem>>) semaphore(%arg26 : memref<!tpu.dma_semaphore, #tpu.memory_space<semaphore_mem>>) {add = true}
      %dma_wait3A_695 = arith.constant 1 : i32
      %dma_wait3A_696 = arith.constant 0 : i32
      %dma_wait3A_697 = arith.constant 0 : i32
      %dma_wait3A_698 = tpu.memref_slice %arg18[%dma_wait3A_695, %dma_wait3A_696, %dma_wait3A_697] : memref<4x80x128xf32, #tpu.memory_space<vmem>> -> memref<1x80x128xf32, #tpu.memory_space<vmem>>
      %dma_wait3A_699 = tpu.memref_squeeze %dma_wait3A_698 : memref<1x80x128xf32, #tpu.memory_space<vmem>> -> memref<80x128xf32, #tpu.memory_space<vmem>>
      %dma_wait3A_700 = arith.constant 0 : i32
      %dma_wait3A_701 = tpu.memref_slice %arg6[%dma_wait3A_700] : memref<320xi32, #tpu.memory_space<vmem>> -> memref<80xi32, #tpu.memory_space<vmem>>
      %dma_wait3A_702 = arith.constant 0 : i32
      %dma_wait3A_703 = arith.constant 0 : i32
      %dma_wait3A_704 = tpu.memref_slice %arg2[%dma_wait3A_702, %dma_wait3A_703] : memref<10000x128xf32, #tpu.memory_space<hbm>> -> memref<10000x128xf32, #tpu.memory_space<hbm>>
      tpu.wait_indirect_dma semaphore(%arg23 : memref<!tpu.dma_semaphore, #tpu.memory_space<semaphore_mem>>) src(%dma_wait3A_704 : memref<10000x128xf32, #tpu.memory_space<hbm>>) dst(%dma_wait3A_699 : memref<80x128xf32, #tpu.memory_space<vmem>>)
      %dma_start3A_705 = arith.constant 1 : i32
      %dma_start3A_706 = arith.constant 0 : i32
      %dma_start3A_707 = arith.constant 0 : i32
      %dma_start3A_708 = tpu.memref_slice %arg18[%dma_start3A_705, %dma_start3A_706, %dma_start3A_707] : memref<4x80x128xf32, #tpu.memory_space<vmem>> -> memref<1x80x128xf32, #tpu.memory_space<vmem>>
      %dma_start3A_709 = tpu.memref_squeeze %dma_start3A_708 : memref<1x80x128xf32, #tpu.memory_space<vmem>> -> memref<80x128xf32, #tpu.memory_space<vmem>>
      %dma_start3A_710 = arith.constant 0 : i32
      %dma_start3A_711 = arith.constant 0 : i32
      %dma_start3A_712 = tpu.memref_slice %arg20[%dma_start3A_710, %dma_start3A_711] : memref<10240x128xf32, #tpu.memory_space<vmem_shared>> -> memref<10240x128xf32, #tpu.memory_space<vmem_shared>>
      tpu.enqueue_indirect_dma source(%dma_start3A_709 : memref<80x128xf32, #tpu.memory_space<vmem>>) target(%dma_start3A_712 : memref<10240x128xf32, #tpu.memory_space<vmem_shared>>) offsets(%arg15 : memref<80xi32, #tpu.memory_space<vmem>>) semaphore(%arg27 : memref<!tpu.dma_semaphore, #tpu.memory_space<semaphore_mem>>) {add = true}
      %dma_wait3A_713 = arith.constant 2 : i32
      %dma_wait3A_714 = arith.constant 0 : i32
      %dma_wait3A_715 = arith.constant 0 : i32
      %dma_wait3A_716 = tpu.memref_slice %arg18[%dma_wait3A_713, %dma_wait3A_714, %dma_wait3A_715] : memref<4x80x128xf32, #tpu.memory_space<vmem>> -> memref<1x80x128xf32, #tpu.memory_space<vmem>>
      %dma_wait3A_717 = tpu.memref_squeeze %dma_wait3A_716 : memref<1x80x128xf32, #tpu.memory_space<vmem>> -> memref<80x128xf32, #tpu.memory_space<vmem>>
      %dma_wait3A_718 = arith.constant 0 : i32
      %dma_wait3A_719 = tpu.memref_slice %arg6[%dma_wait3A_718] : memref<320xi32, #tpu.memory_space<vmem>> -> memref<80xi32, #tpu.memory_space<vmem>>
      %dma_wait3A_720 = arith.constant 0 : i32
      %dma_wait3A_721 = arith.constant 0 : i32
      %dma_wait3A_722 = tpu.memref_slice %arg2[%dma_wait3A_720, %dma_wait3A_721] : memref<10000x128xf32, #tpu.memory_space<hbm>> -> memref<10000x128xf32, #tpu.memory_space<hbm>>
      tpu.wait_indirect_dma semaphore(%arg24 : memref<!tpu.dma_semaphore, #tpu.memory_space<semaphore_mem>>) src(%dma_wait3A_722 : memref<10000x128xf32, #tpu.memory_space<hbm>>) dst(%dma_wait3A_717 : memref<80x128xf32, #tpu.memory_space<vmem>>)
      %dma_start3A_723 = arith.constant 2 : i32
      %dma_start3A_724 = arith.constant 0 : i32
      %dma_start3A_725 = arith.constant 0 : i32
      %dma_start3A_726 = tpu.memref_slice %arg18[%dma_start3A_723, %dma_start3A_724, %dma_start3A_725] : memref<4x80x128xf32, #tpu.memory_space<vmem>> -> memref<1x80x128xf32, #tpu.memory_space<vmem>>
      %dma_start3A_727 = tpu.memref_squeeze %dma_start3A_726 : memref<1x80x128xf32, #tpu.memory_space<vmem>> -> memref<80x128xf32, #tpu.memory_space<vmem>>
      %dma_start3A_728 = arith.constant 0 : i32
      %dma_start3A_729 = arith.constant 0 : i32
      %dma_start3A_730 = tpu.memref_slice %arg20[%dma_start3A_728, %dma_start3A_729] : memref<10240x128xf32, #tpu.memory_space<vmem_shared>> -> memref<10240x128xf32, #tpu.memory_space<vmem_shared>>
      tpu.enqueue_indirect_dma source(%dma_start3A_727 : memref<80x128xf32, #tpu.memory_space<vmem>>) target(%dma_start3A_730 : memref<10240x128xf32, #tpu.memory_space<vmem_shared>>) offsets(%arg16 : memref<80xi32, #tpu.memory_space<vmem>>) semaphore(%arg28 : memref<!tpu.dma_semaphore, #tpu.memory_space<semaphore_mem>>) {add = true}
      %dma_wait3A_731 = arith.constant 3 : i32
      %dma_wait3A_732 = arith.constant 0 : i32
      %dma_wait3A_733 = arith.constant 0 : i32
      %dma_wait3A_734 = tpu.memref_slice %arg18[%dma_wait3A_731, %dma_wait3A_732, %dma_wait3A_733] : memref<4x80x128xf32, #tpu.memory_space<vmem>> -> memref<1x80x128xf32, #tpu.memory_space<vmem>>
      %dma_wait3A_735 = tpu.memref_squeeze %dma_wait3A_734 : memref<1x80x128xf32, #tpu.memory_space<vmem>> -> memref<80x128xf32, #tpu.memory_space<vmem>>
      %dma_wait3A_736 = arith.constant 0 : i32
      %dma_wait3A_737 = tpu.memref_slice %arg6[%dma_wait3A_736] : memref<320xi32, #tpu.memory_space<vmem>> -> memref<80xi32, #tpu.memory_space<vmem>>
      %dma_wait3A_738 = arith.constant 0 : i32
      %dma_wait3A_739 = arith.constant 0 : i32
      %dma_wait3A_740 = tpu.memref_slice %arg2[%dma_wait3A_738, %dma_wait3A_739] : memref<10000x128xf32, #tpu.memory_space<hbm>> -> memref<10000x128xf32, #tpu.memory_space<hbm>>
      tpu.wait_indirect_dma semaphore(%arg25 : memref<!tpu.dma_semaphore, #tpu.memory_space<semaphore_mem>>) src(%dma_wait3A_740 : memref<10000x128xf32, #tpu.memory_space<hbm>>) dst(%dma_wait3A_735 : memref<80x128xf32, #tpu.memory_space<vmem>>)
      %dma_start3A_741 = arith.constant 3 : i32
      %dma_start3A_742 = arith.constant 0 : i32
      %dma_start3A_743 = arith.constant 0 : i32
      %dma_start3A_744 = tpu.memref_slice %arg18[%dma_start3A_741, %dma_start3A_742, %dma_start3A_743] : memref<4x80x128xf32, #tpu.memory_space<vmem>> -> memref<1x80x128xf32, #tpu.memory_space<vmem>>
      %dma_start3A_745 = tpu.memref_squeeze %dma_start3A_744 : memref<1x80x128xf32, #tpu.memory_space<vmem>> -> memref<80x128xf32, #tpu.memory_space<vmem>>
      %dma_start3A_746 = arith.constant 0 : i32
      %dma_start3A_747 = arith.constant 0 : i32
      %dma_start3A_748 = tpu.memref_slice %arg20[%dma_start3A_746, %dma_start3A_747] : memref<10240x128xf32, #tpu.memory_space<vmem_shared>> -> memref<10240x128xf32, #tpu.memory_space<vmem_shared>>
      tpu.enqueue_indirect_dma source(%dma_start3A_745 : memref<80x128xf32, #tpu.memory_space<vmem>>) target(%dma_start3A_748 : memref<10240x128xf32, #tpu.memory_space<vmem_shared>>) offsets(%arg17 : memref<80xi32, #tpu.memory_space<vmem>>) semaphore(%arg29 : memref<!tpu.dma_semaphore, #tpu.memory_space<semaphore_mem>>) {add = true}
      %dma_wait3A_749 = arith.constant 0 : i32
      %dma_wait3A_750 = arith.constant 0 : i32
      %dma_wait3A_751 = arith.constant 0 : i32
      %dma_wait3A_752 = tpu.memref_slice %arg18[%dma_wait3A_749, %dma_wait3A_750, %dma_wait3A_751] : memref<4x80x128xf32, #tpu.memory_space<vmem>> -> memref<1x80x128xf32, #tpu.memory_space<vmem>>
      %dma_wait3A_753 = tpu.memref_squeeze %dma_wait3A_752 : memref<1x80x128xf32, #tpu.memory_space<vmem>> -> memref<80x128xf32, #tpu.memory_space<vmem>>
      %dma_wait3A_754 = arith.constant 0 : i32
      %dma_wait3A_755 = arith.constant 0 : i32
      %dma_wait3A_756 = tpu.memref_slice %arg20[%dma_wait3A_754, %dma_wait3A_755] : memref<10240x128xf32, #tpu.memory_space<vmem_shared>> -> memref<10240x128xf32, #tpu.memory_space<vmem_shared>>
      tpu.wait_indirect_dma semaphore(%arg26 : memref<!tpu.dma_semaphore, #tpu.memory_space<semaphore_mem>>) src(%dma_wait3A_753 : memref<80x128xf32, #tpu.memory_space<vmem>>) dst(%dma_wait3A_756 : memref<10240x128xf32, #tpu.memory_space<vmem_shared>>)
      %dma_start3A_757 = arith.constant 0 : i32
      %dma_start3A_758 = arith.constant 0 : i32
      %dma_start3A_759 = arith.constant 0 : i32
      %dma_start3A_760 = tpu.memref_slice %arg18[%dma_start3A_757, %dma_start3A_758, %dma_start3A_759] : memref<4x80x128xf32, #tpu.memory_space<vmem>> -> memref<1x80x128xf32, #tpu.memory_space<vmem>>
      %dma_start3A_761 = tpu.memref_squeeze %dma_start3A_760 : memref<1x80x128xf32, #tpu.memory_space<vmem>> -> memref<80x128xf32, #tpu.memory_space<vmem>>
      %dma_start3A_762 = arith.constant 0 : i32
      %dma_start3A_763 = tpu.memref_slice %arg6[%dma_start3A_762] : memref<320xi32, #tpu.memory_space<vmem>> -> memref<80xi32, #tpu.memory_space<vmem>>
      %dma_start3A_764 = arith.constant 0 : i32
      %dma_start3A_765 = arith.constant 0 : i32
      %dma_start3A_766 = tpu.memref_slice %arg2[%dma_start3A_764, %dma_start3A_765] : memref<10000x128xf32, #tpu.memory_space<hbm>> -> memref<10000x128xf32, #tpu.memory_space<hbm>>
      tpu.enqueue_indirect_dma source(%dma_start3A_766 : memref<10000x128xf32, #tpu.memory_space<hbm>>) target(%dma_start3A_761 : memref<80x128xf32, #tpu.memory_space<vmem>>) offsets(%dma_start3A_763 : memref<80xi32, #tpu.memory_space<vmem>>) semaphore(%arg22 : memref<!tpu.dma_semaphore, #tpu.memory_space<semaphore_mem>>)
      %dma_wait3A_767 = arith.constant 1 : i32
      %dma_wait3A_768 = arith.constant 0 : i32
      %dma_wait3A_769 = arith.constant 0 : i32
      %dma_wait3A_770 = tpu.memref_slice %arg18[%dma_wait3A_767, %dma_wait3A_768, %dma_wait3A_769] : memref<4x80x128xf32, #tpu.memory_space<vmem>> -> memref<1x80x128xf32, #tpu.memory_space<vmem>>
      %dma_wait3A_771 = tpu.memref_squeeze %dma_wait3A_770 : memref<1x80x128xf32, #tpu.memory_space<vmem>> -> memref<80x128xf32, #tpu.memory_space<vmem>>
      %dma_wait3A_772 = arith.constant 0 : i32
      %dma_wait3A_773 = arith.constant 0 : i32
      %dma_wait3A_774 = tpu.memref_slice %arg20[%dma_wait3A_772, %dma_wait3A_773] : memref<10240x128xf32, #tpu.memory_space<vmem_shared>> -> memref<10240x128xf32, #tpu.memory_space<vmem_shared>>
      tpu.wait_indirect_dma semaphore(%arg27 : memref<!tpu.dma_semaphore, #tpu.memory_space<semaphore_mem>>) src(%dma_wait3A_771 : memref<80x128xf32, #tpu.memory_space<vmem>>) dst(%dma_wait3A_774 : memref<10240x128xf32, #tpu.memory_space<vmem_shared>>)
      %dma_start3A_775 = arith.constant 1 : i32
      %dma_start3A_776 = arith.constant 0 : i32
      %dma_start3A_777 = arith.constant 0 : i32
      %dma_start3A_778 = tpu.memref_slice %arg18[%dma_start3A_775, %dma_start3A_776, %dma_start3A_777] : memref<4x80x128xf32, #tpu.memory_space<vmem>> -> memref<1x80x128xf32, #tpu.memory_space<vmem>>
      %dma_start3A_779 = tpu.memref_squeeze %dma_start3A_778 : memref<1x80x128xf32, #tpu.memory_space<vmem>> -> memref<80x128xf32, #tpu.memory_space<vmem>>
      %dma_start3A_780 = arith.constant 80 : i32
      %dma_start3A_781 = tpu.memref_slice %arg6[%dma_start3A_780] : memref<320xi32, #tpu.memory_space<vmem>> -> memref<80xi32, #tpu.memory_space<vmem>>
      %dma_start3A_782 = arith.constant 0 : i32
      %dma_start3A_783 = arith.constant 0 : i32
      %dma_start3A_784 = tpu.memref_slice %arg2[%dma_start3A_782, %dma_start3A_783] : memref<10000x128xf32, #tpu.memory_space<hbm>> -> memref<10000x128xf32, #tpu.memory_space<hbm>>
      tpu.enqueue_indirect_dma source(%dma_start3A_784 : memref<10000x128xf32, #tpu.memory_space<hbm>>) target(%dma_start3A_779 : memref<80x128xf32, #tpu.memory_space<vmem>>) offsets(%dma_start3A_781 : memref<80xi32, #tpu.memory_space<vmem>>) semaphore(%arg23 : memref<!tpu.dma_semaphore, #tpu.memory_space<semaphore_mem>>)
      %dma_wait3A_785 = arith.constant 2 : i32
      %dma_wait3A_786 = arith.constant 0 : i32
      %dma_wait3A_787 = arith.constant 0 : i32
      %dma_wait3A_788 = tpu.memref_slice %arg18[%dma_wait3A_785, %dma_wait3A_786, %dma_wait3A_787] : memref<4x80x128xf32, #tpu.memory_space<vmem>> -> memref<1x80x128xf32, #tpu.memory_space<vmem>>
      %dma_wait3A_789 = tpu.memref_squeeze %dma_wait3A_788 : memref<1x80x128xf32, #tpu.memory_space<vmem>> -> memref<80x128xf32, #tpu.memory_space<vmem>>
      %dma_wait3A_790 = arith.constant 0 : i32
      %dma_wait3A_791 = arith.constant 0 : i32
      %dma_wait3A_792 = tpu.memref_slice %arg20[%dma_wait3A_790, %dma_wait3A_791] : memref<10240x128xf32, #tpu.memory_space<vmem_shared>> -> memref<10240x128xf32, #tpu.memory_space<vmem_shared>>
      tpu.wait_indirect_dma semaphore(%arg28 : memref<!tpu.dma_semaphore, #tpu.memory_space<semaphore_mem>>) src(%dma_wait3A_789 : memref<80x128xf32, #tpu.memory_space<vmem>>) dst(%dma_wait3A_792 : memref<10240x128xf32, #tpu.memory_space<vmem_shared>>)
      %dma_start3A_793 = arith.constant 2 : i32
      %dma_start3A_794 = arith.constant 0 : i32
      %dma_start3A_795 = arith.constant 0 : i32
      %dma_start3A_796 = tpu.memref_slice %arg18[%dma_start3A_793, %dma_start3A_794, %dma_start3A_795] : memref<4x80x128xf32, #tpu.memory_space<vmem>> -> memref<1x80x128xf32, #tpu.memory_space<vmem>>
      %dma_start3A_797 = tpu.memref_squeeze %dma_start3A_796 : memref<1x80x128xf32, #tpu.memory_space<vmem>> -> memref<80x128xf32, #tpu.memory_space<vmem>>
      %dma_start3A_798 = arith.constant 160 : i32
      %dma_start3A_799 = tpu.memref_slice %arg6[%dma_start3A_798] : memref<320xi32, #tpu.memory_space<vmem>> -> memref<80xi32, #tpu.memory_space<vmem>>
      %dma_start3A_800 = arith.constant 0 : i32
      %dma_start3A_801 = arith.constant 0 : i32
      %dma_start3A_802 = tpu.memref_slice %arg2[%dma_start3A_800, %dma_start3A_801] : memref<10000x128xf32, #tpu.memory_space<hbm>> -> memref<10000x128xf32, #tpu.memory_space<hbm>>
      tpu.enqueue_indirect_dma source(%dma_start3A_802 : memref<10000x128xf32, #tpu.memory_space<hbm>>) target(%dma_start3A_797 : memref<80x128xf32, #tpu.memory_space<vmem>>) offsets(%dma_start3A_799 : memref<80xi32, #tpu.memory_space<vmem>>) semaphore(%arg24 : memref<!tpu.dma_semaphore, #tpu.memory_space<semaphore_mem>>)
      %dma_wait3A_803 = arith.constant 3 : i32
      %dma_wait3A_804 = arith.constant 0 : i32
      %dma_wait3A_805 = arith.constant 0 : i32
      %dma_wait3A_806 = tpu.memref_slice %arg18[%dma_wait3A_803, %dma_wait3A_804, %dma_wait3A_805] : memref<4x80x128xf32, #tpu.memory_space<vmem>> -> memref<1x80x128xf32, #tpu.memory_space<vmem>>
      %dma_wait3A_807 = tpu.memref_squeeze %dma_wait3A_806 : memref<1x80x128xf32, #tpu.memory_space<vmem>> -> memref<80x128xf32, #tpu.memory_space<vmem>>
      %dma_wait3A_808 = arith.constant 0 : i32
      %dma_wait3A_809 = arith.constant 0 : i32
      %dma_wait3A_810 = tpu.memref_slice %arg20[%dma_wait3A_808, %dma_wait3A_809] : memref<10240x128xf32, #tpu.memory_space<vmem_shared>> -> memref<10240x128xf32, #tpu.memory_space<vmem_shared>>
      tpu.wait_indirect_dma semaphore(%arg29 : memref<!tpu.dma_semaphore, #tpu.memory_space<semaphore_mem>>) src(%dma_wait3A_807 : memref<80x128xf32, #tpu.memory_space<vmem>>) dst(%dma_wait3A_810 : memref<10240x128xf32, #tpu.memory_space<vmem_shared>>)
      %dma_start3A_811 = arith.constant 3 : i32
      %dma_start3A_812 = arith.constant 0 : i32
      %dma_start3A_813 = arith.constant 0 : i32
      %dma_start3A_814 = tpu.memref_slice %arg18[%dma_start3A_811, %dma_start3A_812, %dma_start3A_813] : memref<4x80x128xf32, #tpu.memory_space<vmem>> -> memref<1x80x128xf32, #tpu.memory_space<vmem>>
      %dma_start3A_815 = tpu.memref_squeeze %dma_start3A_814 : memref<1x80x128xf32, #tpu.memory_space<vmem>> -> memref<80x128xf32, #tpu.memory_space<vmem>>
      %dma_start3A_816 = arith.constant 240 : i32
      %dma_start3A_817 = tpu.memref_slice %arg6[%dma_start3A_816] : memref<320xi32, #tpu.memory_space<vmem>> -> memref<80xi32, #tpu.memory_space<vmem>>
      %dma_start3A_818 = arith.constant 0 : i32
      %dma_start3A_819 = arith.constant 0 : i32
      %dma_start3A_820 = tpu.memref_slice %arg2[%dma_start3A_818, %dma_start3A_819] : memref<10000x128xf32, #tpu.memory_space<hbm>> -> memref<10000x128xf32, #tpu.memory_space<hbm>>
      tpu.enqueue_indirect_dma source(%dma_start3A_820 : memref<10000x128xf32, #tpu.memory_space<hbm>>) target(%dma_start3A_815 : memref<80x128xf32, #tpu.memory_space<vmem>>) offsets(%dma_start3A_817 : memref<80xi32, #tpu.memory_space<vmem>>) semaphore(%arg25 : memref<!tpu.dma_semaphore, #tpu.memory_space<semaphore_mem>>)
      %add3A_821 = arith.constant 1 : i32
      %add3A_822 = arith.addi %add3A_588, %add3A_821 : i32
      %lt3A_823 = arith.constant 31 : i32
      %lt3A_824 = arith.cmpi slt, %add3A_822, %lt3A_823 : i32
      %convert_element_type3A_825 = arith.extui %lt3A_824 : i1 to i32
      %cond3A_826 = arith.constant 0 : i32
      %cond3A_827 = arith.cmpi ne, %convert_element_type3A_825, %cond3A_826 : i32
      scf.if %cond3A_827 {
        %add3A_828 = arith.constant 1 : i32
        %add3A_829 = arith.addi %add3A_588, %add3A_828 : i32
        %mul3A_830 = arith.constant 320 : i32
        %mul3A_831 = arith.muli %add3A_829, %mul3A_830 : i32
        %add3A_832 = arith.addi %mul3A_2, %mul3A_831 : i32
        %dma_start3A_833 = tpu.memref_slice %arg3[%add3A_832] : memref<320000xi32, #tpu.memory_space<hbm>> -> memref<320xi32, #tpu.memory_space<hbm>>
        %dma_start3A_834 = tpu.memref_slice %arg3[%add3A_832] : memref<320000xi32, #tpu.memory_space<hbm>> -> memref<320xi32, #tpu.memory_space<hbm>>
        tpu.enqueue_dma source(%dma_start3A_834 : memref<320xi32, #tpu.memory_space<hbm>>) target(%arg7 : memref<320xi32, #tpu.memory_space<vmem>>) target_semaphore(%arg21 : memref<!tpu.dma_semaphore, #tpu.memory_space<semaphore_mem>>)
        %dma_start3A_835 = tpu.memref_slice %arg4[%add3A_832] : memref<320000xi32, #tpu.memory_space<hbm>> -> memref<320xi32, #tpu.memory_space<hbm>>
        %dma_start3A_836 = tpu.memref_slice %arg4[%add3A_832] : memref<320000xi32, #tpu.memory_space<hbm>> -> memref<320xi32, #tpu.memory_space<hbm>>
        tpu.enqueue_dma source(%dma_start3A_836 : memref<320xi32, #tpu.memory_space<hbm>>) target(%arg9 : memref<320xi32, #tpu.memory_space<vmem>>) target_semaphore(%arg21 : memref<!tpu.dma_semaphore, #tpu.memory_space<semaphore_mem>>)
      } else {
      }
    }
    %scan3A_202 = arith.constant 15 : i32
    %dma_wait3A_203 = arith.constant 0 : i32
    %dma_wait3A_204 = arith.constant 0 : i32
    %dma_wait3A_205 = arith.constant 0 : i32
    %dma_wait3A_206 = tpu.memref_slice %arg18[%dma_wait3A_203, %dma_wait3A_204, %dma_wait3A_205] : memref<4x80x128xf32, #tpu.memory_space<vmem>> -> memref<1x80x128xf32, #tpu.memory_space<vmem>>
    %dma_wait3A_207 = tpu.memref_squeeze %dma_wait3A_206 : memref<1x80x128xf32, #tpu.memory_space<vmem>> -> memref<80x128xf32, #tpu.memory_space<vmem>>
    %dma_wait3A_208 = arith.constant 0 : i32
    %dma_wait3A_209 = tpu.memref_slice %arg6[%dma_wait3A_208] : memref<320xi32, #tpu.memory_space<vmem>> -> memref<80xi32, #tpu.memory_space<vmem>>
    %dma_wait3A_210 = arith.constant 0 : i32
    %dma_wait3A_211 = arith.constant 0 : i32
    %dma_wait3A_212 = tpu.memref_slice %arg2[%dma_wait3A_210, %dma_wait3A_211] : memref<10000x128xf32, #tpu.memory_space<hbm>> -> memref<10000x128xf32, #tpu.memory_space<hbm>>
    tpu.wait_indirect_dma semaphore(%arg22 : memref<!tpu.dma_semaphore, #tpu.memory_space<semaphore_mem>>) src(%dma_wait3A_212 : memref<10000x128xf32, #tpu.memory_space<hbm>>) dst(%dma_wait3A_207 : memref<80x128xf32, #tpu.memory_space<vmem>>)
    %dma_start3A_213 = arith.constant 0 : i32
    %dma_start3A_214 = arith.constant 0 : i32
    %dma_start3A_215 = arith.constant 0 : i32
    %dma_start3A_216 = tpu.memref_slice %arg18[%dma_start3A_213, %dma_start3A_214, %dma_start3A_215] : memref<4x80x128xf32, #tpu.memory_space<vmem>> -> memref<1x80x128xf32, #tpu.memory_space<vmem>>
    %dma_start3A_217 = tpu.memref_squeeze %dma_start3A_216 : memref<1x80x128xf32, #tpu.memory_space<vmem>> -> memref<80x128xf32, #tpu.memory_space<vmem>>
    %dma_start3A_218 = arith.constant 0 : i32
    %dma_start3A_219 = arith.constant 0 : i32
    %dma_start3A_220 = tpu.memref_slice %arg20[%dma_start3A_218, %dma_start3A_219] : memref<10240x128xf32, #tpu.memory_space<vmem_shared>> -> memref<10240x128xf32, #tpu.memory_space<vmem_shared>>
    tpu.enqueue_indirect_dma source(%dma_start3A_217 : memref<80x128xf32, #tpu.memory_space<vmem>>) target(%dma_start3A_220 : memref<10240x128xf32, #tpu.memory_space<vmem_shared>>) offsets(%arg10 : memref<80xi32, #tpu.memory_space<vmem>>) semaphore(%arg26 : memref<!tpu.dma_semaphore, #tpu.memory_space<semaphore_mem>>) {add = true}
    %dma_wait3A_221 = arith.constant 1 : i32
    %dma_wait3A_222 = arith.constant 0 : i32
    %dma_wait3A_223 = arith.constant 0 : i32
    %dma_wait3A_224 = tpu.memref_slice %arg18[%dma_wait3A_221, %dma_wait3A_222, %dma_wait3A_223] : memref<4x80x128xf32, #tpu.memory_space<vmem>> -> memref<1x80x128xf32, #tpu.memory_space<vmem>>
    %dma_wait3A_225 = tpu.memref_squeeze %dma_wait3A_224 : memref<1x80x128xf32, #tpu.memory_space<vmem>> -> memref<80x128xf32, #tpu.memory_space<vmem>>
    %dma_wait3A_226 = arith.constant 0 : i32
    %dma_wait3A_227 = tpu.memref_slice %arg6[%dma_wait3A_226] : memref<320xi32, #tpu.memory_space<vmem>> -> memref<80xi32, #tpu.memory_space<vmem>>
    %dma_wait3A_228 = arith.constant 0 : i32
    %dma_wait3A_229 = arith.constant 0 : i32
    %dma_wait3A_230 = tpu.memref_slice %arg2[%dma_wait3A_228, %dma_wait3A_229] : memref<10000x128xf32, #tpu.memory_space<hbm>> -> memref<10000x128xf32, #tpu.memory_space<hbm>>
    tpu.wait_indirect_dma semaphore(%arg23 : memref<!tpu.dma_semaphore, #tpu.memory_space<semaphore_mem>>) src(%dma_wait3A_230 : memref<10000x128xf32, #tpu.memory_space<hbm>>) dst(%dma_wait3A_225 : memref<80x128xf32, #tpu.memory_space<vmem>>)
    %dma_start3A_231 = arith.constant 1 : i32
    %dma_start3A_232 = arith.constant 0 : i32
    %dma_start3A_233 = arith.constant 0 : i32
    %dma_start3A_234 = tpu.memref_slice %arg18[%dma_start3A_231, %dma_start3A_232, %dma_start3A_233] : memref<4x80x128xf32, #tpu.memory_space<vmem>> -> memref<1x80x128xf32, #tpu.memory_space<vmem>>
    %dma_start3A_235 = tpu.memref_squeeze %dma_start3A_234 : memref<1x80x128xf32, #tpu.memory_space<vmem>> -> memref<80x128xf32, #tpu.memory_space<vmem>>
    %dma_start3A_236 = arith.constant 0 : i32
    %dma_start3A_237 = arith.constant 0 : i32
    %dma_start3A_238 = tpu.memref_slice %arg20[%dma_start3A_236, %dma_start3A_237] : memref<10240x128xf32, #tpu.memory_space<vmem_shared>> -> memref<10240x128xf32, #tpu.memory_space<vmem_shared>>
    tpu.enqueue_indirect_dma source(%dma_start3A_235 : memref<80x128xf32, #tpu.memory_space<vmem>>) target(%dma_start3A_238 : memref<10240x128xf32, #tpu.memory_space<vmem_shared>>) offsets(%arg11 : memref<80xi32, #tpu.memory_space<vmem>>) semaphore(%arg27 : memref<!tpu.dma_semaphore, #tpu.memory_space<semaphore_mem>>) {add = true}
    %dma_wait3A_239 = arith.constant 2 : i32
    %dma_wait3A_240 = arith.constant 0 : i32
    %dma_wait3A_241 = arith.constant 0 : i32
    %dma_wait3A_242 = tpu.memref_slice %arg18[%dma_wait3A_239, %dma_wait3A_240, %dma_wait3A_241] : memref<4x80x128xf32, #tpu.memory_space<vmem>> -> memref<1x80x128xf32, #tpu.memory_space<vmem>>
    %dma_wait3A_243 = tpu.memref_squeeze %dma_wait3A_242 : memref<1x80x128xf32, #tpu.memory_space<vmem>> -> memref<80x128xf32, #tpu.memory_space<vmem>>
    %dma_wait3A_244 = arith.constant 0 : i32
    %dma_wait3A_245 = tpu.memref_slice %arg6[%dma_wait3A_244] : memref<320xi32, #tpu.memory_space<vmem>> -> memref<80xi32, #tpu.memory_space<vmem>>
    %dma_wait3A_246 = arith.constant 0 : i32
    %dma_wait3A_247 = arith.constant 0 : i32
    %dma_wait3A_248 = tpu.memref_slice %arg2[%dma_wait3A_246, %dma_wait3A_247] : memref<10000x128xf32, #tpu.memory_space<hbm>> -> memref<10000x128xf32, #tpu.memory_space<hbm>>
    tpu.wait_indirect_dma semaphore(%arg24 : memref<!tpu.dma_semaphore, #tpu.memory_space<semaphore_mem>>) src(%dma_wait3A_248 : memref<10000x128xf32, #tpu.memory_space<hbm>>) dst(%dma_wait3A_243 : memref<80x128xf32, #tpu.memory_space<vmem>>)
    %dma_start3A_249 = arith.constant 2 : i32
    %dma_start3A_250 = arith.constant 0 : i32
    %dma_start3A_251 = arith.constant 0 : i32
    %dma_start3A_252 = tpu.memref_slice %arg18[%dma_start3A_249, %dma_start3A_250, %dma_start3A_251] : memref<4x80x128xf32, #tpu.memory_space<vmem>> -> memref<1x80x128xf32, #tpu.memory_space<vmem>>
    %dma_start3A_253 = tpu.memref_squeeze %dma_start3A_252 : memref<1x80x128xf32, #tpu.memory_space<vmem>> -> memref<80x128xf32, #tpu.memory_space<vmem>>
    %dma_start3A_254 = arith.constant 0 : i32
    %dma_start3A_255 = arith.constant 0 : i32
    %dma_start3A_256 = tpu.memref_slice %arg20[%dma_start3A_254, %dma_start3A_255] : memref<10240x128xf32, #tpu.memory_space<vmem_shared>> -> memref<10240x128xf32, #tpu.memory_space<vmem_shared>>
    tpu.enqueue_indirect_dma source(%dma_start3A_253 : memref<80x128xf32, #tpu.memory_space<vmem>>) target(%dma_start3A_256 : memref<10240x128xf32, #tpu.memory_space<vmem_shared>>) offsets(%arg12 : memref<80xi32, #tpu.memory_space<vmem>>) semaphore(%arg28 : memref<!tpu.dma_semaphore, #tpu.memory_space<semaphore_mem>>) {add = true}
    %dma_wait3A_257 = arith.constant 3 : i32
    %dma_wait3A_258 = arith.constant 0 : i32
    %dma_wait3A_259 = arith.constant 0 : i32
    %dma_wait3A_260 = tpu.memref_slice %arg18[%dma_wait3A_257, %dma_wait3A_258, %dma_wait3A_259] : memref<4x80x128xf32, #tpu.memory_space<vmem>> -> memref<1x80x128xf32, #tpu.memory_space<vmem>>
    %dma_wait3A_261 = tpu.memref_squeeze %dma_wait3A_260 : memref<1x80x128xf32, #tpu.memory_space<vmem>> -> memref<80x128xf32, #tpu.memory_space<vmem>>
    %dma_wait3A_262 = arith.constant 0 : i32
    %dma_wait3A_263 = tpu.memref_slice %arg6[%dma_wait3A_262] : memref<320xi32, #tpu.memory_space<vmem>> -> memref<80xi32, #tpu.memory_space<vmem>>
    %dma_wait3A_264 = arith.constant 0 : i32
    %dma_wait3A_265 = arith.constant 0 : i32
    %dma_wait3A_266 = tpu.memref_slice %arg2[%dma_wait3A_264, %dma_wait3A_265] : memref<10000x128xf32, #tpu.memory_space<hbm>> -> memref<10000x128xf32, #tpu.memory_space<hbm>>
    tpu.wait_indirect_dma semaphore(%arg25 : memref<!tpu.dma_semaphore, #tpu.memory_space<semaphore_mem>>) src(%dma_wait3A_266 : memref<10000x128xf32, #tpu.memory_space<hbm>>) dst(%dma_wait3A_261 : memref<80x128xf32, #tpu.memory_space<vmem>>)
    %dma_start3A_267 = arith.constant 3 : i32
    %dma_start3A_268 = arith.constant 0 : i32
    %dma_start3A_269 = arith.constant 0 : i32
    %dma_start3A_270 = tpu.memref_slice %arg18[%dma_start3A_267, %dma_start3A_268, %dma_start3A_269] : memref<4x80x128xf32, #tpu.memory_space<vmem>> -> memref<1x80x128xf32, #tpu.memory_space<vmem>>
    %dma_start3A_271 = tpu.memref_squeeze %dma_start3A_270 : memref<1x80x128xf32, #tpu.memory_space<vmem>> -> memref<80x128xf32, #tpu.memory_space<vmem>>
    %dma_start3A_272 = arith.constant 0 : i32
    %dma_start3A_273 = arith.constant 0 : i32
    %dma_start3A_274 = tpu.memref_slice %arg20[%dma_start3A_272, %dma_start3A_273] : memref<10240x128xf32, #tpu.memory_space<vmem_shared>> -> memref<10240x128xf32, #tpu.memory_space<vmem_shared>>
    tpu.enqueue_indirect_dma source(%dma_start3A_271 : memref<80x128xf32, #tpu.memory_space<vmem>>) target(%dma_start3A_274 : memref<10240x128xf32, #tpu.memory_space<vmem_shared>>) offsets(%arg13 : memref<80xi32, #tpu.memory_space<vmem>>) semaphore(%arg29 : memref<!tpu.dma_semaphore, #tpu.memory_space<semaphore_mem>>) {add = true}
    %dma_wait3A_275 = arith.constant 0 : i32
    %dma_wait3A_276 = arith.constant 0 : i32
    %dma_wait3A_277 = arith.constant 0 : i32
    %dma_wait3A_278 = tpu.memref_slice %arg18[%dma_wait3A_275, %dma_wait3A_276, %dma_wait3A_277] : memref<4x80x128xf32, #tpu.memory_space<vmem>> -> memref<1x80x128xf32, #tpu.memory_space<vmem>>
    %dma_wait3A_279 = tpu.memref_squeeze %dma_wait3A_278 : memref<1x80x128xf32, #tpu.memory_space<vmem>> -> memref<80x128xf32, #tpu.memory_space<vmem>>
    %dma_wait3A_280 = arith.constant 0 : i32
    %dma_wait3A_281 = arith.constant 0 : i32
    %dma_wait3A_282 = tpu.memref_slice %arg20[%dma_wait3A_280, %dma_wait3A_281] : memref<10240x128xf32, #tpu.memory_space<vmem_shared>> -> memref<10240x128xf32, #tpu.memory_space<vmem_shared>>
    tpu.wait_indirect_dma semaphore(%arg26 : memref<!tpu.dma_semaphore, #tpu.memory_space<semaphore_mem>>) src(%dma_wait3A_279 : memref<80x128xf32, #tpu.memory_space<vmem>>) dst(%dma_wait3A_282 : memref<10240x128xf32, #tpu.memory_space<vmem_shared>>)
    %dma_wait3A_283 = arith.constant 1 : i32
    %dma_wait3A_284 = arith.constant 0 : i32
    %dma_wait3A_285 = arith.constant 0 : i32
    %dma_wait3A_286 = tpu.memref_slice %arg18[%dma_wait3A_283, %dma_wait3A_284, %dma_wait3A_285] : memref<4x80x128xf32, #tpu.memory_space<vmem>> -> memref<1x80x128xf32, #tpu.memory_space<vmem>>
    %dma_wait3A_287 = tpu.memref_squeeze %dma_wait3A_286 : memref<1x80x128xf32, #tpu.memory_space<vmem>> -> memref<80x128xf32, #tpu.memory_space<vmem>>
    %dma_wait3A_288 = arith.constant 0 : i32
    %dma_wait3A_289 = arith.constant 0 : i32
    %dma_wait3A_290 = tpu.memref_slice %arg20[%dma_wait3A_288, %dma_wait3A_289] : memref<10240x128xf32, #tpu.memory_space<vmem_shared>> -> memref<10240x128xf32, #tpu.memory_space<vmem_shared>>
    tpu.wait_indirect_dma semaphore(%arg27 : memref<!tpu.dma_semaphore, #tpu.memory_space<semaphore_mem>>) src(%dma_wait3A_287 : memref<80x128xf32, #tpu.memory_space<vmem>>) dst(%dma_wait3A_290 : memref<10240x128xf32, #tpu.memory_space<vmem_shared>>)
    %dma_wait3A_291 = arith.constant 2 : i32
    %dma_wait3A_292 = arith.constant 0 : i32
    %dma_wait3A_293 = arith.constant 0 : i32
    %dma_wait3A_294 = tpu.memref_slice %arg18[%dma_wait3A_291, %dma_wait3A_292, %dma_wait3A_293] : memref<4x80x128xf32, #tpu.memory_space<vmem>> -> memref<1x80x128xf32, #tpu.memory_space<vmem>>
    %dma_wait3A_295 = tpu.memref_squeeze %dma_wait3A_294 : memref<1x80x128xf32, #tpu.memory_space<vmem>> -> memref<80x128xf32, #tpu.memory_space<vmem>>
    %dma_wait3A_296 = arith.constant 0 : i32
    %dma_wait3A_297 = arith.constant 0 : i32
    %dma_wait3A_298 = tpu.memref_slice %arg20[%dma_wait3A_296, %dma_wait3A_297] : memref<10240x128xf32, #tpu.memory_space<vmem_shared>> -> memref<10240x128xf32, #tpu.memory_space<vmem_shared>>
    tpu.wait_indirect_dma semaphore(%arg28 : memref<!tpu.dma_semaphore, #tpu.memory_space<semaphore_mem>>) src(%dma_wait3A_295 : memref<80x128xf32, #tpu.memory_space<vmem>>) dst(%dma_wait3A_298 : memref<10240x128xf32, #tpu.memory_space<vmem_shared>>)
    %dma_wait3A_299 = arith.constant 3 : i32
    %dma_wait3A_300 = arith.constant 0 : i32
    %dma_wait3A_301 = arith.constant 0 : i32
    %dma_wait3A_302 = tpu.memref_slice %arg18[%dma_wait3A_299, %dma_wait3A_300, %dma_wait3A_301] : memref<4x80x128xf32, #tpu.memory_space<vmem>> -> memref<1x80x128xf32, #tpu.memory_space<vmem>>
    %dma_wait3A_303 = tpu.memref_squeeze %dma_wait3A_302 : memref<1x80x128xf32, #tpu.memory_space<vmem>> -> memref<80x128xf32, #tpu.memory_space<vmem>>
    %dma_wait3A_304 = arith.constant 0 : i32
    %dma_wait3A_305 = arith.constant 0 : i32
    %dma_wait3A_306 = tpu.memref_slice %arg20[%dma_wait3A_304, %dma_wait3A_305] : memref<10240x128xf32, #tpu.memory_space<vmem_shared>> -> memref<10240x128xf32, #tpu.memory_space<vmem_shared>>
    tpu.wait_indirect_dma semaphore(%arg29 : memref<!tpu.dma_semaphore, #tpu.memory_space<semaphore_mem>>) src(%dma_wait3A_303 : memref<80x128xf32, #tpu.memory_space<vmem>>) dst(%dma_wait3A_306 : memref<10240x128xf32, #tpu.memory_space<vmem_shared>>)
    %barrier3A_307 = arith.constant 0 : index
    tpu.barrier barrier_id(%barrier3A_307)
    %mul3A_308 = arith.constant 640 : i32
    %mul3A_309 = arith.muli %arg1, %mul3A_308 : i32
    %mul3A_310 = arith.constant 640 : i32
    %mul3A_311 = arith.muli %arg1, %mul3A_310 : i32
    %dma_start3A_312 = arith.constant 0 : i32
    %dma_start3A_313 = tpu.memref_slice %arg5[%arg0, %mul3A_311, %dma_start3A_312] : memref<2x10240x128xf32, #tpu.memory_space<hbm>> -> memref<1x320x128xf32, #tpu.memory_space<hbm>>
    %dma_start3A_314 = tpu.memref_squeeze %dma_start3A_313 : memref<1x320x128xf32, #tpu.memory_space<hbm>> -> memref<320x128xf32, #tpu.memory_space<hbm>>
    %dma_start3A_315 = arith.constant 0 : i32
    %dma_start3A_316 = tpu.memref_slice %arg20[%mul3A_309, %dma_start3A_315] : memref<10240x128xf32, #tpu.memory_space<vmem_shared>> -> memref<320x128xf32, #tpu.memory_space<vmem_shared>>
    tpu.enqueue_dma source(%dma_start3A_316 : memref<320x128xf32, #tpu.memory_space<vmem_shared>>) target(%dma_start3A_314 : memref<320x128xf32, #tpu.memory_space<hbm>>) target_semaphore(%arg22 : memref<!tpu.dma_semaphore, #tpu.memory_space<semaphore_mem>>)
    %mul3A_317 = arith.constant 640 : i32
    %mul3A_318 = arith.muli %arg1, %mul3A_317 : i32
    %add3A_319 = arith.constant 320 : i32
    %add3A_320 = arith.addi %mul3A_318, %add3A_319 : i32
    %mul3A_321 = arith.constant 640 : i32
    %mul3A_322 = arith.muli %arg1, %mul3A_321 : i32
    %add3A_323 = arith.constant 320 : i32
    %add3A_324 = arith.addi %mul3A_322, %add3A_323 : i32
    %dma_start3A_325 = arith.constant 0 : i32
    %dma_start3A_326 = tpu.memref_slice %arg5[%arg0, %add3A_324, %dma_start3A_325] : memref<2x10240x128xf32, #tpu.memory_space<hbm>> -> memref<1x320x128xf32, #tpu.memory_space<hbm>>
    %dma_start3A_327 = tpu.memref_squeeze %dma_start3A_326 : memref<1x320x128xf32, #tpu.memory_space<hbm>> -> memref<320x128xf32, #tpu.memory_space<hbm>>
    %dma_start3A_328 = arith.constant 0 : i32
    %dma_start3A_329 = tpu.memref_slice %arg20[%add3A_320, %dma_start3A_328] : memref<10240x128xf32, #tpu.memory_space<vmem_shared>> -> memref<320x128xf32, #tpu.memory_space<vmem_shared>>
    tpu.enqueue_dma source(%dma_start3A_329 : memref<320x128xf32, #tpu.memory_space<vmem_shared>>) target(%dma_start3A_327 : memref<320x128xf32, #tpu.memory_space<hbm>>) target_semaphore(%arg23 : memref<!tpu.dma_semaphore, #tpu.memory_space<semaphore_mem>>)
    %dma_wait3A_330 = arith.constant 0 : i32
    %dma_wait3A_331 = arith.constant 0 : i32
    %dma_wait3A_332 = tpu.memref_slice %arg5[%arg0, %dma_wait3A_330, %dma_wait3A_331] : memref<2x10240x128xf32, #tpu.memory_space<hbm>> -> memref<1x320x128xf32, #tpu.memory_space<hbm>>
    %dma_wait3A_333 = tpu.memref_squeeze %dma_wait3A_332 : memref<1x320x128xf32, #tpu.memory_space<hbm>> -> memref<320x128xf32, #tpu.memory_space<hbm>>
    %dma_wait3A_334 = arith.constant 0 : i32
    %dma_wait3A_335 = arith.constant 0 : i32
    %dma_wait3A_336 = tpu.memref_slice %arg20[%dma_wait3A_334, %dma_wait3A_335] : memref<10240x128xf32, #tpu.memory_space<vmem_shared>> -> memref<320x128xf32, #tpu.memory_space<vmem_shared>>
    tpu.wait_dma2 semaphore(%arg22 : memref<!tpu.dma_semaphore, #tpu.memory_space<semaphore_mem>>) src(%dma_wait3A_336 : memref<320x128xf32, #tpu.memory_space<vmem_shared>>) dst(%dma_wait3A_333 : memref<320x128xf32, #tpu.memory_space<hbm>>)
    %dma_wait3A_337 = arith.constant 0 : i32
    %dma_wait3A_338 = arith.constant 0 : i32
    %dma_wait3A_339 = tpu.memref_slice %arg5[%arg0, %dma_wait3A_337, %dma_wait3A_338] : memref<2x10240x128xf32, #tpu.memory_space<hbm>> -> memref<1x320x128xf32, #tpu.memory_space<hbm>>
    %dma_wait3A_340 = tpu.memref_squeeze %dma_wait3A_339 : memref<1x320x128xf32, #tpu.memory_space<hbm>> -> memref<320x128xf32, #tpu.memory_space<hbm>>
    %dma_wait3A_341 = arith.constant 0 : i32
    %dma_wait3A_342 = arith.constant 0 : i32
    %dma_wait3A_343 = tpu.memref_slice %arg20[%dma_wait3A_341, %dma_wait3A_342] : memref<10240x128xf32, #tpu.memory_space<vmem_shared>> -> memref<320x128xf32, #tpu.memory_space<vmem_shared>>
    tpu.wait_dma2 semaphore(%arg23 : memref<!tpu.dma_semaphore, #tpu.memory_space<semaphore_mem>>) src(%dma_wait3A_343 : memref<320x128xf32, #tpu.memory_space<vmem_shared>>) dst(%dma_wait3A_340 : memref<320x128xf32, #tpu.memory_space<hbm>>)
    return
  }
}

#map = affine_map<(d0, d1) -> (0, 0)>
#map1 = affine_map<(d0, d1) -> (0)>
#map2 = affine_map<(d0, d1) -> (0, 0, 0)>
module attributes {stable_mosaic.version = 14 : i64} {
  func.func @_agg_kernel(%arg0: i32, %arg1: i32, %arg2: memref<10000x128xf32, #tpu.memory_space<hbm>>, %arg3: memref<320000xi32, #tpu.memory_space<hbm>>, %arg4: memref<320000xi32, #tpu.memory_space<hbm>>, %arg5: memref<2x10240x128xf32, #tpu.memory_space<hbm>>, %arg6: memref<320xi32, #tpu.memory_space<vmem>>, %arg7: memref<320xi32, #tpu.memory_space<vmem>>, %arg8: memref<320xi32, #tpu.memory_space<vmem>>, %arg9: memref<320xi32, #tpu.memory_space<vmem>>, %arg10: memref<80xi32, #tpu.memory_space<vmem>>, %arg11: memref<80xi32, #tpu.memory_space<vmem>>, %arg12: memref<80xi32, #tpu.memory_space<vmem>>, %arg13: memref<80xi32, #tpu.memory_space<vmem>>, %arg14: memref<80xi32, #tpu.memory_space<vmem>>, %arg15: memref<80xi32, #tpu.memory_space<vmem>>, %arg16: memref<80xi32, #tpu.memory_space<vmem>>, %arg17: memref<80xi32, #tpu.memory_space<vmem>>, %arg18: memref<4x80x128xf32, #tpu.memory_space<vmem>>, %arg19: memref<32x128xf32, #tpu.memory_space<vmem>>, %arg20: memref<10240x128xf32, #tpu.memory_space<vmem_shared>>, %arg21: memref<!tpu.dma_semaphore, #tpu.memory_space<semaphore_mem>>, %arg22: memref<!tpu.dma_semaphore, #tpu.memory_space<semaphore_mem>>, %arg23: memref<!tpu.dma_semaphore, #tpu.memory_space<semaphore_mem>>, %arg24: memref<!tpu.dma_semaphore, #tpu.memory_space<semaphore_mem>>, %arg25: memref<!tpu.dma_semaphore, #tpu.memory_space<semaphore_mem>>, %arg26: memref<!tpu.dma_semaphore, #tpu.memory_space<semaphore_mem>>, %arg27: memref<!tpu.dma_semaphore, #tpu.memory_space<semaphore_mem>>, %arg28: memref<!tpu.dma_semaphore, #tpu.memory_space<semaphore_mem>>, %arg29: memref<!tpu.dma_semaphore, #tpu.memory_space<semaphore_mem>>) attributes {dimension_semantics = [#tpu.dimension_semantics<core_parallel>, #tpu.dimension_semantics<subcore_parallel>], iteration_bounds = array<i64: 2, 16>, scalar_prefetch = 0 : i64, scratch_operands = 24 : i64, tpu.core_type = #tpu.core_type<sc_vector_subcore>, window_params = [{transform_indices = #map}, {transform_indices = #map1}, {transform_indices = #map1}, {transform_indices = #map2}]} {
    %mul3A = arith.constant 2 : i32
    %mul3A_0 = arith.muli %arg1, %mul3A : i32
    %add3A = arith.addi %mul3A_0, %arg0 : i32
    %mul3A_1 = arith.constant 10000 : i32
    %mul3A_2 = arith.muli %add3A, %mul3A_1 : i32
    %broadcast_in_dim3A = arith.constant 0.000000e+00 : f32
    %broadcast_in_dim3A_3 = vector.broadcast %broadcast_in_dim3A : f32 to vector<16xf32>
    %scan3A = arith.constant 0 : i32
    %scan3A_4 = arith.constant 0 : i32
    %scan3A_5 = arith.constant 32 : i32
    %scan3A_6 = arith.addi %scan3A_4, %scan3A_5 : i32
    %scan3A_7 = arith.constant 1 : i32
    scf.for %scan3A_344 = %scan3A_4 to %scan3A_6 step %scan3A_7  : i32 {
      %scan3A_345 = arith.constant 0 : i32
      %scan3A_346 = arith.constant 8 : i32
      %scan3A_347 = arith.addi %scan3A_345, %scan3A_346 : i32
      %scan3A_348 = arith.constant 1 : i32
      scf.for %scan3A_350 = %scan3A_345 to %scan3A_347 step %scan3A_348  : i32 {
        %mul3A_351 = arith.constant 16 : i32
        %mul3A_352 = arith.muli %scan3A_350, %mul3A_351 : i32
        %swap3A_353 = arith.index_cast %scan3A_344 : i32 to index
        %swap3A_354 = arith.index_cast %mul3A_352 : i32 to index
        %swap3A_355 = tpu.vector_load %arg19[%swap3A_353, %swap3A_354] {strides = array<i32>} : memref<32x128xf32, #tpu.memory_space<vmem>>, vector<16xf32>,
        tpu.vector_store %arg19[%swap3A_353, %swap3A_354], %broadcast_in_dim3A_3 {strides = array<i32>} : memref<32x128xf32, #tpu.memory_space<vmem>>, vector<16xf32>,
      }
      %scan3A_349 = arith.constant 8 : i32
    }
    %scan3A_8 = arith.constant 32 : i32
    %scan3A_9 = arith.constant 0 : i32
    %scan3A_10 = arith.constant 0 : i32
    %scan3A_11 = arith.constant 20 : i32
    %scan3A_12 = arith.addi %scan3A_10, %scan3A_11 : i32
    %scan3A_13 = arith.constant 1 : i32
    scf.for %scan3A_344 = %scan3A_10 to %scan3A_12 step %scan3A_13  : i32 {
      %mul3A_345 = arith.constant 640 : i32
      %mul3A_346 = arith.muli %arg1, %mul3A_345 : i32
      %mul3A_347 = arith.constant 32 : i32
      %mul3A_348 = arith.muli %scan3A_344, %mul3A_347 : i32
      %add3A_349 = arith.addi %mul3A_346, %mul3A_348 : i32
      %dma_start3A_350 = arith.constant 0 : i32
      %dma_start3A_351 = tpu.memref_slice %arg20[%add3A_349, %dma_start3A_350] : memref<10240x128xf32, #tpu.memory_space<vmem_shared>> -> memref<32x128xf32, #tpu.memory_space<vmem_shared>>
      %dma_start3A_352 = arith.constant 0 : i32
      %dma_start3A_353 = tpu.memref_slice %arg20[%add3A_349, %dma_start3A_352] : memref<10240x128xf32, #tpu.memory_space<vmem_shared>> -> memref<32x128xf32, #tpu.memory_space<vmem_shared>>
      tpu.enqueue_dma source(%arg19 : memref<32x128xf32, #tpu.memory_space<vmem>>) target(%dma_start3A_353 : memref<32x128xf32, #tpu.memory_space<vmem_shared>>) target_semaphore(%arg21 : memref<!tpu.dma_semaphore, #tpu.memory_space<semaphore_mem>>)
    }
    %scan3A_14 = arith.constant 20 : i32
    %scan3A_15 = arith.constant 0 : i32
    %scan3A_16 = arith.constant 0 : i32
    %scan3A_17 = arith.constant 20 : i32
    %scan3A_18 = arith.addi %scan3A_16, %scan3A_17 : i32
    %scan3A_19 = arith.constant 1 : i32
    scf.for %scan3A_344 = %scan3A_16 to %scan3A_18 step %scan3A_19  : i32 {
      %dma_wait3A_345 = arith.constant 0 : i32
      %dma_wait3A_346 = arith.constant 0 : i32
      %dma_wait3A_347 = tpu.memref_slice %arg20[%dma_wait3A_345, %dma_wait3A_346] : memref<10240x128xf32, #tpu.memory_space<vmem_shared>> -> memref<32x128xf32, #tpu.memory_space<vmem_shared>>
      %dma_wait3A_348 = arith.constant 0 : i32
      %dma_wait3A_349 = arith.constant 0 : i32
      %dma_wait3A_350 = tpu.memref_slice %arg20[%dma_wait3A_348, %dma_wait3A_349] : memref<10240x128xf32, #tpu.memory_space<vmem_shared>> -> memref<32x128xf32, #tpu.memory_space<vmem_shared>>
      tpu.wait_dma2 semaphore(%arg21 : memref<!tpu.dma_semaphore, #tpu.memory_space<semaphore_mem>>) src(%arg19 : memref<32x128xf32, #tpu.memory_space<vmem>>) dst(%dma_wait3A_350 : memref<32x128xf32, #tpu.memory_space<vmem_shared>>)
    }
    %scan3A_20 = arith.constant 20 : i32
    %barrier3A = arith.constant 0 : index
    tpu.barrier barrier_id(%barrier3A)
    %add3A_21 = arith.constant 9920 : i32
    %add3A_22 = arith.addi %mul3A_2, %add3A_21 : i32
    "tpu.region"() ({
      %run_scoped3A = tpu.sem_alloc : memref<!tpu.dma_semaphore, #tpu.memory_space<semaphore_mem>>
      %dma_start3A_344 = arith.constant 0 : i32
      %dma_start3A_345 = tpu.memref_slice %arg6[%dma_start3A_344] : memref<320xi32, #tpu.memory_space<vmem>> -> memref<80xi32, #tpu.memory_space<vmem>>
      %dma_start3A_346 = tpu.memref_slice %arg3[%add3A_22] : memref<320000xi32, #tpu.memory_space<hbm>> -> memref<80xi32, #tpu.memory_space<hbm>>
      %dma_start3A_347 = arith.constant 0 : i32
      %dma_start3A_348 = tpu.memref_slice %arg6[%dma_start3A_347] : memref<320xi32, #tpu.memory_space<vmem>> -> memref<80xi32, #tpu.memory_space<vmem>>
      %dma_start3A_349 = tpu.memref_slice %arg3[%add3A_22] : memref<320000xi32, #tpu.memory_space<hbm>> -> memref<80xi32, #tpu.memory_space<hbm>>
      tpu.enqueue_dma source(%dma_start3A_349 : memref<80xi32, #tpu.memory_space<hbm>>) target(%dma_start3A_348 : memref<80xi32, #tpu.memory_space<vmem>>) target_semaphore(%run_scoped3A : memref<!tpu.dma_semaphore, #tpu.memory_space<semaphore_mem>>)
      %dma_wait3A_350 = arith.constant 0 : i32
      %dma_wait3A_351 = tpu.memref_slice %arg6[%dma_wait3A_350] : memref<320xi32, #tpu.memory_space<vmem>> -> memref<80xi32, #tpu.memory_space<vmem>>
      %dma_wait3A_352 = tpu.memref_slice %arg3[%add3A_22] : memref<320000xi32, #tpu.memory_space<hbm>> -> memref<80xi32, #tpu.memory_space<hbm>>
      %dma_wait3A_353 = arith.constant 0 : i32
      %dma_wait3A_354 = tpu.memref_slice %arg6[%dma_wait3A_353] : memref<320xi32, #tpu.memory_space<vmem>> -> memref<80xi32, #tpu.memory_space<vmem>>
      %dma_wait3A_355 = tpu.memref_slice %arg3[%add3A_22] : memref<320000xi32, #tpu.memory_space<hbm>> -> memref<80xi32, #tpu.memory_space<hbm>>
      tpu.wait_dma2 semaphore(%run_scoped3A : memref<!tpu.dma_semaphore, #tpu.memory_space<semaphore_mem>>) src(%dma_wait3A_355 : memref<80xi32, #tpu.memory_space<hbm>>) dst(%dma_wait3A_354 : memref<80xi32, #tpu.memory_space<vmem>>)
      tpu.yield
    }) : () -> ()
    %add3A_23 = arith.constant 9920 : i32
    %add3A_24 = arith.addi %mul3A_2, %add3A_23 : i32
    "tpu.region"() ({
      %run_scoped3A = tpu.sem_alloc : memref<!tpu.dma_semaphore, #tpu.memory_space<semaphore_mem>>
      %dma_start3A_344 = tpu.memref_slice %arg4[%add3A_24] : memref<320000xi32, #tpu.memory_space<hbm>> -> memref<80xi32, #tpu.memory_space<hbm>>
      %dma_start3A_345 = tpu.memref_slice %arg4[%add3A_24] : memref<320000xi32, #tpu.memory_space<hbm>> -> memref<80xi32, #tpu.memory_space<hbm>>
      tpu.enqueue_dma source(%dma_start3A_345 : memref<80xi32, #tpu.memory_space<hbm>>) target(%arg10 : memref<80xi32, #tpu.memory_space<vmem>>) target_semaphore(%run_scoped3A : memref<!tpu.dma_semaphore, #tpu.memory_space<semaphore_mem>>)
      %dma_wait3A_346 = tpu.memref_slice %arg4[%add3A_24] : memref<320000xi32, #tpu.memory_space<hbm>> -> memref<80xi32, #tpu.memory_space<hbm>>
      %dma_wait3A_347 = tpu.memref_slice %arg4[%add3A_24] : memref<320000xi32, #tpu.memory_space<hbm>> -> memref<80xi32, #tpu.memory_space<hbm>>
      tpu.wait_dma2 semaphore(%run_scoped3A : memref<!tpu.dma_semaphore, #tpu.memory_space<semaphore_mem>>) src(%dma_wait3A_347 : memref<80xi32, #tpu.memory_space<hbm>>) dst(%arg10 : memref<80xi32, #tpu.memory_space<vmem>>)
      tpu.yield
    }) : () -> ()
    %dma_start3A = arith.constant 0 : i32
    %dma_start3A_25 = arith.constant 0 : i32
    %dma_start3A_26 = arith.constant 0 : i32
    %dma_start3A_27 = tpu.memref_slice %arg18[%dma_start3A, %dma_start3A_25, %dma_start3A_26] : memref<4x80x128xf32, #tpu.memory_space<vmem>> -> memref<1x80x128xf32, #tpu.memory_space<vmem>>
    %dma_start3A_28 = tpu.memref_squeeze %dma_start3A_27 : memref<1x80x128xf32, #tpu.memory_space<vmem>> -> memref<80x128xf32, #tpu.memory_space<vmem>>
    %dma_start3A_29 = arith.constant 0 : i32
    %dma_start3A_30 = tpu.memref_slice %arg6[%dma_start3A_29] : memref<320xi32, #tpu.memory_space<vmem>> -> memref<80xi32, #tpu.memory_space<vmem>>
    %dma_start3A_31 = arith.constant 0 : i32
    %dma_start3A_32 = arith.constant 0 : i32
    %dma_start3A_33 = tpu.memref_slice %arg2[%dma_start3A_31, %dma_start3A_32] : memref<10000x128xf32, #tpu.memory_space<hbm>> -> memref<10000x128xf32, #tpu.memory_space<hbm>>
    tpu.enqueue_indirect_dma source(%dma_start3A_33 : memref<10000x128xf32, #tpu.memory_space<hbm>>) target(%dma_start3A_28 : memref<80x128xf32, #tpu.memory_space<vmem>>) offsets(%dma_start3A_30 : memref<80xi32, #tpu.memory_space<vmem>>) semaphore(%arg22 : memref<!tpu.dma_semaphore, #tpu.memory_space<semaphore_mem>>)
    %dma_wait3A = arith.constant 0 : i32
    %dma_wait3A_34 = arith.constant 0 : i32
    %dma_wait3A_35 = arith.constant 0 : i32
    %dma_wait3A_36 = tpu.memref_slice %arg18[%dma_wait3A, %dma_wait3A_34, %dma_wait3A_35] : memref<4x80x128xf32, #tpu.memory_space<vmem>> -> memref<1x80x128xf32, #tpu.memory_space<vmem>>
    %dma_wait3A_37 = tpu.memref_squeeze %dma_wait3A_36 : memref<1x80x128xf32, #tpu.memory_space<vmem>> -> memref<80x128xf32, #tpu.memory_space<vmem>>
    %dma_wait3A_38 = arith.constant 0 : i32
    %dma_wait3A_39 = tpu.memref_slice %arg6[%dma_wait3A_38] : memref<320xi32, #tpu.memory_space<vmem>> -> memref<80xi32, #tpu.memory_space<vmem>>
    %dma_wait3A_40 = arith.constant 0 : i32
    %dma_wait3A_41 = arith.constant 0 : i32
    %dma_wait3A_42 = tpu.memref_slice %arg2[%dma_wait3A_40, %dma_wait3A_41] : memref<10000x128xf32, #tpu.memory_space<hbm>> -> memref<10000x128xf32, #tpu.memory_space<hbm>>
    tpu.wait_indirect_dma semaphore(%arg22 : memref<!tpu.dma_semaphore, #tpu.memory_space<semaphore_mem>>) src(%dma_wait3A_42 : memref<10000x128xf32, #tpu.memory_space<hbm>>) dst(%dma_wait3A_37 : memref<80x128xf32, #tpu.memory_space<vmem>>)
    %dma_start3A_43 = arith.constant 0 : i32
    %dma_start3A_44 = arith.constant 0 : i32
    %dma_start3A_45 = arith.constant 0 : i32
    %dma_start3A_46 = tpu.memref_slice %arg18[%dma_start3A_43, %dma_start3A_44, %dma_start3A_45] : memref<4x80x128xf32, #tpu.memory_space<vmem>> -> memref<1x80x128xf32, #tpu.memory_space<vmem>>
    %dma_start3A_47 = tpu.memref_squeeze %dma_start3A_46 : memref<1x80x128xf32, #tpu.memory_space<vmem>> -> memref<80x128xf32, #tpu.memory_space<vmem>>
    %dma_start3A_48 = arith.constant 0 : i32
    %dma_start3A_49 = arith.constant 0 : i32
    %dma_start3A_50 = tpu.memref_slice %arg20[%dma_start3A_48, %dma_start3A_49] : memref<10240x128xf32, #tpu.memory_space<vmem_shared>> -> memref<10240x128xf32, #tpu.memory_space<vmem_shared>>
    tpu.enqueue_indirect_dma source(%dma_start3A_47 : memref<80x128xf32, #tpu.memory_space<vmem>>) target(%dma_start3A_50 : memref<10240x128xf32, #tpu.memory_space<vmem_shared>>) offsets(%arg10 : memref<80xi32, #tpu.memory_space<vmem>>) semaphore(%arg26 : memref<!tpu.dma_semaphore, #tpu.memory_space<semaphore_mem>>) {add = true}
    %dma_wait3A_51 = arith.constant 0 : i32
    %dma_wait3A_52 = arith.constant 0 : i32
    %dma_wait3A_53 = arith.constant 0 : i32
    %dma_wait3A_54 = tpu.memref_slice %arg18[%dma_wait3A_51, %dma_wait3A_52, %dma_wait3A_53] : memref<4x80x128xf32, #tpu.memory_space<vmem>> -> memref<1x80x128xf32, #tpu.memory_space<vmem>>
    %dma_wait3A_55 = tpu.memref_squeeze %dma_wait3A_54 : memref<1x80x128xf32, #tpu.memory_space<vmem>> -> memref<80x128xf32, #tpu.memory_space<vmem>>
    %dma_wait3A_56 = arith.constant 0 : i32
    %dma_wait3A_57 = arith.constant 0 : i32
    %dma_wait3A_58 = tpu.memref_slice %arg20[%dma_wait3A_56, %dma_wait3A_57] : memref<10240x128xf32, #tpu.memory_space<vmem_shared>> -> memref<10240x128xf32, #tpu.memory_space<vmem_shared>>
    tpu.wait_indirect_dma semaphore(%arg26 : memref<!tpu.dma_semaphore, #tpu.memory_space<semaphore_mem>>) src(%dma_wait3A_55 : memref<80x128xf32, #tpu.memory_space<vmem>>) dst(%dma_wait3A_58 : memref<10240x128xf32, #tpu.memory_space<vmem_shared>>)
    %add3A_59 = arith.constant 0 : i32
    %add3A_60 = arith.addi %mul3A_2, %add3A_59 : i32
    %dma_start3A_61 = tpu.memref_slice %arg3[%add3A_60] : memref<320000xi32, #tpu.memory_space<hbm>> -> memref<320xi32, #tpu.memory_space<hbm>>
    %dma_start3A_62 = tpu.memref_slice %arg3[%add3A_60] : memref<320000xi32, #tpu.memory_space<hbm>> -> memref<320xi32, #tpu.memory_space<hbm>>
    tpu.enqueue_dma source(%dma_start3A_62 : memref<320xi32, #tpu.memory_space<hbm>>) target(%arg6 : memref<320xi32, #tpu.memory_space<vmem>>) target_semaphore(%arg21 : memref<!tpu.dma_semaphore, #tpu.memory_space<semaphore_mem>>)
    %dma_start3A_63 = tpu.memref_slice %arg4[%add3A_60] : memref<320000xi32, #tpu.memory_space<hbm>> -> memref<320xi32, #tpu.memory_space<hbm>>
    %dma_start3A_64 = tpu.memref_slice %arg4[%add3A_60] : memref<320000xi32, #tpu.memory_space<hbm>> -> memref<320xi32, #tpu.memory_space<hbm>>
    tpu.enqueue_dma source(%dma_start3A_64 : memref<320xi32, #tpu.memory_space<hbm>>) target(%arg8 : memref<320xi32, #tpu.memory_space<vmem>>) target_semaphore(%arg21 : memref<!tpu.dma_semaphore, #tpu.memory_space<semaphore_mem>>)
    %dma_wait3A_65 = arith.constant 0 : i32
    %dma_wait3A_66 = tpu.memref_slice %arg3[%dma_wait3A_65] : memref<320000xi32, #tpu.memory_space<hbm>> -> memref<320xi32, #tpu.memory_space<hbm>>
    %dma_wait3A_67 = arith.constant 0 : i32
    %dma_wait3A_68 = tpu.memref_slice %arg3[%dma_wait3A_67] : memref<320000xi32, #tpu.memory_space<hbm>> -> memref<320xi32, #tpu.memory_space<hbm>>
    tpu.wait_dma2 semaphore(%arg21 : memref<!tpu.dma_semaphore, #tpu.memory_space<semaphore_mem>>) src(%dma_wait3A_68 : memref<320xi32, #tpu.memory_space<hbm>>) dst(%arg6 : memref<320xi32, #tpu.memory_space<vmem>>)
    %dma_wait3A_69 = arith.constant 0 : i32
    %dma_wait3A_70 = tpu.memref_slice %arg4[%dma_wait3A_69] : memref<320000xi32, #tpu.memory_space<hbm>> -> memref<320xi32, #tpu.memory_space<hbm>>
    %dma_wait3A_71 = arith.constant 0 : i32
    %dma_wait3A_72 = tpu.memref_slice %arg4[%dma_wait3A_71] : memref<320000xi32, #tpu.memory_space<hbm>> -> memref<320xi32, #tpu.memory_space<hbm>>
    tpu.wait_dma2 semaphore(%arg21 : memref<!tpu.dma_semaphore, #tpu.memory_space<semaphore_mem>>) src(%dma_wait3A_72 : memref<320xi32, #tpu.memory_space<hbm>>) dst(%arg8 : memref<320xi32, #tpu.memory_space<vmem>>)
    %get3A = arith.constant 0 : index
    %get3A_73 = tpu.vector_load %arg8[%get3A] {strides = array<i32>} : memref<320xi32, #tpu.memory_space<vmem>>, vector<16xi32>,
    %swap3A = arith.constant 0 : index
    %swap3A_74 = tpu.vector_load %arg10[%swap3A] {strides = array<i32>} : memref<80xi32, #tpu.memory_space<vmem>>, vector<16xi32>,
    tpu.vector_store %arg10[%swap3A], %get3A_73 {strides = array<i32>} : memref<80xi32, #tpu.memory_space<vmem>>, vector<16xi32>,
    %get3A_75 = arith.constant 16 : index
    %get3A_76 = tpu.vector_load %arg8[%get3A_75] {strides = array<i32>} : memref<320xi32, #tpu.memory_space<vmem>>, vector<16xi32>,
    %swap3A_77 = arith.constant 16 : index
    %swap3A_78 = tpu.vector_load %arg10[%swap3A_77] {strides = array<i32>} : memref<80xi32, #tpu.memory_space<vmem>>, vector<16xi32>,
    tpu.vector_store %arg10[%swap3A_77], %get3A_76 {strides = array<i32>} : memref<80xi32, #tpu.memory_space<vmem>>, vector<16xi32>,
    %get3A_79 = arith.constant 32 : index
    %get3A_80 = tpu.vector_load %arg8[%get3A_79] {strides = array<i32>} : memref<320xi32, #tpu.memory_space<vmem>>, vector<16xi32>,
    %swap3A_81 = arith.constant 32 : index
    %swap3A_82 = tpu.vector_load %arg10[%swap3A_81] {strides = array<i32>} : memref<80xi32, #tpu.memory_space<vmem>>, vector<16xi32>,
    tpu.vector_store %arg10[%swap3A_81], %get3A_80 {strides = array<i32>} : memref<80xi32, #tpu.memory_space<vmem>>, vector<16xi32>,
    %get3A_83 = arith.constant 48 : index
    %get3A_84 = tpu.vector_load %arg8[%get3A_83] {strides = array<i32>} : memref<320xi32, #tpu.memory_space<vmem>>, vector<16xi32>,
    %swap3A_85 = arith.constant 48 : index
    %swap3A_86 = tpu.vector_load %arg10[%swap3A_85] {strides = array<i32>} : memref<80xi32, #tpu.memory_space<vmem>>, vector<16xi32>,
    tpu.vector_store %arg10[%swap3A_85], %get3A_84 {strides = array<i32>} : memref<80xi32, #tpu.memory_space<vmem>>, vector<16xi32>,
    %get3A_87 = arith.constant 64 : index
    %get3A_88 = tpu.vector_load %arg8[%get3A_87] {strides = array<i32>} : memref<320xi32, #tpu.memory_space<vmem>>, vector<16xi32>,
    %swap3A_89 = arith.constant 64 : index
    %swap3A_90 = tpu.vector_load %arg10[%swap3A_89] {strides = array<i32>} : memref<80xi32, #tpu.memory_space<vmem>>, vector<16xi32>,
    tpu.vector_store %arg10[%swap3A_89], %get3A_88 {strides = array<i32>} : memref<80xi32, #tpu.memory_space<vmem>>, vector<16xi32>,
    %get3A_91 = arith.constant 80 : index
    %get3A_92 = tpu.vector_load %arg8[%get3A_91] {strides = array<i32>} : memref<320xi32, #tpu.memory_space<vmem>>, vector<16xi32>,
    %swap3A_93 = arith.constant 0 : index
    %swap3A_94 = tpu.vector_load %arg11[%swap3A_93] {strides = array<i32>} : memref<80xi32, #tpu.memory_space<vmem>>, vector<16xi32>,
    tpu.vector_store %arg11[%swap3A_93], %get3A_92 {strides = array<i32>} : memref<80xi32, #tpu.memory_space<vmem>>, vector<16xi32>,
    %get3A_95 = arith.constant 96 : index
    %get3A_96 = tpu.vector_load %arg8[%get3A_95] {strides = array<i32>} : memref<320xi32, #tpu.memory_space<vmem>>, vector<16xi32>,
    %swap3A_97 = arith.constant 16 : index
    %swap3A_98 = tpu.vector_load %arg11[%swap3A_97] {strides = array<i32>} : memref<80xi32, #tpu.memory_space<vmem>>, vector<16xi32>,
    tpu.vector_store %arg11[%swap3A_97], %get3A_96 {strides = array<i32>} : memref<80xi32, #tpu.memory_space<vmem>>, vector<16xi32>,
    %get3A_99 = arith.constant 112 : index
    %get3A_100 = tpu.vector_load %arg8[%get3A_99] {strides = array<i32>} : memref<320xi32, #tpu.memory_space<vmem>>, vector<16xi32>,
    %swap3A_101 = arith.constant 32 : index
    %swap3A_102 = tpu.vector_load %arg11[%swap3A_101] {strides = array<i32>} : memref<80xi32, #tpu.memory_space<vmem>>, vector<16xi32>,
    tpu.vector_store %arg11[%swap3A_101], %get3A_100 {strides = array<i32>} : memref<80xi32, #tpu.memory_space<vmem>>, vector<16xi32>,
    %get3A_103 = arith.constant 128 : index
    %get3A_104 = tpu.vector_load %arg8[%get3A_103] {strides = array<i32>} : memref<320xi32, #tpu.memory_space<vmem>>, vector<16xi32>,
    %swap3A_105 = arith.constant 48 : index
    %swap3A_106 = tpu.vector_load %arg11[%swap3A_105] {strides = array<i32>} : memref<80xi32, #tpu.memory_space<vmem>>, vector<16xi32>,
    tpu.vector_store %arg11[%swap3A_105], %get3A_104 {strides = array<i32>} : memref<80xi32, #tpu.memory_space<vmem>>, vector<16xi32>,
    %get3A_107 = arith.constant 144 : index
    %get3A_108 = tpu.vector_load %arg8[%get3A_107] {strides = array<i32>} : memref<320xi32, #tpu.memory_space<vmem>>, vector<16xi32>,
    %swap3A_109 = arith.constant 64 : index
    %swap3A_110 = tpu.vector_load %arg11[%swap3A_109] {strides = array<i32>} : memref<80xi32, #tpu.memory_space<vmem>>, vector<16xi32>,
    tpu.vector_store %arg11[%swap3A_109], %get3A_108 {strides = array<i32>} : memref<80xi32, #tpu.memory_space<vmem>>, vector<16xi32>,
    %get3A_111 = arith.constant 160 : index
    %get3A_112 = tpu.vector_load %arg8[%get3A_111] {strides = array<i32>} : memref<320xi32, #tpu.memory_space<vmem>>, vector<16xi32>,
    %swap3A_113 = arith.constant 0 : index
    %swap3A_114 = tpu.vector_load %arg12[%swap3A_113] {strides = array<i32>} : memref<80xi32, #tpu.memory_space<vmem>>, vector<16xi32>,
    tpu.vector_store %arg12[%swap3A_113], %get3A_112 {strides = array<i32>} : memref<80xi32, #tpu.memory_space<vmem>>, vector<16xi32>,
    %get3A_115 = arith.constant 176 : index
    %get3A_116 = tpu.vector_load %arg8[%get3A_115] {strides = array<i32>} : memref<320xi32, #tpu.memory_space<vmem>>, vector<16xi32>,
    %swap3A_117 = arith.constant 16 : index
    %swap3A_118 = tpu.vector_load %arg12[%swap3A_117] {strides = array<i32>} : memref<80xi32, #tpu.memory_space<vmem>>, vector<16xi32>,
    tpu.vector_store %arg12[%swap3A_117], %get3A_116 {strides = array<i32>} : memref<80xi32, #tpu.memory_space<vmem>>, vector<16xi32>,
    %get3A_119 = arith.constant 192 : index
    %get3A_120 = tpu.vector_load %arg8[%get3A_119] {strides = array<i32>} : memref<320xi32, #tpu.memory_space<vmem>>, vector<16xi32>,
    %swap3A_121 = arith.constant 32 : index
    %swap3A_122 = tpu.vector_load %arg12[%swap3A_121] {strides = array<i32>} : memref<80xi32, #tpu.memory_space<vmem>>, vector<16xi32>,
    tpu.vector_store %arg12[%swap3A_121], %get3A_120 {strides = array<i32>} : memref<80xi32, #tpu.memory_space<vmem>>, vector<16xi32>,
    %get3A_123 = arith.constant 208 : index
    %get3A_124 = tpu.vector_load %arg8[%get3A_123] {strides = array<i32>} : memref<320xi32, #tpu.memory_space<vmem>>, vector<16xi32>,
    %swap3A_125 = arith.constant 48 : index
    %swap3A_126 = tpu.vector_load %arg12[%swap3A_125] {strides = array<i32>} : memref<80xi32, #tpu.memory_space<vmem>>, vector<16xi32>,
    tpu.vector_store %arg12[%swap3A_125], %get3A_124 {strides = array<i32>} : memref<80xi32, #tpu.memory_space<vmem>>, vector<16xi32>,
    %get3A_127 = arith.constant 224 : index
    %get3A_128 = tpu.vector_load %arg8[%get3A_127] {strides = array<i32>} : memref<320xi32, #tpu.memory_space<vmem>>, vector<16xi32>,
    %swap3A_129 = arith.constant 64 : index
    %swap3A_130 = tpu.vector_load %arg12[%swap3A_129] {strides = array<i32>} : memref<80xi32, #tpu.memory_space<vmem>>, vector<16xi32>,
    tpu.vector_store %arg12[%swap3A_129], %get3A_128 {strides = array<i32>} : memref<80xi32, #tpu.memory_space<vmem>>, vector<16xi32>,
    %get3A_131 = arith.constant 240 : index
    %get3A_132 = tpu.vector_load %arg8[%get3A_131] {strides = array<i32>} : memref<320xi32, #tpu.memory_space<vmem>>, vector<16xi32>,
    %swap3A_133 = arith.constant 0 : index
    %swap3A_134 = tpu.vector_load %arg13[%swap3A_133] {strides = array<i32>} : memref<80xi32, #tpu.memory_space<vmem>>, vector<16xi32>,
    tpu.vector_store %arg13[%swap3A_133], %get3A_132 {strides = array<i32>} : memref<80xi32, #tpu.memory_space<vmem>>, vector<16xi32>,
    %get3A_135 = arith.constant 256 : index
    %get3A_136 = tpu.vector_load %arg8[%get3A_135] {strides = array<i32>} : memref<320xi32, #tpu.memory_space<vmem>>, vector<16xi32>,
    %swap3A_137 = arith.constant 16 : index
    %swap3A_138 = tpu.vector_load %arg13[%swap3A_137] {strides = array<i32>} : memref<80xi32, #tpu.memory_space<vmem>>, vector<16xi32>,
    tpu.vector_store %arg13[%swap3A_137], %get3A_136 {strides = array<i32>} : memref<80xi32, #tpu.memory_space<vmem>>, vector<16xi32>,
    %get3A_139 = arith.constant 272 : index
    %get3A_140 = tpu.vector_load %arg8[%get3A_139] {strides = array<i32>} : memref<320xi32, #tpu.memory_space<vmem>>, vector<16xi32>,
    %swap3A_141 = arith.constant 32 : index
    %swap3A_142 = tpu.vector_load %arg13[%swap3A_141] {strides = array<i32>} : memref<80xi32, #tpu.memory_space<vmem>>, vector<16xi32>,
    tpu.vector_store %arg13[%swap3A_141], %get3A_140 {strides = array<i32>} : memref<80xi32, #tpu.memory_space<vmem>>, vector<16xi32>,
    %get3A_143 = arith.constant 288 : index
    %get3A_144 = tpu.vector_load %arg8[%get3A_143] {strides = array<i32>} : memref<320xi32, #tpu.memory_space<vmem>>, vector<16xi32>,
    %swap3A_145 = arith.constant 48 : index
    %swap3A_146 = tpu.vector_load %arg13[%swap3A_145] {strides = array<i32>} : memref<80xi32, #tpu.memory_space<vmem>>, vector<16xi32>,
    tpu.vector_store %arg13[%swap3A_145], %get3A_144 {strides = array<i32>} : memref<80xi32, #tpu.memory_space<vmem>>, vector<16xi32>,
    %get3A_147 = arith.constant 304 : index
    %get3A_148 = tpu.vector_load %arg8[%get3A_147] {strides = array<i32>} : memref<320xi32, #tpu.memory_space<vmem>>, vector<16xi32>,
    %swap3A_149 = arith.constant 64 : index
    %swap3A_150 = tpu.vector_load %arg13[%swap3A_149] {strides = array<i32>} : memref<80xi32, #tpu.memory_space<vmem>>, vector<16xi32>,
    tpu.vector_store %arg13[%swap3A_149], %get3A_148 {strides = array<i32>} : memref<80xi32, #tpu.memory_space<vmem>>, vector<16xi32>,
    %dma_start3A_151 = arith.constant 0 : i32
    %dma_start3A_152 = arith.constant 0 : i32
    %dma_start3A_153 = arith.constant 0 : i32
    %dma_start3A_154 = tpu.memref_slice %arg18[%dma_start3A_151, %dma_start3A_152, %dma_start3A_153] : memref<4x80x128xf32, #tpu.memory_space<vmem>> -> memref<1x80x128xf32, #tpu.memory_space<vmem>>
    %dma_start3A_155 = tpu.memref_squeeze %dma_start3A_154 : memref<1x80x128xf32, #tpu.memory_space<vmem>> -> memref<80x128xf32, #tpu.memory_space<vmem>>
    %dma_start3A_156 = arith.constant 0 : i32
    %dma_start3A_157 = tpu.memref_slice %arg6[%dma_start3A_156] : memref<320xi32, #tpu.memory_space<vmem>> -> memref<80xi32, #tpu.memory_space<vmem>>
    %dma_start3A_158 = arith.constant 0 : i32
    %dma_start3A_159 = arith.constant 0 : i32
    %dma_start3A_160 = tpu.memref_slice %arg2[%dma_start3A_158, %dma_start3A_159] : memref<10000x128xf32, #tpu.memory_space<hbm>> -> memref<10000x128xf32, #tpu.memory_space<hbm>>
    tpu.enqueue_indirect_dma source(%dma_start3A_160 : memref<10000x128xf32, #tpu.memory_space<hbm>>) target(%dma_start3A_155 : memref<80x128xf32, #tpu.memory_space<vmem>>) offsets(%dma_start3A_157 : memref<80xi32, #tpu.memory_space<vmem>>) semaphore(%arg22 : memref<!tpu.dma_semaphore, #tpu.memory_space<semaphore_mem>>)
    %dma_start3A_161 = arith.constant 1 : i32
    %dma_start3A_162 = arith.constant 0 : i32
    %dma_start3A_163 = arith.constant 0 : i32
    %dma_start3A_164 = tpu.memref_slice %arg18[%dma_start3A_161, %dma_start3A_162, %dma_start3A_163] : memref<4x80x128xf32, #tpu.memory_space<vmem>> -> memref<1x80x128xf32, #tpu.memory_space<vmem>>
    %dma_start3A_165 = tpu.memref_squeeze %dma_start3A_164 : memref<1x80x128xf32, #tpu.memory_space<vmem>> -> memref<80x128xf32, #tpu.memory_space<vmem>>
    %dma_start3A_166 = arith.constant 80 : i32
    %dma_start3A_167 = tpu.memref_slice %arg6[%dma_start3A_166] : memref<320xi32, #tpu.memory_space<vmem>> -> memref<80xi32, #tpu.memory_space<vmem>>
    %dma_start3A_168 = arith.constant 0 : i32
    %dma_start3A_169 = arith.constant 0 : i32
    %dma_start3A_170 = tpu.memref_slice %arg2[%dma_start3A_168, %dma_start3A_169] : memref<10000x128xf32, #tpu.memory_space<hbm>> -> memref<10000x128xf32, #tpu.memory_space<hbm>>
    tpu.enqueue_indirect_dma source(%dma_start3A_170 : memref<10000x128xf32, #tpu.memory_space<hbm>>) target(%dma_start3A_165 : memref<80x128xf32, #tpu.memory_space<vmem>>) offsets(%dma_start3A_167 : memref<80xi32, #tpu.memory_space<vmem>>) semaphore(%arg23 : memref<!tpu.dma_semaphore, #tpu.memory_space<semaphore_mem>>)
    %dma_start3A_171 = arith.constant 2 : i32
    %dma_start3A_172 = arith.constant 0 : i32
    %dma_start3A_173 = arith.constant 0 : i32
    %dma_start3A_174 = tpu.memref_slice %arg18[%dma_start3A_171, %dma_start3A_172, %dma_start3A_173] : memref<4x80x128xf32, #tpu.memory_space<vmem>> -> memref<1x80x128xf32, #tpu.memory_space<vmem>>
    %dma_start3A_175 = tpu.memref_squeeze %dma_start3A_174 : memref<1x80x128xf32, #tpu.memory_space<vmem>> -> memref<80x128xf32, #tpu.memory_space<vmem>>
    %dma_start3A_176 = arith.constant 160 : i32
    %dma_start3A_177 = tpu.memref_slice %arg6[%dma_start3A_176] : memref<320xi32, #tpu.memory_space<vmem>> -> memref<80xi32, #tpu.memory_space<vmem>>
    %dma_start3A_178 = arith.constant 0 : i32
    %dma_start3A_179 = arith.constant 0 : i32
    %dma_start3A_180 = tpu.memref_slice %arg2[%dma_start3A_178, %dma_start3A_179] : memref<10000x128xf32, #tpu.memory_space<hbm>> -> memref<10000x128xf32, #tpu.memory_space<hbm>>
    tpu.enqueue_indirect_dma source(%dma_start3A_180 : memref<10000x128xf32, #tpu.memory_space<hbm>>) target(%dma_start3A_175 : memref<80x128xf32, #tpu.memory_space<vmem>>) offsets(%dma_start3A_177 : memref<80xi32, #tpu.memory_space<vmem>>) semaphore(%arg24 : memref<!tpu.dma_semaphore, #tpu.memory_space<semaphore_mem>>)
    %dma_start3A_181 = arith.constant 3 : i32
    %dma_start3A_182 = arith.constant 0 : i32
    %dma_start3A_183 = arith.constant 0 : i32
    %dma_start3A_184 = tpu.memref_slice %arg18[%dma_start3A_181, %dma_start3A_182, %dma_start3A_183] : memref<4x80x128xf32, #tpu.memory_space<vmem>> -> memref<1x80x128xf32, #tpu.memory_space<vmem>>
    %dma_start3A_185 = tpu.memref_squeeze %dma_start3A_184 : memref<1x80x128xf32, #tpu.memory_space<vmem>> -> memref<80x128xf32, #tpu.memory_space<vmem>>
    %dma_start3A_186 = arith.constant 240 : i32
    %dma_start3A_187 = tpu.memref_slice %arg6[%dma_start3A_186] : memref<320xi32, #tpu.memory_space<vmem>> -> memref<80xi32, #tpu.memory_space<vmem>>
    %dma_start3A_188 = arith.constant 0 : i32
    %dma_start3A_189 = arith.constant 0 : i32
    %dma_start3A_190 = tpu.memref_slice %arg2[%dma_start3A_188, %dma_start3A_189] : memref<10000x128xf32, #tpu.memory_space<hbm>> -> memref<10000x128xf32, #tpu.memory_space<hbm>>
    tpu.enqueue_indirect_dma source(%dma_start3A_190 : memref<10000x128xf32, #tpu.memory_space<hbm>>) target(%dma_start3A_185 : memref<80x128xf32, #tpu.memory_space<vmem>>) offsets(%dma_start3A_187 : memref<80xi32, #tpu.memory_space<vmem>>) semaphore(%arg25 : memref<!tpu.dma_semaphore, #tpu.memory_space<semaphore_mem>>)
    %add3A_191 = arith.constant 320 : i32
    %add3A_192 = arith.addi %mul3A_2, %add3A_191 : i32
    %dma_start3A_193 = tpu.memref_slice %arg3[%add3A_192] : memref<320000xi32, #tpu.memory_space<hbm>> -> memref<320xi32, #tpu.memory_space<hbm>>
    %dma_start3A_194 = tpu.memref_slice %arg3[%add3A_192] : memref<320000xi32, #tpu.memory_space<hbm>> -> memref<320xi32, #tpu.memory_space<hbm>>
    tpu.enqueue_dma source(%dma_start3A_194 : memref<320xi32, #tpu.memory_space<hbm>>) target(%arg7 : memref<320xi32, #tpu.memory_space<vmem>>) target_semaphore(%arg21 : memref<!tpu.dma_semaphore, #tpu.memory_space<semaphore_mem>>)
    %dma_start3A_195 = tpu.memref_slice %arg4[%add3A_192] : memref<320000xi32, #tpu.memory_space<hbm>> -> memref<320xi32, #tpu.memory_space<hbm>>
    %dma_start3A_196 = tpu.memref_slice %arg4[%add3A_192] : memref<320000xi32, #tpu.memory_space<hbm>> -> memref<320xi32, #tpu.memory_space<hbm>>
    tpu.enqueue_dma source(%dma_start3A_196 : memref<320xi32, #tpu.memory_space<hbm>>) target(%arg9 : memref<320xi32, #tpu.memory_space<vmem>>) target_semaphore(%arg21 : memref<!tpu.dma_semaphore, #tpu.memory_space<semaphore_mem>>)
    %scan3A_197 = arith.constant 0 : i32
    %scan3A_198 = arith.constant 0 : i32
    %scan3A_199 = arith.constant 15 : i32
    %scan3A_200 = arith.addi %scan3A_198, %scan3A_199 : i32
    %scan3A_201 = arith.constant 1 : i32
    scf.for %scan3A_344 = %scan3A_198 to %scan3A_200 step %scan3A_201  : i32 {
      %mul3A_345 = arith.constant 2 : i32
      %mul3A_346 = arith.muli %mul3A_345, %scan3A_344 : i32
      %add3A_347 = arith.constant 1 : i32
      %add3A_348 = arith.addi %mul3A_346, %add3A_347 : i32
      %dma_wait3A_349 = arith.constant 0 : i32
      %dma_wait3A_350 = tpu.memref_slice %arg3[%dma_wait3A_349] : memref<320000xi32, #tpu.memory_space<hbm>> -> memref<320xi32, #tpu.memory_space<hbm>>
      %dma_wait3A_351 = arith.constant 0 : i32
      %dma_wait3A_352 = tpu.memref_slice %arg3[%dma_wait3A_351] : memref<320000xi32, #tpu.memory_space<hbm>> -> memref<320xi32, #tpu.memory_space<hbm>>
      tpu.wait_dma2 semaphore(%arg21 : memref<!tpu.dma_semaphore, #tpu.memory_space<semaphore_mem>>) src(%dma_wait3A_352 : memref<320xi32, #tpu.memory_space<hbm>>) dst(%arg7 : memref<320xi32, #tpu.memory_space<vmem>>)
      %dma_wait3A_353 = arith.constant 0 : i32
      %dma_wait3A_354 = tpu.memref_slice %arg4[%dma_wait3A_353] : memref<320000xi32, #tpu.memory_space<hbm>> -> memref<320xi32, #tpu.memory_space<hbm>>
      %dma_wait3A_355 = arith.constant 0 : i32
      %dma_wait3A_356 = tpu.memref_slice %arg4[%dma_wait3A_355] : memref<320000xi32, #tpu.memory_space<hbm>> -> memref<320xi32, #tpu.memory_space<hbm>>
      tpu.wait_dma2 semaphore(%arg21 : memref<!tpu.dma_semaphore, #tpu.memory_space<semaphore_mem>>) src(%dma_wait3A_356 : memref<320xi32, #tpu.memory_space<hbm>>) dst(%arg9 : memref<320xi32, #tpu.memory_space<vmem>>)
      %get3A_357 = arith.constant 0 : index
      %get3A_358 = tpu.vector_load %arg9[%get3A_357] {strides = array<i32>} : memref<320xi32, #tpu.memory_space<vmem>>, vector<16xi32>,
      %swap3A_359 = arith.constant 0 : index
      %swap3A_360 = tpu.vector_load %arg14[%swap3A_359] {strides = array<i32>} : memref<80xi32, #tpu.memory_space<vmem>>, vector<16xi32>,
      tpu.vector_store %arg14[%swap3A_359], %get3A_358 {strides = array<i32>} : memref<80xi32, #tpu.memory_space<vmem>>, vector<16xi32>,
      %get3A_361 = arith.constant 16 : index
      %get3A_362 = tpu.vector_load %arg9[%get3A_361] {strides = array<i32>} : memref<320xi32, #tpu.memory_space<vmem>>, vector<16xi32>,
      %swap3A_363 = arith.constant 16 : index
      %swap3A_364 = tpu.vector_load %arg14[%swap3A_363] {strides = array<i32>} : memref<80xi32, #tpu.memory_space<vmem>>, vector<16xi32>,
      tpu.vector_store %arg14[%swap3A_363], %get3A_362 {strides = array<i32>} : memref<80xi32, #tpu.memory_space<vmem>>, vector<16xi32>,
      %get3A_365 = arith.constant 32 : index
      %get3A_366 = tpu.vector_load %arg9[%get3A_365] {strides = array<i32>} : memref<320xi32, #tpu.memory_space<vmem>>, vector<16xi32>,
      %swap3A_367 = arith.constant 32 : index
      %swap3A_368 = tpu.vector_load %arg14[%swap3A_367] {strides = array<i32>} : memref<80xi32, #tpu.memory_space<vmem>>, vector<16xi32>,
      tpu.vector_store %arg14[%swap3A_367], %get3A_366 {strides = array<i32>} : memref<80xi32, #tpu.memory_space<vmem>>, vector<16xi32>,
      %get3A_369 = arith.constant 48 : index
      %get3A_370 = tpu.vector_load %arg9[%get3A_369] {strides = array<i32>} : memref<320xi32, #tpu.memory_space<vmem>>, vector<16xi32>,
      %swap3A_371 = arith.constant 48 : index
      %swap3A_372 = tpu.vector_load %arg14[%swap3A_371] {strides = array<i32>} : memref<80xi32, #tpu.memory_space<vmem>>, vector<16xi32>,
      tpu.vector_store %arg14[%swap3A_371], %get3A_370 {strides = array<i32>} : memref<80xi32, #tpu.memory_space<vmem>>, vector<16xi32>,
      %get3A_373 = arith.constant 64 : index
      %get3A_374 = tpu.vector_load %arg9[%get3A_373] {strides = array<i32>} : memref<320xi32, #tpu.memory_space<vmem>>, vector<16xi32>,
      %swap3A_375 = arith.constant 64 : index
      %swap3A_376 = tpu.vector_load %arg14[%swap3A_375] {strides = array<i32>} : memref<80xi32, #tpu.memory_space<vmem>>, vector<16xi32>,
      tpu.vector_store %arg14[%swap3A_375], %get3A_374 {strides = array<i32>} : memref<80xi32, #tpu.memory_space<vmem>>, vector<16xi32>,
      %get3A_377 = arith.constant 80 : index
      %get3A_378 = tpu.vector_load %arg9[%get3A_377] {strides = array<i32>} : memref<320xi32, #tpu.memory_space<vmem>>, vector<16xi32>,
      %swap3A_379 = arith.constant 0 : index
      %swap3A_380 = tpu.vector_load %arg15[%swap3A_379] {strides = array<i32>} : memref<80xi32, #tpu.memory_space<vmem>>, vector<16xi32>,
      tpu.vector_store %arg15[%swap3A_379], %get3A_378 {strides = array<i32>} : memref<80xi32, #tpu.memory_space<vmem>>, vector<16xi32>,
      %get3A_381 = arith.constant 96 : index
      %get3A_382 = tpu.vector_load %arg9[%get3A_381] {strides = array<i32>} : memref<320xi32, #tpu.memory_space<vmem>>, vector<16xi32>,
      %swap3A_383 = arith.constant 16 : index
      %swap3A_384 = tpu.vector_load %arg15[%swap3A_383] {strides = array<i32>} : memref<80xi32, #tpu.memory_space<vmem>>, vector<16xi32>,
      tpu.vector_store %arg15[%swap3A_383], %get3A_382 {strides = array<i32>} : memref<80xi32, #tpu.memory_space<vmem>>, vector<16xi32>,
      %get3A_385 = arith.constant 112 : index
      %get3A_386 = tpu.vector_load %arg9[%get3A_385] {strides = array<i32>} : memref<320xi32, #tpu.memory_space<vmem>>, vector<16xi32>,
      %swap3A_387 = arith.constant 32 : index
      %swap3A_388 = tpu.vector_load %arg15[%swap3A_387] {strides = array<i32>} : memref<80xi32, #tpu.memory_space<vmem>>, vector<16xi32>,
      tpu.vector_store %arg15[%swap3A_387], %get3A_386 {strides = array<i32>} : memref<80xi32, #tpu.memory_space<vmem>>, vector<16xi32>,
      %get3A_389 = arith.constant 128 : index
      %get3A_390 = tpu.vector_load %arg9[%get3A_389] {strides = array<i32>} : memref<320xi32, #tpu.memory_space<vmem>>, vector<16xi32>,
      %swap3A_391 = arith.constant 48 : index
      %swap3A_392 = tpu.vector_load %arg15[%swap3A_391] {strides = array<i32>} : memref<80xi32, #tpu.memory_space<vmem>>, vector<16xi32>,
      tpu.vector_store %arg15[%swap3A_391], %get3A_390 {strides = array<i32>} : memref<80xi32, #tpu.memory_space<vmem>>, vector<16xi32>,
      %get3A_393 = arith.constant 144 : index
      %get3A_394 = tpu.vector_load %arg9[%get3A_393] {strides = array<i32>} : memref<320xi32, #tpu.memory_space<vmem>>, vector<16xi32>,
      %swap3A_395 = arith.constant 64 : index
      %swap3A_396 = tpu.vector_load %arg15[%swap3A_395] {strides = array<i32>} : memref<80xi32, #tpu.memory_space<vmem>>, vector<16xi32>,
      tpu.vector_store %arg15[%swap3A_395], %get3A_394 {strides = array<i32>} : memref<80xi32, #tpu.memory_space<vmem>>, vector<16xi32>,
      %get3A_397 = arith.constant 160 : index
      %get3A_398 = tpu.vector_load %arg9[%get3A_397] {strides = array<i32>} : memref<320xi32, #tpu.memory_space<vmem>>, vector<16xi32>,
      %swap3A_399 = arith.constant 0 : index
      %swap3A_400 = tpu.vector_load %arg16[%swap3A_399] {strides = array<i32>} : memref<80xi32, #tpu.memory_space<vmem>>, vector<16xi32>,
      tpu.vector_store %arg16[%swap3A_399], %get3A_398 {strides = array<i32>} : memref<80xi32, #tpu.memory_space<vmem>>, vector<16xi32>,
      %get3A_401 = arith.constant 176 : index
      %get3A_402 = tpu.vector_load %arg9[%get3A_401] {strides = array<i32>} : memref<320xi32, #tpu.memory_space<vmem>>, vector<16xi32>,
      %swap3A_403 = arith.constant 16 : index
      %swap3A_404 = tpu.vector_load %arg16[%swap3A_403] {strides = array<i32>} : memref<80xi32, #tpu.memory_space<vmem>>, vector<16xi32>,
      tpu.vector_store %arg16[%swap3A_403], %get3A_402 {strides = array<i32>} : memref<80xi32, #tpu.memory_space<vmem>>, vector<16xi32>,
      %get3A_405 = arith.constant 192 : index
      %get3A_406 = tpu.vector_load %arg9[%get3A_405] {strides = array<i32>} : memref<320xi32, #tpu.memory_space<vmem>>, vector<16xi32>,
      %swap3A_407 = arith.constant 32 : index
      %swap3A_408 = tpu.vector_load %arg16[%swap3A_407] {strides = array<i32>} : memref<80xi32, #tpu.memory_space<vmem>>, vector<16xi32>,
      tpu.vector_store %arg16[%swap3A_407], %get3A_406 {strides = array<i32>} : memref<80xi32, #tpu.memory_space<vmem>>, vector<16xi32>,
      %get3A_409 = arith.constant 208 : index
      %get3A_410 = tpu.vector_load %arg9[%get3A_409] {strides = array<i32>} : memref<320xi32, #tpu.memory_space<vmem>>, vector<16xi32>,
      %swap3A_411 = arith.constant 48 : index
      %swap3A_412 = tpu.vector_load %arg16[%swap3A_411] {strides = array<i32>} : memref<80xi32, #tpu.memory_space<vmem>>, vector<16xi32>,
      tpu.vector_store %arg16[%swap3A_411], %get3A_410 {strides = array<i32>} : memref<80xi32, #tpu.memory_space<vmem>>, vector<16xi32>,
      %get3A_413 = arith.constant 224 : index
      %get3A_414 = tpu.vector_load %arg9[%get3A_413] {strides = array<i32>} : memref<320xi32, #tpu.memory_space<vmem>>, vector<16xi32>,
      %swap3A_415 = arith.constant 64 : index
      %swap3A_416 = tpu.vector_load %arg16[%swap3A_415] {strides = array<i32>} : memref<80xi32, #tpu.memory_space<vmem>>, vector<16xi32>,
      tpu.vector_store %arg16[%swap3A_415], %get3A_414 {strides = array<i32>} : memref<80xi32, #tpu.memory_space<vmem>>, vector<16xi32>,
      %get3A_417 = arith.constant 240 : index
      %get3A_418 = tpu.vector_load %arg9[%get3A_417] {strides = array<i32>} : memref<320xi32, #tpu.memory_space<vmem>>, vector<16xi32>,
      %swap3A_419 = arith.constant 0 : index
      %swap3A_420 = tpu.vector_load %arg17[%swap3A_419] {strides = array<i32>} : memref<80xi32, #tpu.memory_space<vmem>>, vector<16xi32>,
      tpu.vector_store %arg17[%swap3A_419], %get3A_418 {strides = array<i32>} : memref<80xi32, #tpu.memory_space<vmem>>, vector<16xi32>,
      %get3A_421 = arith.constant 256 : index
      %get3A_422 = tpu.vector_load %arg9[%get3A_421] {strides = array<i32>} : memref<320xi32, #tpu.memory_space<vmem>>, vector<16xi32>,
      %swap3A_423 = arith.constant 16 : index
      %swap3A_424 = tpu.vector_load %arg17[%swap3A_423] {strides = array<i32>} : memref<80xi32, #tpu.memory_space<vmem>>, vector<16xi32>,
      tpu.vector_store %arg17[%swap3A_423], %get3A_422 {strides = array<i32>} : memref<80xi32, #tpu.memory_space<vmem>>, vector<16xi32>,
      %get3A_425 = arith.constant 272 : index
      %get3A_426 = tpu.vector_load %arg9[%get3A_425] {strides = array<i32>} : memref<320xi32, #tpu.memory_space<vmem>>, vector<16xi32>,
      %swap3A_427 = arith.constant 32 : index
      %swap3A_428 = tpu.vector_load %arg17[%swap3A_427] {strides = array<i32>} : memref<80xi32, #tpu.memory_space<vmem>>, vector<16xi32>,
      tpu.vector_store %arg17[%swap3A_427], %get3A_426 {strides = array<i32>} : memref<80xi32, #tpu.memory_space<vmem>>, vector<16xi32>,
      %get3A_429 = arith.constant 288 : index
      %get3A_430 = tpu.vector_load %arg9[%get3A_429] {strides = array<i32>} : memref<320xi32, #tpu.memory_space<vmem>>, vector<16xi32>,
      %swap3A_431 = arith.constant 48 : index
      %swap3A_432 = tpu.vector_load %arg17[%swap3A_431] {strides = array<i32>} : memref<80xi32, #tpu.memory_space<vmem>>, vector<16xi32>,
      tpu.vector_store %arg17[%swap3A_431], %get3A_430 {strides = array<i32>} : memref<80xi32, #tpu.memory_space<vmem>>, vector<16xi32>,
      %get3A_433 = arith.constant 304 : index
      %get3A_434 = tpu.vector_load %arg9[%get3A_433] {strides = array<i32>} : memref<320xi32, #tpu.memory_space<vmem>>, vector<16xi32>,
      %swap3A_435 = arith.constant 64 : index
      %swap3A_436 = tpu.vector_load %arg17[%swap3A_435] {strides = array<i32>} : memref<80xi32, #tpu.memory_space<vmem>>, vector<16xi32>,
      tpu.vector_store %arg17[%swap3A_435], %get3A_434 {strides = array<i32>} : memref<80xi32, #tpu.memory_space<vmem>>, vector<16xi32>,
      %dma_wait3A_437 = arith.constant 0 : i32
      %dma_wait3A_438 = arith.constant 0 : i32
      %dma_wait3A_439 = arith.constant 0 : i32
      %dma_wait3A_440 = tpu.memref_slice %arg18[%dma_wait3A_437, %dma_wait3A_438, %dma_wait3A_439] : memref<4x80x128xf32, #tpu.memory_space<vmem>> -> memref<1x80x128xf32, #tpu.memory_space<vmem>>
      %dma_wait3A_441 = tpu.memref_squeeze %dma_wait3A_440 : memref<1x80x128xf32, #tpu.memory_space<vmem>> -> memref<80x128xf32, #tpu.memory_space<vmem>>
      %dma_wait3A_442 = arith.constant 0 : i32
      %dma_wait3A_443 = tpu.memref_slice %arg6[%dma_wait3A_442] : memref<320xi32, #tpu.memory_space<vmem>> -> memref<80xi32, #tpu.memory_space<vmem>>
      %dma_wait3A_444 = arith.constant 0 : i32
      %dma_wait3A_445 = arith.constant 0 : i32
      %dma_wait3A_446 = tpu.memref_slice %arg2[%dma_wait3A_444, %dma_wait3A_445] : memref<10000x128xf32, #tpu.memory_space<hbm>> -> memref<10000x128xf32, #tpu.memory_space<hbm>>
      tpu.wait_indirect_dma semaphore(%arg22 : memref<!tpu.dma_semaphore, #tpu.memory_space<semaphore_mem>>) src(%dma_wait3A_446 : memref<10000x128xf32, #tpu.memory_space<hbm>>) dst(%dma_wait3A_441 : memref<80x128xf32, #tpu.memory_space<vmem>>)
      %dma_start3A_447 = arith.constant 0 : i32
      %dma_start3A_448 = arith.constant 0 : i32
      %dma_start3A_449 = arith.constant 0 : i32
      %dma_start3A_450 = tpu.memref_slice %arg18[%dma_start3A_447, %dma_start3A_448, %dma_start3A_449] : memref<4x80x128xf32, #tpu.memory_space<vmem>> -> memref<1x80x128xf32, #tpu.memory_space<vmem>>
      %dma_start3A_451 = tpu.memref_squeeze %dma_start3A_450 : memref<1x80x128xf32, #tpu.memory_space<vmem>> -> memref<80x128xf32, #tpu.memory_space<vmem>>
      %dma_start3A_452 = arith.constant 0 : i32
      %dma_start3A_453 = arith.constant 0 : i32
      %dma_start3A_454 = tpu.memref_slice %arg20[%dma_start3A_452, %dma_start3A_453] : memref<10240x128xf32, #tpu.memory_space<vmem_shared>> -> memref<10240x128xf32, #tpu.memory_space<vmem_shared>>
      tpu.enqueue_indirect_dma source(%dma_start3A_451 : memref<80x128xf32, #tpu.memory_space<vmem>>) target(%dma_start3A_454 : memref<10240x128xf32, #tpu.memory_space<vmem_shared>>) offsets(%arg10 : memref<80xi32, #tpu.memory_space<vmem>>) semaphore(%arg26 : memref<!tpu.dma_semaphore, #tpu.memory_space<semaphore_mem>>) {add = true}
      %dma_wait3A_455 = arith.constant 1 : i32
      %dma_wait3A_456 = arith.constant 0 : i32
      %dma_wait3A_457 = arith.constant 0 : i32
      %dma_wait3A_458 = tpu.memref_slice %arg18[%dma_wait3A_455, %dma_wait3A_456, %dma_wait3A_457] : memref<4x80x128xf32, #tpu.memory_space<vmem>> -> memref<1x80x128xf32, #tpu.memory_space<vmem>>
      %dma_wait3A_459 = tpu.memref_squeeze %dma_wait3A_458 : memref<1x80x128xf32, #tpu.memory_space<vmem>> -> memref<80x128xf32, #tpu.memory_space<vmem>>
      %dma_wait3A_460 = arith.constant 0 : i32
      %dma_wait3A_461 = tpu.memref_slice %arg6[%dma_wait3A_460] : memref<320xi32, #tpu.memory_space<vmem>> -> memref<80xi32, #tpu.memory_space<vmem>>
      %dma_wait3A_462 = arith.constant 0 : i32
      %dma_wait3A_463 = arith.constant 0 : i32
      %dma_wait3A_464 = tpu.memref_slice %arg2[%dma_wait3A_462, %dma_wait3A_463] : memref<10000x128xf32, #tpu.memory_space<hbm>> -> memref<10000x128xf32, #tpu.memory_space<hbm>>
      tpu.wait_indirect_dma semaphore(%arg23 : memref<!tpu.dma_semaphore, #tpu.memory_space<semaphore_mem>>) src(%dma_wait3A_464 : memref<10000x128xf32, #tpu.memory_space<hbm>>) dst(%dma_wait3A_459 : memref<80x128xf32, #tpu.memory_space<vmem>>)
      %dma_start3A_465 = arith.constant 1 : i32
      %dma_start3A_466 = arith.constant 0 : i32
      %dma_start3A_467 = arith.constant 0 : i32
      %dma_start3A_468 = tpu.memref_slice %arg18[%dma_start3A_465, %dma_start3A_466, %dma_start3A_467] : memref<4x80x128xf32, #tpu.memory_space<vmem>> -> memref<1x80x128xf32, #tpu.memory_space<vmem>>
      %dma_start3A_469 = tpu.memref_squeeze %dma_start3A_468 : memref<1x80x128xf32, #tpu.memory_space<vmem>> -> memref<80x128xf32, #tpu.memory_space<vmem>>
      %dma_start3A_470 = arith.constant 0 : i32
      %dma_start3A_471 = arith.constant 0 : i32
      %dma_start3A_472 = tpu.memref_slice %arg20[%dma_start3A_470, %dma_start3A_471] : memref<10240x128xf32, #tpu.memory_space<vmem_shared>> -> memref<10240x128xf32, #tpu.memory_space<vmem_shared>>
      tpu.enqueue_indirect_dma source(%dma_start3A_469 : memref<80x128xf32, #tpu.memory_space<vmem>>) target(%dma_start3A_472 : memref<10240x128xf32, #tpu.memory_space<vmem_shared>>) offsets(%arg11 : memref<80xi32, #tpu.memory_space<vmem>>) semaphore(%arg27 : memref<!tpu.dma_semaphore, #tpu.memory_space<semaphore_mem>>) {add = true}
      %dma_wait3A_473 = arith.constant 2 : i32
      %dma_wait3A_474 = arith.constant 0 : i32
      %dma_wait3A_475 = arith.constant 0 : i32
      %dma_wait3A_476 = tpu.memref_slice %arg18[%dma_wait3A_473, %dma_wait3A_474, %dma_wait3A_475] : memref<4x80x128xf32, #tpu.memory_space<vmem>> -> memref<1x80x128xf32, #tpu.memory_space<vmem>>
      %dma_wait3A_477 = tpu.memref_squeeze %dma_wait3A_476 : memref<1x80x128xf32, #tpu.memory_space<vmem>> -> memref<80x128xf32, #tpu.memory_space<vmem>>
      %dma_wait3A_478 = arith.constant 0 : i32
      %dma_wait3A_479 = tpu.memref_slice %arg6[%dma_wait3A_478] : memref<320xi32, #tpu.memory_space<vmem>> -> memref<80xi32, #tpu.memory_space<vmem>>
      %dma_wait3A_480 = arith.constant 0 : i32
      %dma_wait3A_481 = arith.constant 0 : i32
      %dma_wait3A_482 = tpu.memref_slice %arg2[%dma_wait3A_480, %dma_wait3A_481] : memref<10000x128xf32, #tpu.memory_space<hbm>> -> memref<10000x128xf32, #tpu.memory_space<hbm>>
      tpu.wait_indirect_dma semaphore(%arg24 : memref<!tpu.dma_semaphore, #tpu.memory_space<semaphore_mem>>) src(%dma_wait3A_482 : memref<10000x128xf32, #tpu.memory_space<hbm>>) dst(%dma_wait3A_477 : memref<80x128xf32, #tpu.memory_space<vmem>>)
      %dma_start3A_483 = arith.constant 2 : i32
      %dma_start3A_484 = arith.constant 0 : i32
      %dma_start3A_485 = arith.constant 0 : i32
      %dma_start3A_486 = tpu.memref_slice %arg18[%dma_start3A_483, %dma_start3A_484, %dma_start3A_485] : memref<4x80x128xf32, #tpu.memory_space<vmem>> -> memref<1x80x128xf32, #tpu.memory_space<vmem>>
      %dma_start3A_487 = tpu.memref_squeeze %dma_start3A_486 : memref<1x80x128xf32, #tpu.memory_space<vmem>> -> memref<80x128xf32, #tpu.memory_space<vmem>>
      %dma_start3A_488 = arith.constant 0 : i32
      %dma_start3A_489 = arith.constant 0 : i32
      %dma_start3A_490 = tpu.memref_slice %arg20[%dma_start3A_488, %dma_start3A_489] : memref<10240x128xf32, #tpu.memory_space<vmem_shared>> -> memref<10240x128xf32, #tpu.memory_space<vmem_shared>>
      tpu.enqueue_indirect_dma source(%dma_start3A_487 : memref<80x128xf32, #tpu.memory_space<vmem>>) target(%dma_start3A_490 : memref<10240x128xf32, #tpu.memory_space<vmem_shared>>) offsets(%arg12 : memref<80xi32, #tpu.memory_space<vmem>>) semaphore(%arg28 : memref<!tpu.dma_semaphore, #tpu.memory_space<semaphore_mem>>) {add = true}
      %dma_wait3A_491 = arith.constant 3 : i32
      %dma_wait3A_492 = arith.constant 0 : i32
      %dma_wait3A_493 = arith.constant 0 : i32
      %dma_wait3A_494 = tpu.memref_slice %arg18[%dma_wait3A_491, %dma_wait3A_492, %dma_wait3A_493] : memref<4x80x128xf32, #tpu.memory_space<vmem>> -> memref<1x80x128xf32, #tpu.memory_space<vmem>>
      %dma_wait3A_495 = tpu.memref_squeeze %dma_wait3A_494 : memref<1x80x128xf32, #tpu.memory_space<vmem>> -> memref<80x128xf32, #tpu.memory_space<vmem>>
      %dma_wait3A_496 = arith.constant 0 : i32
      %dma_wait3A_497 = tpu.memref_slice %arg6[%dma_wait3A_496] : memref<320xi32, #tpu.memory_space<vmem>> -> memref<80xi32, #tpu.memory_space<vmem>>
      %dma_wait3A_498 = arith.constant 0 : i32
      %dma_wait3A_499 = arith.constant 0 : i32
      %dma_wait3A_500 = tpu.memref_slice %arg2[%dma_wait3A_498, %dma_wait3A_499] : memref<10000x128xf32, #tpu.memory_space<hbm>> -> memref<10000x128xf32, #tpu.memory_space<hbm>>
      tpu.wait_indirect_dma semaphore(%arg25 : memref<!tpu.dma_semaphore, #tpu.memory_space<semaphore_mem>>) src(%dma_wait3A_500 : memref<10000x128xf32, #tpu.memory_space<hbm>>) dst(%dma_wait3A_495 : memref<80x128xf32, #tpu.memory_space<vmem>>)
      %dma_start3A_501 = arith.constant 3 : i32
      %dma_start3A_502 = arith.constant 0 : i32
      %dma_start3A_503 = arith.constant 0 : i32
      %dma_start3A_504 = tpu.memref_slice %arg18[%dma_start3A_501, %dma_start3A_502, %dma_start3A_503] : memref<4x80x128xf32, #tpu.memory_space<vmem>> -> memref<1x80x128xf32, #tpu.memory_space<vmem>>
      %dma_start3A_505 = tpu.memref_squeeze %dma_start3A_504 : memref<1x80x128xf32, #tpu.memory_space<vmem>> -> memref<80x128xf32, #tpu.memory_space<vmem>>
      %dma_start3A_506 = arith.constant 0 : i32
      %dma_start3A_507 = arith.constant 0 : i32
      %dma_start3A_508 = tpu.memref_slice %arg20[%dma_start3A_506, %dma_start3A_507] : memref<10240x128xf32, #tpu.memory_space<vmem_shared>> -> memref<10240x128xf32, #tpu.memory_space<vmem_shared>>
      tpu.enqueue_indirect_dma source(%dma_start3A_505 : memref<80x128xf32, #tpu.memory_space<vmem>>) target(%dma_start3A_508 : memref<10240x128xf32, #tpu.memory_space<vmem_shared>>) offsets(%arg13 : memref<80xi32, #tpu.memory_space<vmem>>) semaphore(%arg29 : memref<!tpu.dma_semaphore, #tpu.memory_space<semaphore_mem>>) {add = true}
      %dma_wait3A_509 = arith.constant 0 : i32
      %dma_wait3A_510 = arith.constant 0 : i32
      %dma_wait3A_511 = arith.constant 0 : i32
      %dma_wait3A_512 = tpu.memref_slice %arg18[%dma_wait3A_509, %dma_wait3A_510, %dma_wait3A_511] : memref<4x80x128xf32, #tpu.memory_space<vmem>> -> memref<1x80x128xf32, #tpu.memory_space<vmem>>
      %dma_wait3A_513 = tpu.memref_squeeze %dma_wait3A_512 : memref<1x80x128xf32, #tpu.memory_space<vmem>> -> memref<80x128xf32, #tpu.memory_space<vmem>>
      %dma_wait3A_514 = arith.constant 0 : i32
      %dma_wait3A_515 = arith.constant 0 : i32
      %dma_wait3A_516 = tpu.memref_slice %arg20[%dma_wait3A_514, %dma_wait3A_515] : memref<10240x128xf32, #tpu.memory_space<vmem_shared>> -> memref<10240x128xf32, #tpu.memory_space<vmem_shared>>
      tpu.wait_indirect_dma semaphore(%arg26 : memref<!tpu.dma_semaphore, #tpu.memory_space<semaphore_mem>>) src(%dma_wait3A_513 : memref<80x128xf32, #tpu.memory_space<vmem>>) dst(%dma_wait3A_516 : memref<10240x128xf32, #tpu.memory_space<vmem_shared>>)
      %dma_start3A_517 = arith.constant 0 : i32
      %dma_start3A_518 = arith.constant 0 : i32
      %dma_start3A_519 = arith.constant 0 : i32
      %dma_start3A_520 = tpu.memref_slice %arg18[%dma_start3A_517, %dma_start3A_518, %dma_start3A_519] : memref<4x80x128xf32, #tpu.memory_space<vmem>> -> memref<1x80x128xf32, #tpu.memory_space<vmem>>
      %dma_start3A_521 = tpu.memref_squeeze %dma_start3A_520 : memref<1x80x128xf32, #tpu.memory_space<vmem>> -> memref<80x128xf32, #tpu.memory_space<vmem>>
      %dma_start3A_522 = arith.constant 0 : i32
      %dma_start3A_523 = tpu.memref_slice %arg7[%dma_start3A_522] : memref<320xi32, #tpu.memory_space<vmem>> -> memref<80xi32, #tpu.memory_space<vmem>>
      %dma_start3A_524 = arith.constant 0 : i32
      %dma_start3A_525 = arith.constant 0 : i32
      %dma_start3A_526 = tpu.memref_slice %arg2[%dma_start3A_524, %dma_start3A_525] : memref<10000x128xf32, #tpu.memory_space<hbm>> -> memref<10000x128xf32, #tpu.memory_space<hbm>>
      tpu.enqueue_indirect_dma source(%dma_start3A_526 : memref<10000x128xf32, #tpu.memory_space<hbm>>) target(%dma_start3A_521 : memref<80x128xf32, #tpu.memory_space<vmem>>) offsets(%dma_start3A_523 : memref<80xi32, #tpu.memory_space<vmem>>) semaphore(%arg22 : memref<!tpu.dma_semaphore, #tpu.memory_space<semaphore_mem>>)
      %dma_wait3A_527 = arith.constant 1 : i32
      %dma_wait3A_528 = arith.constant 0 : i32
      %dma_wait3A_529 = arith.constant 0 : i32
      %dma_wait3A_530 = tpu.memref_slice %arg18[%dma_wait3A_527, %dma_wait3A_528, %dma_wait3A_529] : memref<4x80x128xf32, #tpu.memory_space<vmem>> -> memref<1x80x128xf32, #tpu.memory_space<vmem>>
      %dma_wait3A_531 = tpu.memref_squeeze %dma_wait3A_530 : memref<1x80x128xf32, #tpu.memory_space<vmem>> -> memref<80x128xf32, #tpu.memory_space<vmem>>
      %dma_wait3A_532 = arith.constant 0 : i32
      %dma_wait3A_533 = arith.constant 0 : i32
      %dma_wait3A_534 = tpu.memref_slice %arg20[%dma_wait3A_532, %dma_wait3A_533] : memref<10240x128xf32, #tpu.memory_space<vmem_shared>> -> memref<10240x128xf32, #tpu.memory_space<vmem_shared>>
      tpu.wait_indirect_dma semaphore(%arg27 : memref<!tpu.dma_semaphore, #tpu.memory_space<semaphore_mem>>) src(%dma_wait3A_531 : memref<80x128xf32, #tpu.memory_space<vmem>>) dst(%dma_wait3A_534 : memref<10240x128xf32, #tpu.memory_space<vmem_shared>>)
      %dma_start3A_535 = arith.constant 1 : i32
      %dma_start3A_536 = arith.constant 0 : i32
      %dma_start3A_537 = arith.constant 0 : i32
      %dma_start3A_538 = tpu.memref_slice %arg18[%dma_start3A_535, %dma_start3A_536, %dma_start3A_537] : memref<4x80x128xf32, #tpu.memory_space<vmem>> -> memref<1x80x128xf32, #tpu.memory_space<vmem>>
      %dma_start3A_539 = tpu.memref_squeeze %dma_start3A_538 : memref<1x80x128xf32, #tpu.memory_space<vmem>> -> memref<80x128xf32, #tpu.memory_space<vmem>>
      %dma_start3A_540 = arith.constant 80 : i32
      %dma_start3A_541 = tpu.memref_slice %arg7[%dma_start3A_540] : memref<320xi32, #tpu.memory_space<vmem>> -> memref<80xi32, #tpu.memory_space<vmem>>
      %dma_start3A_542 = arith.constant 0 : i32
      %dma_start3A_543 = arith.constant 0 : i32
      %dma_start3A_544 = tpu.memref_slice %arg2[%dma_start3A_542, %dma_start3A_543] : memref<10000x128xf32, #tpu.memory_space<hbm>> -> memref<10000x128xf32, #tpu.memory_space<hbm>>
      tpu.enqueue_indirect_dma source(%dma_start3A_544 : memref<10000x128xf32, #tpu.memory_space<hbm>>) target(%dma_start3A_539 : memref<80x128xf32, #tpu.memory_space<vmem>>) offsets(%dma_start3A_541 : memref<80xi32, #tpu.memory_space<vmem>>) semaphore(%arg23 : memref<!tpu.dma_semaphore, #tpu.memory_space<semaphore_mem>>)
      %dma_wait3A_545 = arith.constant 2 : i32
      %dma_wait3A_546 = arith.constant 0 : i32
      %dma_wait3A_547 = arith.constant 0 : i32
      %dma_wait3A_548 = tpu.memref_slice %arg18[%dma_wait3A_545, %dma_wait3A_546, %dma_wait3A_547] : memref<4x80x128xf32, #tpu.memory_space<vmem>> -> memref<1x80x128xf32, #tpu.memory_space<vmem>>
      %dma_wait3A_549 = tpu.memref_squeeze %dma_wait3A_548 : memref<1x80x128xf32, #tpu.memory_space<vmem>> -> memref<80x128xf32, #tpu.memory_space<vmem>>
      %dma_wait3A_550 = arith.constant 0 : i32
      %dma_wait3A_551 = arith.constant 0 : i32
      %dma_wait3A_552 = tpu.memref_slice %arg20[%dma_wait3A_550, %dma_wait3A_551] : memref<10240x128xf32, #tpu.memory_space<vmem_shared>> -> memref<10240x128xf32, #tpu.memory_space<vmem_shared>>
      tpu.wait_indirect_dma semaphore(%arg28 : memref<!tpu.dma_semaphore, #tpu.memory_space<semaphore_mem>>) src(%dma_wait3A_549 : memref<80x128xf32, #tpu.memory_space<vmem>>) dst(%dma_wait3A_552 : memref<10240x128xf32, #tpu.memory_space<vmem_shared>>)
      %dma_start3A_553 = arith.constant 2 : i32
      %dma_start3A_554 = arith.constant 0 : i32
      %dma_start3A_555 = arith.constant 0 : i32
      %dma_start3A_556 = tpu.memref_slice %arg18[%dma_start3A_553, %dma_start3A_554, %dma_start3A_555] : memref<4x80x128xf32, #tpu.memory_space<vmem>> -> memref<1x80x128xf32, #tpu.memory_space<vmem>>
      %dma_start3A_557 = tpu.memref_squeeze %dma_start3A_556 : memref<1x80x128xf32, #tpu.memory_space<vmem>> -> memref<80x128xf32, #tpu.memory_space<vmem>>
      %dma_start3A_558 = arith.constant 160 : i32
      %dma_start3A_559 = tpu.memref_slice %arg7[%dma_start3A_558] : memref<320xi32, #tpu.memory_space<vmem>> -> memref<80xi32, #tpu.memory_space<vmem>>
      %dma_start3A_560 = arith.constant 0 : i32
      %dma_start3A_561 = arith.constant 0 : i32
      %dma_start3A_562 = tpu.memref_slice %arg2[%dma_start3A_560, %dma_start3A_561] : memref<10000x128xf32, #tpu.memory_space<hbm>> -> memref<10000x128xf32, #tpu.memory_space<hbm>>
      tpu.enqueue_indirect_dma source(%dma_start3A_562 : memref<10000x128xf32, #tpu.memory_space<hbm>>) target(%dma_start3A_557 : memref<80x128xf32, #tpu.memory_space<vmem>>) offsets(%dma_start3A_559 : memref<80xi32, #tpu.memory_space<vmem>>) semaphore(%arg24 : memref<!tpu.dma_semaphore, #tpu.memory_space<semaphore_mem>>)
      %dma_wait3A_563 = arith.constant 3 : i32
      %dma_wait3A_564 = arith.constant 0 : i32
      %dma_wait3A_565 = arith.constant 0 : i32
      %dma_wait3A_566 = tpu.memref_slice %arg18[%dma_wait3A_563, %dma_wait3A_564, %dma_wait3A_565] : memref<4x80x128xf32, #tpu.memory_space<vmem>> -> memref<1x80x128xf32, #tpu.memory_space<vmem>>
      %dma_wait3A_567 = tpu.memref_squeeze %dma_wait3A_566 : memref<1x80x128xf32, #tpu.memory_space<vmem>> -> memref<80x128xf32, #tpu.memory_space<vmem>>
      %dma_wait3A_568 = arith.constant 0 : i32
      %dma_wait3A_569 = arith.constant 0 : i32
      %dma_wait3A_570 = tpu.memref_slice %arg20[%dma_wait3A_568, %dma_wait3A_569] : memref<10240x128xf32, #tpu.memory_space<vmem_shared>> -> memref<10240x128xf32, #tpu.memory_space<vmem_shared>>
      tpu.wait_indirect_dma semaphore(%arg29 : memref<!tpu.dma_semaphore, #tpu.memory_space<semaphore_mem>>) src(%dma_wait3A_567 : memref<80x128xf32, #tpu.memory_space<vmem>>) dst(%dma_wait3A_570 : memref<10240x128xf32, #tpu.memory_space<vmem_shared>>)
      %dma_start3A_571 = arith.constant 3 : i32
      %dma_start3A_572 = arith.constant 0 : i32
      %dma_start3A_573 = arith.constant 0 : i32
      %dma_start3A_574 = tpu.memref_slice %arg18[%dma_start3A_571, %dma_start3A_572, %dma_start3A_573] : memref<4x80x128xf32, #tpu.memory_space<vmem>> -> memref<1x80x128xf32, #tpu.memory_space<vmem>>
      %dma_start3A_575 = tpu.memref_squeeze %dma_start3A_574 : memref<1x80x128xf32, #tpu.memory_space<vmem>> -> memref<80x128xf32, #tpu.memory_space<vmem>>
      %dma_start3A_576 = arith.constant 240 : i32
      %dma_start3A_577 = tpu.memref_slice %arg7[%dma_start3A_576] : memref<320xi32, #tpu.memory_space<vmem>> -> memref<80xi32, #tpu.memory_space<vmem>>
      %dma_start3A_578 = arith.constant 0 : i32
      %dma_start3A_579 = arith.constant 0 : i32
      %dma_start3A_580 = tpu.memref_slice %arg2[%dma_start3A_578, %dma_start3A_579] : memref<10000x128xf32, #tpu.memory_space<hbm>> -> memref<10000x128xf32, #tpu.memory_space<hbm>>
      tpu.enqueue_indirect_dma source(%dma_start3A_580 : memref<10000x128xf32, #tpu.memory_space<hbm>>) target(%dma_start3A_575 : memref<80x128xf32, #tpu.memory_space<vmem>>) offsets(%dma_start3A_577 : memref<80xi32, #tpu.memory_space<vmem>>) semaphore(%arg25 : memref<!tpu.dma_semaphore, #tpu.memory_space<semaphore_mem>>)
      %add3A_581 = arith.constant 1 : i32
      %add3A_582 = arith.addi %add3A_348, %add3A_581 : i32
      %lt3A = arith.constant 31 : i32
      %lt3A_583 = arith.cmpi slt, %add3A_582, %lt3A : i32
      %convert_element_type3A = arith.extui %lt3A_583 : i1 to i32
      %cond3A = arith.constant 0 : i32
      %cond3A_584 = arith.cmpi ne, %convert_element_type3A, %cond3A : i32
      scf.if %cond3A_584 {
        %add3A_828 = arith.constant 1 : i32
        %add3A_829 = arith.addi %add3A_348, %add3A_828 : i32
        %mul3A_830 = arith.constant 320 : i32
        %mul3A_831 = arith.muli %add3A_829, %mul3A_830 : i32
        %add3A_832 = arith.addi %mul3A_2, %mul3A_831 : i32
        %dma_start3A_833 = tpu.memref_slice %arg3[%add3A_832] : memref<320000xi32, #tpu.memory_space<hbm>> -> memref<320xi32, #tpu.memory_space<hbm>>
        %dma_start3A_834 = tpu.memref_slice %arg3[%add3A_832] : memref<320000xi32, #tpu.memory_space<hbm>> -> memref<320xi32, #tpu.memory_space<hbm>>
        tpu.enqueue_dma source(%dma_start3A_834 : memref<320xi32, #tpu.memory_space<hbm>>) target(%arg6 : memref<320xi32, #tpu.memory_space<vmem>>) target_semaphore(%arg21 : memref<!tpu.dma_semaphore, #tpu.memory_space<semaphore_mem>>)
        %dma_start3A_835 = tpu.memref_slice %arg4[%add3A_832] : memref<320000xi32, #tpu.memory_space<hbm>> -> memref<320xi32, #tpu.memory_space<hbm>>
        %dma_start3A_836 = tpu.memref_slice %arg4[%add3A_832] : memref<320000xi32, #tpu.memory_space<hbm>> -> memref<320xi32, #tpu.memory_space<hbm>>
        tpu.enqueue_dma source(%dma_start3A_836 : memref<320xi32, #tpu.memory_space<hbm>>) target(%arg8 : memref<320xi32, #tpu.memory_space<vmem>>) target_semaphore(%arg21 : memref<!tpu.dma_semaphore, #tpu.memory_space<semaphore_mem>>)
      } else {
      }
      %mul3A_585 = arith.constant 2 : i32
      %mul3A_586 = arith.muli %mul3A_585, %scan3A_344 : i32
      %add3A_587 = arith.constant 2 : i32
      %add3A_588 = arith.addi %mul3A_586, %add3A_587 : i32
      %dma_wait3A_589 = arith.constant 0 : i32
      %dma_wait3A_590 = tpu.memref_slice %arg3[%dma_wait3A_589] : memref<320000xi32, #tpu.memory_space<hbm>> -> memref<320xi32, #tpu.memory_space<hbm>>
      %dma_wait3A_591 = arith.constant 0 : i32
      %dma_wait3A_592 = tpu.memref_slice %arg3[%dma_wait3A_591] : memref<320000xi32, #tpu.memory_space<hbm>> -> memref<320xi32, #tpu.memory_space<hbm>>
      tpu.wait_dma2 semaphore(%arg21 : memref<!tpu.dma_semaphore, #tpu.memory_space<semaphore_mem>>) src(%dma_wait3A_592 : memref<320xi32, #tpu.memory_space<hbm>>) dst(%arg6 : memref<320xi32, #tpu.memory_space<vmem>>)
      %dma_wait3A_593 = arith.constant 0 : i32
      %dma_wait3A_594 = tpu.memref_slice %arg4[%dma_wait3A_593] : memref<320000xi32, #tpu.memory_space<hbm>> -> memref<320xi32, #tpu.memory_space<hbm>>
      %dma_wait3A_595 = arith.constant 0 : i32
      %dma_wait3A_596 = tpu.memref_slice %arg4[%dma_wait3A_595] : memref<320000xi32, #tpu.memory_space<hbm>> -> memref<320xi32, #tpu.memory_space<hbm>>
      tpu.wait_dma2 semaphore(%arg21 : memref<!tpu.dma_semaphore, #tpu.memory_space<semaphore_mem>>) src(%dma_wait3A_596 : memref<320xi32, #tpu.memory_space<hbm>>) dst(%arg8 : memref<320xi32, #tpu.memory_space<vmem>>)
      %get3A_597 = arith.constant 0 : index
      %get3A_598 = tpu.vector_load %arg8[%get3A_597] {strides = array<i32>} : memref<320xi32, #tpu.memory_space<vmem>>, vector<16xi32>,
      %swap3A_599 = arith.constant 0 : index
      %swap3A_600 = tpu.vector_load %arg10[%swap3A_599] {strides = array<i32>} : memref<80xi32, #tpu.memory_space<vmem>>, vector<16xi32>,
      tpu.vector_store %arg10[%swap3A_599], %get3A_598 {strides = array<i32>} : memref<80xi32, #tpu.memory_space<vmem>>, vector<16xi32>,
      %get3A_601 = arith.constant 16 : index
      %get3A_602 = tpu.vector_load %arg8[%get3A_601] {strides = array<i32>} : memref<320xi32, #tpu.memory_space<vmem>>, vector<16xi32>,
      %swap3A_603 = arith.constant 16 : index
      %swap3A_604 = tpu.vector_load %arg10[%swap3A_603] {strides = array<i32>} : memref<80xi32, #tpu.memory_space<vmem>>, vector<16xi32>,
      tpu.vector_store %arg10[%swap3A_603], %get3A_602 {strides = array<i32>} : memref<80xi32, #tpu.memory_space<vmem>>, vector<16xi32>,
      %get3A_605 = arith.constant 32 : index
      %get3A_606 = tpu.vector_load %arg8[%get3A_605] {strides = array<i32>} : memref<320xi32, #tpu.memory_space<vmem>>, vector<16xi32>,
      %swap3A_607 = arith.constant 32 : index
      %swap3A_608 = tpu.vector_load %arg10[%swap3A_607] {strides = array<i32>} : memref<80xi32, #tpu.memory_space<vmem>>, vector<16xi32>,
      tpu.vector_store %arg10[%swap3A_607], %get3A_606 {strides = array<i32>} : memref<80xi32, #tpu.memory_space<vmem>>, vector<16xi32>,
      %get3A_609 = arith.constant 48 : index
      %get3A_610 = tpu.vector_load %arg8[%get3A_609] {strides = array<i32>} : memref<320xi32, #tpu.memory_space<vmem>>, vector<16xi32>,
      %swap3A_611 = arith.constant 48 : index
      %swap3A_612 = tpu.vector_load %arg10[%swap3A_611] {strides = array<i32>} : memref<80xi32, #tpu.memory_space<vmem>>, vector<16xi32>,
      tpu.vector_store %arg10[%swap3A_611], %get3A_610 {strides = array<i32>} : memref<80xi32, #tpu.memory_space<vmem>>, vector<16xi32>,
      %get3A_613 = arith.constant 64 : index
      %get3A_614 = tpu.vector_load %arg8[%get3A_613] {strides = array<i32>} : memref<320xi32, #tpu.memory_space<vmem>>, vector<16xi32>,
      %swap3A_615 = arith.constant 64 : index
      %swap3A_616 = tpu.vector_load %arg10[%swap3A_615] {strides = array<i32>} : memref<80xi32, #tpu.memory_space<vmem>>, vector<16xi32>,
      tpu.vector_store %arg10[%swap3A_615], %get3A_614 {strides = array<i32>} : memref<80xi32, #tpu.memory_space<vmem>>, vector<16xi32>,
      %get3A_617 = arith.constant 80 : index
      %get3A_618 = tpu.vector_load %arg8[%get3A_617] {strides = array<i32>} : memref<320xi32, #tpu.memory_space<vmem>>, vector<16xi32>,
      %swap3A_619 = arith.constant 0 : index
      %swap3A_620 = tpu.vector_load %arg11[%swap3A_619] {strides = array<i32>} : memref<80xi32, #tpu.memory_space<vmem>>, vector<16xi32>,
      tpu.vector_store %arg11[%swap3A_619], %get3A_618 {strides = array<i32>} : memref<80xi32, #tpu.memory_space<vmem>>, vector<16xi32>,
      %get3A_621 = arith.constant 96 : index
      %get3A_622 = tpu.vector_load %arg8[%get3A_621] {strides = array<i32>} : memref<320xi32, #tpu.memory_space<vmem>>, vector<16xi32>,
      %swap3A_623 = arith.constant 16 : index
      %swap3A_624 = tpu.vector_load %arg11[%swap3A_623] {strides = array<i32>} : memref<80xi32, #tpu.memory_space<vmem>>, vector<16xi32>,
      tpu.vector_store %arg11[%swap3A_623], %get3A_622 {strides = array<i32>} : memref<80xi32, #tpu.memory_space<vmem>>, vector<16xi32>,
      %get3A_625 = arith.constant 112 : index
      %get3A_626 = tpu.vector_load %arg8[%get3A_625] {strides = array<i32>} : memref<320xi32, #tpu.memory_space<vmem>>, vector<16xi32>,
      %swap3A_627 = arith.constant 32 : index
      %swap3A_628 = tpu.vector_load %arg11[%swap3A_627] {strides = array<i32>} : memref<80xi32, #tpu.memory_space<vmem>>, vector<16xi32>,
      tpu.vector_store %arg11[%swap3A_627], %get3A_626 {strides = array<i32>} : memref<80xi32, #tpu.memory_space<vmem>>, vector<16xi32>,
      %get3A_629 = arith.constant 128 : index
      %get3A_630 = tpu.vector_load %arg8[%get3A_629] {strides = array<i32>} : memref<320xi32, #tpu.memory_space<vmem>>, vector<16xi32>,
      %swap3A_631 = arith.constant 48 : index
      %swap3A_632 = tpu.vector_load %arg11[%swap3A_631] {strides = array<i32>} : memref<80xi32, #tpu.memory_space<vmem>>, vector<16xi32>,
      tpu.vector_store %arg11[%swap3A_631], %get3A_630 {strides = array<i32>} : memref<80xi32, #tpu.memory_space<vmem>>, vector<16xi32>,
      %get3A_633 = arith.constant 144 : index
      %get3A_634 = tpu.vector_load %arg8[%get3A_633] {strides = array<i32>} : memref<320xi32, #tpu.memory_space<vmem>>, vector<16xi32>,
      %swap3A_635 = arith.constant 64 : index
      %swap3A_636 = tpu.vector_load %arg11[%swap3A_635] {strides = array<i32>} : memref<80xi32, #tpu.memory_space<vmem>>, vector<16xi32>,
      tpu.vector_store %arg11[%swap3A_635], %get3A_634 {strides = array<i32>} : memref<80xi32, #tpu.memory_space<vmem>>, vector<16xi32>,
      %get3A_637 = arith.constant 160 : index
      %get3A_638 = tpu.vector_load %arg8[%get3A_637] {strides = array<i32>} : memref<320xi32, #tpu.memory_space<vmem>>, vector<16xi32>,
      %swap3A_639 = arith.constant 0 : index
      %swap3A_640 = tpu.vector_load %arg12[%swap3A_639] {strides = array<i32>} : memref<80xi32, #tpu.memory_space<vmem>>, vector<16xi32>,
      tpu.vector_store %arg12[%swap3A_639], %get3A_638 {strides = array<i32>} : memref<80xi32, #tpu.memory_space<vmem>>, vector<16xi32>,
      %get3A_641 = arith.constant 176 : index
      %get3A_642 = tpu.vector_load %arg8[%get3A_641] {strides = array<i32>} : memref<320xi32, #tpu.memory_space<vmem>>, vector<16xi32>,
      %swap3A_643 = arith.constant 16 : index
      %swap3A_644 = tpu.vector_load %arg12[%swap3A_643] {strides = array<i32>} : memref<80xi32, #tpu.memory_space<vmem>>, vector<16xi32>,
      tpu.vector_store %arg12[%swap3A_643], %get3A_642 {strides = array<i32>} : memref<80xi32, #tpu.memory_space<vmem>>, vector<16xi32>,
      %get3A_645 = arith.constant 192 : index
      %get3A_646 = tpu.vector_load %arg8[%get3A_645] {strides = array<i32>} : memref<320xi32, #tpu.memory_space<vmem>>, vector<16xi32>,
      %swap3A_647 = arith.constant 32 : index
      %swap3A_648 = tpu.vector_load %arg12[%swap3A_647] {strides = array<i32>} : memref<80xi32, #tpu.memory_space<vmem>>, vector<16xi32>,
      tpu.vector_store %arg12[%swap3A_647], %get3A_646 {strides = array<i32>} : memref<80xi32, #tpu.memory_space<vmem>>, vector<16xi32>,
      %get3A_649 = arith.constant 208 : index
      %get3A_650 = tpu.vector_load %arg8[%get3A_649] {strides = array<i32>} : memref<320xi32, #tpu.memory_space<vmem>>, vector<16xi32>,
      %swap3A_651 = arith.constant 48 : index
      %swap3A_652 = tpu.vector_load %arg12[%swap3A_651] {strides = array<i32>} : memref<80xi32, #tpu.memory_space<vmem>>, vector<16xi32>,
      tpu.vector_store %arg12[%swap3A_651], %get3A_650 {strides = array<i32>} : memref<80xi32, #tpu.memory_space<vmem>>, vector<16xi32>,
      %get3A_653 = arith.constant 224 : index
      %get3A_654 = tpu.vector_load %arg8[%get3A_653] {strides = array<i32>} : memref<320xi32, #tpu.memory_space<vmem>>, vector<16xi32>,
      %swap3A_655 = arith.constant 64 : index
      %swap3A_656 = tpu.vector_load %arg12[%swap3A_655] {strides = array<i32>} : memref<80xi32, #tpu.memory_space<vmem>>, vector<16xi32>,
      tpu.vector_store %arg12[%swap3A_655], %get3A_654 {strides = array<i32>} : memref<80xi32, #tpu.memory_space<vmem>>, vector<16xi32>,
      %get3A_657 = arith.constant 240 : index
      %get3A_658 = tpu.vector_load %arg8[%get3A_657] {strides = array<i32>} : memref<320xi32, #tpu.memory_space<vmem>>, vector<16xi32>,
      %swap3A_659 = arith.constant 0 : index
      %swap3A_660 = tpu.vector_load %arg13[%swap3A_659] {strides = array<i32>} : memref<80xi32, #tpu.memory_space<vmem>>, vector<16xi32>,
      tpu.vector_store %arg13[%swap3A_659], %get3A_658 {strides = array<i32>} : memref<80xi32, #tpu.memory_space<vmem>>, vector<16xi32>,
      %get3A_661 = arith.constant 256 : index
      %get3A_662 = tpu.vector_load %arg8[%get3A_661] {strides = array<i32>} : memref<320xi32, #tpu.memory_space<vmem>>, vector<16xi32>,
      %swap3A_663 = arith.constant 16 : index
      %swap3A_664 = tpu.vector_load %arg13[%swap3A_663] {strides = array<i32>} : memref<80xi32, #tpu.memory_space<vmem>>, vector<16xi32>,
      tpu.vector_store %arg13[%swap3A_663], %get3A_662 {strides = array<i32>} : memref<80xi32, #tpu.memory_space<vmem>>, vector<16xi32>,
      %get3A_665 = arith.constant 272 : index
      %get3A_666 = tpu.vector_load %arg8[%get3A_665] {strides = array<i32>} : memref<320xi32, #tpu.memory_space<vmem>>, vector<16xi32>,
      %swap3A_667 = arith.constant 32 : index
      %swap3A_668 = tpu.vector_load %arg13[%swap3A_667] {strides = array<i32>} : memref<80xi32, #tpu.memory_space<vmem>>, vector<16xi32>,
      tpu.vector_store %arg13[%swap3A_667], %get3A_666 {strides = array<i32>} : memref<80xi32, #tpu.memory_space<vmem>>, vector<16xi32>,
      %get3A_669 = arith.constant 288 : index
      %get3A_670 = tpu.vector_load %arg8[%get3A_669] {strides = array<i32>} : memref<320xi32, #tpu.memory_space<vmem>>, vector<16xi32>,
      %swap3A_671 = arith.constant 48 : index
      %swap3A_672 = tpu.vector_load %arg13[%swap3A_671] {strides = array<i32>} : memref<80xi32, #tpu.memory_space<vmem>>, vector<16xi32>,
      tpu.vector_store %arg13[%swap3A_671], %get3A_670 {strides = array<i32>} : memref<80xi32, #tpu.memory_space<vmem>>, vector<16xi32>,
      %get3A_673 = arith.constant 304 : index
      %get3A_674 = tpu.vector_load %arg8[%get3A_673] {strides = array<i32>} : memref<320xi32, #tpu.memory_space<vmem>>, vector<16xi32>,
      %swap3A_675 = arith.constant 64 : index
      %swap3A_676 = tpu.vector_load %arg13[%swap3A_675] {strides = array<i32>} : memref<80xi32, #tpu.memory_space<vmem>>, vector<16xi32>,
      tpu.vector_store %arg13[%swap3A_675], %get3A_674 {strides = array<i32>} : memref<80xi32, #tpu.memory_space<vmem>>, vector<16xi32>,
      %dma_wait3A_677 = arith.constant 0 : i32
      %dma_wait3A_678 = arith.constant 0 : i32
      %dma_wait3A_679 = arith.constant 0 : i32
      %dma_wait3A_680 = tpu.memref_slice %arg18[%dma_wait3A_677, %dma_wait3A_678, %dma_wait3A_679] : memref<4x80x128xf32, #tpu.memory_space<vmem>> -> memref<1x80x128xf32, #tpu.memory_space<vmem>>
      %dma_wait3A_681 = tpu.memref_squeeze %dma_wait3A_680 : memref<1x80x128xf32, #tpu.memory_space<vmem>> -> memref<80x128xf32, #tpu.memory_space<vmem>>
      %dma_wait3A_682 = arith.constant 0 : i32
      %dma_wait3A_683 = tpu.memref_slice %arg6[%dma_wait3A_682] : memref<320xi32, #tpu.memory_space<vmem>> -> memref<80xi32, #tpu.memory_space<vmem>>
      %dma_wait3A_684 = arith.constant 0 : i32
      %dma_wait3A_685 = arith.constant 0 : i32
      %dma_wait3A_686 = tpu.memref_slice %arg2[%dma_wait3A_684, %dma_wait3A_685] : memref<10000x128xf32, #tpu.memory_space<hbm>> -> memref<10000x128xf32, #tpu.memory_space<hbm>>
      tpu.wait_indirect_dma semaphore(%arg22 : memref<!tpu.dma_semaphore, #tpu.memory_space<semaphore_mem>>) src(%dma_wait3A_686 : memref<10000x128xf32, #tpu.memory_space<hbm>>) dst(%dma_wait3A_681 : memref<80x128xf32, #tpu.memory_space<vmem>>)
      %dma_start3A_687 = arith.constant 0 : i32
      %dma_start3A_688 = arith.constant 0 : i32
      %dma_start3A_689 = arith.constant 0 : i32
      %dma_start3A_690 = tpu.memref_slice %arg18[%dma_start3A_687, %dma_start3A_688, %dma_start3A_689] : memref<4x80x128xf32, #tpu.memory_space<vmem>> -> memref<1x80x128xf32, #tpu.memory_space<vmem>>
      %dma_start3A_691 = tpu.memref_squeeze %dma_start3A_690 : memref<1x80x128xf32, #tpu.memory_space<vmem>> -> memref<80x128xf32, #tpu.memory_space<vmem>>
      %dma_start3A_692 = arith.constant 0 : i32
      %dma_start3A_693 = arith.constant 0 : i32
      %dma_start3A_694 = tpu.memref_slice %arg20[%dma_start3A_692, %dma_start3A_693] : memref<10240x128xf32, #tpu.memory_space<vmem_shared>> -> memref<10240x128xf32, #tpu.memory_space<vmem_shared>>
      tpu.enqueue_indirect_dma source(%dma_start3A_691 : memref<80x128xf32, #tpu.memory_space<vmem>>) target(%dma_start3A_694 : memref<10240x128xf32, #tpu.memory_space<vmem_shared>>) offsets(%arg14 : memref<80xi32, #tpu.memory_space<vmem>>) semaphore(%arg26 : memref<!tpu.dma_semaphore, #tpu.memory_space<semaphore_mem>>) {add = true}
      %dma_wait3A_695 = arith.constant 1 : i32
      %dma_wait3A_696 = arith.constant 0 : i32
      %dma_wait3A_697 = arith.constant 0 : i32
      %dma_wait3A_698 = tpu.memref_slice %arg18[%dma_wait3A_695, %dma_wait3A_696, %dma_wait3A_697] : memref<4x80x128xf32, #tpu.memory_space<vmem>> -> memref<1x80x128xf32, #tpu.memory_space<vmem>>
      %dma_wait3A_699 = tpu.memref_squeeze %dma_wait3A_698 : memref<1x80x128xf32, #tpu.memory_space<vmem>> -> memref<80x128xf32, #tpu.memory_space<vmem>>
      %dma_wait3A_700 = arith.constant 0 : i32
      %dma_wait3A_701 = tpu.memref_slice %arg6[%dma_wait3A_700] : memref<320xi32, #tpu.memory_space<vmem>> -> memref<80xi32, #tpu.memory_space<vmem>>
      %dma_wait3A_702 = arith.constant 0 : i32
      %dma_wait3A_703 = arith.constant 0 : i32
      %dma_wait3A_704 = tpu.memref_slice %arg2[%dma_wait3A_702, %dma_wait3A_703] : memref<10000x128xf32, #tpu.memory_space<hbm>> -> memref<10000x128xf32, #tpu.memory_space<hbm>>
      tpu.wait_indirect_dma semaphore(%arg23 : memref<!tpu.dma_semaphore, #tpu.memory_space<semaphore_mem>>) src(%dma_wait3A_704 : memref<10000x128xf32, #tpu.memory_space<hbm>>) dst(%dma_wait3A_699 : memref<80x128xf32, #tpu.memory_space<vmem>>)
      %dma_start3A_705 = arith.constant 1 : i32
      %dma_start3A_706 = arith.constant 0 : i32
      %dma_start3A_707 = arith.constant 0 : i32
      %dma_start3A_708 = tpu.memref_slice %arg18[%dma_start3A_705, %dma_start3A_706, %dma_start3A_707] : memref<4x80x128xf32, #tpu.memory_space<vmem>> -> memref<1x80x128xf32, #tpu.memory_space<vmem>>
      %dma_start3A_709 = tpu.memref_squeeze %dma_start3A_708 : memref<1x80x128xf32, #tpu.memory_space<vmem>> -> memref<80x128xf32, #tpu.memory_space<vmem>>
      %dma_start3A_710 = arith.constant 0 : i32
      %dma_start3A_711 = arith.constant 0 : i32
      %dma_start3A_712 = tpu.memref_slice %arg20[%dma_start3A_710, %dma_start3A_711] : memref<10240x128xf32, #tpu.memory_space<vmem_shared>> -> memref<10240x128xf32, #tpu.memory_space<vmem_shared>>
      tpu.enqueue_indirect_dma source(%dma_start3A_709 : memref<80x128xf32, #tpu.memory_space<vmem>>) target(%dma_start3A_712 : memref<10240x128xf32, #tpu.memory_space<vmem_shared>>) offsets(%arg15 : memref<80xi32, #tpu.memory_space<vmem>>) semaphore(%arg27 : memref<!tpu.dma_semaphore, #tpu.memory_space<semaphore_mem>>) {add = true}
      %dma_wait3A_713 = arith.constant 2 : i32
      %dma_wait3A_714 = arith.constant 0 : i32
      %dma_wait3A_715 = arith.constant 0 : i32
      %dma_wait3A_716 = tpu.memref_slice %arg18[%dma_wait3A_713, %dma_wait3A_714, %dma_wait3A_715] : memref<4x80x128xf32, #tpu.memory_space<vmem>> -> memref<1x80x128xf32, #tpu.memory_space<vmem>>
      %dma_wait3A_717 = tpu.memref_squeeze %dma_wait3A_716 : memref<1x80x128xf32, #tpu.memory_space<vmem>> -> memref<80x128xf32, #tpu.memory_space<vmem>>
      %dma_wait3A_718 = arith.constant 0 : i32
      %dma_wait3A_719 = tpu.memref_slice %arg6[%dma_wait3A_718] : memref<320xi32, #tpu.memory_space<vmem>> -> memref<80xi32, #tpu.memory_space<vmem>>
      %dma_wait3A_720 = arith.constant 0 : i32
      %dma_wait3A_721 = arith.constant 0 : i32
      %dma_wait3A_722 = tpu.memref_slice %arg2[%dma_wait3A_720, %dma_wait3A_721] : memref<10000x128xf32, #tpu.memory_space<hbm>> -> memref<10000x128xf32, #tpu.memory_space<hbm>>
      tpu.wait_indirect_dma semaphore(%arg24 : memref<!tpu.dma_semaphore, #tpu.memory_space<semaphore_mem>>) src(%dma_wait3A_722 : memref<10000x128xf32, #tpu.memory_space<hbm>>) dst(%dma_wait3A_717 : memref<80x128xf32, #tpu.memory_space<vmem>>)
      %dma_start3A_723 = arith.constant 2 : i32
      %dma_start3A_724 = arith.constant 0 : i32
      %dma_start3A_725 = arith.constant 0 : i32
      %dma_start3A_726 = tpu.memref_slice %arg18[%dma_start3A_723, %dma_start3A_724, %dma_start3A_725] : memref<4x80x128xf32, #tpu.memory_space<vmem>> -> memref<1x80x128xf32, #tpu.memory_space<vmem>>
      %dma_start3A_727 = tpu.memref_squeeze %dma_start3A_726 : memref<1x80x128xf32, #tpu.memory_space<vmem>> -> memref<80x128xf32, #tpu.memory_space<vmem>>
      %dma_start3A_728 = arith.constant 0 : i32
      %dma_start3A_729 = arith.constant 0 : i32
      %dma_start3A_730 = tpu.memref_slice %arg20[%dma_start3A_728, %dma_start3A_729] : memref<10240x128xf32, #tpu.memory_space<vmem_shared>> -> memref<10240x128xf32, #tpu.memory_space<vmem_shared>>
      tpu.enqueue_indirect_dma source(%dma_start3A_727 : memref<80x128xf32, #tpu.memory_space<vmem>>) target(%dma_start3A_730 : memref<10240x128xf32, #tpu.memory_space<vmem_shared>>) offsets(%arg16 : memref<80xi32, #tpu.memory_space<vmem>>) semaphore(%arg28 : memref<!tpu.dma_semaphore, #tpu.memory_space<semaphore_mem>>) {add = true}
      %dma_wait3A_731 = arith.constant 3 : i32
      %dma_wait3A_732 = arith.constant 0 : i32
      %dma_wait3A_733 = arith.constant 0 : i32
      %dma_wait3A_734 = tpu.memref_slice %arg18[%dma_wait3A_731, %dma_wait3A_732, %dma_wait3A_733] : memref<4x80x128xf32, #tpu.memory_space<vmem>> -> memref<1x80x128xf32, #tpu.memory_space<vmem>>
      %dma_wait3A_735 = tpu.memref_squeeze %dma_wait3A_734 : memref<1x80x128xf32, #tpu.memory_space<vmem>> -> memref<80x128xf32, #tpu.memory_space<vmem>>
      %dma_wait3A_736 = arith.constant 0 : i32
      %dma_wait3A_737 = tpu.memref_slice %arg6[%dma_wait3A_736] : memref<320xi32, #tpu.memory_space<vmem>> -> memref<80xi32, #tpu.memory_space<vmem>>
      %dma_wait3A_738 = arith.constant 0 : i32
      %dma_wait3A_739 = arith.constant 0 : i32
      %dma_wait3A_740 = tpu.memref_slice %arg2[%dma_wait3A_738, %dma_wait3A_739] : memref<10000x128xf32, #tpu.memory_space<hbm>> -> memref<10000x128xf32, #tpu.memory_space<hbm>>
      tpu.wait_indirect_dma semaphore(%arg25 : memref<!tpu.dma_semaphore, #tpu.memory_space<semaphore_mem>>) src(%dma_wait3A_740 : memref<10000x128xf32, #tpu.memory_space<hbm>>) dst(%dma_wait3A_735 : memref<80x128xf32, #tpu.memory_space<vmem>>)
      %dma_start3A_741 = arith.constant 3 : i32
      %dma_start3A_742 = arith.constant 0 : i32
      %dma_start3A_743 = arith.constant 0 : i32
      %dma_start3A_744 = tpu.memref_slice %arg18[%dma_start3A_741, %dma_start3A_742, %dma_start3A_743] : memref<4x80x128xf32, #tpu.memory_space<vmem>> -> memref<1x80x128xf32, #tpu.memory_space<vmem>>
      %dma_start3A_745 = tpu.memref_squeeze %dma_start3A_744 : memref<1x80x128xf32, #tpu.memory_space<vmem>> -> memref<80x128xf32, #tpu.memory_space<vmem>>
      %dma_start3A_746 = arith.constant 0 : i32
      %dma_start3A_747 = arith.constant 0 : i32
      %dma_start3A_748 = tpu.memref_slice %arg20[%dma_start3A_746, %dma_start3A_747] : memref<10240x128xf32, #tpu.memory_space<vmem_shared>> -> memref<10240x128xf32, #tpu.memory_space<vmem_shared>>
      tpu.enqueue_indirect_dma source(%dma_start3A_745 : memref<80x128xf32, #tpu.memory_space<vmem>>) target(%dma_start3A_748 : memref<10240x128xf32, #tpu.memory_space<vmem_shared>>) offsets(%arg17 : memref<80xi32, #tpu.memory_space<vmem>>) semaphore(%arg29 : memref<!tpu.dma_semaphore, #tpu.memory_space<semaphore_mem>>) {add = true}
      %dma_wait3A_749 = arith.constant 0 : i32
      %dma_wait3A_750 = arith.constant 0 : i32
      %dma_wait3A_751 = arith.constant 0 : i32
      %dma_wait3A_752 = tpu.memref_slice %arg18[%dma_wait3A_749, %dma_wait3A_750, %dma_wait3A_751] : memref<4x80x128xf32, #tpu.memory_space<vmem>> -> memref<1x80x128xf32, #tpu.memory_space<vmem>>
      %dma_wait3A_753 = tpu.memref_squeeze %dma_wait3A_752 : memref<1x80x128xf32, #tpu.memory_space<vmem>> -> memref<80x128xf32, #tpu.memory_space<vmem>>
      %dma_wait3A_754 = arith.constant 0 : i32
      %dma_wait3A_755 = arith.constant 0 : i32
      %dma_wait3A_756 = tpu.memref_slice %arg20[%dma_wait3A_754, %dma_wait3A_755] : memref<10240x128xf32, #tpu.memory_space<vmem_shared>> -> memref<10240x128xf32, #tpu.memory_space<vmem_shared>>
      tpu.wait_indirect_dma semaphore(%arg26 : memref<!tpu.dma_semaphore, #tpu.memory_space<semaphore_mem>>) src(%dma_wait3A_753 : memref<80x128xf32, #tpu.memory_space<vmem>>) dst(%dma_wait3A_756 : memref<10240x128xf32, #tpu.memory_space<vmem_shared>>)
      %dma_start3A_757 = arith.constant 0 : i32
      %dma_start3A_758 = arith.constant 0 : i32
      %dma_start3A_759 = arith.constant 0 : i32
      %dma_start3A_760 = tpu.memref_slice %arg18[%dma_start3A_757, %dma_start3A_758, %dma_start3A_759] : memref<4x80x128xf32, #tpu.memory_space<vmem>> -> memref<1x80x128xf32, #tpu.memory_space<vmem>>
      %dma_start3A_761 = tpu.memref_squeeze %dma_start3A_760 : memref<1x80x128xf32, #tpu.memory_space<vmem>> -> memref<80x128xf32, #tpu.memory_space<vmem>>
      %dma_start3A_762 = arith.constant 0 : i32
      %dma_start3A_763 = tpu.memref_slice %arg6[%dma_start3A_762] : memref<320xi32, #tpu.memory_space<vmem>> -> memref<80xi32, #tpu.memory_space<vmem>>
      %dma_start3A_764 = arith.constant 0 : i32
      %dma_start3A_765 = arith.constant 0 : i32
      %dma_start3A_766 = tpu.memref_slice %arg2[%dma_start3A_764, %dma_start3A_765] : memref<10000x128xf32, #tpu.memory_space<hbm>> -> memref<10000x128xf32, #tpu.memory_space<hbm>>
      tpu.enqueue_indirect_dma source(%dma_start3A_766 : memref<10000x128xf32, #tpu.memory_space<hbm>>) target(%dma_start3A_761 : memref<80x128xf32, #tpu.memory_space<vmem>>) offsets(%dma_start3A_763 : memref<80xi32, #tpu.memory_space<vmem>>) semaphore(%arg22 : memref<!tpu.dma_semaphore, #tpu.memory_space<semaphore_mem>>)
      %dma_wait3A_767 = arith.constant 1 : i32
      %dma_wait3A_768 = arith.constant 0 : i32
      %dma_wait3A_769 = arith.constant 0 : i32
      %dma_wait3A_770 = tpu.memref_slice %arg18[%dma_wait3A_767, %dma_wait3A_768, %dma_wait3A_769] : memref<4x80x128xf32, #tpu.memory_space<vmem>> -> memref<1x80x128xf32, #tpu.memory_space<vmem>>
      %dma_wait3A_771 = tpu.memref_squeeze %dma_wait3A_770 : memref<1x80x128xf32, #tpu.memory_space<vmem>> -> memref<80x128xf32, #tpu.memory_space<vmem>>
      %dma_wait3A_772 = arith.constant 0 : i32
      %dma_wait3A_773 = arith.constant 0 : i32
      %dma_wait3A_774 = tpu.memref_slice %arg20[%dma_wait3A_772, %dma_wait3A_773] : memref<10240x128xf32, #tpu.memory_space<vmem_shared>> -> memref<10240x128xf32, #tpu.memory_space<vmem_shared>>
      tpu.wait_indirect_dma semaphore(%arg27 : memref<!tpu.dma_semaphore, #tpu.memory_space<semaphore_mem>>) src(%dma_wait3A_771 : memref<80x128xf32, #tpu.memory_space<vmem>>) dst(%dma_wait3A_774 : memref<10240x128xf32, #tpu.memory_space<vmem_shared>>)
      %dma_start3A_775 = arith.constant 1 : i32
      %dma_start3A_776 = arith.constant 0 : i32
      %dma_start3A_777 = arith.constant 0 : i32
      %dma_start3A_778 = tpu.memref_slice %arg18[%dma_start3A_775, %dma_start3A_776, %dma_start3A_777] : memref<4x80x128xf32, #tpu.memory_space<vmem>> -> memref<1x80x128xf32, #tpu.memory_space<vmem>>
      %dma_start3A_779 = tpu.memref_squeeze %dma_start3A_778 : memref<1x80x128xf32, #tpu.memory_space<vmem>> -> memref<80x128xf32, #tpu.memory_space<vmem>>
      %dma_start3A_780 = arith.constant 80 : i32
      %dma_start3A_781 = tpu.memref_slice %arg6[%dma_start3A_780] : memref<320xi32, #tpu.memory_space<vmem>> -> memref<80xi32, #tpu.memory_space<vmem>>
      %dma_start3A_782 = arith.constant 0 : i32
      %dma_start3A_783 = arith.constant 0 : i32
      %dma_start3A_784 = tpu.memref_slice %arg2[%dma_start3A_782, %dma_start3A_783] : memref<10000x128xf32, #tpu.memory_space<hbm>> -> memref<10000x128xf32, #tpu.memory_space<hbm>>
      tpu.enqueue_indirect_dma source(%dma_start3A_784 : memref<10000x128xf32, #tpu.memory_space<hbm>>) target(%dma_start3A_779 : memref<80x128xf32, #tpu.memory_space<vmem>>) offsets(%dma_start3A_781 : memref<80xi32, #tpu.memory_space<vmem>>) semaphore(%arg23 : memref<!tpu.dma_semaphore, #tpu.memory_space<semaphore_mem>>)
      %dma_wait3A_785 = arith.constant 2 : i32
      %dma_wait3A_786 = arith.constant 0 : i32
      %dma_wait3A_787 = arith.constant 0 : i32
      %dma_wait3A_788 = tpu.memref_slice %arg18[%dma_wait3A_785, %dma_wait3A_786, %dma_wait3A_787] : memref<4x80x128xf32, #tpu.memory_space<vmem>> -> memref<1x80x128xf32, #tpu.memory_space<vmem>>
      %dma_wait3A_789 = tpu.memref_squeeze %dma_wait3A_788 : memref<1x80x128xf32, #tpu.memory_space<vmem>> -> memref<80x128xf32, #tpu.memory_space<vmem>>
      %dma_wait3A_790 = arith.constant 0 : i32
      %dma_wait3A_791 = arith.constant 0 : i32
      %dma_wait3A_792 = tpu.memref_slice %arg20[%dma_wait3A_790, %dma_wait3A_791] : memref<10240x128xf32, #tpu.memory_space<vmem_shared>> -> memref<10240x128xf32, #tpu.memory_space<vmem_shared>>
      tpu.wait_indirect_dma semaphore(%arg28 : memref<!tpu.dma_semaphore, #tpu.memory_space<semaphore_mem>>) src(%dma_wait3A_789 : memref<80x128xf32, #tpu.memory_space<vmem>>) dst(%dma_wait3A_792 : memref<10240x128xf32, #tpu.memory_space<vmem_shared>>)
      %dma_start3A_793 = arith.constant 2 : i32
      %dma_start3A_794 = arith.constant 0 : i32
      %dma_start3A_795 = arith.constant 0 : i32
      %dma_start3A_796 = tpu.memref_slice %arg18[%dma_start3A_793, %dma_start3A_794, %dma_start3A_795] : memref<4x80x128xf32, #tpu.memory_space<vmem>> -> memref<1x80x128xf32, #tpu.memory_space<vmem>>
      %dma_start3A_797 = tpu.memref_squeeze %dma_start3A_796 : memref<1x80x128xf32, #tpu.memory_space<vmem>> -> memref<80x128xf32, #tpu.memory_space<vmem>>
      %dma_start3A_798 = arith.constant 160 : i32
      %dma_start3A_799 = tpu.memref_slice %arg6[%dma_start3A_798] : memref<320xi32, #tpu.memory_space<vmem>> -> memref<80xi32, #tpu.memory_space<vmem>>
      %dma_start3A_800 = arith.constant 0 : i32
      %dma_start3A_801 = arith.constant 0 : i32
      %dma_start3A_802 = tpu.memref_slice %arg2[%dma_start3A_800, %dma_start3A_801] : memref<10000x128xf32, #tpu.memory_space<hbm>> -> memref<10000x128xf32, #tpu.memory_space<hbm>>
      tpu.enqueue_indirect_dma source(%dma_start3A_802 : memref<10000x128xf32, #tpu.memory_space<hbm>>) target(%dma_start3A_797 : memref<80x128xf32, #tpu.memory_space<vmem>>) offsets(%dma_start3A_799 : memref<80xi32, #tpu.memory_space<vmem>>) semaphore(%arg24 : memref<!tpu.dma_semaphore, #tpu.memory_space<semaphore_mem>>)
      %dma_wait3A_803 = arith.constant 3 : i32
      %dma_wait3A_804 = arith.constant 0 : i32
      %dma_wait3A_805 = arith.constant 0 : i32
      %dma_wait3A_806 = tpu.memref_slice %arg18[%dma_wait3A_803, %dma_wait3A_804, %dma_wait3A_805] : memref<4x80x128xf32, #tpu.memory_space<vmem>> -> memref<1x80x128xf32, #tpu.memory_space<vmem>>
      %dma_wait3A_807 = tpu.memref_squeeze %dma_wait3A_806 : memref<1x80x128xf32, #tpu.memory_space<vmem>> -> memref<80x128xf32, #tpu.memory_space<vmem>>
      %dma_wait3A_808 = arith.constant 0 : i32
      %dma_wait3A_809 = arith.constant 0 : i32
      %dma_wait3A_810 = tpu.memref_slice %arg20[%dma_wait3A_808, %dma_wait3A_809] : memref<10240x128xf32, #tpu.memory_space<vmem_shared>> -> memref<10240x128xf32, #tpu.memory_space<vmem_shared>>
      tpu.wait_indirect_dma semaphore(%arg29 : memref<!tpu.dma_semaphore, #tpu.memory_space<semaphore_mem>>) src(%dma_wait3A_807 : memref<80x128xf32, #tpu.memory_space<vmem>>) dst(%dma_wait3A_810 : memref<10240x128xf32, #tpu.memory_space<vmem_shared>>)
      %dma_start3A_811 = arith.constant 3 : i32
      %dma_start3A_812 = arith.constant 0 : i32
      %dma_start3A_813 = arith.constant 0 : i32
      %dma_start3A_814 = tpu.memref_slice %arg18[%dma_start3A_811, %dma_start3A_812, %dma_start3A_813] : memref<4x80x128xf32, #tpu.memory_space<vmem>> -> memref<1x80x128xf32, #tpu.memory_space<vmem>>
      %dma_start3A_815 = tpu.memref_squeeze %dma_start3A_814 : memref<1x80x128xf32, #tpu.memory_space<vmem>> -> memref<80x128xf32, #tpu.memory_space<vmem>>
      %dma_start3A_816 = arith.constant 240 : i32
      %dma_start3A_817 = tpu.memref_slice %arg6[%dma_start3A_816] : memref<320xi32, #tpu.memory_space<vmem>> -> memref<80xi32, #tpu.memory_space<vmem>>
      %dma_start3A_818 = arith.constant 0 : i32
      %dma_start3A_819 = arith.constant 0 : i32
      %dma_start3A_820 = tpu.memref_slice %arg2[%dma_start3A_818, %dma_start3A_819] : memref<10000x128xf32, #tpu.memory_space<hbm>> -> memref<10000x128xf32, #tpu.memory_space<hbm>>
      tpu.enqueue_indirect_dma source(%dma_start3A_820 : memref<10000x128xf32, #tpu.memory_space<hbm>>) target(%dma_start3A_815 : memref<80x128xf32, #tpu.memory_space<vmem>>) offsets(%dma_start3A_817 : memref<80xi32, #tpu.memory_space<vmem>>) semaphore(%arg25 : memref<!tpu.dma_semaphore, #tpu.memory_space<semaphore_mem>>)
      %add3A_821 = arith.constant 1 : i32
      %add3A_822 = arith.addi %add3A_588, %add3A_821 : i32
      %lt3A_823 = arith.constant 31 : i32
      %lt3A_824 = arith.cmpi slt, %add3A_822, %lt3A_823 : i32
      %convert_element_type3A_825 = arith.extui %lt3A_824 : i1 to i32
      %cond3A_826 = arith.constant 0 : i32
      %cond3A_827 = arith.cmpi ne, %convert_element_type3A_825, %cond3A_826 : i32
      scf.if %cond3A_827 {
        %add3A_828 = arith.constant 1 : i32
        %add3A_829 = arith.addi %add3A_588, %add3A_828 : i32
        %mul3A_830 = arith.constant 320 : i32
        %mul3A_831 = arith.muli %add3A_829, %mul3A_830 : i32
        %add3A_832 = arith.addi %mul3A_2, %mul3A_831 : i32
        %dma_start3A_833 = tpu.memref_slice %arg3[%add3A_832] : memref<320000xi32, #tpu.memory_space<hbm>> -> memref<320xi32, #tpu.memory_space<hbm>>
        %dma_start3A_834 = tpu.memref_slice %arg3[%add3A_832] : memref<320000xi32, #tpu.memory_space<hbm>> -> memref<320xi32, #tpu.memory_space<hbm>>
        tpu.enqueue_dma source(%dma_start3A_834 : memref<320xi32, #tpu.memory_space<hbm>>) target(%arg7 : memref<320xi32, #tpu.memory_space<vmem>>) target_semaphore(%arg21 : memref<!tpu.dma_semaphore, #tpu.memory_space<semaphore_mem>>)
        %dma_start3A_835 = tpu.memref_slice %arg4[%add3A_832] : memref<320000xi32, #tpu.memory_space<hbm>> -> memref<320xi32, #tpu.memory_space<hbm>>
        %dma_start3A_836 = tpu.memref_slice %arg4[%add3A_832] : memref<320000xi32, #tpu.memory_space<hbm>> -> memref<320xi32, #tpu.memory_space<hbm>>
        tpu.enqueue_dma source(%dma_start3A_836 : memref<320xi32, #tpu.memory_space<hbm>>) target(%arg9 : memref<320xi32, #tpu.memory_space<vmem>>) target_semaphore(%arg21 : memref<!tpu.dma_semaphore, #tpu.memory_space<semaphore_mem>>)
      } else {
      }
    }
    %scan3A_202 = arith.constant 15 : i32
    %dma_wait3A_203 = arith.constant 0 : i32
    %dma_wait3A_204 = arith.constant 0 : i32
    %dma_wait3A_205 = arith.constant 0 : i32
    %dma_wait3A_206 = tpu.memref_slice %arg18[%dma_wait3A_203, %dma_wait3A_204, %dma_wait3A_205] : memref<4x80x128xf32, #tpu.memory_space<vmem>> -> memref<1x80x128xf32, #tpu.memory_space<vmem>>
    %dma_wait3A_207 = tpu.memref_squeeze %dma_wait3A_206 : memref<1x80x128xf32, #tpu.memory_space<vmem>> -> memref<80x128xf32, #tpu.memory_space<vmem>>
    %dma_wait3A_208 = arith.constant 0 : i32
    %dma_wait3A_209 = tpu.memref_slice %arg6[%dma_wait3A_208] : memref<320xi32, #tpu.memory_space<vmem>> -> memref<80xi32, #tpu.memory_space<vmem>>
    %dma_wait3A_210 = arith.constant 0 : i32
    %dma_wait3A_211 = arith.constant 0 : i32
    %dma_wait3A_212 = tpu.memref_slice %arg2[%dma_wait3A_210, %dma_wait3A_211] : memref<10000x128xf32, #tpu.memory_space<hbm>> -> memref<10000x128xf32, #tpu.memory_space<hbm>>
    tpu.wait_indirect_dma semaphore(%arg22 : memref<!tpu.dma_semaphore, #tpu.memory_space<semaphore_mem>>) src(%dma_wait3A_212 : memref<10000x128xf32, #tpu.memory_space<hbm>>) dst(%dma_wait3A_207 : memref<80x128xf32, #tpu.memory_space<vmem>>)
    %dma_start3A_213 = arith.constant 0 : i32
    %dma_start3A_214 = arith.constant 0 : i32
    %dma_start3A_215 = arith.constant 0 : i32
    %dma_start3A_216 = tpu.memref_slice %arg18[%dma_start3A_213, %dma_start3A_214, %dma_start3A_215] : memref<4x80x128xf32, #tpu.memory_space<vmem>> -> memref<1x80x128xf32, #tpu.memory_space<vmem>>
    %dma_start3A_217 = tpu.memref_squeeze %dma_start3A_216 : memref<1x80x128xf32, #tpu.memory_space<vmem>> -> memref<80x128xf32, #tpu.memory_space<vmem>>
    %dma_start3A_218 = arith.constant 0 : i32
    %dma_start3A_219 = arith.constant 0 : i32
    %dma_start3A_220 = tpu.memref_slice %arg20[%dma_start3A_218, %dma_start3A_219] : memref<10240x128xf32, #tpu.memory_space<vmem_shared>> -> memref<10240x128xf32, #tpu.memory_space<vmem_shared>>
    tpu.enqueue_indirect_dma source(%dma_start3A_217 : memref<80x128xf32, #tpu.memory_space<vmem>>) target(%dma_start3A_220 : memref<10240x128xf32, #tpu.memory_space<vmem_shared>>) offsets(%arg10 : memref<80xi32, #tpu.memory_space<vmem>>) semaphore(%arg26 : memref<!tpu.dma_semaphore, #tpu.memory_space<semaphore_mem>>) {add = true}
    %dma_wait3A_221 = arith.constant 1 : i32
    %dma_wait3A_222 = arith.constant 0 : i32
    %dma_wait3A_223 = arith.constant 0 : i32
    %dma_wait3A_224 = tpu.memref_slice %arg18[%dma_wait3A_221, %dma_wait3A_222, %dma_wait3A_223] : memref<4x80x128xf32, #tpu.memory_space<vmem>> -> memref<1x80x128xf32, #tpu.memory_space<vmem>>
    %dma_wait3A_225 = tpu.memref_squeeze %dma_wait3A_224 : memref<1x80x128xf32, #tpu.memory_space<vmem>> -> memref<80x128xf32, #tpu.memory_space<vmem>>
    %dma_wait3A_226 = arith.constant 0 : i32
    %dma_wait3A_227 = tpu.memref_slice %arg6[%dma_wait3A_226] : memref<320xi32, #tpu.memory_space<vmem>> -> memref<80xi32, #tpu.memory_space<vmem>>
    %dma_wait3A_228 = arith.constant 0 : i32
    %dma_wait3A_229 = arith.constant 0 : i32
    %dma_wait3A_230 = tpu.memref_slice %arg2[%dma_wait3A_228, %dma_wait3A_229] : memref<10000x128xf32, #tpu.memory_space<hbm>> -> memref<10000x128xf32, #tpu.memory_space<hbm>>
    tpu.wait_indirect_dma semaphore(%arg23 : memref<!tpu.dma_semaphore, #tpu.memory_space<semaphore_mem>>) src(%dma_wait3A_230 : memref<10000x128xf32, #tpu.memory_space<hbm>>) dst(%dma_wait3A_225 : memref<80x128xf32, #tpu.memory_space<vmem>>)
    %dma_start3A_231 = arith.constant 1 : i32
    %dma_start3A_232 = arith.constant 0 : i32
    %dma_start3A_233 = arith.constant 0 : i32
    %dma_start3A_234 = tpu.memref_slice %arg18[%dma_start3A_231, %dma_start3A_232, %dma_start3A_233] : memref<4x80x128xf32, #tpu.memory_space<vmem>> -> memref<1x80x128xf32, #tpu.memory_space<vmem>>
    %dma_start3A_235 = tpu.memref_squeeze %dma_start3A_234 : memref<1x80x128xf32, #tpu.memory_space<vmem>> -> memref<80x128xf32, #tpu.memory_space<vmem>>
    %dma_start3A_236 = arith.constant 0 : i32
    %dma_start3A_237 = arith.constant 0 : i32
    %dma_start3A_238 = tpu.memref_slice %arg20[%dma_start3A_236, %dma_start3A_237] : memref<10240x128xf32, #tpu.memory_space<vmem_shared>> -> memref<10240x128xf32, #tpu.memory_space<vmem_shared>>
    tpu.enqueue_indirect_dma source(%dma_start3A_235 : memref<80x128xf32, #tpu.memory_space<vmem>>) target(%dma_start3A_238 : memref<10240x128xf32, #tpu.memory_space<vmem_shared>>) offsets(%arg11 : memref<80xi32, #tpu.memory_space<vmem>>) semaphore(%arg27 : memref<!tpu.dma_semaphore, #tpu.memory_space<semaphore_mem>>) {add = true}
    %dma_wait3A_239 = arith.constant 2 : i32
    %dma_wait3A_240 = arith.constant 0 : i32
    %dma_wait3A_241 = arith.constant 0 : i32
    %dma_wait3A_242 = tpu.memref_slice %arg18[%dma_wait3A_239, %dma_wait3A_240, %dma_wait3A_241] : memref<4x80x128xf32, #tpu.memory_space<vmem>> -> memref<1x80x128xf32, #tpu.memory_space<vmem>>
    %dma_wait3A_243 = tpu.memref_squeeze %dma_wait3A_242 : memref<1x80x128xf32, #tpu.memory_space<vmem>> -> memref<80x128xf32, #tpu.memory_space<vmem>>
    %dma_wait3A_244 = arith.constant 0 : i32
    %dma_wait3A_245 = tpu.memref_slice %arg6[%dma_wait3A_244] : memref<320xi32, #tpu.memory_space<vmem>> -> memref<80xi32, #tpu.memory_space<vmem>>
    %dma_wait3A_246 = arith.constant 0 : i32
    %dma_wait3A_247 = arith.constant 0 : i32
    %dma_wait3A_248 = tpu.memref_slice %arg2[%dma_wait3A_246, %dma_wait3A_247] : memref<10000x128xf32, #tpu.memory_space<hbm>> -> memref<10000x128xf32, #tpu.memory_space<hbm>>
    tpu.wait_indirect_dma semaphore(%arg24 : memref<!tpu.dma_semaphore, #tpu.memory_space<semaphore_mem>>) src(%dma_wait3A_248 : memref<10000x128xf32, #tpu.memory_space<hbm>>) dst(%dma_wait3A_243 : memref<80x128xf32, #tpu.memory_space<vmem>>)
    %dma_start3A_249 = arith.constant 2 : i32
    %dma_start3A_250 = arith.constant 0 : i32
    %dma_start3A_251 = arith.constant 0 : i32
    %dma_start3A_252 = tpu.memref_slice %arg18[%dma_start3A_249, %dma_start3A_250, %dma_start3A_251] : memref<4x80x128xf32, #tpu.memory_space<vmem>> -> memref<1x80x128xf32, #tpu.memory_space<vmem>>
    %dma_start3A_253 = tpu.memref_squeeze %dma_start3A_252 : memref<1x80x128xf32, #tpu.memory_space<vmem>> -> memref<80x128xf32, #tpu.memory_space<vmem>>
    %dma_start3A_254 = arith.constant 0 : i32
    %dma_start3A_255 = arith.constant 0 : i32
    %dma_start3A_256 = tpu.memref_slice %arg20[%dma_start3A_254, %dma_start3A_255] : memref<10240x128xf32, #tpu.memory_space<vmem_shared>> -> memref<10240x128xf32, #tpu.memory_space<vmem_shared>>
    tpu.enqueue_indirect_dma source(%dma_start3A_253 : memref<80x128xf32, #tpu.memory_space<vmem>>) target(%dma_start3A_256 : memref<10240x128xf32, #tpu.memory_space<vmem_shared>>) offsets(%arg12 : memref<80xi32, #tpu.memory_space<vmem>>) semaphore(%arg28 : memref<!tpu.dma_semaphore, #tpu.memory_space<semaphore_mem>>) {add = true}
    %dma_wait3A_257 = arith.constant 3 : i32
    %dma_wait3A_258 = arith.constant 0 : i32
    %dma_wait3A_259 = arith.constant 0 : i32
    %dma_wait3A_260 = tpu.memref_slice %arg18[%dma_wait3A_257, %dma_wait3A_258, %dma_wait3A_259] : memref<4x80x128xf32, #tpu.memory_space<vmem>> -> memref<1x80x128xf32, #tpu.memory_space<vmem>>
    %dma_wait3A_261 = tpu.memref_squeeze %dma_wait3A_260 : memref<1x80x128xf32, #tpu.memory_space<vmem>> -> memref<80x128xf32, #tpu.memory_space<vmem>>
    %dma_wait3A_262 = arith.constant 0 : i32
    %dma_wait3A_263 = tpu.memref_slice %arg6[%dma_wait3A_262] : memref<320xi32, #tpu.memory_space<vmem>> -> memref<80xi32, #tpu.memory_space<vmem>>
    %dma_wait3A_264 = arith.constant 0 : i32
    %dma_wait3A_265 = arith.constant 0 : i32
    %dma_wait3A_266 = tpu.memref_slice %arg2[%dma_wait3A_264, %dma_wait3A_265] : memref<10000x128xf32, #tpu.memory_space<hbm>> -> memref<10000x128xf32, #tpu.memory_space<hbm>>
    tpu.wait_indirect_dma semaphore(%arg25 : memref<!tpu.dma_semaphore, #tpu.memory_space<semaphore_mem>>) src(%dma_wait3A_266 : memref<10000x128xf32, #tpu.memory_space<hbm>>) dst(%dma_wait3A_261 : memref<80x128xf32, #tpu.memory_space<vmem>>)
    %dma_start3A_267 = arith.constant 3 : i32
    %dma_start3A_268 = arith.constant 0 : i32
    %dma_start3A_269 = arith.constant 0 : i32
    %dma_start3A_270 = tpu.memref_slice %arg18[%dma_start3A_267, %dma_start3A_268, %dma_start3A_269] : memref<4x80x128xf32, #tpu.memory_space<vmem>> -> memref<1x80x128xf32, #tpu.memory_space<vmem>>
    %dma_start3A_271 = tpu.memref_squeeze %dma_start3A_270 : memref<1x80x128xf32, #tpu.memory_space<vmem>> -> memref<80x128xf32, #tpu.memory_space<vmem>>
    %dma_start3A_272 = arith.constant 0 : i32
    %dma_start3A_273 = arith.constant 0 : i32
    %dma_start3A_274 = tpu.memref_slice %arg20[%dma_start3A_272, %dma_start3A_273] : memref<10240x128xf32, #tpu.memory_space<vmem_shared>> -> memref<10240x128xf32, #tpu.memory_space<vmem_shared>>
    tpu.enqueue_indirect_dma source(%dma_start3A_271 : memref<80x128xf32, #tpu.memory_space<vmem>>) target(%dma_start3A_274 : memref<10240x128xf32, #tpu.memory_space<vmem_shared>>) offsets(%arg13 : memref<80xi32, #tpu.memory_space<vmem>>) semaphore(%arg29 : memref<!tpu.dma_semaphore, #tpu.memory_space<semaphore_mem>>) {add = true}
    %dma_wait3A_275 = arith.constant 0 : i32
    %dma_wait3A_276 = arith.constant 0 : i32
    %dma_wait3A_277 = arith.constant 0 : i32
    %dma_wait3A_278 = tpu.memref_slice %arg18[%dma_wait3A_275, %dma_wait3A_276, %dma_wait3A_277] : memref<4x80x128xf32, #tpu.memory_space<vmem>> -> memref<1x80x128xf32, #tpu.memory_space<vmem>>
    %dma_wait3A_279 = tpu.memref_squeeze %dma_wait3A_278 : memref<1x80x128xf32, #tpu.memory_space<vmem>> -> memref<80x128xf32, #tpu.memory_space<vmem>>
    %dma_wait3A_280 = arith.constant 0 : i32
    %dma_wait3A_281 = arith.constant 0 : i32
    %dma_wait3A_282 = tpu.memref_slice %arg20[%dma_wait3A_280, %dma_wait3A_281] : memref<10240x128xf32, #tpu.memory_space<vmem_shared>> -> memref<10240x128xf32, #tpu.memory_space<vmem_shared>>
    tpu.wait_indirect_dma semaphore(%arg26 : memref<!tpu.dma_semaphore, #tpu.memory_space<semaphore_mem>>) src(%dma_wait3A_279 : memref<80x128xf32, #tpu.memory_space<vmem>>) dst(%dma_wait3A_282 : memref<10240x128xf32, #tpu.memory_space<vmem_shared>>)
    %dma_wait3A_283 = arith.constant 1 : i32
    %dma_wait3A_284 = arith.constant 0 : i32
    %dma_wait3A_285 = arith.constant 0 : i32
    %dma_wait3A_286 = tpu.memref_slice %arg18[%dma_wait3A_283, %dma_wait3A_284, %dma_wait3A_285] : memref<4x80x128xf32, #tpu.memory_space<vmem>> -> memref<1x80x128xf32, #tpu.memory_space<vmem>>
    %dma_wait3A_287 = tpu.memref_squeeze %dma_wait3A_286 : memref<1x80x128xf32, #tpu.memory_space<vmem>> -> memref<80x128xf32, #tpu.memory_space<vmem>>
    %dma_wait3A_288 = arith.constant 0 : i32
    %dma_wait3A_289 = arith.constant 0 : i32
    %dma_wait3A_290 = tpu.memref_slice %arg20[%dma_wait3A_288, %dma_wait3A_289] : memref<10240x128xf32, #tpu.memory_space<vmem_shared>> -> memref<10240x128xf32, #tpu.memory_space<vmem_shared>>
    tpu.wait_indirect_dma semaphore(%arg27 : memref<!tpu.dma_semaphore, #tpu.memory_space<semaphore_mem>>) src(%dma_wait3A_287 : memref<80x128xf32, #tpu.memory_space<vmem>>) dst(%dma_wait3A_290 : memref<10240x128xf32, #tpu.memory_space<vmem_shared>>)
    %dma_wait3A_291 = arith.constant 2 : i32
    %dma_wait3A_292 = arith.constant 0 : i32
    %dma_wait3A_293 = arith.constant 0 : i32
    %dma_wait3A_294 = tpu.memref_slice %arg18[%dma_wait3A_291, %dma_wait3A_292, %dma_wait3A_293] : memref<4x80x128xf32, #tpu.memory_space<vmem>> -> memref<1x80x128xf32, #tpu.memory_space<vmem>>
    %dma_wait3A_295 = tpu.memref_squeeze %dma_wait3A_294 : memref<1x80x128xf32, #tpu.memory_space<vmem>> -> memref<80x128xf32, #tpu.memory_space<vmem>>
    %dma_wait3A_296 = arith.constant 0 : i32
    %dma_wait3A_297 = arith.constant 0 : i32
    %dma_wait3A_298 = tpu.memref_slice %arg20[%dma_wait3A_296, %dma_wait3A_297] : memref<10240x128xf32, #tpu.memory_space<vmem_shared>> -> memref<10240x128xf32, #tpu.memory_space<vmem_shared>>
    tpu.wait_indirect_dma semaphore(%arg28 : memref<!tpu.dma_semaphore, #tpu.memory_space<semaphore_mem>>) src(%dma_wait3A_295 : memref<80x128xf32, #tpu.memory_space<vmem>>) dst(%dma_wait3A_298 : memref<10240x128xf32, #tpu.memory_space<vmem_shared>>)
    %dma_wait3A_299 = arith.constant 3 : i32
    %dma_wait3A_300 = arith.constant 0 : i32
    %dma_wait3A_301 = arith.constant 0 : i32
    %dma_wait3A_302 = tpu.memref_slice %arg18[%dma_wait3A_299, %dma_wait3A_300, %dma_wait3A_301] : memref<4x80x128xf32, #tpu.memory_space<vmem>> -> memref<1x80x128xf32, #tpu.memory_space<vmem>>
    %dma_wait3A_303 = tpu.memref_squeeze %dma_wait3A_302 : memref<1x80x128xf32, #tpu.memory_space<vmem>> -> memref<80x128xf32, #tpu.memory_space<vmem>>
    %dma_wait3A_304 = arith.constant 0 : i32
    %dma_wait3A_305 = arith.constant 0 : i32
    %dma_wait3A_306 = tpu.memref_slice %arg20[%dma_wait3A_304, %dma_wait3A_305] : memref<10240x128xf32, #tpu.memory_space<vmem_shared>> -> memref<10240x128xf32, #tpu.memory_space<vmem_shared>>
    tpu.wait_indirect_dma semaphore(%arg29 : memref<!tpu.dma_semaphore, #tpu.memory_space<semaphore_mem>>) src(%dma_wait3A_303 : memref<80x128xf32, #tpu.memory_space<vmem>>) dst(%dma_wait3A_306 : memref<10240x128xf32, #tpu.memory_space<vmem_shared>>)
    %barrier3A_307 = arith.constant 0 : index
    tpu.barrier barrier_id(%barrier3A_307)
    %mul3A_308 = arith.constant 640 : i32
    %mul3A_309 = arith.muli %arg1, %mul3A_308 : i32
    %mul3A_310 = arith.constant 640 : i32
    %mul3A_311 = arith.muli %arg1, %mul3A_310 : i32
    %dma_start3A_312 = arith.constant 0 : i32
    %dma_start3A_313 = tpu.memref_slice %arg5[%arg0, %mul3A_311, %dma_start3A_312] : memref<2x10240x128xf32, #tpu.memory_space<hbm>> -> memref<1x320x128xf32, #tpu.memory_space<hbm>>
    %dma_start3A_314 = tpu.memref_squeeze %dma_start3A_313 : memref<1x320x128xf32, #tpu.memory_space<hbm>> -> memref<320x128xf32, #tpu.memory_space<hbm>>
    %dma_start3A_315 = arith.constant 0 : i32
    %dma_start3A_316 = tpu.memref_slice %arg20[%mul3A_309, %dma_start3A_315] : memref<10240x128xf32, #tpu.memory_space<vmem_shared>> -> memref<320x128xf32, #tpu.memory_space<vmem_shared>>
    tpu.enqueue_dma source(%dma_start3A_316 : memref<320x128xf32, #tpu.memory_space<vmem_shared>>) target(%dma_start3A_314 : memref<320x128xf32, #tpu.memory_space<hbm>>) target_semaphore(%arg22 : memref<!tpu.dma_semaphore, #tpu.memory_space<semaphore_mem>>)
    %mul3A_317 = arith.constant 640 : i32
    %mul3A_318 = arith.muli %arg1, %mul3A_317 : i32
    %add3A_319 = arith.constant 320 : i32
    %add3A_320 = arith.addi %mul3A_318, %add3A_319 : i32
    %mul3A_321 = arith.constant 640 : i32
    %mul3A_322 = arith.muli %arg1, %mul3A_321 : i32
    %add3A_323 = arith.constant 320 : i32
    %add3A_324 = arith.addi %mul3A_322, %add3A_323 : i32
    %dma_start3A_325 = arith.constant 0 : i32
    %dma_start3A_326 = tpu.memref_slice %arg5[%arg0, %add3A_324, %dma_start3A_325] : memref<2x10240x128xf32, #tpu.memory_space<hbm>> -> memref<1x320x128xf32, #tpu.memory_space<hbm>>
    %dma_start3A_327 = tpu.memref_squeeze %dma_start3A_326 : memref<1x320x128xf32, #tpu.memory_space<hbm>> -> memref<320x128xf32, #tpu.memory_space<hbm>>
    %dma_start3A_328 = arith.constant 0 : i32
    %dma_start3A_329 = tpu.memref_slice %arg20[%add3A_320, %dma_start3A_328] : memref<10240x128xf32, #tpu.memory_space<vmem_shared>> -> memref<320x128xf32, #tpu.memory_space<vmem_shared>>
    tpu.enqueue_dma source(%dma_start3A_329 : memref<320x128xf32, #tpu.memory_space<vmem_shared>>) target(%dma_start3A_327 : memref<320x128xf32, #tpu.memory_space<hbm>>) target_semaphore(%arg23 : memref<!tpu.dma_semaphore, #tpu.memory_space<semaphore_mem>>)
    %dma_wait3A_330 = arith.constant 0 : i32
    %dma_wait3A_331 = arith.constant 0 : i32
    %dma_wait3A_332 = tpu.memref_slice %arg5[%arg0, %dma_wait3A_330, %dma_wait3A_331] : memref<2x10240x128xf32, #tpu.memory_space<hbm>> -> memref<1x320x128xf32, #tpu.memory_space<hbm>>
    %dma_wait3A_333 = tpu.memref_squeeze %dma_wait3A_332 : memref<1x320x128xf32, #tpu.memory_space<hbm>> -> memref<320x128xf32, #tpu.memory_space<hbm>>
    %dma_wait3A_334 = arith.constant 0 : i32
    %dma_wait3A_335 = arith.constant 0 : i32
    %dma_wait3A_336 = tpu.memref_slice %arg20[%dma_wait3A_334, %dma_wait3A_335] : memref<10240x128xf32, #tpu.memory_space<vmem_shared>> -> memref<320x128xf32, #tpu.memory_space<vmem_shared>>
    tpu.wait_dma2 semaphore(%arg22 : memref<!tpu.dma_semaphore, #tpu.memory_space<semaphore_mem>>) src(%dma_wait3A_336 : memref<320x128xf32, #tpu.memory_space<vmem_shared>>) dst(%dma_wait3A_333 : memref<320x128xf32, #tpu.memory_space<hbm>>)
    %dma_wait3A_337 = arith.constant 0 : i32
    %dma_wait3A_338 = arith.constant 0 : i32
    %dma_wait3A_339 = tpu.memref_slice %arg5[%arg0, %dma_wait3A_337, %dma_wait3A_338] : memref<2x10240x128xf32, #tpu.memory_space<hbm>> -> memref<1x320x128xf32, #tpu.memory_space<hbm>>
    %dma_wait3A_340 = tpu.memref_squeeze %dma_wait3A_339 : memref<1x320x128xf32, #tpu.memory_space<hbm>> -> memref<320x128xf32, #tpu.memory_space<hbm>>
    %dma_wait3A_341 = arith.constant 0 : i32
    %dma_wait3A_342 = arith.constant 0 : i32
    %dma_wait3A_343 = tpu.memref_slice %arg20[%dma_wait3A_341, %dma_wait3A_342] : memref<10240x128xf32, #tpu.memory_space<vmem_shared>> -> memref<320x128xf32, #tpu.memory_space<vmem_shared>>
    tpu.wait_dma2 semaphore(%arg23 : memref<!tpu.dma_semaphore, #tpu.memory_space<semaphore_mem>>) src(%dma_wait3A_343 : memref<320x128xf32, #tpu.memory_space<vmem_shared>>) dst(%dma_wait3A_340 : memref<320x128xf32, #tpu.memory_space<hbm>>)
    return
  }
}

module attributes {stable_mosaic.version = 14 : i64} {
  func.func @_tc0_body(%arg0: memref<8x10000xi32, #tpu.memory_space<vmem>>, %arg1: memref<152x128xf32, #tpu.memory_space<vmem>>, %arg2: memref<10000x128xf32, #tpu.memory_space<vmem>>) attributes {dimension_semantics = [], scalar_prefetch = 0 : i64, scratch_operands = 0 : i64, tpu.core_type = #tpu.core_type<tc>} {
    %get3A = arith.constant 0 : index
    %get3A_0 = arith.constant 0 : index
    %get3A_1 = vector.load %arg0[%get3A, %get3A_0] : memref<8x10000xi32, #tpu.memory_space<vmem>>, vector<8x10000xi32>
    %iota3A = tpu.iota {dimensions = array<i32: 1>} : vector<1x152xi32>
    %broadcast_in_dim3A = arith.constant 0.000000e+00 : f32
    %broadcast_in_dim3A_2 = vector.broadcast %broadcast_in_dim3A : f32 to vector<10000x152xf32>
    %slice3A = vector.extract_strided_slice %get3A_1 {offsets = [0, 0], sizes = [1, 10000], strides = [1, 1]} : vector<8x10000xi32> to vector<1x10000xi32>
    %squeeze3A = vector.shape_cast %slice3A : vector<1x10000xi32> to vector<10000xi32>
    %broadcast_in_dim3A_3 = vector.shape_cast %squeeze3A : vector<10000xi32> to vector<10000x1xi32>
    %eq3A = vector.broadcast %broadcast_in_dim3A_3 : vector<10000x1xi32> to vector<10000x152xi32>
    %eq3A_4 = vector.broadcast %iota3A : vector<1x152xi32> to vector<10000x152xi32>
    %eq3A_5 = arith.cmpi eq, %eq3A, %eq3A_4 : vector<10000x152xi32>
    %convert_element_type3A = arith.extui %eq3A_5 : vector<10000x152xi1> to vector<10000x152xi32>
    %convert_element_type3A_6 = arith.sitofp %convert_element_type3A : vector<10000x152xi32> to vector<10000x152xf32>
    %add3A = arith.addf %broadcast_in_dim3A_2, %convert_element_type3A_6 : vector<10000x152xf32>
    %slice3A_7 = vector.extract_strided_slice %get3A_1 {offsets = [1, 0], sizes = [1, 10000], strides = [1, 1]} : vector<8x10000xi32> to vector<1x10000xi32>
    %squeeze3A_8 = vector.shape_cast %slice3A_7 : vector<1x10000xi32> to vector<10000xi32>
    %broadcast_in_dim3A_9 = vector.shape_cast %squeeze3A_8 : vector<10000xi32> to vector<10000x1xi32>
    %eq3A_10 = vector.broadcast %broadcast_in_dim3A_9 : vector<10000x1xi32> to vector<10000x152xi32>
    %eq3A_11 = vector.broadcast %iota3A : vector<1x152xi32> to vector<10000x152xi32>
    %eq3A_12 = arith.cmpi eq, %eq3A_10, %eq3A_11 : vector<10000x152xi32>
    %convert_element_type3A_13 = arith.extui %eq3A_12 : vector<10000x152xi1> to vector<10000x152xi32>
    %convert_element_type3A_14 = arith.sitofp %convert_element_type3A_13 : vector<10000x152xi32> to vector<10000x152xf32>
    %add3A_15 = arith.addf %add3A, %convert_element_type3A_14 : vector<10000x152xf32>
    %slice3A_16 = vector.extract_strided_slice %get3A_1 {offsets = [2, 0], sizes = [1, 10000], strides = [1, 1]} : vector<8x10000xi32> to vector<1x10000xi32>
    %squeeze3A_17 = vector.shape_cast %slice3A_16 : vector<1x10000xi32> to vector<10000xi32>
    %broadcast_in_dim3A_18 = vector.shape_cast %squeeze3A_17 : vector<10000xi32> to vector<10000x1xi32>
    %eq3A_19 = vector.broadcast %broadcast_in_dim3A_18 : vector<10000x1xi32> to vector<10000x152xi32>
    %eq3A_20 = vector.broadcast %iota3A : vector<1x152xi32> to vector<10000x152xi32>
    %eq3A_21 = arith.cmpi eq, %eq3A_19, %eq3A_20 : vector<10000x152xi32>
    %convert_element_type3A_22 = arith.extui %eq3A_21 : vector<10000x152xi1> to vector<10000x152xi32>
    %convert_element_type3A_23 = arith.sitofp %convert_element_type3A_22 : vector<10000x152xi32> to vector<10000x152xf32>
    %add3A_24 = arith.addf %add3A_15, %convert_element_type3A_23 : vector<10000x152xf32>
    %slice3A_25 = vector.extract_strided_slice %get3A_1 {offsets = [3, 0], sizes = [1, 10000], strides = [1, 1]} : vector<8x10000xi32> to vector<1x10000xi32>
    %squeeze3A_26 = vector.shape_cast %slice3A_25 : vector<1x10000xi32> to vector<10000xi32>
    %broadcast_in_dim3A_27 = vector.shape_cast %squeeze3A_26 : vector<10000xi32> to vector<10000x1xi32>
    %eq3A_28 = vector.broadcast %broadcast_in_dim3A_27 : vector<10000x1xi32> to vector<10000x152xi32>
    %eq3A_29 = vector.broadcast %iota3A : vector<1x152xi32> to vector<10000x152xi32>
    %eq3A_30 = arith.cmpi eq, %eq3A_28, %eq3A_29 : vector<10000x152xi32>
    %convert_element_type3A_31 = arith.extui %eq3A_30 : vector<10000x152xi1> to vector<10000x152xi32>
    %convert_element_type3A_32 = arith.sitofp %convert_element_type3A_31 : vector<10000x152xi32> to vector<10000x152xf32>
    %add3A_33 = arith.addf %add3A_24, %convert_element_type3A_32 : vector<10000x152xf32>
    %slice3A_34 = vector.extract_strided_slice %get3A_1 {offsets = [4, 0], sizes = [1, 10000], strides = [1, 1]} : vector<8x10000xi32> to vector<1x10000xi32>
    %squeeze3A_35 = vector.shape_cast %slice3A_34 : vector<1x10000xi32> to vector<10000xi32>
    %broadcast_in_dim3A_36 = vector.shape_cast %squeeze3A_35 : vector<10000xi32> to vector<10000x1xi32>
    %eq3A_37 = vector.broadcast %broadcast_in_dim3A_36 : vector<10000x1xi32> to vector<10000x152xi32>
    %eq3A_38 = vector.broadcast %iota3A : vector<1x152xi32> to vector<10000x152xi32>
    %eq3A_39 = arith.cmpi eq, %eq3A_37, %eq3A_38 : vector<10000x152xi32>
    %convert_element_type3A_40 = arith.extui %eq3A_39 : vector<10000x152xi1> to vector<10000x152xi32>
    %convert_element_type3A_41 = arith.sitofp %convert_element_type3A_40 : vector<10000x152xi32> to vector<10000x152xf32>
    %add3A_42 = arith.addf %add3A_33, %convert_element_type3A_41 : vector<10000x152xf32>
    %slice3A_43 = vector.extract_strided_slice %get3A_1 {offsets = [5, 0], sizes = [1, 10000], strides = [1, 1]} : vector<8x10000xi32> to vector<1x10000xi32>
    %squeeze3A_44 = vector.shape_cast %slice3A_43 : vector<1x10000xi32> to vector<10000xi32>
    %broadcast_in_dim3A_45 = vector.shape_cast %squeeze3A_44 : vector<10000xi32> to vector<10000x1xi32>
    %eq3A_46 = vector.broadcast %broadcast_in_dim3A_45 : vector<10000x1xi32> to vector<10000x152xi32>
    %eq3A_47 = vector.broadcast %iota3A : vector<1x152xi32> to vector<10000x152xi32>
    %eq3A_48 = arith.cmpi eq, %eq3A_46, %eq3A_47 : vector<10000x152xi32>
    %convert_element_type3A_49 = arith.extui %eq3A_48 : vector<10000x152xi1> to vector<10000x152xi32>
    %convert_element_type3A_50 = arith.sitofp %convert_element_type3A_49 : vector<10000x152xi32> to vector<10000x152xf32>
    %add3A_51 = arith.addf %add3A_42, %convert_element_type3A_50 : vector<10000x152xf32>
    %slice3A_52 = vector.extract_strided_slice %get3A_1 {offsets = [6, 0], sizes = [1, 10000], strides = [1, 1]} : vector<8x10000xi32> to vector<1x10000xi32>
    %squeeze3A_53 = vector.shape_cast %slice3A_52 : vector<1x10000xi32> to vector<10000xi32>
    %broadcast_in_dim3A_54 = vector.shape_cast %squeeze3A_53 : vector<10000xi32> to vector<10000x1xi32>
    %eq3A_55 = vector.broadcast %broadcast_in_dim3A_54 : vector<10000x1xi32> to vector<10000x152xi32>
    %eq3A_56 = vector.broadcast %iota3A : vector<1x152xi32> to vector<10000x152xi32>
    %eq3A_57 = arith.cmpi eq, %eq3A_55, %eq3A_56 : vector<10000x152xi32>
    %convert_element_type3A_58 = arith.extui %eq3A_57 : vector<10000x152xi1> to vector<10000x152xi32>
    %convert_element_type3A_59 = arith.sitofp %convert_element_type3A_58 : vector<10000x152xi32> to vector<10000x152xf32>
    %add3A_60 = arith.addf %add3A_51, %convert_element_type3A_59 : vector<10000x152xf32>
    %slice3A_61 = vector.extract_strided_slice %get3A_1 {offsets = [7, 0], sizes = [1, 10000], strides = [1, 1]} : vector<8x10000xi32> to vector<1x10000xi32>
    %squeeze3A_62 = vector.shape_cast %slice3A_61 : vector<1x10000xi32> to vector<10000xi32>
    %broadcast_in_dim3A_63 = vector.shape_cast %squeeze3A_62 : vector<10000xi32> to vector<10000x1xi32>
    %eq3A_64 = vector.broadcast %broadcast_in_dim3A_63 : vector<10000x1xi32> to vector<10000x152xi32>
    %eq3A_65 = vector.broadcast %iota3A : vector<1x152xi32> to vector<10000x152xi32>
    %eq3A_66 = arith.cmpi eq, %eq3A_64, %eq3A_65 : vector<10000x152xi32>
    %convert_element_type3A_67 = arith.extui %eq3A_66 : vector<10000x152xi1> to vector<10000x152xi32>
    %convert_element_type3A_68 = arith.sitofp %convert_element_type3A_67 : vector<10000x152xi32> to vector<10000x152xf32>
    %add3A_69 = arith.addf %add3A_60, %convert_element_type3A_68 : vector<10000x152xf32>
    %get3A_70 = arith.constant 0 : index
    %get3A_71 = arith.constant 0 : index
    %get3A_72 = vector.load %arg1[%get3A_70, %get3A_71] : memref<152x128xf32, #tpu.memory_space<vmem>>, vector<152x128xf32>
    %dot_general3A = arith.constant dense<0.000000e+00> : vector<10000x128xf32>
    %dot_general3A_73 = tpu.matmul %add3A_69, %get3A_72, %dot_general3A {dimension_numbers = #tpu.dot_dimension_numbers<[1], [0], [0], [1], [0, 0, 1, 1], [], []>, transpose_lhs_hint = false} : vector<10000x152xf32>, vector<152x128xf32>, vector<10000x128xf32> -> vector<10000x128xf32>
    %swap3A = arith.constant 0 : index
    %swap3A_74 = arith.constant 0 : index
    %swap3A_75 = vector.load %arg2[%swap3A, %swap3A_74] : memref<10000x128xf32, #tpu.memory_space<vmem>>, vector<10000x128xf32>
    tpu.vector_store %arg2[%swap3A, %swap3A_74], %dot_general3A_73 {strides = array<i32>} : memref<10000x128xf32, #tpu.memory_space<vmem>>, vector<10000x128xf32>,
    return
  }
}

module attributes {stable_mosaic.version = 14 : i64} {
  func.func @_tc1_body(%arg0: memref<32x1x10000xf32, #tpu.memory_space<vmem>>, %arg1: memref<32x1x10000xf32, #tpu.memory_space<vmem>>, %arg2: memref<10000x128xf32, #tpu.memory_space<vmem>>, %arg3: memref<10000xf32, #tpu.memory_space<vmem>>, %arg4: memref<10000xf32, #tpu.memory_space<vmem>>, %arg5: memref<10000x128xf32, #tpu.memory_space<vmem>>) attributes {dimension_semantics = [], scalar_prefetch = 0 : i64, scratch_operands = 0 : i64, tpu.core_type = #tpu.core_type<tc>} {
    %get3A = arith.constant 0 : index
    %get3A_0 = arith.constant 0 : index
    %get3A_1 = arith.constant 0 : index
    %get3A_2 = vector.load %arg0[%get3A, %get3A_0, %get3A_1] : memref<32x1x10000xf32, #tpu.memory_space<vmem>>, vector<32x1x10000xf32>
    %reduce_sum3A = arith.constant dense<0.000000e+00> : vector<10000xf32>
    %reduce_sum3A_3 = vector.multi_reduction <add>, %get3A_2, %reduce_sum3A [0, 1] : vector<32x1x10000xf32> to vector<10000xf32>
    %get3A_4 = arith.constant 0 : index
    %get3A_5 = arith.constant 0 : index
    %get3A_6 = arith.constant 0 : index
    %get3A_7 = vector.load %arg1[%get3A_4, %get3A_5, %get3A_6] : memref<32x1x10000xf32, #tpu.memory_space<vmem>>, vector<32x1x10000xf32>
    %reduce_sum3A_8 = arith.constant dense<0.000000e+00> : vector<10000xf32>
    %reduce_sum3A_9 = vector.multi_reduction <add>, %get3A_7, %reduce_sum3A_8 [0, 1] : vector<32x1x10000xf32> to vector<10000xf32>
    %max3A = arith.constant 1.000000e+00 : f32
    %max3A_10 = vector.broadcast %max3A : f32 to vector<10000xf32>
    %max3A_11 = arith.maximumf %reduce_sum3A_3, %max3A_10 : vector<10000xf32>
    %rsqrt3A = math.rsqrt %max3A_11 : vector<10000xf32>
    %max3A_12 = arith.constant 1.000000e+00 : f32
    %max3A_13 = vector.broadcast %max3A_12 : f32 to vector<10000xf32>
    %max3A_14 = arith.maximumf %reduce_sum3A_9, %max3A_13 : vector<10000xf32>
    %rsqrt3A_15 = math.rsqrt %max3A_14 : vector<10000xf32>
    %swap3A = arith.constant 0 : index
    %swap3A_16 = vector.load %arg3[%swap3A] : memref<10000xf32, #tpu.memory_space<vmem>>, vector<10000xf32>
    tpu.vector_store %arg3[%swap3A], %rsqrt3A {strides = array<i32>} : memref<10000xf32, #tpu.memory_space<vmem>>, vector<10000xf32>,
    %swap3A_17 = arith.constant 0 : index
    %swap3A_18 = vector.load %arg4[%swap3A_17] : memref<10000xf32, #tpu.memory_space<vmem>>, vector<10000xf32>
    tpu.vector_store %arg4[%swap3A_17], %rsqrt3A_15 {strides = array<i32>} : memref<10000xf32, #tpu.memory_space<vmem>>, vector<10000xf32>,
    %get3A_19 = arith.constant 0 : index
    %get3A_20 = arith.constant 0 : index
    %get3A_21 = vector.load %arg2[%get3A_19, %get3A_20] : memref<10000x128xf32, #tpu.memory_space<vmem>>, vector<10000x128xf32>
    %broadcast_in_dim3A = vector.shape_cast %rsqrt3A : vector<10000xf32> to vector<10000x1xf32>
    %mul3A = vector.broadcast %broadcast_in_dim3A : vector<10000x1xf32> to vector<10000x128xf32>
    %mul3A_22 = arith.mulf %get3A_21, %mul3A : vector<10000x128xf32>
    %swap3A_23 = arith.constant 0 : index
    %swap3A_24 = arith.constant 0 : index
    %swap3A_25 = vector.load %arg5[%swap3A_23, %swap3A_24] : memref<10000x128xf32, #tpu.memory_space<vmem>>, vector<10000x128xf32>
    tpu.vector_store %arg5[%swap3A_23, %swap3A_24], %mul3A_22 {strides = array<i32>} : memref<10000x128xf32, #tpu.memory_space<vmem>>, vector<10000x128xf32>,
    return
  }
}

module attributes {stable_mosaic.version = 14 : i64} {
  func.func @_tc2_body(%arg0: memref<2x10240x128xf32, #tpu.memory_space<vmem>>, %arg1: memref<10000xf32, #tpu.memory_space<vmem>>, %arg2: memref<10000xf32, #tpu.memory_space<vmem>>, %arg3: memref<128x128xf32, #tpu.memory_space<vmem>>, %arg4: memref<128xf32, #tpu.memory_space<vmem>>, %arg5: memref<10000x128xf32, #tpu.memory_space<vmem>>) attributes {dimension_semantics = [], scalar_prefetch = 0 : i64, scratch_operands = 0 : i64, tpu.core_type = #tpu.core_type<tc>} {
    %get3A = arith.constant 0 : index
    %get3A_0 = arith.constant 0 : index
    %get3A_1 = arith.constant 0 : index
    %get3A_2 = vector.load %arg0[%get3A, %get3A_0, %get3A_1] : memref<2x10240x128xf32, #tpu.memory_space<vmem>>, vector<1x10000x128xf32>
    %get3A_3 = vector.shape_cast %get3A_2 : vector<1x10000x128xf32> to vector<10000x128xf32>
    %get3A_4 = arith.constant 1 : index
    %get3A_5 = arith.constant 0 : index
    %get3A_6 = arith.constant 0 : index
    %get3A_7 = vector.load %arg0[%get3A_4, %get3A_5, %get3A_6] : memref<2x10240x128xf32, #tpu.memory_space<vmem>>, vector<1x10000x128xf32>
    %get3A_8 = vector.shape_cast %get3A_7 : vector<1x10000x128xf32> to vector<10000x128xf32>
    %add3A = arith.addf %get3A_3, %get3A_8 : vector<10000x128xf32>
    %get3A_9 = arith.constant 0 : index
    %get3A_10 = vector.load %arg1[%get3A_9] : memref<10000xf32, #tpu.memory_space<vmem>>, vector<10000xf32>
    %broadcast_in_dim3A = vector.shape_cast %get3A_10 : vector<10000xf32> to vector<10000x1xf32>
    %mul3A = vector.broadcast %broadcast_in_dim3A : vector<10000x1xf32> to vector<10000x128xf32>
    %mul3A_11 = arith.mulf %add3A, %mul3A : vector<10000x128xf32>
    %get3A_12 = arith.constant 0 : index
    %get3A_13 = vector.load %arg4[%get3A_12] : memref<128xf32, #tpu.memory_space<vmem>>, vector<128xf32>
    %broadcast_in_dim3A_14 = vector.shape_cast %get3A_13 : vector<128xf32> to vector<1x128xf32>
    %add3A_15 = vector.broadcast %broadcast_in_dim3A_14 : vector<1x128xf32> to vector<10000x128xf32>
    %add3A_16 = arith.addf %mul3A_11, %add3A_15 : vector<10000x128xf32>
    %max3A = arith.constant 0.000000e+00 : f32
    %max3A_17 = vector.broadcast %max3A : f32 to vector<10000x128xf32>
    %max3A_18 = arith.maximumf %add3A_16, %max3A_17 : vector<10000x128xf32>
    %get3A_19 = arith.constant 0 : index
    %get3A_20 = arith.constant 0 : index
    %get3A_21 = vector.load %arg3[%get3A_19, %get3A_20] : memref<128x128xf32, #tpu.memory_space<vmem>>, vector<128x128xf32>
    %dot_general3A = arith.constant dense<0.000000e+00> : vector<10000x128xf32>
    %dot_general3A_22 = tpu.matmul %max3A_18, %get3A_21, %dot_general3A {dimension_numbers = #tpu.dot_dimension_numbers<[1], [0], [0], [1], [0, 0, 1, 1], [], []>, transpose_lhs_hint = false} : vector<10000x128xf32>, vector<128x128xf32>, vector<10000x128xf32> -> vector<10000x128xf32>
    %get3A_23 = arith.constant 0 : index
    %get3A_24 = vector.load %arg2[%get3A_23] : memref<10000xf32, #tpu.memory_space<vmem>>, vector<10000xf32>
    %broadcast_in_dim3A_25 = vector.shape_cast %get3A_24 : vector<10000xf32> to vector<10000x1xf32>
    %mul3A_26 = vector.broadcast %broadcast_in_dim3A_25 : vector<10000x1xf32> to vector<10000x128xf32>
    %mul3A_27 = arith.mulf %dot_general3A_22, %mul3A_26 : vector<10000x128xf32>
    %swap3A = arith.constant 0 : index
    %swap3A_28 = arith.constant 0 : index
    %swap3A_29 = vector.load %arg5[%swap3A, %swap3A_28] : memref<10000x128xf32, #tpu.memory_space<vmem>>, vector<10000x128xf32>
    tpu.vector_store %arg5[%swap3A, %swap3A_28], %mul3A_27 {strides = array<i32>} : memref<10000x128xf32, #tpu.memory_space<vmem>>, vector<10000x128xf32>,
    return
  }
}

module attributes {stable_mosaic.version = 14 : i64} {
  func.func @_tc3_body(%arg0: memref<2x10240x128xf32, #tpu.memory_space<vmem>>, %arg1: memref<10000xf32, #tpu.memory_space<vmem>>, %arg2: memref<128xf32, #tpu.memory_space<vmem>>, %arg3: memref<10000xi32, #tpu.memory_space<vmem>>, %arg4: memref<64x128xf32, #tpu.memory_space<vmem>>) attributes {dimension_semantics = [], scalar_prefetch = 0 : i64, scratch_operands = 0 : i64, tpu.core_type = #tpu.core_type<tc>} {
    %get3A = arith.constant 0 : index
    %get3A_0 = arith.constant 0 : index
    %get3A_1 = arith.constant 0 : index
    %get3A_2 = vector.load %arg0[%get3A, %get3A_0, %get3A_1] : memref<2x10240x128xf32, #tpu.memory_space<vmem>>, vector<1x10000x128xf32>
    %get3A_3 = vector.shape_cast %get3A_2 : vector<1x10000x128xf32> to vector<10000x128xf32>
    %get3A_4 = arith.constant 1 : index
    %get3A_5 = arith.constant 0 : index
    %get3A_6 = arith.constant 0 : index
    %get3A_7 = vector.load %arg0[%get3A_4, %get3A_5, %get3A_6] : memref<2x10240x128xf32, #tpu.memory_space<vmem>>, vector<1x10000x128xf32>
    %get3A_8 = vector.shape_cast %get3A_7 : vector<1x10000x128xf32> to vector<10000x128xf32>
    %add3A = arith.addf %get3A_3, %get3A_8 : vector<10000x128xf32>
    %get3A_9 = arith.constant 0 : index
    %get3A_10 = vector.load %arg1[%get3A_9] : memref<10000xf32, #tpu.memory_space<vmem>>, vector<10000xf32>
    %broadcast_in_dim3A = vector.shape_cast %get3A_10 : vector<10000xf32> to vector<10000x1xf32>
    %mul3A = vector.broadcast %broadcast_in_dim3A : vector<10000x1xf32> to vector<10000x128xf32>
    %mul3A_11 = arith.mulf %add3A, %mul3A : vector<10000x128xf32>
    %get3A_12 = arith.constant 0 : index
    %get3A_13 = vector.load %arg2[%get3A_12] : memref<128xf32, #tpu.memory_space<vmem>>, vector<128xf32>
    %broadcast_in_dim3A_14 = vector.shape_cast %get3A_13 : vector<128xf32> to vector<1x128xf32>
    %add3A_15 = vector.broadcast %broadcast_in_dim3A_14 : vector<1x128xf32> to vector<10000x128xf32>
    %add3A_16 = arith.addf %mul3A_11, %add3A_15 : vector<10000x128xf32>
    %mul3A_17 = arith.mulf %add3A_16, %add3A_16 : vector<10000x128xf32>
    %reduce_sum3A = arith.constant dense<0.000000e+00> : vector<10000xf32>
    %reduce_sum3A_18 = vector.multi_reduction <add>, %mul3A_17, %reduce_sum3A [1] : vector<10000x128xf32> to vector<10000xf32>
    %sqrt3A = math.sqrt %reduce_sum3A_18 : vector<10000xf32>
    %sqrt3A_19 = arith.constant 1.280000e+02 : f32
    %sqrt3A_20 = math.sqrt %sqrt3A_19 : f32
    %reduce_sum3A_21 = vector.shape_cast %sqrt3A : vector<10000xf32> to vector<1x10000xf32>
    %reduce_sum3A_22 = arith.constant dense<0.000000e+00> : vector<1xf32>
    %reduce_sum3A_23 = vector.multi_reduction <add>, %reduce_sum3A_21, %reduce_sum3A_22 [1] : vector<1x10000xf32> to vector<1xf32>
    %reduce_sum3A_24 = vector.shape_cast %reduce_sum3A_23 : vector<1xf32> to vector<1x1xf32>
    %reduce_sum3A_25 = vector.extract %reduce_sum3A_24[0, 0] : f32 from vector<1x1xf32>
    %div3A = arith.constant 1.000000e+04 : f32
    %div3A_26 = arith.divf %reduce_sum3A_25, %div3A : f32
    %div3A_27 = arith.divf %sqrt3A_20, %div3A_26 : f32
    %mul3A_28 = vector.broadcast %div3A_27 : f32 to vector<10000x128xf32>
    %mul3A_29 = arith.mulf %add3A_16, %mul3A_28 : vector<10000x128xf32>
    %get3A_30 = arith.constant 0 : index
    %get3A_31 = vector.load %arg3[%get3A_30] : memref<10000xi32, #tpu.memory_space<vmem>>, vector<10000xi32>
    %broadcast_in_dim3A_32 = vector.shape_cast %get3A_31 : vector<10000xi32> to vector<1x10000xi32>
    %iota3A = tpu.iota {dimensions = array<i32: 0>} : vector<64x1xi32>
    %eq3A = vector.broadcast %broadcast_in_dim3A_32 : vector<1x10000xi32> to vector<64x10000xi32>
    %eq3A_33 = vector.broadcast %iota3A : vector<64x1xi32> to vector<64x10000xi32>
    %eq3A_34 = arith.cmpi eq, %eq3A, %eq3A_33 : vector<64x10000xi32>
    %convert_element_type3A = arith.extui %eq3A_34 : vector<64x10000xi1> to vector<64x10000xi32>
    %convert_element_type3A_35 = arith.sitofp %convert_element_type3A : vector<64x10000xi32> to vector<64x10000xf32>
    %dot_general3A = arith.constant dense<0.000000e+00> : vector<64x128xf32>
    %dot_general3A_36 = tpu.matmul %convert_element_type3A_35, %mul3A_29, %dot_general3A {dimension_numbers = #tpu.dot_dimension_numbers<[1], [0], [0], [1], [0, 0, 1, 1], [], []>, transpose_lhs_hint = false} : vector<64x10000xf32>, vector<10000x128xf32>, vector<64x128xf32> -> vector<64x128xf32>
    %swap3A = arith.constant 0 : index
    %swap3A_37 = arith.constant 0 : index
    %swap3A_38 = vector.load %arg4[%swap3A, %swap3A_37] : memref<64x128xf32, #tpu.memory_space<vmem>>, vector<64x128xf32>
    tpu.vector_store %arg4[%swap3A, %swap3A_37], %dot_general3A_36 {strides = array<i32>} : memref<64x128xf32, #tpu.memory_space<vmem>>, vector<64x128xf32>,
    return
  }
}

</mosaic_0001>

<sc_bundles>
// kernel: kernel.12.cloned.1.call-start
scs
__scs_entry_jumppad:
0x0: {  	(pc) =	sbr.rel $0x88, $3  }
0x1: {  	(tag) =	ssettag $0x0;
	lr =	simm.s32 $0x1  }
0x2: {  	[smem:$0x3F9A] =	sst lr;
	_ =	strace $0xD0000000  }
0x3: {  	_ = 	snop  }
0x4: {  	_ = 	snop  }
0x5: {  	_ = 	snop  }
0x6: {  	_ = 	snop  }
0x7: {  	_ = 	snop  }
__scs_overlays_trampoline_lowered:
0x8: {  	[smem:$0x3FA9] =	sst s0  }
0x9: {  	[smem:$0x3FAA] =	sst s1  }
0xa: {  	[smem:$0x3FAB] =	sst s2  }
0xb: {  	[smem:$0x3FAC] =	sst s3  }
0xc: {  	[smem:$0x3FAD] =	sst s4  }
0xd: {  	[smem:$0x3FAE] =	sst s5  }
0xe: {  	[smem:$0x3FAF] =	sst s6  }
0xf: {  	[smem:$0x3FB0] =	sst s7  }
0x10: {  	[smem:$0x3FB1] =	sst s8  }
0x11: {  	[smem:$0x3FB2] =	sst s9;
	s0 =	simm.s32 @!p0 $0x0  }
0x12: {  	s1 =	sld [smem:$0x3F98];
	s0 =	simm.s32 @p0 $0x1  }
0x13: {  	[smem:$0x3FB3] =	sst s0;
	s0 =	simm.s32 @!p1 $0x0  }
0x14: {  	s2 =	sld [smem:$0x3F97];
	s0 =	simm.s32 @p1 $0x1  }
0x15: {  	[smem:$0x3FB4] =	sst s0;
	s0 =	simm.s32 @!p2 $0x0  }
0x16: {  	s3 =	sld [smem:$0x3FDB];
	s0 =	simm.s32 @p2 $0x1  }
0x17: {  	s4 =	simm.s32 $0x1BF5;
	[smem:$0x3FB6] =	sst s0  }
0x18: {  	s0 =	sld [smem:$0x3F99];
	_ =	swait.ge [sflag:s4], $0x0  }
0x19: {  	s7 =	sld [smem:$0x3F9A]  }
0x1a: {  	s8 =	sadd.s32 $0xFFFFE003, lr  }
0x1b: {  	s9 =	sadd.s32 $0xFFFFFEF7, lr;
	s5 =	simm.s32 $0xFFFFFFFF;
	p2 =	slt.u32 s8, $0xFFFFF086  }
0x1c: {  	p1 =	slt.u32 s9, $0xF7A;
	s5 =	simm.s32 @!p2 $0x0  }
0x1d: {  	s5 =	simm.s32 @p1 $0x1;
	p0 =	seq.s32 s7, s2  }
0x1e: {  	s7 =	smul.u32 @!p0 $0xF7A, s2;
	p2 =	seq.s32 @!p0 s5, $0x0  }
0x1f: {  	s9 =	smul.u32 $0xF7A, s1;
	s8 =	simm.s32 @!p0 $0x1BF5;
	p2 =	por !p2, p0  }
0x20: {  	[sflag:s8] =	ssyncset.s32 @!p0 $0xFFFFF086;
	s6 =	sadd.s32 @!p0 s3, s7;
	s7 =	simm.s32 @!p0 $0x108  }
0x21: {  	s3 =	sadd.s32 s3, s9;
	s6 =	sadd.s32 @!p0 $0x88, s6;
	s7 =	simm.s32 @p2 $0x1082  }
0x22: {  	[simem:s7], [sflag:s8] =	dma.local @!p0 [hbm:s6], $0xF7A  }
0x23: {  	s9 =	sor.u32 $0xD0000000, s2;
	s6 =	simm.s32 $0x108;
	_ =	swait.ge @!p0 [sflag:s8], $0x0  }
0x24: {  	s3 =	sadd.s32 $0x88, s3;
	s6 =	simm.s32 @!p1 $0x1082;
	[sflag:s4] =	ssyncset.s32 $0xFFFFF086  }
0x25: {  	[simem:s6], [sflag:s4] =	dma.local [hbm:s3], $0xF7A  }
0x26: {  	[smem:$0x3F9A] =	sst s1;
	(tag) =	ssettag s2;
	_ =	strace s9  }
0x27: {  	s1 =	sld [smem:$0x3FAA]  }
0x28: {  	s2 =	sld [smem:$0x3FAB]  }
0x29: {  	s4 =	sld [smem:$0x3FAD]  }
0x2a: {  	p0 =	seq.s32 s5, $0x0;
	s5 =	sld [smem:$0x3FAE]  }
0x2b: {  	s6 =	sld [smem:$0x3FAF]  }
0x2c: {  	s7 =	sld [smem:$0x3FB0]  }
0x2d: {  	s3 =	simm.s32 $0x108;
	s8 =	sld [smem:$0x3FB1]  }
0x2e: {  	s3 =	simm.s32 @!p0 $0x1082;
	s9 =	sld [smem:$0x3FB2]  }
0x2f: {  	lr =	sadd.s32 s0, s3;
	s0 =	sld [smem:$0x3FA9]  }
0x30: {  	s3 =	sld [smem:$0x3FAC]  }
0x31: {  	[smem:$0x3FB5] =	sst s10  }
0x32: {  	s10 =	sld [smem:$0x3FB3];
	_ =	sdelay $0x3  }
0x33: {  	p0 =	seq.s32 s10, $0x1;
	s10 =	sld [smem:$0x3FB5];
	_ =	sdelay $0x3  }
0x34: {  	[smem:$0x3FB5] =	sst s10  }
0x35: {  	s10 =	sld [smem:$0x3FB4];
	_ =	sdelay $0x3  }
0x36: {  	p1 =	seq.s32 s10, $0x1;
	s10 =	sld [smem:$0x3FB5];
	_ =	sdelay $0x3  }
0x37: {  	[smem:$0x3FB5] =	sst s10  }
0x38: {  	s10 =	sld [smem:$0x3FB6]  }
0x39: {  	_ = 	snop;
	(pc) =	sbr.ind lr, $3  }
0x3a: {  	_ = 	snop  }
0x3b: {  	_ = 	snop  }
0x3c: {  	p2 =	seq.s32 s10, $0x1;
	s10 =	sld [smem:$0x3FB5]  }
0x3d: {  	_ =	shalt  }
0x3e: {  	_ =	shalt  }
0x3f: {  	_ =	shalt  }
0x40: {  	_ =	shalt  }
0x41: {  	_ =	shalt  }
0x42: {  	_ =	shalt  }
0x43: {  	_ =	shalt  }
0x44: {  	_ =	shalt  }
0x45: {  	_ =	shalt  }
0x46: {  	_ =	shalt  }
0x47: {  	_ =	shalt  }
0x48: {  	_ =	shalt  }
0x49: {  	_ =	shalt  }
0x4a: {  	_ =	shalt  }
0x4b: {  	_ =	shalt  }
0x4c: {  	_ =	shalt  }
0x4d: {  	_ =	shalt  }
0x4e: {  	_ =	shalt  }
0x4f: {  	_ =	shalt  }
0x50: {  	_ =	shalt  }
0x51: {  	_ =	shalt  }
0x52: {  	_ =	shalt  }
0x53: {  	_ =	shalt  }
0x54: {  	_ =	shalt  }
0x55: {  	_ =	shalt  }
0x56: {  	_ =	shalt  }
0x57: {  	_ =	shalt  }
0x58: {  	_ =	shalt  }
0x59: {  	_ =	shalt  }
0x5a: {  	_ =	shalt  }
0x5b: {  	_ =	shalt  }
0x5c: {  	_ =	shalt  }
0x5d: {  	_ =	shalt  }
0x5e: {  	_ =	shalt  }
0x5f: {  	_ =	shalt  }
0x60: {  	_ =	shalt  }
0x61: {  	_ =	shalt  }
0x62: {  	_ =	shalt  }
0x63: {  	_ =	shalt  }
0x64: {  	_ =	shalt  }
0x65: {  	_ =	shalt  }
0x66: {  	_ =	shalt  }
0x67: {  	_ =	shalt  }
0x68: {  	_ =	shalt  }
0x69: {  	_ =	shalt  }
0x6a: {  	_ =	shalt  }
0x6b: {  	_ =	shalt  }
0x6c: {  	_ =	shalt  }
0x6d: {  	_ =	shalt  }
0x6e: {  	_ =	shalt  }
0x6f: {  	_ =	shalt  }
0x70: {  	_ =	shalt  }
0x71: {  	_ =	shalt  }
0x72: {  	_ =	shalt  }
0x73: {  	_ =	shalt  }
0x74: {  	_ =	shalt  }
0x75: {  	_ =	shalt  }
0x76: {  	_ =	shalt  }
0x77: {  	_ =	shalt  }
0x78: {  	_ =	shalt  }
0x79: {  	_ =	shalt  }
0x7a: {  	_ =	shalt  }
0x7b: {  	_ =	shalt  }
0x7c: {  	_ =	shalt  }
0x7d: {  	_ =	shalt  }
0x7e: {  	_ =	shalt  }
0x7f: {  	_ =	shalt  }
0x80: {  	_ =	shalt  }
0x81: {  	_ =	shalt  }
0x82: {  	_ =	shalt  }
0x83: {  	_ =	shalt  }
0x84: {  	_ =	shalt  }
0x85: {  	_ =	shalt  }
0x86: {  	_ =	shalt  }
0x87: {  	_ =	shalt  }
.Lfunc_end0:
.L_simem_size_0:
called_computation.1_lowered:
.L_overlay_start_0:
0x88: {  	s2 =	sld [smem:$0x3FD9]  }
0x89: {  	s3 =	sld [smem:$0x3FFE];
	_ =	sdelay $0x1  }
0x8a: {  	s1 =	srdreg.scid  }
0x8b: {  	s0 =	sand.u32 $0x1, s1  }
0x8c: {  	s16 =	sshll.u32 s0, $0xA;
	s2 =	sadd.s32 s3, s2  }
0x8d: {  	s2 =	sadd.s32 s2, s16  }
0x8e: {  	[smem:$0x3FC1] =	sst s2  }
0x8f: {  	_ = 	snop  }
0x90: {  	(tm) =	ssettm $0x1  }
0x91: {  	s17 =	sld [smem:$0x3FFB];
	_ =	sdelay $0x3  }
0x92: {  	_ =	strace s17  }
0x93: {  	s2 =	sld [smem:$0x3FFC];
	_ =	sdelay $0x3  }
0x94: {  	_ =	strace s2  }
0x95: {  	s2 =	sld [smem:$0x3FFD];
	_ =	sdelay $0x3  }
0x96: {  	_ =	strace s2  }
0x97: {  	_ =	strace $0x8FFFFFFF  }
0x98: {  	s18 =	sld [smem:$0x3FDB];
	_ =	sdelay $0x1  }
0x99: {  	s19 =	simm.s32 $_scs_section_size  }
0x9a: {  	s4 =	simm.s32 $_size__tile_overlayer_lowered;
	s5 =	simm.s32 $_tile_overlayer_lowered  }
0x9b: {  	s22 =	simm.s32 $0x1BFF;
	s21 =	sshll.u32 s5, $0x1;
	s2 =	sadd.s32 s19, s18  }
0x9c: {  	s6 =	simm.s32 $0x0;
	s20 =	sshll.u32 s4, $0x1;
	s4 =	sadd.s32 s21, s2  }
0x9d: {  	[timem:s6], [sflag:s22] =	dma.local [hbm:s4], s20  }
0x9e: {  	_ =	swait.ge [sflag:s22], s20  }
0x9f: {  	s3 =	ssub.s32 $0x0, s20;
	[sflag:s22] =	ssyncset.done $0x0  }
0xa0: {  	[sflag:s22] =	ssyncadd.s32 s3;
	_ =	sdelay $0x1  }
0xa1: {  	s23 =	simm.s32 $0x1B8B  }
0xa2: {  	_ =	swait.ge [sflag:s23], $0x1  }
0xa3: {  	[sflag:s23] =	ssyncset.done $0x0  }
0xa4: {  	s25 =	simm.s32 $0x1B8E;
	s24 =	sld [smem:$0x3FFE];
	[sflag:s23] =	ssyncadd.s32 $0xFFFFFFFF  }
0xa5: {  	s26 =	simm.s32 $execute0_lowered;
	[smem:$0x3FD2] =	sst s25  }
0xa6: {  	s4 =	sshll.u32 s26, $0x1;
	_ =	strace $0x80000049;
	[dreg:$0x1] =	wrdreg $0xFFFFFFFF  }
0xa7: {  	s28 =	simm.s32 $_size_execute0_lowered;
	s2 =	sadd.s32 s2, s4;
	[dreg:$0x0] =	wrdreg $0x0  }
0xa8: {  	s4 =	sshll.u32 s28, $0x1;
	[dreg:$0x2] =	wrdreg s2  }
0xa9: {  	[dreg:$0x3] =	wrdreg s4  }
0xaa: {  	[dreg:$0x4] =	wrdreg $0xC0  }
0xab: {  	_ =	task [dreg:s6], $0x5FFFF  }
0xac: {  	[dreg:$0x1] =	wrdreg $0xFFFFFFFF  }
0xad: {  	[dreg:$0x0] =	wrdreg $0x60  }
0xae: {  	[dreg:$0x2] =	wrdreg s24  }
0xaf: {  	[dreg:$0x3] =	wrdreg $0xBA000  }
0xb0: {  	[dreg:$0x4] =	wrdreg $0x9  }
0xb1: {  	_ =	task.clear_ibuf [dreg:s6], $0x5FFFF;
	_ =	strace $0x90000049  }
0xb2: {  	s29 =	simm.s32 $0x9;
	_ =	strace $0x8000004B  }
0xb3: {  	_ =	swait.ge [sflag:s29], $0x1  }
0xb4: {  	[sflag:s29] =	ssyncadd.s32 $0xFFFFFFFF  }
0xb5: {  	_ =	strace $0x9000004B  }
0xb6: {  	_ =	sfence  }
0xb7: {  	s30 =	sld [smem:$0x0];
	_ =	sdelay $0x2  }
0xb8: {  	s31 =	sshll.u32 s1, $0xD;
	s1 =	sshrl.u32 s1, $0x2  }
0xb9: {  	s3 =	sand.u32 $0x4000, s31;
	s1 =	sadd.s32 s1, s30  }
0xba: {  	s0 =	sor.u32 s3, s0;
	s1 =	sshll.u32 s1, $0x11  }
0xbb: {  	s0 =	sor.u32 s1, s0  }
0xbc: {  	s0 =	sadd.s32 $0x8F2B, s0  }
0xbd: {  	[sflag:s0] =	ssyncadd.remote.s32 $0x1  }
0xbe: {  	_ =	sfence.sel $0xFFFF  }
0xbf: {  	[dreg:$0x0] =	wrdreg $0xFFFFFFFF;
	(pc) =	sbr.abs _section_cstart, $3  }
0xc0: {  	[dreg:$0x1] =	wrdreg $0xFFFFFFFF  }
0xc1: {  	_ =	task.clear_ibuf [dreg:s6], $0x2FFFF;
	_ =	strace $0x9FFFFFFF  }
0xc2: {  	(tm) =	ssettm $0x7FFFFFFF  }
0xc3: {  	_ =	shalt  }
tec
execute0_lowered:
.L_overlay_start_1:
0x0: {  	(tag) =	ssettag $0x1  }
0x1: {  	s0 =	rddreg [dreg:$0x0]  }
0x2: {  	s2 =	rddreg [dreg:$0x1]  }
0x3: {  	s1 =	srdreg.scid;
	s12 =	stileid.u32;
	s3 =	simm.s32 $0x0  }
0x4: {  	s28 =	simm.s32 $0x3200;
	s31 =	simm.s32 $0x8200;
	s30 =	simm.s32 $0x980  }
0x5: {  	s1 =	sand.u32 $0x1, s1;
	s4 =	sshll.u32 s12, $0x1;
	s8 =	smul.u32 $0x50000, s12  }
0x6: {  	[smem:$0x7FF] =	sst s3;
	s6 =	sadd.s32 $0x2200, s0;
	s15 =	smul.u32 $0x14000, s12  }
0x7: {  	s20 =	smul.u32 $0x4E20, s12;
	s5 =	sor.u32 s1, s4;
	_ =	strace $0x8000004A  }
0x8: {  	s4 =	sadd.s32 $0x15E00, s0;
	s9 =	ssub.s32 $0x2, s1;
	s17 =	smul.u32 $0x140000, s1  }
0x9: {  	s1 =	smul.u32 $0x2710, s1;
	s10 =	sshrl.u32 s9, $0x1;
	s8 =	sshrl.u32 s8, $0x2  }
0xa: {  	s7 =	smul.u32 $0x2710, s5;
	s9 =	ssub.s32 s9, s10;
	s29 =	sadd.s32 s8, s2  }
0xb: {  	s5 =	sadd.s32 $0xC000, s0;
	s22 =	smax.u32 s9, $0x1;
	[dreg:$0x3] =	wrdreg s29  }
0xc: {  	s0 =	sadd.s32 $0x3D000, s0;
	s23 =	sadd.s32 $0x1000, s29;
	[dreg:$0xc] =	wrdreg s22  }
0xd: {  	s19 =	sadd.s32 $0xA000, s15;
	s24 =	sadd.s32 $0x2000, s29;
	[dreg:$0xd] =	wrdreg s23  }
0xe: {  	s8 =	sadd.s32 s15, s17;
	s25 =	sadd.s32 $0x3000, s29;
	[dreg:$0xe] =	wrdreg s24  }
0xf: {  	s1 =	sadd.s32 s1, s20;
	s9 =	sadd.s32 $0x4000, s29;
	[dreg:$0xf] =	wrdreg s25  }
0x10: {  	s26 =	sadd.s32 $0x3C0, s1;
	s1 =	sadd.s32 $0x280, s1;
	[dreg:$0x10] =	wrdreg s9  }
0x11: {  	s21 =	sadd.s32 s19, s2;
	s12 =	sadd.s32 $0x7000, s29;
	[dreg:$0x12] =	wrdreg s1  }
0x12: {  	s7 =	sshrl.u32 s7, $0x3;
	s15 =	sadd.s32 $0xA000, s29;
	[dreg:$0x15] =	wrdreg s12  }
0x13: {  	s8 =	sshrl.u32 s8, $0x3;
	s20 =	sadd.s32 $0xF000, s29;
	[dreg:$0x18] =	wrdreg s15  }
0x14: {  	s11 =	sadd.s32 $0x4D8, s7;
	s14 =	sadd.s32 s5, s7;
	[dreg:$0x1d] =	wrdreg s20  }
0x15: {  	s16 =	sadd.s32 s6, s7;
	s7 =	sadd.s32 $0x28, s7;
	[dreg:$0x6] =	wrdreg s14  }
0x16: {  	s8 =	sadd.s32 s0, s8;
	s24 =	sadd.s32 $0x11000, s29;
	[dreg:$0x7] =	wrdreg s16  }
0x17: {  	s25 =	sadd.s32 $0x12000, s29;
	s20 =	simm.s32 $0xA00;
	[dreg:$0xa] =	wrdreg s8  }
0x18: {  	s15 =	simm.s32 $0x300;
	s12 =	simm.s32 $0x5;
	[dreg:$0x1f] =	wrdreg s24  }
0x19: {  	s1 =	simm.s32 $0x9;
	s10 =	sadd.s32 s5, s11;
	[smem:$0x7FC] =	sst s25  }
0x1a: {  	s9 =	simm.s32 $0x0;
	s13 =	sadd.s32 s6, s11;
	[dreg:$0x4] =	wrdreg s10  }
0x1b: {  	s18 =	sadd.s32 s5, s7;
	s7 =	sadd.s32 s6, s7;
	[dreg:$0x5] =	wrdreg s13  }
0x1c: {  	s11 =	sadd.s32 $0x6000, s29;
	s14 =	sadd.s32 $0x9000, s29;
	[dreg:$0x8] =	wrdreg s18  }
0x1d: {  	s16 =	sadd.s32 $0xB000, s29;
	s25 =	simm.s32 $0x6;
	[dreg:$0x9] =	wrdreg s7  }
0x1e: {  	s24 =	simm.s32 $0x5A00;
	s8 =	simm.s32 $0x3;
	[dreg:$0x14] =	wrdreg s11  }
0x1f: {  	s10 =	sadd.s32 s17, s19;
	s7 =	sshrl.u32 s26, $0x3;
	[dreg:$0x17] =	wrdreg s14  }
0x20: {  	s13 =	sadd.s32 $0x8000, s29;
	[dreg:$0x19] =	wrdreg s16;
	s17 =	sadd.s32 $0xC000, s29  }
0x21: {  	s18 =	sadd.s32 $0xD000, s29;
	s19 =	sadd.s32 $0xE000, s29;
	[dreg:$0x16] =	wrdreg s13  }
0x22: {  	s26 =	sadd.s32 $0x13000, s29;
	s16 =	simm.s32 $0x1;
	[dreg:$0x1a] =	wrdreg s17  }
0x23: {  	s11 =	simm.s32 $0x700;
	s14 =	simm.s32 $0x7;
	[dreg:$0x1b] =	wrdreg s18  }
0x24: {  	s10 =	sshrl.u32 s10, $0x3;
	s22 =	sadd.s32 s7, s6;
	[dreg:$0x1c] =	wrdreg s19  }
0x25: {  	s23 =	sadd.s32 s7, s5;
	[smem:$0x7FD] =	sst s26;
	s18 =	simm.s32 $0x600  }
.Ltmp0:
0x26: {  	s19 =	simm.s32 $0x50;
	s0 =	sadd.s32 s0, s10;
	(pc) =	sbr.rel .LBB2_1-.Ltmp0, $4  }
0x27: {  	s13 =	simm.s32 $0x780;
	s10 =	sadd.s32 $0x5000, s29;
	[dreg:$0xb] =	wrdreg s0  }
0x28: {  	s17 =	simm.s32 $0x8;
	[dreg:$0x11] =	wrdreg s10;
	s0 =	sshrl.u32 s21, $0x3  }
0x29: {  	s21 =	sadd.s32 $0x10000, s29;
	s10 =	simm.s32 $0x4;
	[dreg:$0x13] =	wrdreg s0  }
0x2a: {  	v0 =	vimm.f32 $0.0e+00;
	[dreg:$0x1e] =	wrdreg s21;
	s21 =	simm.s32 $0x2;
	s0 =	simm.s32 $0x180  }
.LBB2_6:
0x2b: {  	_ =	swait.ge [sflag:s21], $0x2800  }
0x2c: {  	[sflag:s21] =	ssyncset.done $0x0  }
0x2d: {  	[sflag:s21] =	ssyncadd.s32 $0xFFFFD800  }
0x2e: {  	[spmem:s2] =	stream.indirect.scatter.add.f32 [tilespmem:s20], [sflag:$0x6], $0x80, s18, s19, $0xb8;
	[tilespmem:$0x1FA00] =	vst v63  }
0x2f: {  	_ =	swait.ge [sflag:s8], $0x2800  }
0x30: {  	[sflag:s8] =	ssyncset.done $0x0  }
0x31: {  	s7 =	simm.s32 $0x680;
	[sflag:s8] =	ssyncadd.s32 $0xFFFFD800  }
0x32: {  	[spmem:s2] =	stream.indirect.scatter.add.f32 [tilespmem:s28], [sflag:$0x7], $0x80, s7, s19, $0xb8;
	[tilespmem:$0x1FA00] =	vst v63  }
0x33: {  	_ =	swait.ge [sflag:s10], $0x2800  }
0x34: {  	[sflag:s10] =	ssyncset.done $0x0  }
0x35: {  	[sflag:s10] =	ssyncadd.s32 $0xFFFFD800  }
0x36: {  	[spmem:s2] =	stream.indirect.scatter.add.f32 [tilespmem:s24], [sflag:$0x8], $0x80, s11, s19, $0xb8;
	[tilespmem:$0x1FA00] =	vst v63  }
0x37: {  	_ =	swait.ge [sflag:s12], $0x2800  }
0x38: {  	[sflag:s12] =	ssyncset.done $0x0  }
0x39: {  	[sflag:s12] =	ssyncadd.s32 $0xFFFFD800  }
0x3a: {  	[spmem:s2] =	stream.indirect.scatter.add.f32 [tilespmem:s31], [sflag:$0x9], $0x80, s13, s19, $0xb8;
	[tilespmem:$0x1FA00] =	vst v63  }
0x3b: {  	_ =	swait.ge [sflag:s25], $0x2800  }
0x3c: {  	[sflag:s25] =	ssyncset.done $0x0  }
0x3d: {  	[sflag:s25] =	ssyncadd.s32 $0xFFFFD800  }
0x3e: {  	_ =	swait.ge [sflag:s14], $0x2800  }
0x3f: {  	[sflag:s14] =	ssyncset.done $0x0  }
0x40: {  	[sflag:s14] =	ssyncadd.s32 $0xFFFFD800  }
0x41: {  	_ =	swait.ge [sflag:s17], $0x2800  }
0x42: {  	[sflag:s17] =	ssyncset.done $0x0  }
0x43: {  	[sflag:s17] =	ssyncadd.s32 $0xFFFFD800  }
0x44: {  	_ =	swait.ge [sflag:s1], $0x2800  }
0x45: {  	[sflag:s1] =	ssyncset.done $0x0  }
0x46: {  	[sflag:s1] =	ssyncadd.s32 $0xFFFFD800  }
0x47: {  	s26 =	stileid.u32;
	[bflag:$0x0] =	sbarrier.arrive $0xFFFF  }
0x48: {  	s7 =	sshll.u32 s26, $0x6;
	s29 =	rddreg [dreg:$0x3]  }
0x49: {  	s9 =	sor.u32 $0x1C02, s7;
	s15 =	rddreg [dreg:$0xa];
	s26 =	sshrl.u32 s29, $0x3  }
0x4a: {  	[hbm:s15], [sflag:s9] =	dma.local [spmem:s26], $0x1400  }
0x4b: {  	s9 =	rddreg [dreg:$0xb]  }
0x4c: {  	s7 =	sor.u32 $0x1C03, s7;
	s15 =	rddreg [dreg:$0x13]  }
0x4d: {  	[hbm:s9], [sflag:s7] =	dma.local [spmem:s15], $0x1400  }
0x4e: {  	_ =	swait.ge [sflag:s21], $0x1400  }
0x4f: {  	[sflag:s21] =	ssyncset.done $0x0  }
0x50: {  	[sflag:s21] =	ssyncadd.s32 $0xFFFFEC00  }
0x51: {  	_ =	swait.ge [sflag:s8], $0x1400  }
0x52: {  	s7 =	sld [smem:$0x7FB];
	_ =	sdelay $0x2  }
0x53: {  	s26 =	rddreg [dreg:$0xc];
	s9 =	sadd.s32 $0x1, s7  }
0x54: {  	p0 =	sne.s32 s9, s26  }
.Ltmp1:
0x55: {  	_ = 	snop;
	(pc) =	sbr.rel @!p0 .LBB2_7-.Ltmp1, $3  }
0x56: {  	_ =	sdelay $0x1  }
0x57: {  	[sflag:s8] =	ssyncset.done $0x0  }
0x58: {  	s15 =	simm.s32 $0x300;
	[sflag:s8] =	ssyncadd.s32 $0xFFFFEC00  }
.LBB2_1:
0x59: {  	[smem:$0x7FB] =	sst s9;
	s7 =	simm.s32 $0x0;
	s26 =	simm.s32 $0x200  }
.LBB2_2:
0x5a: {  	p0 =	sne.s32 s26, $0x3E00;
	[tilespmem:s7+$0xAA70] =	vst v0  }
0x5b: {  	[tilespmem:s7+$0xAA00] =	vst v0  }
0x5c: {  	[tilespmem:s7+$0xAA10] =	vst v0  }
.Ltmp2:
0x5d: {  	[tilespmem:s7+$0xAA20] =	vst v0;
	(pc) =	sbr.rel @p0 .LBB2_2-.Ltmp2, $4  }
0x5e: {  	[tilespmem:s7+$0xAA30] =	vst v0  }
0x5f: {  	[tilespmem:s7+$0xAA40] =	vst v0  }
0x60: {  	[tilespmem:s7+$0xAA50] =	vst v0  }
0x61: {  	[tilespmem:s7+$0xAA60] =	vst v0;
	s7 =	sshra.s32 s26, $0x2;
	s26 =	sadd.s32 $0x200, s26  }
0x62: {  	[tilespmem:s7+$0xAA70] =	vst v0  }
0x63: {  	[tilespmem:s7+$0xAA00] =	vst v0  }
0x64: {  	[tilespmem:s7+$0xAA10] =	vst v0  }
0x65: {  	[tilespmem:s7+$0xAA20] =	vst v0  }
0x66: {  	[tilespmem:s7+$0xAA30] =	vst v0  }
0x67: {  	[tilespmem:s7+$0xAA40] =	vst v0  }
0x68: {  	[tilespmem:s7+$0xAA50] =	vst v0  }
0x69: {  	[tilespmem:s7+$0xAA60] =	vst v0;
	s9 =	simm.s32 $0xAA00;
	s26 =	rddreg [dreg:$0xe]  }
0x6a: {  	[spmem:s29] =	stream.linear.scatter [tilespmem:s9], [sflag:$0x1], $0x1000, $0x38;
	[tilespmem:$0x1FA00] =	vst v63  }
0x6b: {  	s29 =	rddreg [dreg:$0xd]  }
0x6c: {  	[spmem:s29] =	stream.linear.scatter [tilespmem:s9], [sflag:$0x1], $0x1000, $0x38;
	[tilespmem:$0x1FA00] =	vst v63  }
0x6d: {  	s29 =	rddreg [dreg:$0xf]  }
0x6e: {  	[spmem:s26] =	stream.linear.scatter [tilespmem:s9], [sflag:$0x1], $0x1000, $0x38;
	[tilespmem:$0x1FA00] =	vst v63  }
0x6f: {  	s26 =	rddreg [dreg:$0x10]  }
0x70: {  	[spmem:s29] =	stream.linear.scatter [tilespmem:s9], [sflag:$0x1], $0x1000, $0x38;
	[tilespmem:$0x1FA00] =	vst v63  }
0x71: {  	s29 =	rddreg [dreg:$0x11]  }
0x72: {  	[spmem:s26] =	stream.linear.scatter [tilespmem:s9], [sflag:$0x1], $0x1000, $0x38;
	[tilespmem:$0x1FA00] =	vst v63  }
0x73: {  	s26 =	rddreg [dreg:$0x14]  }
0x74: {  	[spmem:s29] =	stream.linear.scatter [tilespmem:s9], [sflag:$0x1], $0x1000, $0x38;
	[tilespmem:$0x1FA00] =	vst v63  }
0x75: {  	s29 =	rddreg [dreg:$0x15]  }
0x76: {  	[spmem:s26] =	stream.linear.scatter [tilespmem:s9], [sflag:$0x1], $0x1000, $0x38;
	[tilespmem:$0x1FA00] =	vst v63  }
0x77: {  	s26 =	rddreg [dreg:$0x16]  }
0x78: {  	[spmem:s29] =	stream.linear.scatter [tilespmem:s9], [sflag:$0x1], $0x1000, $0x38;
	[tilespmem:$0x1FA00] =	vst v63  }
0x79: {  	s29 =	rddreg [dreg:$0x17]  }
0x7a: {  	[spmem:s26] =	stream.linear.scatter [tilespmem:s9], [sflag:$0x1], $0x1000, $0x38;
	[tilespmem:$0x1FA00] =	vst v63  }
0x7b: {  	s26 =	rddreg [dreg:$0x18]  }
0x7c: {  	[spmem:s29] =	stream.linear.scatter [tilespmem:s9], [sflag:$0x1], $0x1000, $0x38;
	[tilespmem:$0x1FA00] =	vst v63  }
0x7d: {  	s29 =	rddreg [dreg:$0x19]  }
0x7e: {  	[spmem:s26] =	stream.linear.scatter [tilespmem:s9], [sflag:$0x1], $0x1000, $0x38;
	[tilespmem:$0x1FA00] =	vst v63  }
0x7f: {  	s26 =	rddreg [dreg:$0x1a]  }
0x80: {  	[spmem:s29] =	stream.linear.scatter [tilespmem:s9], [sflag:$0x1], $0x1000, $0x38;
	[tilespmem:$0x1FA00] =	vst v63  }
0x81: {  	s29 =	rddreg [dreg:$0x1b]  }
0x82: {  	[spmem:s26] =	stream.linear.scatter [tilespmem:s9], [sflag:$0x1], $0x1000, $0x38;
	[tilespmem:$0x1FA00] =	vst v63  }
0x83: {  	s26 =	rddreg [dreg:$0x1c]  }
0x84: {  	[spmem:s29] =	stream.linear.scatter [tilespmem:s9], [sflag:$0x1], $0x1000, $0x38;
	[tilespmem:$0x1FA00] =	vst v63  }
0x85: {  	s29 =	rddreg [dreg:$0x1d]  }
0x86: {  	[spmem:s26] =	stream.linear.scatter [tilespmem:s9], [sflag:$0x1], $0x1000, $0x38;
	[tilespmem:$0x1FA00] =	vst v63  }
0x87: {  	s26 =	rddreg [dreg:$0x1e]  }
0x88: {  	[spmem:s29] =	stream.linear.scatter [tilespmem:s9], [sflag:$0x1], $0x1000, $0x38;
	[tilespmem:$0x1FA00] =	vst v63  }
0x89: {  	s29 =	rddreg [dreg:$0x1f]  }
0x8a: {  	[spmem:s26] =	stream.linear.scatter [tilespmem:s9], [sflag:$0x1], $0x1000, $0x38;
	[tilespmem:$0x1FA00] =	vst v63  }
0x8b: {  	s26 =	sld [smem:$0x7FC]  }
0x8c: {  	[spmem:s29] =	stream.linear.scatter [tilespmem:s9], [sflag:$0x1], $0x1000, $0x38;
	[tilespmem:$0x1FA00] =	vst v63  }
0x8d: {  	s29 =	sld [smem:$0x7FD]  }
0x8e: {  	[spmem:s26] =	stream.linear.scatter [tilespmem:s9], [sflag:$0x1], $0x1000, $0x38;
	[tilespmem:$0x1FA00] =	vst v63  }
0x8f: {  	_ = 	snop  }
0x90: {  	[spmem:s29] =	stream.linear.scatter [tilespmem:s9], [sflag:$0x1], $0x1000, $0x38;
	[tilespmem:$0x1FA00] =	vst v63  }
0x91: {  	_ =	swait.ge [sflag:s16], $0x1000  }
0x92: {  	[sflag:s16] =	ssyncset.done $0x0  }
0x93: {  	[sflag:s16] =	ssyncadd.s32 $0xFFFFF000  }
0x94: {  	_ =	swait.ge [sflag:s16], $0x1000  }
0x95: {  	[sflag:s16] =	ssyncset.done $0x0  }
0x96: {  	[sflag:s16] =	ssyncadd.s32 $0xFFFFF000  }
0x97: {  	_ =	swait.ge [sflag:s16], $0x1000  }
0x98: {  	[sflag:s16] =	ssyncset.done $0x0  }
0x99: {  	[sflag:s16] =	ssyncadd.s32 $0xFFFFF000  }
0x9a: {  	_ =	swait.ge [sflag:s16], $0x1000  }
0x9b: {  	[sflag:s16] =	ssyncset.done $0x0  }
0x9c: {  	[sflag:s16] =	ssyncadd.s32 $0xFFFFF000  }
0x9d: {  	_ =	swait.ge [sflag:s16], $0x1000  }
0x9e: {  	[sflag:s16] =	ssyncset.done $0x0  }
0x9f: {  	[sflag:s16] =	ssyncadd.s32 $0xFFFFF000  }
0xa0: {  	_ =	swait.ge [sflag:s16], $0x1000  }
0xa1: {  	[sflag:s16] =	ssyncset.done $0x0  }
0xa2: {  	[sflag:s16] =	ssyncadd.s32 $0xFFFFF000  }
0xa3: {  	_ =	swait.ge [sflag:s16], $0x1000  }
0xa4: {  	[sflag:s16] =	ssyncset.done $0x0  }
0xa5: {  	[sflag:s16] =	ssyncadd.s32 $0xFFFFF000  }
0xa6: {  	_ =	swait.ge [sflag:s16], $0x1000  }
0xa7: {  	[sflag:s16] =	ssyncset.done $0x0  }
0xa8: {  	[sflag:s16] =	ssyncadd.s32 $0xFFFFF000  }
0xa9: {  	_ =	swait.ge [sflag:s16], $0x1000  }
0xaa: {  	[sflag:s16] =	ssyncset.done $0x0  }
0xab: {  	[sflag:s16] =	ssyncadd.s32 $0xFFFFF000  }
0xac: {  	_ =	swait.ge [sflag:s16], $0x1000  }
0xad: {  	[sflag:s16] =	ssyncset.done $0x0  }
0xae: {  	[sflag:s16] =	ssyncadd.s32 $0xFFFFF000  }
0xaf: {  	_ =	swait.ge [sflag:s16], $0x1000  }
0xb0: {  	[sflag:s16] =	ssyncset.done $0x0  }
0xb1: {  	[sflag:s16] =	ssyncadd.s32 $0xFFFFF000  }
0xb2: {  	_ =	swait.ge [sflag:s16], $0x1000  }
0xb3: {  	[sflag:s16] =	ssyncset.done $0x0  }
0xb4: {  	[sflag:s16] =	ssyncadd.s32 $0xFFFFF000  }
0xb5: {  	_ =	swait.ge [sflag:s16], $0x1000  }
0xb6: {  	[sflag:s16] =	ssyncset.done $0x0  }
0xb7: {  	[sflag:s16] =	ssyncadd.s32 $0xFFFFF000  }
0xb8: {  	_ =	swait.ge [sflag:s16], $0x1000  }
0xb9: {  	[sflag:s16] =	ssyncset.done $0x0  }
0xba: {  	[sflag:s16] =	ssyncadd.s32 $0xFFFFF000  }
0xbb: {  	_ =	swait.ge [sflag:s16], $0x1000  }
0xbc: {  	[sflag:s16] =	ssyncset.done $0x0  }
0xbd: {  	[sflag:s16] =	ssyncadd.s32 $0xFFFFF000  }
0xbe: {  	_ =	swait.ge [sflag:s16], $0x1000  }
0xbf: {  	[sflag:s16] =	ssyncset.done $0x0  }
0xc0: {  	[sflag:s16] =	ssyncadd.s32 $0xFFFFF000  }
0xc1: {  	_ =	swait.ge [sflag:s16], $0x1000  }
0xc2: {  	[sflag:s16] =	ssyncset.done $0x0  }
0xc3: {  	[sflag:s16] =	ssyncadd.s32 $0xFFFFF000  }
0xc4: {  	_ =	swait.ge [sflag:s16], $0x1000  }
0xc5: {  	[sflag:s16] =	ssyncset.done $0x0  }
0xc6: {  	[sflag:s16] =	ssyncadd.s32 $0xFFFFF000  }
0xc7: {  	_ =	swait.ge [sflag:s16], $0x1000  }
0xc8: {  	[sflag:s16] =	ssyncset.done $0x0  }
0xc9: {  	[sflag:s16] =	ssyncadd.s32 $0xFFFFF000  }
0xca: {  	_ =	swait.ge [sflag:s16], $0x1000  }
0xcb: {  	[sflag:s16] =	ssyncset.done $0x0  }
0xcc: {  	[sflag:s16] =	ssyncadd.s32 $0xFFFFF000  }
0xcd: {  	[bflag:$0x0] =	sbarrier.arrive $0xFFFF  }
0xce: {  	s26 =	simm.s32 $0x0;
	s9 =	rddreg [dreg:$0x4]  }
0xcf: {  	[tilespmem:s26], [sflag:$0xA] =	stream.linear.gather [hbm4b:s9+s26], $0x50, $0x38;
	[tilespmem:$0x1FA00] =	vst v63  }
0xd0: {  	s9 =	simm.s32 $0xA  }
0xd1: {  	_ =	swait.ge [sflag:s9], $0x50  }
0xd2: {  	[sflag:s9] =	ssyncset.done $0x0  }
0xd3: {  	s29 =	rddreg [dreg:$0x5];
	[sflag:s9] =	ssyncadd.s32 $0xFFFFFFB0  }
0xd4: {  	[tilespmem:s18], [sflag:$0xA] =	stream.linear.gather [hbm4b:s29+s26], $0x50, $0x38;
	[tilespmem:$0x1FA00] =	vst v63  }
0xd5: {  	_ =	swait.ge [sflag:s9], $0x50  }
0xd6: {  	[sflag:s9] =	ssyncset.done $0x0  }
0xd7: {  	[sflag:s9] =	ssyncadd.s32 $0xFFFFFFB0  }
0xd8: {  	[tilespmem:s20], [sflag:$0x2] =	stream.indirect.gather [hbm4b:s4+s19], $0x80, s26, s19, $0xb8;
	[tilespmem:$0x1FA00] =	vst v63  }
0xd9: {  	_ =	swait.ge [sflag:s21], $0x2800  }
0xda: {  	[sflag:s21] =	ssyncset.done $0x0  }
0xdb: {  	[sflag:s21] =	ssyncadd.s32 $0xFFFFD800  }
0xdc: {  	[spmem:s2] =	stream.indirect.scatter.add.f32 [tilespmem:s20], [sflag:$0x6], $0x80, s18, s19, $0xb8;
	[tilespmem:$0x1FA00] =	vst v63  }
0xdd: {  	_ =	swait.ge [sflag:s25], $0x2800  }
0xde: {  	[sflag:s25] =	ssyncset.done $0x0  }
0xdf: {  	s29 =	rddreg [dreg:$0x6];
	[sflag:s25] =	ssyncadd.s32 $0xFFFFD800  }
0xe0: {  	[tilespmem:s26], [sflag:$0x1] =	stream.linear.gather [hbm4b:s29+s26], $0x140, $0x38;
	[tilespmem:$0x1FA00] =	vst v63  }
0xe1: {  	s9 =	rddreg [dreg:$0x7]  }
0xe2: {  	[tilespmem:s15], [sflag:$0x1] =	stream.linear.gather [hbm4b:s9+s26], $0x140, $0x38;
	[tilespmem:$0x1FA00] =	vst v63  }
0xe3: {  	_ =	swait.ge [sflag:s16], $0x140  }
0xe4: {  	[sflag:s16] =	ssyncset.done $0x0  }
0xe5: {  	[sflag:s16] =	ssyncadd.s32 $0xFFFFFEC0  }
0xe6: {  	_ =	swait.ge [sflag:s16], $0x140  }
0xe7: {  	[sflag:s16] =	ssyncset.done $0x0  }
0xe8: {  	[sflag:s16] =	ssyncadd.s32 $0xFFFFFEC0  }
0xe9: {  	v1 =	vld [tilespmem:$0x300]  }
0xea: {  	v2 =	vld [tilespmem:$0x310]  }
0xeb: {  	v3 =	vld [tilespmem:$0x320]  }
0xec: {  	v4 =	vld [tilespmem:$0x330]  }
0xed: {  	v5 =	vld [tilespmem:$0x340]  }
0xee: {  	v58 =	vld [tilespmem:$0x380];
	[tilespmem:$0x600] =	vst v1  }
0xef: {  	v59 =	vld [tilespmem:$0x390];
	[tilespmem:$0x610] =	vst v2  }
0xf0: {  	v1 =	vld [tilespmem:$0x350];
	[tilespmem:$0x620] =	vst v3  }
0xf1: {  	v2 =	vld [tilespmem:$0x360];
	[tilespmem:$0x630] =	vst v4  }
0xf2: {  	v3 =	vld [tilespmem:$0x370];
	[tilespmem:$0x640] =	vst v5  }
0xf3: {  	v60 =	vld [tilespmem:$0x3D0];
	[tilespmem:$0x6B0] =	vst v58  }
0xf4: {  	v61 =	vld [tilespmem:$0x3E0];
	[tilespmem:$0x6C0] =	vst v59  }
0xf5: {  	[tilespmem:$0x680] =	vst v1;
	v1 =	vld [tilespmem:$0x3A0]  }
0xf6: {  	[tilespmem:$0x690] =	vst v2;
	v2 =	vld [tilespmem:$0x3B0]  }
0xf7: {  	[tilespmem:$0x6A0] =	vst v3;
	v3 =	vld [tilespmem:$0x3C0]  }
0xf8: {  	v62 =	vld [tilespmem:$0x420];
	[tilespmem:$0x730] =	vst v60  }
0xf9: {  	v63 =	vld [tilespmem:$0x430];
	[tilespmem:$0x740] =	vst v61  }
0xfa: {  	[tilespmem:$0x700] =	vst v1;
	v1 =	vld [tilespmem:$0x3F0]  }
0xfb: {  	[tilespmem:$0x710] =	vst v2;
	v2 =	vld [tilespmem:$0x400]  }
0xfc: {  	[tilespmem:$0x720] =	vst v3;
	v3 =	vld [tilespmem:$0x410]  }
0xfd: {  	[tilespmem:$0x7B0] =	vst v62  }
0xfe: {  	[tilespmem:$0x7C0] =	vst v63  }
0xff: {  	[tilespmem:$0x780] =	vst v1  }
0x100: {  	[tilespmem:$0x790] =	vst v2  }
0x101: {  	[tilespmem:$0x7A0] =	vst v3  }
0x102: {  	[tilespmem:s20], [sflag:$0x2] =	stream.indirect.gather [hbm4b:s4+s19], $0x80, s26, s19, $0xb8;
	[tilespmem:$0x1FA00] =	vst v63  }
0x103: {  	_ = 	snop  }
0x104: {  	[tilespmem:s28], [sflag:$0x3] =	stream.indirect.gather [hbm4b:s4+s19], $0x80, s19, s19, $0xb8;
	[tilespmem:$0x1FA00] =	vst v63  }
0x105: {  	s29 =	simm.s32 $0xA0  }
0x106: {  	[tilespmem:s24], [sflag:$0x4] =	stream.indirect.gather [hbm4b:s4+s19], $0x80, s29, s19, $0xb8;
	[tilespmem:$0x1FA00] =	vst v63  }
0x107: {  	s9 =	simm.s32 $0xF0;
	s7 =	rddreg [dreg:$0x12]  }
0x108: {  	[tilespmem:s31], [sflag:$0x5] =	stream.indirect.gather [hbm4b:s4+s19], $0x80, s9, s19, $0xb8;
	[tilespmem:$0x1FA00] =	vst v63  }
0x109: {  	s29 =	rddreg [dreg:$0x8]  }
0x10a: {  	[tilespmem:s0], [sflag:$0x1] =	stream.linear.gather [hbm4b:s29+s26], $0x140, $0x38;
	[tilespmem:$0x1FA00] =	vst v63  }
0x10b: {  	s9 =	rddreg [dreg:$0x9];
	s29 =	simm.s32 $0x480  }
0x10c: {  	[tilespmem:s29], [sflag:$0x1] =	stream.linear.gather [hbm4b:s9+s26], $0x140, $0x38;
	[tilespmem:$0x1FA00] =	vst v63  }
.LBB2_4:
0x10d: {  	_ =	swait.ge [sflag:s16], $0x140  }
0x10e: {  	[sflag:s16] =	ssyncset.done $0x0  }
0x10f: {  	[sflag:s16] =	ssyncadd.s32 $0xFFFFFEC0  }
0x110: {  	_ =	swait.ge [sflag:s16], $0x140  }
0x111: {  	[sflag:s16] =	ssyncset.done $0x0  }
0x112: {  	[sflag:s16] =	ssyncadd.s32 $0xFFFFFEC0  }
0x113: {  	v1 =	vld [tilespmem:$0x480]  }
0x114: {  	v2 =	vld [tilespmem:$0x490]  }
0x115: {  	v3 =	vld [tilespmem:$0x4A0]  }
0x116: {  	v4 =	vld [tilespmem:$0x4B0]  }
0x117: {  	v5 =	vld [tilespmem:$0x4C0]  }
0x118: {  	v50 =	vld [tilespmem:$0x500];
	[tilespmem:$0x800] =	vst v1  }
0x119: {  	v51 =	vld [tilespmem:$0x510];
	[tilespmem:$0x810] =	vst v2  }
0x11a: {  	v1 =	vld [tilespmem:$0x4D0];
	[tilespmem:$0x820] =	vst v3  }
0x11b: {  	v2 =	vld [tilespmem:$0x4E0];
	[tilespmem:$0x830] =	vst v4  }
0x11c: {  	v3 =	vld [tilespmem:$0x4F0];
	[tilespmem:$0x840] =	vst v5  }
0x11d: {  	v52 =	vld [tilespmem:$0x550];
	[tilespmem:$0x8B0] =	vst v50  }
0x11e: {  	v53 =	vld [tilespmem:$0x560];
	[tilespmem:$0x8C0] =	vst v51  }
0x11f: {  	[tilespmem:$0x880] =	vst v1;
	v1 =	vld [tilespmem:$0x520]  }
0x120: {  	[tilespmem:$0x890] =	vst v2;
	v2 =	vld [tilespmem:$0x530]  }
0x121: {  	[tilespmem:$0x8A0] =	vst v3;
	v3 =	vld [tilespmem:$0x540]  }
0x122: {  	v54 =	vld [tilespmem:$0x5A0];
	[tilespmem:$0x930] =	vst v52  }
0x123: {  	v55 =	vld [tilespmem:$0x5B0];
	[tilespmem:$0x940] =	vst v53  }
0x124: {  	[tilespmem:$0x900] =	vst v1;
	v1 =	vld [tilespmem:$0x570]  }
0x125: {  	[tilespmem:$0x910] =	vst v2;
	v2 =	vld [tilespmem:$0x580]  }
0x126: {  	[tilespmem:$0x920] =	vst v3;
	v3 =	vld [tilespmem:$0x590]  }
0x127: {  	[tilespmem:$0x9B0] =	vst v54  }
0x128: {  	[tilespmem:$0x9C0] =	vst v55  }
0x129: {  	[tilespmem:$0x980] =	vst v1  }
0x12a: {  	[tilespmem:$0x990] =	vst v2  }
0x12b: {  	[tilespmem:$0x9A0] =	vst v3  }
0x12c: {  	_ =	swait.ge [sflag:s21], $0x2800  }
0x12d: {  	[sflag:s21] =	ssyncset.done $0x0  }
0x12e: {  	[sflag:s21] =	ssyncadd.s32 $0xFFFFD800  }
0x12f: {  	[spmem:s2] =	stream.indirect.scatter.add.f32 [tilespmem:s20], [sflag:$0x6], $0x80, s18, s19, $0xb8;
	[tilespmem:$0x1FA00] =	vst v63  }
0x130: {  	_ =	swait.ge [sflag:s8], $0x2800  }
0x131: {  	[sflag:s8] =	ssyncset.done $0x0  }
0x132: {  	s9 =	simm.s32 $0x680;
	[sflag:s8] =	ssyncadd.s32 $0xFFFFD800  }
0x133: {  	[spmem:s2] =	stream.indirect.scatter.add.f32 [tilespmem:s28], [sflag:$0x7], $0x80, s9, s19, $0xb8;
	[tilespmem:$0x1FA00] =	vst v63  }
0x134: {  	_ =	swait.ge [sflag:s10], $0x2800  }
0x135: {  	[sflag:s10] =	ssyncset.done $0x0  }
0x136: {  	[sflag:s10] =	ssyncadd.s32 $0xFFFFD800  }
0x137: {  	[spmem:s2] =	stream.indirect.scatter.add.f32 [tilespmem:s24], [sflag:$0x8], $0x80, s11, s19, $0xb8;
	[tilespmem:$0x1FA00] =	vst v63  }
0x138: {  	_ =	swait.ge [sflag:s12], $0x2800  }
0x139: {  	[sflag:s12] =	ssyncset.done $0x0  }
0x13a: {  	[sflag:s12] =	ssyncadd.s32 $0xFFFFD800  }
0x13b: {  	[spmem:s2] =	stream.indirect.scatter.add.f32 [tilespmem:s31], [sflag:$0x9], $0x80, s13, s19, $0xb8;
	[tilespmem:$0x1FA00] =	vst v63  }
0x13c: {  	_ =	swait.ge [sflag:s25], $0x2800  }
0x13d: {  	[sflag:s25] =	ssyncset.done $0x0  }
0x13e: {  	[sflag:s25] =	ssyncadd.s32 $0xFFFFD800  }
0x13f: {  	[tilespmem:s20], [sflag:$0x2] =	stream.indirect.gather [hbm4b:s4+s19], $0x80, s0, s19, $0xb8;
	[tilespmem:$0x1FA00] =	vst v63  }
0x140: {  	_ =	swait.ge [sflag:s14], $0x2800  }
0x141: {  	[sflag:s14] =	ssyncset.done $0x0  }
0x142: {  	s29 =	simm.s32 $0x1D0;
	[sflag:s14] =	ssyncadd.s32 $0xFFFFD800  }
0x143: {  	[tilespmem:s28], [sflag:$0x3] =	stream.indirect.gather [hbm4b:s4+s19], $0x80, s29, s19, $0xb8;
	[tilespmem:$0x1FA00] =	vst v63  }
0x144: {  	_ =	swait.ge [sflag:s17], $0x2800  }
0x145: {  	[sflag:s17] =	ssyncset.done $0x0  }
0x146: {  	s29 =	simm.s32 $0x220;
	[sflag:s17] =	ssyncadd.s32 $0xFFFFD800  }
0x147: {  	[tilespmem:s24], [sflag:$0x4] =	stream.indirect.gather [hbm4b:s4+s19], $0x80, s29, s19, $0xb8;
	[tilespmem:$0x1FA00] =	vst v63  }
0x148: {  	_ =	swait.ge [sflag:s1], $0x2800  }
0x149: {  	[sflag:s1] =	ssyncset.done $0x0  }
0x14a: {  	s29 =	simm.s32 $0x270;
	[sflag:s1] =	ssyncadd.s32 $0xFFFFD800  }
0x14b: {  	[tilespmem:s31], [sflag:$0x5] =	stream.indirect.gather [hbm4b:s4+s19], $0x80, s29, s19, $0xb8;
	[tilespmem:$0x1FA00] =	vst v63  }
0x14c: {  	s29 =	sshrl.u32 s7, $0x3  }
0x14d: {  	s9 =	sadd.s32 s5, s29  }
0x14e: {  	[tilespmem:s3], [sflag:$0x1] =	stream.linear.gather [hbm4b:s9+s3], $0x140, $0x38;
	[tilespmem:$0x1FA00] =	vst v63  }
0x14f: {  	s29 =	sadd.s32 s6, s29  }
0x150: {  	[tilespmem:s15], [sflag:$0x1] =	stream.linear.gather [hbm4b:s29+s3], $0x140, $0x38;
	[tilespmem:$0x1FA00] =	vst v63  }
0x151: {  	_ =	swait.ge [sflag:s16], $0x140  }
0x152: {  	[sflag:s16] =	ssyncset.done $0x0  }
0x153: {  	[sflag:s16] =	ssyncadd.s32 $0xFFFFFEC0  }
0x154: {  	_ =	swait.ge [sflag:s16], $0x140  }
0x155: {  	[sflag:s16] =	ssyncset.done $0x0  }
0x156: {  	[sflag:s16] =	ssyncadd.s32 $0xFFFFFEC0  }
0x157: {  	v1 =	vld [tilespmem:$0x300]  }
0x158: {  	v2 =	vld [tilespmem:$0x310]  }
0x159: {  	v3 =	vld [tilespmem:$0x320]  }
0x15a: {  	v56 =	vld [tilespmem:$0x330]  }
0x15b: {  	v57 =	vld [tilespmem:$0x340]  }
0x15c: {  	v58 =	vld [tilespmem:$0x380];
	[tilespmem:$0x600] =	vst v1  }
0x15d: {  	v59 =	vld [tilespmem:$0x390];
	[tilespmem:$0x610] =	vst v2  }
0x15e: {  	v1 =	vld [tilespmem:$0x350];
	[tilespmem:$0x620] =	vst v3  }
0x15f: {  	v2 =	vld [tilespmem:$0x360];
	[tilespmem:$0x630] =	vst v56  }
0x160: {  	v3 =	vld [tilespmem:$0x370];
	[tilespmem:$0x640] =	vst v57  }
0x161: {  	v60 =	vld [tilespmem:$0x3D0];
	[tilespmem:$0x6B0] =	vst v58  }
0x162: {  	v61 =	vld [tilespmem:$0x3E0];
	[tilespmem:$0x6C0] =	vst v59  }
0x163: {  	[tilespmem:$0x680] =	vst v1;
	v1 =	vld [tilespmem:$0x3A0]  }
0x164: {  	[tilespmem:$0x690] =	vst v2;
	v2 =	vld [tilespmem:$0x3B0]  }
0x165: {  	[tilespmem:$0x6A0] =	vst v3;
	v3 =	vld [tilespmem:$0x3C0]  }
0x166: {  	v62 =	vld [tilespmem:$0x420];
	[tilespmem:$0x730] =	vst v60  }
0x167: {  	v63 =	vld [tilespmem:$0x430];
	[tilespmem:$0x740] =	vst v61  }
0x168: {  	[tilespmem:$0x700] =	vst v1;
	v1 =	vld [tilespmem:$0x3F0]  }
0x169: {  	[tilespmem:$0x710] =	vst v2;
	v2 =	vld [tilespmem:$0x400]  }
0x16a: {  	[tilespmem:$0x720] =	vst v3;
	v3 =	vld [tilespmem:$0x410]  }
0x16b: {  	[tilespmem:$0x7B0] =	vst v62  }
0x16c: {  	[tilespmem:$0x7C0] =	vst v63  }
0x16d: {  	[tilespmem:$0x780] =	vst v1  }
0x16e: {  	[tilespmem:$0x790] =	vst v2  }
0x16f: {  	[tilespmem:$0x7A0] =	vst v3  }
0x170: {  	_ =	swait.ge [sflag:s21], $0x2800  }
0x171: {  	[sflag:s21] =	ssyncset.done $0x0  }
0x172: {  	s29 =	simm.s32 $0x800;
	[sflag:s21] =	ssyncadd.s32 $0xFFFFD800  }
0x173: {  	[spmem:s2] =	stream.indirect.scatter.add.f32 [tilespmem:s20], [sflag:$0x6], $0x80, s29, s19, $0xb8;
	[tilespmem:$0x1FA00] =	vst v63  }
0x174: {  	_ =	swait.ge [sflag:s8], $0x2800  }
0x175: {  	[sflag:s8] =	ssyncset.done $0x0  }
0x176: {  	s29 =	simm.s32 $0x880;
	[sflag:s8] =	ssyncadd.s32 $0xFFFFD800  }
0x177: {  	[spmem:s2] =	stream.indirect.scatter.add.f32 [tilespmem:s28], [sflag:$0x7], $0x80, s29, s19, $0xb8;
	[tilespmem:$0x1FA00] =	vst v63  }
0x178: {  	_ =	swait.ge [sflag:s10], $0x2800  }
0x179: {  	[sflag:s10] =	ssyncset.done $0x0  }
0x17a: {  	s29 =	simm.s32 $0x900;
	[sflag:s10] =	ssyncadd.s32 $0xFFFFD800  }
0x17b: {  	[spmem:s2] =	stream.indirect.scatter.add.f32 [tilespmem:s24], [sflag:$0x8], $0x80, s29, s19, $0xb8;
	[tilespmem:$0x1FA00] =	vst v63  }
0x17c: {  	_ =	swait.ge [sflag:s12], $0x2800  }
0x17d: {  	[sflag:s12] =	ssyncset.done $0x0  }
0x17e: {  	[sflag:s12] =	ssyncadd.s32 $0xFFFFD800  }
0x17f: {  	[spmem:s2] =	stream.indirect.scatter.add.f32 [tilespmem:s31], [sflag:$0x9], $0x80, s30, s19, $0xb8;
	[tilespmem:$0x1FA00] =	vst v63  }
0x180: {  	_ =	swait.ge [sflag:s25], $0x2800  }
0x181: {  	[sflag:s25] =	ssyncset.done $0x0  }
0x182: {  	[sflag:s25] =	ssyncadd.s32 $0xFFFFD800  }
0x183: {  	[tilespmem:s20], [sflag:$0x2] =	stream.indirect.gather [hbm4b:s4+s19], $0x80, s3, s19, $0xb8;
	[tilespmem:$0x1FA00] =	vst v63  }
0x184: {  	_ =	swait.ge [sflag:s14], $0x2800  }
0x185: {  	[sflag:s14] =	ssyncset.done $0x0  }
0x186: {  	[sflag:s14] =	ssyncadd.s32 $0xFFFFD800  }
0x187: {  	[tilespmem:s28], [sflag:$0x3] =	stream.indirect.gather [hbm4b:s4+s19], $0x80, s19, s19, $0xb8;
	[tilespmem:$0x1FA00] =	vst v63  }
0x188: {  	_ =	swait.ge [sflag:s17], $0x2800  }
0x189: {  	[sflag:s17] =	ssyncset.done $0x0  }
0x18a: {  	p0 =	seq.s32 s26, $0x460;
	s29 =	simm.s32 $0xA0;
	[sflag:s17] =	ssyncadd.s32 $0xFFFFD800  }
0x18b: {  	[tilespmem:s24], [sflag:$0x4] =	stream.indirect.gather [hbm4b:s4+s19], $0x80, s29, s19, $0xb8;
	[tilespmem:$0x1FA00] =	vst v63  }
.Ltmp3:
0x18c: {  	_ = 	snop;
	(pc) =	sbr.rel @p0 .LBB2_6-.Ltmp3, $4  }
0x18d: {  	_ =	swait.ge [sflag:s1], $0x2800  }
0x18e: {  	[sflag:s1] =	ssyncset.done $0x0  }
0x18f: {  	s29 =	simm.s32 $0xF0;
	[sflag:s1] =	ssyncadd.s32 $0xFFFFD800  }
0x190: {  	[tilespmem:s31], [sflag:$0x5] =	stream.indirect.gather [hbm4b:s4+s19], $0x80, s29, s19, $0xb8;
	[tilespmem:$0x1FA00] =	vst v63  }
.Ltmp4:
0x191: {  	(pc) =	sbr.rel .LBB2_4-.Ltmp4, $4  }
0x192: {  	s9 =	sadd.s32 s26, s23;
	s29 =	simm.s32 $0x480  }
0x193: {  	[tilespmem:s0], [sflag:$0x1] =	stream.linear.gather [hbm4b:s9+s3], $0x140, $0x38;
	[tilespmem:$0x1FA00] =	vst v63  }
0x194: {  	s7 =	sadd.s32 $0x280, s7;
	s9 =	sadd.s32 s26, s22;
	s26 =	sadd.s32 $0x50, s26  }
0x195: {  	[tilespmem:s29], [sflag:$0x1] =	stream.linear.gather [hbm4b:s9+s3], $0x140, $0x38;
	[tilespmem:$0x1FA00] =	vst v63  }
.LBB2_7:
0x196: {  	_ =	sfence.sel $0x180000  }
0x197: {  	[bflag:$0x0] =	sbarrier.arrive $0xFFFF  }
0x198: {  	_ =	strace $0x9000004A  }
0x199: {  	s0 =	stileid.u32;
	[bflag:$0x2] =	sbarrier.arrive $0xFFFF  }
0x19a: {  	p0 =	sne.s32 s0, $0x0;
	s0 =	rddreg [dreg:$0x2]  }
0x19b: {  	s0 =	sadd.s32 @!p0 $0x100000, s0  }
0x19c: {  	[sflag:s0] =	ssyncadd.tile.s32 @!p0 $0x1;
	_ =	shalt  }
.Lfunc_end2:
_tile_overlayer_lowered:
.L_overlay_start_2:
0x19d: {  	(tag) =	ssettag $0x2  }
0x19e: {  	s0 =	rddreg [dreg:$0x0];
	s2 =	stileid.u32  }
0x19f: {  	s1 =	rddreg [dreg:$0x1];
	p0 =	sne.s32 s2, $0x0  }
0x1a0: {  	s3 =	rddreg [dreg:$0x2];
	[bflag:$0x3] =	sbarrier.arrive $0xFFFF;
	s2 =	simm.s32 @!p0 $0x1C0A  }
0x1a1: {  	[timem:s3], [sflag:s2] =	dma.local @!p0 [hbm:s0], s1  }
0x1a2: {  	s0 =	simm.s32 @!p0 $0xA  }
0x1a3: {  	_ =	swait.ge @!p0 [sflag:s0], s1  }
0x1a4: {  	s1 =	ssub.s32 @!p0 $0x0, s1;
	[sflag:s0] =	ssyncset.done @!p0 $0x0  }
0x1a5: {  	[sflag:s0] =	ssyncadd.s32 @!p0 s1  }
0x1a6: {  	[bflag:$0x3] =	sbarrier.arrive $0xFFFF  }
0x1a7: {  	_ =	shalt  }

// kernel: kernel.15.cloned.1.call-start
scs
__scs_entry_jumppad:
0x0: {  	(pc) =	sbr.rel $0x88, $3  }
0x1: {  	(tag) =	ssettag $0x0;
	lr =	simm.s32 $0x1  }
0x2: {  	[smem:$0x3F9A] =	sst lr;
	_ =	strace $0xD0000000  }
0x3: {  	_ = 	snop  }
0x4: {  	_ = 	snop  }
0x5: {  	_ = 	snop  }
0x6: {  	_ = 	snop  }
0x7: {  	_ = 	snop  }
__scs_overlays_trampoline_lowered:
0x8: {  	[smem:$0x3FA9] =	sst s0  }
0x9: {  	[smem:$0x3FAA] =	sst s1  }
0xa: {  	[smem:$0x3FAB] =	sst s2  }
0xb: {  	[smem:$0x3FAC] =	sst s3  }
0xc: {  	[smem:$0x3FAD] =	sst s4  }
0xd: {  	[smem:$0x3FAE] =	sst s5  }
0xe: {  	[smem:$0x3FAF] =	sst s6  }
0xf: {  	[smem:$0x3FB0] =	sst s7  }
0x10: {  	[smem:$0x3FB1] =	sst s8  }
0x11: {  	[smem:$0x3FB2] =	sst s9;
	s0 =	simm.s32 @!p0 $0x0  }
0x12: {  	s1 =	sld [smem:$0x3F98];
	s0 =	simm.s32 @p0 $0x1  }
0x13: {  	[smem:$0x3FB3] =	sst s0;
	s0 =	simm.s32 @!p1 $0x0  }
0x14: {  	s2 =	sld [smem:$0x3F97];
	s0 =	simm.s32 @p1 $0x1  }
0x15: {  	[smem:$0x3FB4] =	sst s0;
	s0 =	simm.s32 @!p2 $0x0  }
0x16: {  	s3 =	sld [smem:$0x3FDB];
	s0 =	simm.s32 @p2 $0x1  }
0x17: {  	s4 =	simm.s32 $0x1BF5;
	[smem:$0x3FB6] =	sst s0  }
0x18: {  	s0 =	sld [smem:$0x3F99];
	_ =	swait.ge [sflag:s4], $0x0  }
0x19: {  	s7 =	sld [smem:$0x3F9A]  }
0x1a: {  	s8 =	sadd.s32 $0xFFFFE003, lr  }
0x1b: {  	s9 =	sadd.s32 $0xFFFFFEF7, lr;
	s5 =	simm.s32 $0xFFFFFFFF;
	p2 =	slt.u32 s8, $0xFFFFF086  }
0x1c: {  	p1 =	slt.u32 s9, $0xF7A;
	s5 =	simm.s32 @!p2 $0x0  }
0x1d: {  	s5 =	simm.s32 @p1 $0x1;
	p0 =	seq.s32 s7, s2  }
0x1e: {  	s7 =	smul.u32 @!p0 $0xF7A, s2;
	p2 =	seq.s32 @!p0 s5, $0x0  }
0x1f: {  	s9 =	smul.u32 $0xF7A, s1;
	s8 =	simm.s32 @!p0 $0x1BF5;
	p2 =	por !p2, p0  }
0x20: {  	[sflag:s8] =	ssyncset.s32 @!p0 $0xFFFFF086;
	s6 =	sadd.s32 @!p0 s3, s7;
	s7 =	simm.s32 @!p0 $0x108  }
0x21: {  	s3 =	sadd.s32 s3, s9;
	s6 =	sadd.s32 @!p0 $0x88, s6;
	s7 =	simm.s32 @p2 $0x1082  }
0x22: {  	[simem:s7], [sflag:s8] =	dma.local @!p0 [hbm:s6], $0xF7A  }
0x23: {  	s9 =	sor.u32 $0xD0000000, s2;
	s6 =	simm.s32 $0x108;
	_ =	swait.ge @!p0 [sflag:s8], $0x0  }
0x24: {  	s3 =	sadd.s32 $0x88, s3;
	s6 =	simm.s32 @!p1 $0x1082;
	[sflag:s4] =	ssyncset.s32 $0xFFFFF086  }
0x25: {  	[simem:s6], [sflag:s4] =	dma.local [hbm:s3], $0xF7A  }
0x26: {  	[smem:$0x3F9A] =	sst s1;
	(tag) =	ssettag s2;
	_ =	strace s9  }
0x27: {  	s1 =	sld [smem:$0x3FAA]  }
0x28: {  	s2 =	sld [smem:$0x3FAB]  }
0x29: {  	s4 =	sld [smem:$0x3FAD]  }
0x2a: {  	p0 =	seq.s32 s5, $0x0;
	s5 =	sld [smem:$0x3FAE]  }
0x2b: {  	s6 =	sld [smem:$0x3FAF]  }
0x2c: {  	s7 =	sld [smem:$0x3FB0]  }
0x2d: {  	s3 =	simm.s32 $0x108;
	s8 =	sld [smem:$0x3FB1]  }
0x2e: {  	s3 =	simm.s32 @!p0 $0x1082;
	s9 =	sld [smem:$0x3FB2]  }
0x2f: {  	lr =	sadd.s32 s0, s3;
	s0 =	sld [smem:$0x3FA9]  }
0x30: {  	s3 =	sld [smem:$0x3FAC]  }
0x31: {  	[smem:$0x3FB5] =	sst s10  }
0x32: {  	s10 =	sld [smem:$0x3FB3];
	_ =	sdelay $0x3  }
0x33: {  	p0 =	seq.s32 s10, $0x1;
	s10 =	sld [smem:$0x3FB5];
	_ =	sdelay $0x3  }
0x34: {  	[smem:$0x3FB5] =	sst s10  }
0x35: {  	s10 =	sld [smem:$0x3FB4];
	_ =	sdelay $0x3  }
0x36: {  	p1 =	seq.s32 s10, $0x1;
	s10 =	sld [smem:$0x3FB5];
	_ =	sdelay $0x3  }
0x37: {  	[smem:$0x3FB5] =	sst s10  }
0x38: {  	s10 =	sld [smem:$0x3FB6]  }
0x39: {  	_ = 	snop;
	(pc) =	sbr.ind lr, $3  }
0x3a: {  	_ = 	snop  }
0x3b: {  	_ = 	snop  }
0x3c: {  	p2 =	seq.s32 s10, $0x1;
	s10 =	sld [smem:$0x3FB5]  }
0x3d: {  	_ =	shalt  }
0x3e: {  	_ =	shalt  }
0x3f: {  	_ =	shalt  }
0x40: {  	_ =	shalt  }
0x41: {  	_ =	shalt  }
0x42: {  	_ =	shalt  }
0x43: {  	_ =	shalt  }
0x44: {  	_ =	shalt  }
0x45: {  	_ =	shalt  }
0x46: {  	_ =	shalt  }
0x47: {  	_ =	shalt  }
0x48: {  	_ =	shalt  }
0x49: {  	_ =	shalt  }
0x4a: {  	_ =	shalt  }
0x4b: {  	_ =	shalt  }
0x4c: {  	_ =	shalt  }
0x4d: {  	_ =	shalt  }
0x4e: {  	_ =	shalt  }
0x4f: {  	_ =	shalt  }
0x50: {  	_ =	shalt  }
0x51: {  	_ =	shalt  }
0x52: {  	_ =	shalt  }
0x53: {  	_ =	shalt  }
0x54: {  	_ =	shalt  }
0x55: {  	_ =	shalt  }
0x56: {  	_ =	shalt  }
0x57: {  	_ =	shalt  }
0x58: {  	_ =	shalt  }
0x59: {  	_ =	shalt  }
0x5a: {  	_ =	shalt  }
0x5b: {  	_ =	shalt  }
0x5c: {  	_ =	shalt  }
0x5d: {  	_ =	shalt  }
0x5e: {  	_ =	shalt  }
0x5f: {  	_ =	shalt  }
0x60: {  	_ =	shalt  }
0x61: {  	_ =	shalt  }
0x62: {  	_ =	shalt  }
0x63: {  	_ =	shalt  }
0x64: {  	_ =	shalt  }
0x65: {  	_ =	shalt  }
0x66: {  	_ =	shalt  }
0x67: {  	_ =	shalt  }
0x68: {  	_ =	shalt  }
0x69: {  	_ =	shalt  }
0x6a: {  	_ =	shalt  }
0x6b: {  	_ =	shalt  }
0x6c: {  	_ =	shalt  }
0x6d: {  	_ =	shalt  }
0x6e: {  	_ =	shalt  }
0x6f: {  	_ =	shalt  }
0x70: {  	_ =	shalt  }
0x71: {  	_ =	shalt  }
0x72: {  	_ =	shalt  }
0x73: {  	_ =	shalt  }
0x74: {  	_ =	shalt  }
0x75: {  	_ =	shalt  }
0x76: {  	_ =	shalt  }
0x77: {  	_ =	shalt  }
0x78: {  	_ =	shalt  }
0x79: {  	_ =	shalt  }
0x7a: {  	_ =	shalt  }
0x7b: {  	_ =	shalt  }
0x7c: {  	_ =	shalt  }
0x7d: {  	_ =	shalt  }
0x7e: {  	_ =	shalt  }
0x7f: {  	_ =	shalt  }
0x80: {  	_ =	shalt  }
0x81: {  	_ =	shalt  }
0x82: {  	_ =	shalt  }
0x83: {  	_ =	shalt  }
0x84: {  	_ =	shalt  }
0x85: {  	_ =	shalt  }
0x86: {  	_ =	shalt  }
0x87: {  	_ =	shalt  }
.Lfunc_end0:
.L_simem_size_0:
called_computation.2_lowered:
.L_overlay_start_0:
0x88: {  	s2 =	sld [smem:$0x3FD9]  }
0x89: {  	s3 =	sld [smem:$0x3FFE];
	_ =	sdelay $0x1  }
0x8a: {  	s1 =	srdreg.scid  }
0x8b: {  	s0 =	sand.u32 $0x1, s1  }
0x8c: {  	s16 =	sshll.u32 s0, $0xA;
	s2 =	sadd.s32 s3, s2  }
0x8d: {  	s2 =	sadd.s32 s2, s16  }
0x8e: {  	[smem:$0x3FC1] =	sst s2  }
0x8f: {  	_ = 	snop  }
0x90: {  	(tm) =	ssettm $0x1  }
0x91: {  	s17 =	sld [smem:$0x3FFB];
	_ =	sdelay $0x3  }
0x92: {  	_ =	strace s17  }
0x93: {  	s2 =	sld [smem:$0x3FFC];
	_ =	sdelay $0x3  }
0x94: {  	_ =	strace s2  }
0x95: {  	s2 =	sld [smem:$0x3FFD];
	_ =	sdelay $0x3  }
0x96: {  	_ =	strace s2  }
0x97: {  	_ =	strace $0x8FFFFFFF  }
0x98: {  	s18 =	sld [smem:$0x3FDB];
	_ =	sdelay $0x1  }
0x99: {  	s19 =	simm.s32 $_scs_section_size  }
0x9a: {  	s4 =	simm.s32 $_size__tile_overlayer_lowered;
	s5 =	simm.s32 $_tile_overlayer_lowered  }
0x9b: {  	s22 =	simm.s32 $0x1BFF;
	s21 =	sshll.u32 s5, $0x1;
	s2 =	sadd.s32 s19, s18  }
0x9c: {  	s6 =	simm.s32 $0x0;
	s20 =	sshll.u32 s4, $0x1;
	s4 =	sadd.s32 s21, s2  }
0x9d: {  	[timem:s6], [sflag:s22] =	dma.local [hbm:s4], s20  }
0x9e: {  	_ =	swait.ge [sflag:s22], s20  }
0x9f: {  	s3 =	ssub.s32 $0x0, s20;
	[sflag:s22] =	ssyncset.done $0x0  }
0xa0: {  	[sflag:s22] =	ssyncadd.s32 s3;
	_ =	sdelay $0x1  }
0xa1: {  	s23 =	simm.s32 $0x1B8B  }
0xa2: {  	_ =	swait.ge [sflag:s23], $0x1  }
0xa3: {  	[sflag:s23] =	ssyncset.done $0x0  }
0xa4: {  	s25 =	simm.s32 $0x1B8E;
	s24 =	sld [smem:$0x3FFE];
	[sflag:s23] =	ssyncadd.s32 $0xFFFFFFFF  }
0xa5: {  	s26 =	simm.s32 $execute0_lowered;
	[smem:$0x3FD2] =	sst s25  }
0xa6: {  	s4 =	sshll.u32 s26, $0x1;
	_ =	strace $0x8000004C;
	[dreg:$0x1] =	wrdreg $0xFFFFFFFF  }
0xa7: {  	s28 =	simm.s32 $_size_execute0_lowered;
	s2 =	sadd.s32 s2, s4;
	[dreg:$0x0] =	wrdreg $0x0  }
0xa8: {  	s4 =	sshll.u32 s28, $0x1;
	[dreg:$0x2] =	wrdreg s2  }
0xa9: {  	[dreg:$0x3] =	wrdreg s4  }
0xaa: {  	[dreg:$0x4] =	wrdreg $0xC0  }
0xab: {  	_ =	task [dreg:s6], $0x5FFFF  }
0xac: {  	[dreg:$0x1] =	wrdreg $0xFFFFFFFF  }
0xad: {  	[dreg:$0x0] =	wrdreg $0x60  }
0xae: {  	[dreg:$0x2] =	wrdreg s24  }
0xaf: {  	[dreg:$0x3] =	wrdreg $0xBA000  }
0xb0: {  	[dreg:$0x4] =	wrdreg $0x9  }
0xb1: {  	_ =	task.clear_ibuf [dreg:s6], $0x5FFFF;
	_ =	strace $0x9000004C  }
0xb2: {  	s29 =	simm.s32 $0x9;
	_ =	strace $0x8000004E  }
0xb3: {  	_ =	swait.ge [sflag:s29], $0x1  }
0xb4: {  	[sflag:s29] =	ssyncadd.s32 $0xFFFFFFFF  }
0xb5: {  	_ =	strace $0x9000004E  }
0xb6: {  	_ =	sfence  }
0xb7: {  	s30 =	sld [smem:$0x0];
	_ =	sdelay $0x2  }
0xb8: {  	s31 =	sshll.u32 s1, $0xD;
	s1 =	sshrl.u32 s1, $0x2  }
0xb9: {  	s3 =	sand.u32 $0x4000, s31;
	s1 =	sadd.s32 s1, s30  }
0xba: {  	s0 =	sor.u32 s3, s0;
	s1 =	sshll.u32 s1, $0x11  }
0xbb: {  	s0 =	sor.u32 s1, s0  }
0xbc: {  	s0 =	sadd.s32 $0x8F2B, s0  }
0xbd: {  	[sflag:s0] =	ssyncadd.remote.s32 $0x1  }
0xbe: {  	_ =	sfence.sel $0xFFFF  }
0xbf: {  	[dreg:$0x0] =	wrdreg $0xFFFFFFFF;
	(pc) =	sbr.abs _section_cstart, $3  }
0xc0: {  	[dreg:$0x1] =	wrdreg $0xFFFFFFFF  }
0xc1: {  	_ =	task.clear_ibuf [dreg:s6], $0x2FFFF;
	_ =	strace $0x9FFFFFFF  }
0xc2: {  	(tm) =	ssettm $0x7FFFFFFF  }
0xc3: {  	_ =	shalt  }
tec
execute0_lowered:
.L_overlay_start_1:
0x0: {  	(tag) =	ssettag $0x1  }
0x1: {  	s0 =	rddreg [dreg:$0x0]  }
0x2: {  	s2 =	rddreg [dreg:$0x1]  }
0x3: {  	s1 =	srdreg.scid;
	s12 =	stileid.u32;
	s3 =	simm.s32 $0x0  }
0x4: {  	s28 =	simm.s32 $0x3200;
	s31 =	simm.s32 $0x8200;
	s30 =	simm.s32 $0x980  }
0x5: {  	s1 =	sand.u32 $0x1, s1;
	s4 =	sshll.u32 s12, $0x1;
	s8 =	smul.u32 $0x50000, s12  }
0x6: {  	[smem:$0x7FF] =	sst s3;
	s6 =	sadd.s32 $0x2200, s0;
	s15 =	smul.u32 $0x14000, s12  }
0x7: {  	s20 =	smul.u32 $0x4E20, s12;
	s5 =	sor.u32 s1, s4;
	_ =	strace $0x8000004D  }
0x8: {  	s4 =	sadd.s32 $0x15E00, s0;
	s9 =	ssub.s32 $0x2, s1;
	s17 =	smul.u32 $0x140000, s1  }
0x9: {  	s1 =	smul.u32 $0x2710, s1;
	s10 =	sshrl.u32 s9, $0x1;
	s8 =	sshrl.u32 s8, $0x2  }
0xa: {  	s7 =	smul.u32 $0x2710, s5;
	s9 =	ssub.s32 s9, s10;
	s29 =	sadd.s32 s8, s2  }
0xb: {  	s5 =	sadd.s32 $0xC000, s0;
	s22 =	smax.u32 s9, $0x1;
	[dreg:$0x3] =	wrdreg s29  }
0xc: {  	s0 =	sadd.s32 $0x3D000, s0;
	s23 =	sadd.s32 $0x1000, s29;
	[dreg:$0xc] =	wrdreg s22  }
0xd: {  	s19 =	sadd.s32 $0xA000, s15;
	s24 =	sadd.s32 $0x2000, s29;
	[dreg:$0xd] =	wrdreg s23  }
0xe: {  	s8 =	sadd.s32 s15, s17;
	s25 =	sadd.s32 $0x3000, s29;
	[dreg:$0xe] =	wrdreg s24  }
0xf: {  	s1 =	sadd.s32 s1, s20;
	s9 =	sadd.s32 $0x4000, s29;
	[dreg:$0xf] =	wrdreg s25  }
0x10: {  	s26 =	sadd.s32 $0x3C0, s1;
	s1 =	sadd.s32 $0x280, s1;
	[dreg:$0x10] =	wrdreg s9  }
0x11: {  	s21 =	sadd.s32 s19, s2;
	s12 =	sadd.s32 $0x7000, s29;
	[dreg:$0x12] =	wrdreg s1  }
0x12: {  	s7 =	sshrl.u32 s7, $0x3;
	s15 =	sadd.s32 $0xA000, s29;
	[dreg:$0x15] =	wrdreg s12  }
0x13: {  	s8 =	sshrl.u32 s8, $0x3;
	s20 =	sadd.s32 $0xF000, s29;
	[dreg:$0x18] =	wrdreg s15  }
0x14: {  	s11 =	sadd.s32 $0x4D8, s7;
	s14 =	sadd.s32 s5, s7;
	[dreg:$0x1d] =	wrdreg s20  }
0x15: {  	s16 =	sadd.s32 s6, s7;
	s7 =	sadd.s32 $0x28, s7;
	[dreg:$0x6] =	wrdreg s14  }
0x16: {  	s8 =	sadd.s32 s0, s8;
	s24 =	sadd.s32 $0x11000, s29;
	[dreg:$0x7] =	wrdreg s16  }
0x17: {  	s25 =	sadd.s32 $0x12000, s29;
	s20 =	simm.s32 $0xA00;
	[dreg:$0xa] =	wrdreg s8  }
0x18: {  	s15 =	simm.s32 $0x300;
	s12 =	simm.s32 $0x5;
	[dreg:$0x1f] =	wrdreg s24  }
0x19: {  	s1 =	simm.s32 $0x9;
	s10 =	sadd.s32 s5, s11;
	[smem:$0x7FC] =	sst s25  }
0x1a: {  	s9 =	simm.s32 $0x0;
	s13 =	sadd.s32 s6, s11;
	[dreg:$0x4] =	wrdreg s10  }
0x1b: {  	s18 =	sadd.s32 s5, s7;
	s7 =	sadd.s32 s6, s7;
	[dreg:$0x5] =	wrdreg s13  }
0x1c: {  	s11 =	sadd.s32 $0x6000, s29;
	s14 =	sadd.s32 $0x9000, s29;
	[dreg:$0x8] =	wrdreg s18  }
0x1d: {  	s16 =	sadd.s32 $0xB000, s29;
	s25 =	simm.s32 $0x6;
	[dreg:$0x9] =	wrdreg s7  }
0x1e: {  	s24 =	simm.s32 $0x5A00;
	s8 =	simm.s32 $0x3;
	[dreg:$0x14] =	wrdreg s11  }
0x1f: {  	s10 =	sadd.s32 s17, s19;
	s7 =	sshrl.u32 s26, $0x3;
	[dreg:$0x17] =	wrdreg s14  }
0x20: {  	s13 =	sadd.s32 $0x8000, s29;
	[dreg:$0x19] =	wrdreg s16;
	s17 =	sadd.s32 $0xC000, s29  }
0x21: {  	s18 =	sadd.s32 $0xD000, s29;
	s19 =	sadd.s32 $0xE000, s29;
	[dreg:$0x16] =	wrdreg s13  }
0x22: {  	s26 =	sadd.s32 $0x13000, s29;
	s16 =	simm.s32 $0x1;
	[dreg:$0x1a] =	wrdreg s17  }
0x23: {  	s11 =	simm.s32 $0x700;
	s14 =	simm.s32 $0x7;
	[dreg:$0x1b] =	wrdreg s18  }
0x24: {  	s10 =	sshrl.u32 s10, $0x3;
	s22 =	sadd.s32 s7, s6;
	[dreg:$0x1c] =	wrdreg s19  }
0x25: {  	s23 =	sadd.s32 s7, s5;
	[smem:$0x7FD] =	sst s26;
	s18 =	simm.s32 $0x600  }
.Ltmp0:
0x26: {  	s19 =	simm.s32 $0x50;
	s0 =	sadd.s32 s0, s10;
	(pc) =	sbr.rel .LBB2_1-.Ltmp0, $4  }
0x27: {  	s13 =	simm.s32 $0x780;
	s10 =	sadd.s32 $0x5000, s29;
	[dreg:$0xb] =	wrdreg s0  }
0x28: {  	s17 =	simm.s32 $0x8;
	[dreg:$0x11] =	wrdreg s10;
	s0 =	sshrl.u32 s21, $0x3  }
0x29: {  	s21 =	sadd.s32 $0x10000, s29;
	s10 =	simm.s32 $0x4;
	[dreg:$0x13] =	wrdreg s0  }
0x2a: {  	v0 =	vimm.f32 $0.0e+00;
	[dreg:$0x1e] =	wrdreg s21;
	s21 =	simm.s32 $0x2;
	s0 =	simm.s32 $0x180  }
.LBB2_6:
0x2b: {  	_ =	swait.ge [sflag:s21], $0x2800  }
0x2c: {  	[sflag:s21] =	ssyncset.done $0x0  }
0x2d: {  	[sflag:s21] =	ssyncadd.s32 $0xFFFFD800  }
0x2e: {  	[spmem:s2] =	stream.indirect.scatter.add.f32 [tilespmem:s20], [sflag:$0x6], $0x80, s18, s19, $0xb8;
	[tilespmem:$0x1FA00] =	vst v63  }
0x2f: {  	_ =	swait.ge [sflag:s8], $0x2800  }
0x30: {  	[sflag:s8] =	ssyncset.done $0x0  }
0x31: {  	s7 =	simm.s32 $0x680;
	[sflag:s8] =	ssyncadd.s32 $0xFFFFD800  }
0x32: {  	[spmem:s2] =	stream.indirect.scatter.add.f32 [tilespmem:s28], [sflag:$0x7], $0x80, s7, s19, $0xb8;
	[tilespmem:$0x1FA00] =	vst v63  }
0x33: {  	_ =	swait.ge [sflag:s10], $0x2800  }
0x34: {  	[sflag:s10] =	ssyncset.done $0x0  }
0x35: {  	[sflag:s10] =	ssyncadd.s32 $0xFFFFD800  }
0x36: {  	[spmem:s2] =	stream.indirect.scatter.add.f32 [tilespmem:s24], [sflag:$0x8], $0x80, s11, s19, $0xb8;
	[tilespmem:$0x1FA00] =	vst v63  }
0x37: {  	_ =	swait.ge [sflag:s12], $0x2800  }
0x38: {  	[sflag:s12] =	ssyncset.done $0x0  }
0x39: {  	[sflag:s12] =	ssyncadd.s32 $0xFFFFD800  }
0x3a: {  	[spmem:s2] =	stream.indirect.scatter.add.f32 [tilespmem:s31], [sflag:$0x9], $0x80, s13, s19, $0xb8;
	[tilespmem:$0x1FA00] =	vst v63  }
0x3b: {  	_ =	swait.ge [sflag:s25], $0x2800  }
0x3c: {  	[sflag:s25] =	ssyncset.done $0x0  }
0x3d: {  	[sflag:s25] =	ssyncadd.s32 $0xFFFFD800  }
0x3e: {  	_ =	swait.ge [sflag:s14], $0x2800  }
0x3f: {  	[sflag:s14] =	ssyncset.done $0x0  }
0x40: {  	[sflag:s14] =	ssyncadd.s32 $0xFFFFD800  }
0x41: {  	_ =	swait.ge [sflag:s17], $0x2800  }
0x42: {  	[sflag:s17] =	ssyncset.done $0x0  }
0x43: {  	[sflag:s17] =	ssyncadd.s32 $0xFFFFD800  }
0x44: {  	_ =	swait.ge [sflag:s1], $0x2800  }
0x45: {  	[sflag:s1] =	ssyncset.done $0x0  }
0x46: {  	[sflag:s1] =	ssyncadd.s32 $0xFFFFD800  }
0x47: {  	s26 =	stileid.u32;
	[bflag:$0x0] =	sbarrier.arrive $0xFFFF  }
0x48: {  	s7 =	sshll.u32 s26, $0x6;
	s29 =	rddreg [dreg:$0x3]  }
0x49: {  	s9 =	sor.u32 $0x1C02, s7;
	s15 =	rddreg [dreg:$0xa];
	s26 =	sshrl.u32 s29, $0x3  }
0x4a: {  	[hbm:s15], [sflag:s9] =	dma.local [spmem:s26], $0x1400  }
0x4b: {  	s9 =	rddreg [dreg:$0xb]  }
0x4c: {  	s7 =	sor.u32 $0x1C03, s7;
	s15 =	rddreg [dreg:$0x13]  }
0x4d: {  	[hbm:s9], [sflag:s7] =	dma.local [spmem:s15], $0x1400  }
0x4e: {  	_ =	swait.ge [sflag:s21], $0x1400  }
0x4f: {  	[sflag:s21] =	ssyncset.done $0x0  }
0x50: {  	[sflag:s21] =	ssyncadd.s32 $0xFFFFEC00  }
0x51: {  	_ =	swait.ge [sflag:s8], $0x1400  }
0x52: {  	s7 =	sld [smem:$0x7FB];
	_ =	sdelay $0x2  }
0x53: {  	s26 =	rddreg [dreg:$0xc];
	s9 =	sadd.s32 $0x1, s7  }
0x54: {  	p0 =	sne.s32 s9, s26  }
.Ltmp1:
0x55: {  	_ = 	snop;
	(pc) =	sbr.rel @!p0 .LBB2_7-.Ltmp1, $3  }
0x56: {  	_ =	sdelay $0x1  }
0x57: {  	[sflag:s8] =	ssyncset.done $0x0  }
0x58: {  	s15 =	simm.s32 $0x300;
	[sflag:s8] =	ssyncadd.s32 $0xFFFFEC00  }
.LBB2_1:
0x59: {  	[smem:$0x7FB] =	sst s9;
	s7 =	simm.s32 $0x0;
	s26 =	simm.s32 $0x200  }
.LBB2_2:
0x5a: {  	p0 =	sne.s32 s26, $0x3E00;
	[tilespmem:s7+$0xAA70] =	vst v0  }
0x5b: {  	[tilespmem:s7+$0xAA00] =	vst v0  }
0x5c: {  	[tilespmem:s7+$0xAA10] =	vst v0  }
.Ltmp2:
0x5d: {  	[tilespmem:s7+$0xAA20] =	vst v0;
	(pc) =	sbr.rel @p0 .LBB2_2-.Ltmp2, $4  }
0x5e: {  	[tilespmem:s7+$0xAA30] =	vst v0  }
0x5f: {  	[tilespmem:s7+$0xAA40] =	vst v0  }
0x60: {  	[tilespmem:s7+$0xAA50] =	vst v0  }
0x61: {  	[tilespmem:s7+$0xAA60] =	vst v0;
	s7 =	sshra.s32 s26, $0x2;
	s26 =	sadd.s32 $0x200, s26  }
0x62: {  	[tilespmem:s7+$0xAA70] =	vst v0  }
0x63: {  	[tilespmem:s7+$0xAA00] =	vst v0  }
0x64: {  	[tilespmem:s7+$0xAA10] =	vst v0  }
0x65: {  	[tilespmem:s7+$0xAA20] =	vst v0  }
0x66: {  	[tilespmem:s7+$0xAA30] =	vst v0  }
0x67: {  	[tilespmem:s7+$0xAA40] =	vst v0  }
0x68: {  	[tilespmem:s7+$0xAA50] =	vst v0  }
0x69: {  	[tilespmem:s7+$0xAA60] =	vst v0;
	s9 =	simm.s32 $0xAA00;
	s26 =	rddreg [dreg:$0xe]  }
0x6a: {  	[spmem:s29] =	stream.linear.scatter [tilespmem:s9], [sflag:$0x1], $0x1000, $0x38;
	[tilespmem:$0x1FA00] =	vst v63  }
0x6b: {  	s29 =	rddreg [dreg:$0xd]  }
0x6c: {  	[spmem:s29] =	stream.linear.scatter [tilespmem:s9], [sflag:$0x1], $0x1000, $0x38;
	[tilespmem:$0x1FA00] =	vst v63  }
0x6d: {  	s29 =	rddreg [dreg:$0xf]  }
0x6e: {  	[spmem:s26] =	stream.linear.scatter [tilespmem:s9], [sflag:$0x1], $0x1000, $0x38;
	[tilespmem:$0x1FA00] =	vst v63  }
0x6f: {  	s26 =	rddreg [dreg:$0x10]  }
0x70: {  	[spmem:s29] =	stream.linear.scatter [tilespmem:s9], [sflag:$0x1], $0x1000, $0x38;
	[tilespmem:$0x1FA00] =	vst v63  }
0x71: {  	s29 =	rddreg [dreg:$0x11]  }
0x72: {  	[spmem:s26] =	stream.linear.scatter [tilespmem:s9], [sflag:$0x1], $0x1000, $0x38;
	[tilespmem:$0x1FA00] =	vst v63  }
0x73: {  	s26 =	rddreg [dreg:$0x14]  }
0x74: {  	[spmem:s29] =	stream.linear.scatter [tilespmem:s9], [sflag:$0x1], $0x1000, $0x38;
	[tilespmem:$0x1FA00] =	vst v63  }
0x75: {  	s29 =	rddreg [dreg:$0x15]  }
0x76: {  	[spmem:s26] =	stream.linear.scatter [tilespmem:s9], [sflag:$0x1], $0x1000, $0x38;
	[tilespmem:$0x1FA00] =	vst v63  }
0x77: {  	s26 =	rddreg [dreg:$0x16]  }
0x78: {  	[spmem:s29] =	stream.linear.scatter [tilespmem:s9], [sflag:$0x1], $0x1000, $0x38;
	[tilespmem:$0x1FA00] =	vst v63  }
0x79: {  	s29 =	rddreg [dreg:$0x17]  }
0x7a: {  	[spmem:s26] =	stream.linear.scatter [tilespmem:s9], [sflag:$0x1], $0x1000, $0x38;
	[tilespmem:$0x1FA00] =	vst v63  }
0x7b: {  	s26 =	rddreg [dreg:$0x18]  }
0x7c: {  	[spmem:s29] =	stream.linear.scatter [tilespmem:s9], [sflag:$0x1], $0x1000, $0x38;
	[tilespmem:$0x1FA00] =	vst v63  }
0x7d: {  	s29 =	rddreg [dreg:$0x19]  }
0x7e: {  	[spmem:s26] =	stream.linear.scatter [tilespmem:s9], [sflag:$0x1], $0x1000, $0x38;
	[tilespmem:$0x1FA00] =	vst v63  }
0x7f: {  	s26 =	rddreg [dreg:$0x1a]  }
0x80: {  	[spmem:s29] =	stream.linear.scatter [tilespmem:s9], [sflag:$0x1], $0x1000, $0x38;
	[tilespmem:$0x1FA00] =	vst v63  }
0x81: {  	s29 =	rddreg [dreg:$0x1b]  }
0x82: {  	[spmem:s26] =	stream.linear.scatter [tilespmem:s9], [sflag:$0x1], $0x1000, $0x38;
	[tilespmem:$0x1FA00] =	vst v63  }
0x83: {  	s26 =	rddreg [dreg:$0x1c]  }
0x84: {  	[spmem:s29] =	stream.linear.scatter [tilespmem:s9], [sflag:$0x1], $0x1000, $0x38;
	[tilespmem:$0x1FA00] =	vst v63  }
0x85: {  	s29 =	rddreg [dreg:$0x1d]  }
0x86: {  	[spmem:s26] =	stream.linear.scatter [tilespmem:s9], [sflag:$0x1], $0x1000, $0x38;
	[tilespmem:$0x1FA00] =	vst v63  }
0x87: {  	s26 =	rddreg [dreg:$0x1e]  }
0x88: {  	[spmem:s29] =	stream.linear.scatter [tilespmem:s9], [sflag:$0x1], $0x1000, $0x38;
	[tilespmem:$0x1FA00] =	vst v63  }
0x89: {  	s29 =	rddreg [dreg:$0x1f]  }
0x8a: {  	[spmem:s26] =	stream.linear.scatter [tilespmem:s9], [sflag:$0x1], $0x1000, $0x38;
	[tilespmem:$0x1FA00] =	vst v63  }
0x8b: {  	s26 =	sld [smem:$0x7FC]  }
0x8c: {  	[spmem:s29] =	stream.linear.scatter [tilespmem:s9], [sflag:$0x1], $0x1000, $0x38;
	[tilespmem:$0x1FA00] =	vst v63  }
0x8d: {  	s29 =	sld [smem:$0x7FD]  }
0x8e: {  	[spmem:s26] =	stream.linear.scatter [tilespmem:s9], [sflag:$0x1], $0x1000, $0x38;
	[tilespmem:$0x1FA00] =	vst v63  }
0x8f: {  	_ = 	snop  }
0x90: {  	[spmem:s29] =	stream.linear.scatter [tilespmem:s9], [sflag:$0x1], $0x1000, $0x38;
	[tilespmem:$0x1FA00] =	vst v63  }
0x91: {  	_ =	swait.ge [sflag:s16], $0x1000  }
0x92: {  	[sflag:s16] =	ssyncset.done $0x0  }
0x93: {  	[sflag:s16] =	ssyncadd.s32 $0xFFFFF000  }
0x94: {  	_ =	swait.ge [sflag:s16], $0x1000  }
0x95: {  	[sflag:s16] =	ssyncset.done $0x0  }
0x96: {  	[sflag:s16] =	ssyncadd.s32 $0xFFFFF000  }
0x97: {  	_ =	swait.ge [sflag:s16], $0x1000  }
0x98: {  	[sflag:s16] =	ssyncset.done $0x0  }
0x99: {  	[sflag:s16] =	ssyncadd.s32 $0xFFFFF000  }
0x9a: {  	_ =	swait.ge [sflag:s16], $0x1000  }
0x9b: {  	[sflag:s16] =	ssyncset.done $0x0  }
0x9c: {  	[sflag:s16] =	ssyncadd.s32 $0xFFFFF000  }
0x9d: {  	_ =	swait.ge [sflag:s16], $0x1000  }
0x9e: {  	[sflag:s16] =	ssyncset.done $0x0  }
0x9f: {  	[sflag:s16] =	ssyncadd.s32 $0xFFFFF000  }
0xa0: {  	_ =	swait.ge [sflag:s16], $0x1000  }
0xa1: {  	[sflag:s16] =	ssyncset.done $0x0  }
0xa2: {  	[sflag:s16] =	ssyncadd.s32 $0xFFFFF000  }
0xa3: {  	_ =	swait.ge [sflag:s16], $0x1000  }
0xa4: {  	[sflag:s16] =	ssyncset.done $0x0  }
0xa5: {  	[sflag:s16] =	ssyncadd.s32 $0xFFFFF000  }
0xa6: {  	_ =	swait.ge [sflag:s16], $0x1000  }
0xa7: {  	[sflag:s16] =	ssyncset.done $0x0  }
0xa8: {  	[sflag:s16] =	ssyncadd.s32 $0xFFFFF000  }
0xa9: {  	_ =	swait.ge [sflag:s16], $0x1000  }
0xaa: {  	[sflag:s16] =	ssyncset.done $0x0  }
0xab: {  	[sflag:s16] =	ssyncadd.s32 $0xFFFFF000  }
0xac: {  	_ =	swait.ge [sflag:s16], $0x1000  }
0xad: {  	[sflag:s16] =	ssyncset.done $0x0  }
0xae: {  	[sflag:s16] =	ssyncadd.s32 $0xFFFFF000  }
0xaf: {  	_ =	swait.ge [sflag:s16], $0x1000  }
0xb0: {  	[sflag:s16] =	ssyncset.done $0x0  }
0xb1: {  	[sflag:s16] =	ssyncadd.s32 $0xFFFFF000  }
0xb2: {  	_ =	swait.ge [sflag:s16], $0x1000  }
0xb3: {  	[sflag:s16] =	ssyncset.done $0x0  }
0xb4: {  	[sflag:s16] =	ssyncadd.s32 $0xFFFFF000  }
0xb5: {  	_ =	swait.ge [sflag:s16], $0x1000  }
0xb6: {  	[sflag:s16] =	ssyncset.done $0x0  }
0xb7: {  	[sflag:s16] =	ssyncadd.s32 $0xFFFFF000  }
0xb8: {  	_ =	swait.ge [sflag:s16], $0x1000  }
0xb9: {  	[sflag:s16] =	ssyncset.done $0x0  }
0xba: {  	[sflag:s16] =	ssyncadd.s32 $0xFFFFF000  }
0xbb: {  	_ =	swait.ge [sflag:s16], $0x1000  }
0xbc: {  	[sflag:s16] =	ssyncset.done $0x0  }
0xbd: {  	[sflag:s16] =	ssyncadd.s32 $0xFFFFF000  }
0xbe: {  	_ =	swait.ge [sflag:s16], $0x1000  }
0xbf: {  	[sflag:s16] =	ssyncset.done $0x0  }
0xc0: {  	[sflag:s16] =	ssyncadd.s32 $0xFFFFF000  }
0xc1: {  	_ =	swait.ge [sflag:s16], $0x1000  }
0xc2: {  	[sflag:s16] =	ssyncset.done $0x0  }
0xc3: {  	[sflag:s16] =	ssyncadd.s32 $0xFFFFF000  }
0xc4: {  	_ =	swait.ge [sflag:s16], $0x1000  }
0xc5: {  	[sflag:s16] =	ssyncset.done $0x0  }
0xc6: {  	[sflag:s16] =	ssyncadd.s32 $0xFFFFF000  }
0xc7: {  	_ =	swait.ge [sflag:s16], $0x1000  }
0xc8: {  	[sflag:s16] =	ssyncset.done $0x0  }
0xc9: {  	[sflag:s16] =	ssyncadd.s32 $0xFFFFF000  }
0xca: {  	_ =	swait.ge [sflag:s16], $0x1000  }
0xcb: {  	[sflag:s16] =	ssyncset.done $0x0  }
0xcc: {  	[sflag:s16] =	ssyncadd.s32 $0xFFFFF000  }
0xcd: {  	[bflag:$0x0] =	sbarrier.arrive $0xFFFF  }
0xce: {  	s26 =	simm.s32 $0x0;
	s9 =	rddreg [dreg:$0x4]  }
0xcf: {  	[tilespmem:s26], [sflag:$0xA] =	stream.linear.gather [hbm4b:s9+s26], $0x50, $0x38;
	[tilespmem:$0x1FA00] =	vst v63  }
0xd0: {  	s9 =	simm.s32 $0xA  }
0xd1: {  	_ =	swait.ge [sflag:s9], $0x50  }
0xd2: {  	[sflag:s9] =	ssyncset.done $0x0  }
0xd3: {  	s29 =	rddreg [dreg:$0x5];
	[sflag:s9] =	ssyncadd.s32 $0xFFFFFFB0  }
0xd4: {  	[tilespmem:s18], [sflag:$0xA] =	stream.linear.gather [hbm4b:s29+s26], $0x50, $0x38;
	[tilespmem:$0x1FA00] =	vst v63  }
0xd5: {  	_ =	swait.ge [sflag:s9], $0x50  }
0xd6: {  	[sflag:s9] =	ssyncset.done $0x0  }
0xd7: {  	[sflag:s9] =	ssyncadd.s32 $0xFFFFFFB0  }
0xd8: {  	[tilespmem:s20], [sflag:$0x2] =	stream.indirect.gather [hbm4b:s4+s19], $0x80, s26, s19, $0xb8;
	[tilespmem:$0x1FA00] =	vst v63  }
0xd9: {  	_ =	swait.ge [sflag:s21], $0x2800  }
0xda: {  	[sflag:s21] =	ssyncset.done $0x0  }
0xdb: {  	[sflag:s21] =	ssyncadd.s32 $0xFFFFD800  }
0xdc: {  	[spmem:s2] =	stream.indirect.scatter.add.f32 [tilespmem:s20], [sflag:$0x6], $0x80, s18, s19, $0xb8;
	[tilespmem:$0x1FA00] =	vst v63  }
0xdd: {  	_ =	swait.ge [sflag:s25], $0x2800  }
0xde: {  	[sflag:s25] =	ssyncset.done $0x0  }
0xdf: {  	s29 =	rddreg [dreg:$0x6];
	[sflag:s25] =	ssyncadd.s32 $0xFFFFD800  }
0xe0: {  	[tilespmem:s26], [sflag:$0x1] =	stream.linear.gather [hbm4b:s29+s26], $0x140, $0x38;
	[tilespmem:$0x1FA00] =	vst v63  }
0xe1: {  	s9 =	rddreg [dreg:$0x7]  }
0xe2: {  	[tilespmem:s15], [sflag:$0x1] =	stream.linear.gather [hbm4b:s9+s26], $0x140, $0x38;
	[tilespmem:$0x1FA00] =	vst v63  }
0xe3: {  	_ =	swait.ge [sflag:s16], $0x140  }
0xe4: {  	[sflag:s16] =	ssyncset.done $0x0  }
0xe5: {  	[sflag:s16] =	ssyncadd.s32 $0xFFFFFEC0  }
0xe6: {  	_ =	swait.ge [sflag:s16], $0x140  }
0xe7: {  	[sflag:s16] =	ssyncset.done $0x0  }
0xe8: {  	[sflag:s16] =	ssyncadd.s32 $0xFFFFFEC0  }
0xe9: {  	v1 =	vld [tilespmem:$0x300]  }
0xea: {  	v2 =	vld [tilespmem:$0x310]  }
0xeb: {  	v3 =	vld [tilespmem:$0x320]  }
0xec: {  	v4 =	vld [tilespmem:$0x330]  }
0xed: {  	v5 =	vld [tilespmem:$0x340]  }
0xee: {  	v58 =	vld [tilespmem:$0x380];
	[tilespmem:$0x600] =	vst v1  }
0xef: {  	v59 =	vld [tilespmem:$0x390];
	[tilespmem:$0x610] =	vst v2  }
0xf0: {  	v1 =	vld [tilespmem:$0x350];
	[tilespmem:$0x620] =	vst v3  }
0xf1: {  	v2 =	vld [tilespmem:$0x360];
	[tilespmem:$0x630] =	vst v4  }
0xf2: {  	v3 =	vld [tilespmem:$0x370];
	[tilespmem:$0x640] =	vst v5  }
0xf3: {  	v60 =	vld [tilespmem:$0x3D0];
	[tilespmem:$0x6B0] =	vst v58  }
0xf4: {  	v61 =	vld [tilespmem:$0x3E0];
	[tilespmem:$0x6C0] =	vst v59  }
0xf5: {  	[tilespmem:$0x680] =	vst v1;
	v1 =	vld [tilespmem:$0x3A0]  }
0xf6: {  	[tilespmem:$0x690] =	vst v2;
	v2 =	vld [tilespmem:$0x3B0]  }
0xf7: {  	[tilespmem:$0x6A0] =	vst v3;
	v3 =	vld [tilespmem:$0x3C0]  }
0xf8: {  	v62 =	vld [tilespmem:$0x420];
	[tilespmem:$0x730] =	vst v60  }
0xf9: {  	v63 =	vld [tilespmem:$0x430];
	[tilespmem:$0x740] =	vst v61  }
0xfa: {  	[tilespmem:$0x700] =	vst v1;
	v1 =	vld [tilespmem:$0x3F0]  }
0xfb: {  	[tilespmem:$0x710] =	vst v2;
	v2 =	vld [tilespmem:$0x400]  }
0xfc: {  	[tilespmem:$0x720] =	vst v3;
	v3 =	vld [tilespmem:$0x410]  }
0xfd: {  	[tilespmem:$0x7B0] =	vst v62  }
0xfe: {  	[tilespmem:$0x7C0] =	vst v63  }
0xff: {  	[tilespmem:$0x780] =	vst v1  }
0x100: {  	[tilespmem:$0x790] =	vst v2  }
0x101: {  	[tilespmem:$0x7A0] =	vst v3  }
0x102: {  	[tilespmem:s20], [sflag:$0x2] =	stream.indirect.gather [hbm4b:s4+s19], $0x80, s26, s19, $0xb8;
	[tilespmem:$0x1FA00] =	vst v63  }
0x103: {  	_ = 	snop  }
0x104: {  	[tilespmem:s28], [sflag:$0x3] =	stream.indirect.gather [hbm4b:s4+s19], $0x80, s19, s19, $0xb8;
	[tilespmem:$0x1FA00] =	vst v63  }
0x105: {  	s29 =	simm.s32 $0xA0  }
0x106: {  	[tilespmem:s24], [sflag:$0x4] =	stream.indirect.gather [hbm4b:s4+s19], $0x80, s29, s19, $0xb8;
	[tilespmem:$0x1FA00] =	vst v63  }
0x107: {  	s9 =	simm.s32 $0xF0;
	s7 =	rddreg [dreg:$0x12]  }
0x108: {  	[tilespmem:s31], [sflag:$0x5] =	stream.indirect.gather [hbm4b:s4+s19], $0x80, s9, s19, $0xb8;
	[tilespmem:$0x1FA00] =	vst v63  }
0x109: {  	s29 =	rddreg [dreg:$0x8]  }
0x10a: {  	[tilespmem:s0], [sflag:$0x1] =	stream.linear.gather [hbm4b:s29+s26], $0x140, $0x38;
	[tilespmem:$0x1FA00] =	vst v63  }
0x10b: {  	s9 =	rddreg [dreg:$0x9];
	s29 =	simm.s32 $0x480  }
0x10c: {  	[tilespmem:s29], [sflag:$0x1] =	stream.linear.gather [hbm4b:s9+s26], $0x140, $0x38;
	[tilespmem:$0x1FA00] =	vst v63  }
.LBB2_4:
0x10d: {  	_ =	swait.ge [sflag:s16], $0x140  }
0x10e: {  	[sflag:s16] =	ssyncset.done $0x0  }
0x10f: {  	[sflag:s16] =	ssyncadd.s32 $0xFFFFFEC0  }
0x110: {  	_ =	swait.ge [sflag:s16], $0x140  }
0x111: {  	[sflag:s16] =	ssyncset.done $0x0  }
0x112: {  	[sflag:s16] =	ssyncadd.s32 $0xFFFFFEC0  }
0x113: {  	v1 =	vld [tilespmem:$0x480]  }
0x114: {  	v2 =	vld [tilespmem:$0x490]  }
0x115: {  	v3 =	vld [tilespmem:$0x4A0]  }
0x116: {  	v4 =	vld [tilespmem:$0x4B0]  }
0x117: {  	v5 =	vld [tilespmem:$0x4C0]  }
0x118: {  	v50 =	vld [tilespmem:$0x500];
	[tilespmem:$0x800] =	vst v1  }
0x119: {  	v51 =	vld [tilespmem:$0x510];
	[tilespmem:$0x810] =	vst v2  }
0x11a: {  	v1 =	vld [tilespmem:$0x4D0];
	[tilespmem:$0x820] =	vst v3  }
0x11b: {  	v2 =	vld [tilespmem:$0x4E0];
	[tilespmem:$0x830] =	vst v4  }
0x11c: {  	v3 =	vld [tilespmem:$0x4F0];
	[tilespmem:$0x840] =	vst v5  }
0x11d: {  	v52 =	vld [tilespmem:$0x550];
	[tilespmem:$0x8B0] =	vst v50  }
0x11e: {  	v53 =	vld [tilespmem:$0x560];
	[tilespmem:$0x8C0] =	vst v51  }
0x11f: {  	[tilespmem:$0x880] =	vst v1;
	v1 =	vld [tilespmem:$0x520]  }
0x120: {  	[tilespmem:$0x890] =	vst v2;
	v2 =	vld [tilespmem:$0x530]  }
0x121: {  	[tilespmem:$0x8A0] =	vst v3;
	v3 =	vld [tilespmem:$0x540]  }
0x122: {  	v54 =	vld [tilespmem:$0x5A0];
	[tilespmem:$0x930] =	vst v52  }
0x123: {  	v55 =	vld [tilespmem:$0x5B0];
	[tilespmem:$0x940] =	vst v53  }
0x124: {  	[tilespmem:$0x900] =	vst v1;
	v1 =	vld [tilespmem:$0x570]  }
0x125: {  	[tilespmem:$0x910] =	vst v2;
	v2 =	vld [tilespmem:$0x580]  }
0x126: {  	[tilespmem:$0x920] =	vst v3;
	v3 =	vld [tilespmem:$0x590]  }
0x127: {  	[tilespmem:$0x9B0] =	vst v54  }
0x128: {  	[tilespmem:$0x9C0] =	vst v55  }
0x129: {  	[tilespmem:$0x980] =	vst v1  }
0x12a: {  	[tilespmem:$0x990] =	vst v2  }
0x12b: {  	[tilespmem:$0x9A0] =	vst v3  }
0x12c: {  	_ =	swait.ge [sflag:s21], $0x2800  }
0x12d: {  	[sflag:s21] =	ssyncset.done $0x0  }
0x12e: {  	[sflag:s21] =	ssyncadd.s32 $0xFFFFD800  }
0x12f: {  	[spmem:s2] =	stream.indirect.scatter.add.f32 [tilespmem:s20], [sflag:$0x6], $0x80, s18, s19, $0xb8;
	[tilespmem:$0x1FA00] =	vst v63  }
0x130: {  	_ =	swait.ge [sflag:s8], $0x2800  }
0x131: {  	[sflag:s8] =	ssyncset.done $0x0  }
0x132: {  	s9 =	simm.s32 $0x680;
	[sflag:s8] =	ssyncadd.s32 $0xFFFFD800  }
0x133: {  	[spmem:s2] =	stream.indirect.scatter.add.f32 [tilespmem:s28], [sflag:$0x7], $0x80, s9, s19, $0xb8;
	[tilespmem:$0x1FA00] =	vst v63  }
0x134: {  	_ =	swait.ge [sflag:s10], $0x2800  }
0x135: {  	[sflag:s10] =	ssyncset.done $0x0  }
0x136: {  	[sflag:s10] =	ssyncadd.s32 $0xFFFFD800  }
0x137: {  	[spmem:s2] =	stream.indirect.scatter.add.f32 [tilespmem:s24], [sflag:$0x8], $0x80, s11, s19, $0xb8;
	[tilespmem:$0x1FA00] =	vst v63  }
0x138: {  	_ =	swait.ge [sflag:s12], $0x2800  }
0x139: {  	[sflag:s12] =	ssyncset.done $0x0  }
0x13a: {  	[sflag:s12] =	ssyncadd.s32 $0xFFFFD800  }
0x13b: {  	[spmem:s2] =	stream.indirect.scatter.add.f32 [tilespmem:s31], [sflag:$0x9], $0x80, s13, s19, $0xb8;
	[tilespmem:$0x1FA00] =	vst v63  }
0x13c: {  	_ =	swait.ge [sflag:s25], $0x2800  }
0x13d: {  	[sflag:s25] =	ssyncset.done $0x0  }
0x13e: {  	[sflag:s25] =	ssyncadd.s32 $0xFFFFD800  }
0x13f: {  	[tilespmem:s20], [sflag:$0x2] =	stream.indirect.gather [hbm4b:s4+s19], $0x80, s0, s19, $0xb8;
	[tilespmem:$0x1FA00] =	vst v63  }
0x140: {  	_ =	swait.ge [sflag:s14], $0x2800  }
0x141: {  	[sflag:s14] =	ssyncset.done $0x0  }
0x142: {  	s29 =	simm.s32 $0x1D0;
	[sflag:s14] =	ssyncadd.s32 $0xFFFFD800  }
0x143: {  	[tilespmem:s28], [sflag:$0x3] =	stream.indirect.gather [hbm4b:s4+s19], $0x80, s29, s19, $0xb8;
	[tilespmem:$0x1FA00] =	vst v63  }
0x144: {  	_ =	swait.ge [sflag:s17], $0x2800  }
0x145: {  	[sflag:s17] =	ssyncset.done $0x0  }
0x146: {  	s29 =	simm.s32 $0x220;
	[sflag:s17] =	ssyncadd.s32 $0xFFFFD800  }
0x147: {  	[tilespmem:s24], [sflag:$0x4] =	stream.indirect.gather [hbm4b:s4+s19], $0x80, s29, s19, $0xb8;
	[tilespmem:$0x1FA00] =	vst v63  }
0x148: {  	_ =	swait.ge [sflag:s1], $0x2800  }
0x149: {  	[sflag:s1] =	ssyncset.done $0x0  }
0x14a: {  	s29 =	simm.s32 $0x270;
	[sflag:s1] =	ssyncadd.s32 $0xFFFFD800  }
0x14b: {  	[tilespmem:s31], [sflag:$0x5] =	stream.indirect.gather [hbm4b:s4+s19], $0x80, s29, s19, $0xb8;
	[tilespmem:$0x1FA00] =	vst v63  }
0x14c: {  	s29 =	sshrl.u32 s7, $0x3  }
0x14d: {  	s9 =	sadd.s32 s5, s29  }
0x14e: {  	[tilespmem:s3], [sflag:$0x1] =	stream.linear.gather [hbm4b:s9+s3], $0x140, $0x38;
	[tilespmem:$0x1FA00] =	vst v63  }
0x14f: {  	s29 =	sadd.s32 s6, s29  }
0x150: {  	[tilespmem:s15], [sflag:$0x1] =	stream.linear.gather [hbm4b:s29+s3], $0x140, $0x38;
	[tilespmem:$0x1FA00] =	vst v63  }
0x151: {  	_ =	swait.ge [sflag:s16], $0x140  }
0x152: {  	[sflag:s16] =	ssyncset.done $0x0  }
0x153: {  	[sflag:s16] =	ssyncadd.s32 $0xFFFFFEC0  }
0x154: {  	_ =	swait.ge [sflag:s16], $0x140  }
0x155: {  	[sflag:s16] =	ssyncset.done $0x0  }
0x156: {  	[sflag:s16] =	ssyncadd.s32 $0xFFFFFEC0  }
0x157: {  	v1 =	vld [tilespmem:$0x300]  }
0x158: {  	v2 =	vld [tilespmem:$0x310]  }
0x159: {  	v3 =	vld [tilespmem:$0x320]  }
0x15a: {  	v56 =	vld [tilespmem:$0x330]  }
0x15b: {  	v57 =	vld [tilespmem:$0x340]  }
0x15c: {  	v58 =	vld [tilespmem:$0x380];
	[tilespmem:$0x600] =	vst v1  }
0x15d: {  	v59 =	vld [tilespmem:$0x390];
	[tilespmem:$0x610] =	vst v2  }
0x15e: {  	v1 =	vld [tilespmem:$0x350];
	[tilespmem:$0x620] =	vst v3  }
0x15f: {  	v2 =	vld [tilespmem:$0x360];
	[tilespmem:$0x630] =	vst v56  }
0x160: {  	v3 =	vld [tilespmem:$0x370];
	[tilespmem:$0x640] =	vst v57  }
0x161: {  	v60 =	vld [tilespmem:$0x3D0];
	[tilespmem:$0x6B0] =	vst v58  }
0x162: {  	v61 =	vld [tilespmem:$0x3E0];
	[tilespmem:$0x6C0] =	vst v59  }
0x163: {  	[tilespmem:$0x680] =	vst v1;
	v1 =	vld [tilespmem:$0x3A0]  }
0x164: {  	[tilespmem:$0x690] =	vst v2;
	v2 =	vld [tilespmem:$0x3B0]  }
0x165: {  	[tilespmem:$0x6A0] =	vst v3;
	v3 =	vld [tilespmem:$0x3C0]  }
0x166: {  	v62 =	vld [tilespmem:$0x420];
	[tilespmem:$0x730] =	vst v60  }
0x167: {  	v63 =	vld [tilespmem:$0x430];
	[tilespmem:$0x740] =	vst v61  }
0x168: {  	[tilespmem:$0x700] =	vst v1;
	v1 =	vld [tilespmem:$0x3F0]  }
0x169: {  	[tilespmem:$0x710] =	vst v2;
	v2 =	vld [tilespmem:$0x400]  }
0x16a: {  	[tilespmem:$0x720] =	vst v3;
	v3 =	vld [tilespmem:$0x410]  }
0x16b: {  	[tilespmem:$0x7B0] =	vst v62  }
0x16c: {  	[tilespmem:$0x7C0] =	vst v63  }
0x16d: {  	[tilespmem:$0x780] =	vst v1  }
0x16e: {  	[tilespmem:$0x790] =	vst v2  }
0x16f: {  	[tilespmem:$0x7A0] =	vst v3  }
0x170: {  	_ =	swait.ge [sflag:s21], $0x2800  }
0x171: {  	[sflag:s21] =	ssyncset.done $0x0  }
0x172: {  	s29 =	simm.s32 $0x800;
	[sflag:s21] =	ssyncadd.s32 $0xFFFFD800  }
0x173: {  	[spmem:s2] =	stream.indirect.scatter.add.f32 [tilespmem:s20], [sflag:$0x6], $0x80, s29, s19, $0xb8;
	[tilespmem:$0x1FA00] =	vst v63  }
0x174: {  	_ =	swait.ge [sflag:s8], $0x2800  }
0x175: {  	[sflag:s8] =	ssyncset.done $0x0  }
0x176: {  	s29 =	simm.s32 $0x880;
	[sflag:s8] =	ssyncadd.s32 $0xFFFFD800  }
0x177: {  	[spmem:s2] =	stream.indirect.scatter.add.f32 [tilespmem:s28], [sflag:$0x7], $0x80, s29, s19, $0xb8;
	[tilespmem:$0x1FA00] =	vst v63  }
0x178: {  	_ =	swait.ge [sflag:s10], $0x2800  }
0x179: {  	[sflag:s10] =	ssyncset.done $0x0  }
0x17a: {  	s29 =	simm.s32 $0x900;
	[sflag:s10] =	ssyncadd.s32 $0xFFFFD800  }
0x17b: {  	[spmem:s2] =	stream.indirect.scatter.add.f32 [tilespmem:s24], [sflag:$0x8], $0x80, s29, s19, $0xb8;
	[tilespmem:$0x1FA00] =	vst v63  }
0x17c: {  	_ =	swait.ge [sflag:s12], $0x2800  }
0x17d: {  	[sflag:s12] =	ssyncset.done $0x0  }
0x17e: {  	[sflag:s12] =	ssyncadd.s32 $0xFFFFD800  }
0x17f: {  	[spmem:s2] =	stream.indirect.scatter.add.f32 [tilespmem:s31], [sflag:$0x9], $0x80, s30, s19, $0xb8;
	[tilespmem:$0x1FA00] =	vst v63  }
0x180: {  	_ =	swait.ge [sflag:s25], $0x2800  }
0x181: {  	[sflag:s25] =	ssyncset.done $0x0  }
0x182: {  	[sflag:s25] =	ssyncadd.s32 $0xFFFFD800  }
0x183: {  	[tilespmem:s20], [sflag:$0x2] =	stream.indirect.gather [hbm4b:s4+s19], $0x80, s3, s19, $0xb8;
	[tilespmem:$0x1FA00] =	vst v63  }
0x184: {  	_ =	swait.ge [sflag:s14], $0x2800  }
0x185: {  	[sflag:s14] =	ssyncset.done $0x0  }
0x186: {  	[sflag:s14] =	ssyncadd.s32 $0xFFFFD800  }
0x187: {  	[tilespmem:s28], [sflag:$0x3] =	stream.indirect.gather [hbm4b:s4+s19], $0x80, s19, s19, $0xb8;
	[tilespmem:$0x1FA00] =	vst v63  }
0x188: {  	_ =	swait.ge [sflag:s17], $0x2800  }
0x189: {  	[sflag:s17] =	ssyncset.done $0x0  }
0x18a: {  	p0 =	seq.s32 s26, $0x460;
	s29 =	simm.s32 $0xA0;
	[sflag:s17] =	ssyncadd.s32 $0xFFFFD800  }
0x18b: {  	[tilespmem:s24], [sflag:$0x4] =	stream.indirect.gather [hbm4b:s4+s19], $0x80, s29, s19, $0xb8;
	[tilespmem:$0x1FA00] =	vst v63  }
.Ltmp3:
0x18c: {  	_ = 	snop;
	(pc) =	sbr.rel @p0 .LBB2_6-.Ltmp3, $4  }
0x18d: {  	_ =	swait.ge [sflag:s1], $0x2800  }
0x18e: {  	[sflag:s1] =	ssyncset.done $0x0  }
0x18f: {  	s29 =	simm.s32 $0xF0;
	[sflag:s1] =	ssyncadd.s32 $0xFFFFD800  }
0x190: {  	[tilespmem:s31], [sflag:$0x5] =	stream.indirect.gather [hbm4b:s4+s19], $0x80, s29, s19, $0xb8;
	[tilespmem:$0x1FA00] =	vst v63  }
.Ltmp4:
0x191: {  	(pc) =	sbr.rel .LBB2_4-.Ltmp4, $4  }
0x192: {  	s9 =	sadd.s32 s26, s23;
	s29 =	simm.s32 $0x480  }
0x193: {  	[tilespmem:s0], [sflag:$0x1] =	stream.linear.gather [hbm4b:s9+s3], $0x140, $0x38;
	[tilespmem:$0x1FA00] =	vst v63  }
0x194: {  	s7 =	sadd.s32 $0x280, s7;
	s9 =	sadd.s32 s26, s22;
	s26 =	sadd.s32 $0x50, s26  }
0x195: {  	[tilespmem:s29], [sflag:$0x1] =	stream.linear.gather [hbm4b:s9+s3], $0x140, $0x38;
	[tilespmem:$0x1FA00] =	vst v63  }
.LBB2_7:
0x196: {  	_ =	sfence.sel $0x180000  }
0x197: {  	[bflag:$0x0] =	sbarrier.arrive $0xFFFF  }
0x198: {  	_ =	strace $0x9000004D  }
0x199: {  	s0 =	stileid.u32;
	[bflag:$0x2] =	sbarrier.arrive $0xFFFF  }
0x19a: {  	p0 =	sne.s32 s0, $0x0;
	s0 =	rddreg [dreg:$0x2]  }
0x19b: {  	s0 =	sadd.s32 @!p0 $0x100000, s0  }
0x19c: {  	[sflag:s0] =	ssyncadd.tile.s32 @!p0 $0x1;
	_ =	shalt  }
.Lfunc_end2:
_tile_overlayer_lowered:
.L_overlay_start_2:
0x19d: {  	(tag) =	ssettag $0x2  }
0x19e: {  	s0 =	rddreg [dreg:$0x0];
	s2 =	stileid.u32  }
0x19f: {  	s1 =	rddreg [dreg:$0x1];
	p0 =	sne.s32 s2, $0x0  }
0x1a0: {  	s3 =	rddreg [dreg:$0x2];
	[bflag:$0x3] =	sbarrier.arrive $0xFFFF;
	s2 =	simm.s32 @!p0 $0x1C0A  }
0x1a1: {  	[timem:s3], [sflag:s2] =	dma.local @!p0 [hbm:s0], s1  }
0x1a2: {  	s0 =	simm.s32 @!p0 $0xA  }
0x1a3: {  	_ =	swait.ge @!p0 [sflag:s0], s1  }
0x1a4: {  	s1 =	ssub.s32 @!p0 $0x0, s1;
	[sflag:s0] =	ssyncset.done @!p0 $0x0  }
0x1a5: {  	[sflag:s0] =	ssyncadd.s32 @!p0 s1  }
0x1a6: {  	[bflag:$0x3] =	sbarrier.arrive $0xFFFF  }
0x1a7: {  	_ =	shalt  }

// kernel: kernel.9.cloned.1.call-start
scs
__scs_entry_jumppad:
0x0: {  	(pc) =	sbr.rel $0x88, $3  }
0x1: {  	(tag) =	ssettag $0x0;
	lr =	simm.s32 $0x1  }
0x2: {  	[smem:$0x3F9A] =	sst lr;
	_ =	strace $0xD0000000  }
0x3: {  	_ = 	snop  }
0x4: {  	_ = 	snop  }
0x5: {  	_ = 	snop  }
0x6: {  	_ = 	snop  }
0x7: {  	_ = 	snop  }
__scs_overlays_trampoline_lowered:
0x8: {  	[smem:$0x3FA9] =	sst s0  }
0x9: {  	[smem:$0x3FAA] =	sst s1  }
0xa: {  	[smem:$0x3FAB] =	sst s2  }
0xb: {  	[smem:$0x3FAC] =	sst s3  }
0xc: {  	[smem:$0x3FAD] =	sst s4  }
0xd: {  	[smem:$0x3FAE] =	sst s5  }
0xe: {  	[smem:$0x3FAF] =	sst s6  }
0xf: {  	[smem:$0x3FB0] =	sst s7  }
0x10: {  	[smem:$0x3FB1] =	sst s8  }
0x11: {  	[smem:$0x3FB2] =	sst s9;
	s0 =	simm.s32 @!p0 $0x0  }
0x12: {  	s1 =	sld [smem:$0x3F98];
	s0 =	simm.s32 @p0 $0x1  }
0x13: {  	[smem:$0x3FB3] =	sst s0;
	s0 =	simm.s32 @!p1 $0x0  }
0x14: {  	s2 =	sld [smem:$0x3F97];
	s0 =	simm.s32 @p1 $0x1  }
0x15: {  	[smem:$0x3FB4] =	sst s0;
	s0 =	simm.s32 @!p2 $0x0  }
0x16: {  	s3 =	sld [smem:$0x3FDB];
	s0 =	simm.s32 @p2 $0x1  }
0x17: {  	s4 =	simm.s32 $0x1BF5;
	[smem:$0x3FB6] =	sst s0  }
0x18: {  	s0 =	sld [smem:$0x3F99];
	_ =	swait.ge [sflag:s4], $0x0  }
0x19: {  	s7 =	sld [smem:$0x3F9A]  }
0x1a: {  	s8 =	sadd.s32 $0xFFFFE003, lr  }
0x1b: {  	s9 =	sadd.s32 $0xFFFFFEF7, lr;
	s5 =	simm.s32 $0xFFFFFFFF;
	p2 =	slt.u32 s8, $0xFFFFF086  }
0x1c: {  	p1 =	slt.u32 s9, $0xF7A;
	s5 =	simm.s32 @!p2 $0x0  }
0x1d: {  	s5 =	simm.s32 @p1 $0x1;
	p0 =	seq.s32 s7, s2  }
0x1e: {  	s7 =	smul.u32 @!p0 $0xF7A, s2;
	p2 =	seq.s32 @!p0 s5, $0x0  }
0x1f: {  	s9 =	smul.u32 $0xF7A, s1;
	s8 =	simm.s32 @!p0 $0x1BF5;
	p2 =	por !p2, p0  }
0x20: {  	[sflag:s8] =	ssyncset.s32 @!p0 $0xFFFFF086;
	s6 =	sadd.s32 @!p0 s3, s7;
	s7 =	simm.s32 @!p0 $0x108  }
0x21: {  	s3 =	sadd.s32 s3, s9;
	s6 =	sadd.s32 @!p0 $0x88, s6;
	s7 =	simm.s32 @p2 $0x1082  }
0x22: {  	[simem:s7], [sflag:s8] =	dma.local @!p0 [hbm:s6], $0xF7A  }
0x23: {  	s9 =	sor.u32 $0xD0000000, s2;
	s6 =	simm.s32 $0x108;
	_ =	swait.ge @!p0 [sflag:s8], $0x0  }
0x24: {  	s3 =	sadd.s32 $0x88, s3;
	s6 =	simm.s32 @!p1 $0x1082;
	[sflag:s4] =	ssyncset.s32 $0xFFFFF086  }
0x25: {  	[simem:s6], [sflag:s4] =	dma.local [hbm:s3], $0xF7A  }
0x26: {  	[smem:$0x3F9A] =	sst s1;
	(tag) =	ssettag s2;
	_ =	strace s9  }
0x27: {  	s1 =	sld [smem:$0x3FAA]  }
0x28: {  	s2 =	sld [smem:$0x3FAB]  }
0x29: {  	s4 =	sld [smem:$0x3FAD]  }
0x2a: {  	p0 =	seq.s32 s5, $0x0;
	s5 =	sld [smem:$0x3FAE]  }
0x2b: {  	s6 =	sld [smem:$0x3FAF]  }
0x2c: {  	s7 =	sld [smem:$0x3FB0]  }
0x2d: {  	s3 =	simm.s32 $0x108;
	s8 =	sld [smem:$0x3FB1]  }
0x2e: {  	s3 =	simm.s32 @!p0 $0x1082;
	s9 =	sld [smem:$0x3FB2]  }
0x2f: {  	lr =	sadd.s32 s0, s3;
	s0 =	sld [smem:$0x3FA9]  }
0x30: {  	s3 =	sld [smem:$0x3FAC]  }
0x31: {  	[smem:$0x3FB5] =	sst s10  }
0x32: {  	s10 =	sld [smem:$0x3FB3];
	_ =	sdelay $0x3  }
0x33: {  	p0 =	seq.s32 s10, $0x1;
	s10 =	sld [smem:$0x3FB5];
	_ =	sdelay $0x3  }
0x34: {  	[smem:$0x3FB5] =	sst s10  }
0x35: {  	s10 =	sld [smem:$0x3FB4];
	_ =	sdelay $0x3  }
0x36: {  	p1 =	seq.s32 s10, $0x1;
	s10 =	sld [smem:$0x3FB5];
	_ =	sdelay $0x3  }
0x37: {  	[smem:$0x3FB5] =	sst s10  }
0x38: {  	s10 =	sld [smem:$0x3FB6]  }
0x39: {  	_ = 	snop;
	(pc) =	sbr.ind lr, $3  }
0x3a: {  	_ = 	snop  }
0x3b: {  	_ = 	snop  }
0x3c: {  	p2 =	seq.s32 s10, $0x1;
	s10 =	sld [smem:$0x3FB5]  }
0x3d: {  	_ =	shalt  }
0x3e: {  	_ =	shalt  }
0x3f: {  	_ =	shalt  }
0x40: {  	_ =	shalt  }
0x41: {  	_ =	shalt  }
0x42: {  	_ =	shalt  }
0x43: {  	_ =	shalt  }
0x44: {  	_ =	shalt  }
0x45: {  	_ =	shalt  }
0x46: {  	_ =	shalt  }
0x47: {  	_ =	shalt  }
0x48: {  	_ =	shalt  }
0x49: {  	_ =	shalt  }
0x4a: {  	_ =	shalt  }
0x4b: {  	_ =	shalt  }
0x4c: {  	_ =	shalt  }
0x4d: {  	_ =	shalt  }
0x4e: {  	_ =	shalt  }
0x4f: {  	_ =	shalt  }
0x50: {  	_ =	shalt  }
0x51: {  	_ =	shalt  }
0x52: {  	_ =	shalt  }
0x53: {  	_ =	shalt  }
0x54: {  	_ =	shalt  }
0x55: {  	_ =	shalt  }
0x56: {  	_ =	shalt  }
0x57: {  	_ =	shalt  }
0x58: {  	_ =	shalt  }
0x59: {  	_ =	shalt  }
0x5a: {  	_ =	shalt  }
0x5b: {  	_ =	shalt  }
0x5c: {  	_ =	shalt  }
0x5d: {  	_ =	shalt  }
0x5e: {  	_ =	shalt  }
0x5f: {  	_ =	shalt  }
0x60: {  	_ =	shalt  }
0x61: {  	_ =	shalt  }
0x62: {  	_ =	shalt  }
0x63: {  	_ =	shalt  }
0x64: {  	_ =	shalt  }
0x65: {  	_ =	shalt  }
0x66: {  	_ =	shalt  }
0x67: {  	_ =	shalt  }
0x68: {  	_ =	shalt  }
0x69: {  	_ =	shalt  }
0x6a: {  	_ =	shalt  }
0x6b: {  	_ =	shalt  }
0x6c: {  	_ =	shalt  }
0x6d: {  	_ =	shalt  }
0x6e: {  	_ =	shalt  }
0x6f: {  	_ =	shalt  }
0x70: {  	_ =	shalt  }
0x71: {  	_ =	shalt  }
0x72: {  	_ =	shalt  }
0x73: {  	_ =	shalt  }
0x74: {  	_ =	shalt  }
0x75: {  	_ =	shalt  }
0x76: {  	_ =	shalt  }
0x77: {  	_ =	shalt  }
0x78: {  	_ =	shalt  }
0x79: {  	_ =	shalt  }
0x7a: {  	_ =	shalt  }
0x7b: {  	_ =	shalt  }
0x7c: {  	_ =	shalt  }
0x7d: {  	_ =	shalt  }
0x7e: {  	_ =	shalt  }
0x7f: {  	_ =	shalt  }
0x80: {  	_ =	shalt  }
0x81: {  	_ =	shalt  }
0x82: {  	_ =	shalt  }
0x83: {  	_ =	shalt  }
0x84: {  	_ =	shalt  }
0x85: {  	_ =	shalt  }
0x86: {  	_ =	shalt  }
0x87: {  	_ =	shalt  }
.Lfunc_end0:
.L_simem_size_0:
called_computation_lowered:
.L_overlay_start_0:
0x88: {  	s2 =	sld [smem:$0x3FD9]  }
0x89: {  	s3 =	sld [smem:$0x3FFE];
	_ =	sdelay $0x1  }
0x8a: {  	s1 =	srdreg.scid  }
0x8b: {  	s0 =	sand.u32 $0x1, s1  }
0x8c: {  	s16 =	sshll.u32 s0, $0xA;
	s2 =	sadd.s32 s3, s2  }
0x8d: {  	s2 =	sadd.s32 s2, s16  }
0x8e: {  	[smem:$0x3FC1] =	sst s2  }
0x8f: {  	_ = 	snop  }
0x90: {  	(tm) =	ssettm $0x1  }
0x91: {  	s17 =	sld [smem:$0x3FFB];
	_ =	sdelay $0x3  }
0x92: {  	_ =	strace s17  }
0x93: {  	s2 =	sld [smem:$0x3FFC];
	_ =	sdelay $0x3  }
0x94: {  	_ =	strace s2  }
0x95: {  	s2 =	sld [smem:$0x3FFD];
	_ =	sdelay $0x3  }
0x96: {  	_ =	strace s2  }
0x97: {  	_ =	strace $0x8FFFFFFF  }
0x98: {  	s18 =	sld [smem:$0x3FDB];
	_ =	sdelay $0x1  }
0x99: {  	s19 =	simm.s32 $_scs_section_size  }
0x9a: {  	s4 =	simm.s32 $_size__tile_overlayer_lowered;
	s5 =	simm.s32 $_tile_overlayer_lowered  }
0x9b: {  	s22 =	simm.s32 $0x1BFF;
	s21 =	sshll.u32 s5, $0x1;
	s2 =	sadd.s32 s19, s18  }
0x9c: {  	s6 =	simm.s32 $0x0;
	s20 =	sshll.u32 s4, $0x1;
	s4 =	sadd.s32 s21, s2  }
0x9d: {  	[timem:s6], [sflag:s22] =	dma.local [hbm:s4], s20  }
0x9e: {  	_ =	swait.ge [sflag:s22], s20  }
0x9f: {  	s3 =	ssub.s32 $0x0, s20;
	[sflag:s22] =	ssyncset.done $0x0  }
0xa0: {  	[sflag:s22] =	ssyncadd.s32 s3;
	_ =	sdelay $0x1  }
0xa1: {  	s23 =	simm.s32 $0x1B8B  }
0xa2: {  	_ =	swait.ge [sflag:s23], $0x1  }
0xa3: {  	[sflag:s23] =	ssyncset.done $0x0  }
0xa4: {  	s25 =	simm.s32 $0x1B8E;
	s24 =	sld [smem:$0x3FFE];
	[sflag:s23] =	ssyncadd.s32 $0xFFFFFFFF  }
0xa5: {  	s26 =	simm.s32 $execute0_lowered;
	[smem:$0x3FD2] =	sst s25  }
0xa6: {  	s4 =	sshll.u32 s26, $0x1;
	_ =	strace $0x80000046;
	[dreg:$0x1] =	wrdreg $0xFFFFFFFF  }
0xa7: {  	s28 =	simm.s32 $_size_execute0_lowered;
	s2 =	sadd.s32 s2, s4;
	[dreg:$0x0] =	wrdreg $0x0  }
0xa8: {  	s4 =	sshll.u32 s28, $0x1;
	[dreg:$0x2] =	wrdreg s2  }
0xa9: {  	[dreg:$0x3] =	wrdreg s4  }
0xaa: {  	[dreg:$0x4] =	wrdreg $0xC0  }
0xab: {  	_ =	task [dreg:s6], $0x5FFFF  }
0xac: {  	[dreg:$0x1] =	wrdreg $0xFFFFFFFF  }
0xad: {  	[dreg:$0x0] =	wrdreg $0x60  }
0xae: {  	[dreg:$0x2] =	wrdreg s24  }
0xaf: {  	[dreg:$0x3] =	wrdreg $0x9  }
0xb0: {  	_ =	task.clear_ibuf [dreg:s6], $0x4FFFF;
	_ =	strace $0x90000046  }
0xb1: {  	s29 =	simm.s32 $0x9;
	_ =	strace $0x80000048  }
0xb2: {  	_ =	swait.ge [sflag:s29], $0x1  }
0xb3: {  	[sflag:s29] =	ssyncadd.s32 $0xFFFFFFFF  }
0xb4: {  	_ =	strace $0x90000048  }
0xb5: {  	_ =	sfence  }
0xb6: {  	s30 =	sld [smem:$0x0];
	_ =	sdelay $0x2  }
0xb7: {  	s31 =	sshll.u32 s1, $0xD;
	s1 =	sshrl.u32 s1, $0x2  }
0xb8: {  	s3 =	sand.u32 $0x4000, s31;
	s1 =	sadd.s32 s1, s30  }
0xb9: {  	s0 =	sor.u32 s3, s0;
	s1 =	sshll.u32 s1, $0x11  }
0xba: {  	s0 =	sor.u32 s1, s0  }
0xbb: {  	s0 =	sadd.s32 $0x8F2B, s0  }
0xbc: {  	[sflag:s0] =	ssyncadd.remote.s32 $0x1  }
0xbd: {  	_ =	sfence.sel $0xFFFF  }
0xbe: {  	[dreg:$0x0] =	wrdreg $0xFFFFFFFF;
	(pc) =	sbr.abs _section_cstart, $3  }
0xbf: {  	[dreg:$0x1] =	wrdreg $0xFFFFFFFF  }
0xc0: {  	_ =	task.clear_ibuf [dreg:s6], $0x2FFFF;
	_ =	strace $0x9FFFFFFF  }
0xc1: {  	(tm) =	ssettm $0x7FFFFFFF  }
tec
execute0_lowered:
.L_overlay_start_1:
0x0: {  	(tag) =	ssettag $0x1  }
0x1: {  	s3 =	rddreg [dreg:$0x0]  }
0x2: {  	s0 =	rddreg [dreg:$0x1]  }
0x3: {  	s4 =	srdreg.scid;
	s1 =	stileid.u32;
	s2 =	simm.s32 $0x0  }
0x4: {  	s16 =	simm.s32 $0x1000;
	s17 =	simm.s32 $0x1;
	s18 =	simm.s32 $0x800  }
0x5: {  	s19 =	simm.s32 $0x1800;
	s20 =	simm.s32 $0x2000;
	s21 =	simm.s32 $0x4780  }
0x6: {  	s22 =	simm.s32 $0x2;
	s4 =	sand.u32 $0x1, s4;
	s5 =	sshll.u32 s1, $0x1  }
0x7: {  	s23 =	simm.s32 $0x0;
	[smem:$0x7FF] =	sst s2;
	s5 =	sor.u32 s4, s5  }
0x8: {  	s11 =	sadd.s32 $0xC000, s3;
	s4 =	ssub.s32 $0x2, s4;
	s6 =	smul.u32 $0x2710, s5  }
0x9: {  	s12 =	sadd.s32 $0x2200, s3;
	s5 =	smul.u32 $0x4F0, s5;
	s7 =	sshrl.u32 s4, $0x1  }
0xa: {  	_ =	strace $0x80000047;
	s15 =	ssub.s32 s4, s7;
	s9 =	sshrl.u32 s6, $0x3  }
0xb: {  	s14 =	sadd.s32 s5, s3;
	s15 =	smax.u32 s15, $0x1;
	s3 =	sadd.s32 s11, s9  }
0xc: {  	s4 =	sadd.s32 s12, s9;
	s6 =	sadd.s32 $0xFA, s9;
	s8 =	sadd.s32 $0x1F4, s9  }
0xd: {  	s10 =	sadd.s32 $0x2EE, s9;
	s13 =	sadd.s32 $0x3E8, s9;
	s5 =	sadd.s32 s11, s6  }
0xe: {  	s6 =	sadd.s32 s12, s6;
	s7 =	sadd.s32 s11, s8;
	s8 =	sadd.s32 s12, s8  }
0xf: {  	s9 =	sadd.s32 s11, s10;
	s10 =	sadd.s32 s12, s10;
	s11 =	sadd.s32 s11, s13  }
0x10: {  	v0 =	vimm.f32 $0.0e+00;
	v1 =	vimm.f32 $1.000000000e+00;
	s12 =	sadd.s32 s12, s13;
	s13 =	sadd.s32 $0x15E00, s14;
	s14 =	sadd.s32 $0x1FC00, s14  }
.LBB2_1:
0x11: {  	s24 =	simm.s32 $0x0;
	s25 =	simm.s32 $0x140  }
.LBB2_2:
0x12: {  	p0 =	sne.s32 s25, $0x9B00;
	[tilespmem:s24+$0x47C0] =	vst v0  }
0x13: {  	[tilespmem:s24+$0x2000] =	vst v0  }
0x14: {  	[tilespmem:s24+$0x4780] =	vst v0  }
0x15: {  	[tilespmem:s24+$0x2010] =	vst v0  }
0x16: {  	[tilespmem:s24+$0x4790] =	vst v0  }
.Ltmp0:
0x17: {  	[tilespmem:s24+$0x2020] =	vst v0;
	(pc) =	sbr.rel @p0 .LBB2_2-.Ltmp0, $4  }
0x18: {  	[tilespmem:s24+$0x47A0] =	vst v0  }
0x19: {  	[tilespmem:s24+$0x2030] =	vst v0  }
0x1a: {  	[tilespmem:s24+$0x47B0] =	vst v0  }
0x1b: {  	[tilespmem:s24+$0x2040] =	vst v0;
	s24 =	sshra.s32 s25, $0x2;
	s25 =	sadd.s32 $0x140, s25  }
0x1c: {  	[tilespmem:s24+$0x47C0] =	vst v0  }
0x1d: {  	[tilespmem:s24+$0x2000] =	vst v0  }
0x1e: {  	[tilespmem:s24+$0x4780] =	vst v0  }
0x1f: {  	[tilespmem:s24+$0x2010] =	vst v0  }
0x20: {  	[tilespmem:s24+$0x4790] =	vst v0  }
0x21: {  	[tilespmem:s24+$0x2020] =	vst v0  }
0x22: {  	[tilespmem:s24+$0x47A0] =	vst v0  }
0x23: {  	[tilespmem:s24+$0x2030] =	vst v0  }
0x24: {  	[tilespmem:s24+$0x47B0] =	vst v0  }
0x25: {  	[tilespmem:s24+$0x2040] =	vst v0;
	s24 =	simm.s32 $0x0  }
0x26: {  	[tilespmem:s24], [sflag:$0x1] =	stream.linear.gather [hbm4b:s3+s24], $0x7D0, $0x38;
	[tilespmem:$0x6F00] =	vst v63  }
0x27: {  	_ = 	snop  }
0x28: {  	[tilespmem:s16], [sflag:$0x1] =	stream.linear.gather [hbm4b:s4+s24], $0x7D0, $0x38;
	[tilespmem:$0x6F00] =	vst v63  }
0x29: {  	_ =	swait.ge [sflag:s17], $0x7D0  }
0x2a: {  	[sflag:s17] =	ssyncset.done $0x0  }
0x2b: {  	[sflag:s17] =	ssyncadd.s32 $0xFFFFF830  }
0x2c: {  	_ =	swait.ge [sflag:s17], $0x7D0  }
0x2d: {  	[sflag:s17] =	ssyncset.done $0x0  }
0x2e: {  	[sflag:s17] =	ssyncadd.s32 $0xFFFFF830  }
0x2f: {  	[tilespmem:s18], [sflag:$0x1] =	stream.linear.gather [hbm4b:s5+s24], $0x7D0, $0x38;
	[tilespmem:$0x6F00] =	vst v63  }
0x30: {  	_ = 	snop  }
0x31: {  	[tilespmem:s19], [sflag:$0x1] =	stream.linear.gather [hbm4b:s6+s24], $0x7D0, $0x38;
	[tilespmem:$0x6F00] =	vst v63  }
.LBB2_4:
0x32: {  	s25 =	sshra.s32 s24, $0x2  }
0x33: {  	v2 =	vld [tilespmem:s25+$0x0];
	_ =	sdelay $0x7  }
0x34: {  	[tilespmem:v2+s20+$0x0] =	vst.idx.add.f32.msk $0xffff, v1  }
0x35: {  	v2 =	vld [tilespmem:s25+$0x1000];
	_ =	sdelay $0x7  }
0x36: {  	[tilespmem:v2+s21+$0x0] =	vst.idx.add.f32.msk $0xffff, v1  }
0x37: {  	v2 =	vld [tilespmem:s25+$0x10];
	_ =	sdelay $0x7  }
0x38: {  	[tilespmem:v2+s20+$0x0] =	vst.idx.add.f32.msk $0xffff, v1  }
0x39: {  	v2 =	vld [tilespmem:s25+$0x1010];
	_ =	sdelay $0x7  }
0x3a: {  	[tilespmem:v2+s21+$0x0] =	vst.idx.add.f32.msk $0xffff, v1  }
0x3b: {  	v2 =	vld [tilespmem:s25+$0x20];
	_ =	sdelay $0x7  }
0x3c: {  	[tilespmem:v2+s20+$0x0] =	vst.idx.add.f32.msk $0xffff, v1  }
0x3d: {  	v2 =	vld [tilespmem:s25+$0x1020];
	_ =	sdelay $0x7  }
0x3e: {  	[tilespmem:v2+s21+$0x0] =	vst.idx.add.f32.msk $0xffff, v1  }
0x3f: {  	v2 =	vld [tilespmem:s25+$0x30];
	_ =	sdelay $0x7  }
0x40: {  	[tilespmem:v2+s20+$0x0] =	vst.idx.add.f32.msk $0xffff, v1  }
0x41: {  	v2 =	vld [tilespmem:s25+$0x1030];
	_ =	sdelay $0x7  }
0x42: {  	[tilespmem:v2+s21+$0x0] =	vst.idx.add.f32.msk $0xffff, v1  }
0x43: {  	v2 =	vld [tilespmem:s25+$0x40];
	_ =	sdelay $0x7  }
0x44: {  	[tilespmem:v2+s20+$0x0] =	vst.idx.add.f32.msk $0xffff, v1  }
0x45: {  	v2 =	vld [tilespmem:s25+$0x1040];
	_ =	sdelay $0x2  }
0x46: {  	p0 =	sne.s32 s24, $0x1E00  }
.Ltmp1:
0x47: {  	_ = 	snop;
	(pc) =	sbr.rel @p0 .LBB2_4-.Ltmp1, $2  }
0x48: {  	_ =	sdelay $0x2  }
0x49: {  	s24 =	sadd.s32 $0x140, s24;
	[tilespmem:v2+s21+$0x0] =	vst.idx.add.f32.msk $0xffff, v1  }
0x4a: {  	_ =	swait.ge [sflag:s17], $0x7D0  }
0x4b: {  	[sflag:s17] =	ssyncset.done $0x0  }
0x4c: {  	[sflag:s17] =	ssyncadd.s32 $0xFFFFF830  }
0x4d: {  	_ =	swait.ge [sflag:s17], $0x7D0  }
0x4e: {  	[sflag:s17] =	ssyncset.done $0x0  }
0x4f: {  	s24 =	simm.s32 $0x0;
	[sflag:s17] =	ssyncadd.s32 $0xFFFFF830  }
0x50: {  	[tilespmem:s24], [sflag:$0x1] =	stream.linear.gather [hbm4b:s7+s24], $0x7D0, $0x38;
	[tilespmem:$0x6F00] =	vst v63  }
0x51: {  	_ = 	snop  }
0x52: {  	[tilespmem:s16], [sflag:$0x1] =	stream.linear.gather [hbm4b:s8+s24], $0x7D0, $0x38;
	[tilespmem:$0x6F00] =	vst v63  }
.LBB2_6:
0x53: {  	s25 =	sshra.s32 s24, $0x2  }
0x54: {  	v2 =	vld [tilespmem:s25+$0x800];
	_ =	sdelay $0x7  }
0x55: {  	[tilespmem:v2+s20+$0x0] =	vst.idx.add.f32.msk $0xffff, v1  }
0x56: {  	v2 =	vld [tilespmem:s25+$0x1800];
	_ =	sdelay $0x7  }
0x57: {  	[tilespmem:v2+s21+$0x0] =	vst.idx.add.f32.msk $0xffff, v1  }
0x58: {  	v2 =	vld [tilespmem:s25+$0x810];
	_ =	sdelay $0x7  }
0x59: {  	[tilespmem:v2+s20+$0x0] =	vst.idx.add.f32.msk $0xffff, v1  }
0x5a: {  	v2 =	vld [tilespmem:s25+$0x1810];
	_ =	sdelay $0x7  }
0x5b: {  	[tilespmem:v2+s21+$0x0] =	vst.idx.add.f32.msk $0xffff, v1  }
0x5c: {  	v2 =	vld [tilespmem:s25+$0x820];
	_ =	sdelay $0x7  }
0x5d: {  	[tilespmem:v2+s20+$0x0] =	vst.idx.add.f32.msk $0xffff, v1  }
0x5e: {  	v2 =	vld [tilespmem:s25+$0x1820];
	_ =	sdelay $0x7  }
0x5f: {  	[tilespmem:v2+s21+$0x0] =	vst.idx.add.f32.msk $0xffff, v1  }
0x60: {  	v2 =	vld [tilespmem:s25+$0x830];
	_ =	sdelay $0x7  }
0x61: {  	[tilespmem:v2+s20+$0x0] =	vst.idx.add.f32.msk $0xffff, v1  }
0x62: {  	v2 =	vld [tilespmem:s25+$0x1830];
	_ =	sdelay $0x7  }
0x63: {  	[tilespmem:v2+s21+$0x0] =	vst.idx.add.f32.msk $0xffff, v1  }
0x64: {  	v2 =	vld [tilespmem:s25+$0x840];
	_ =	sdelay $0x7  }
0x65: {  	[tilespmem:v2+s20+$0x0] =	vst.idx.add.f32.msk $0xffff, v1  }
0x66: {  	v2 =	vld [tilespmem:s25+$0x1840];
	_ =	sdelay $0x2  }
0x67: {  	p0 =	sne.s32 s24, $0x1E00  }
.Ltmp2:
0x68: {  	_ = 	snop;
	(pc) =	sbr.rel @p0 .LBB2_6-.Ltmp2, $2  }
0x69: {  	_ =	sdelay $0x2  }
0x6a: {  	s24 =	sadd.s32 $0x140, s24;
	[tilespmem:v2+s21+$0x0] =	vst.idx.add.f32.msk $0xffff, v1  }
0x6b: {  	_ =	swait.ge [sflag:s17], $0x7D0  }
0x6c: {  	[sflag:s17] =	ssyncset.done $0x0  }
0x6d: {  	[sflag:s17] =	ssyncadd.s32 $0xFFFFF830  }
0x6e: {  	_ =	swait.ge [sflag:s17], $0x7D0  }
0x6f: {  	[sflag:s17] =	ssyncset.done $0x0  }
0x70: {  	s24 =	simm.s32 $0x0;
	[sflag:s17] =	ssyncadd.s32 $0xFFFFF830  }
0x71: {  	[tilespmem:s18], [sflag:$0x1] =	stream.linear.gather [hbm4b:s9+s24], $0x7D0, $0x38;
	[tilespmem:$0x6F00] =	vst v63  }
0x72: {  	_ = 	snop  }
0x73: {  	[tilespmem:s19], [sflag:$0x1] =	stream.linear.gather [hbm4b:s10+s24], $0x7D0, $0x38;
	[tilespmem:$0x6F00] =	vst v63  }
.LBB2_8:
0x74: {  	s25 =	sshra.s32 s24, $0x2  }
0x75: {  	v2 =	vld [tilespmem:s25+$0x0];
	_ =	sdelay $0x7  }
0x76: {  	[tilespmem:v2+s20+$0x0] =	vst.idx.add.f32.msk $0xffff, v1  }
0x77: {  	v2 =	vld [tilespmem:s25+$0x1000];
	_ =	sdelay $0x7  }
0x78: {  	[tilespmem:v2+s21+$0x0] =	vst.idx.add.f32.msk $0xffff, v1  }
0x79: {  	v2 =	vld [tilespmem:s25+$0x10];
	_ =	sdelay $0x7  }
0x7a: {  	[tilespmem:v2+s20+$0x0] =	vst.idx.add.f32.msk $0xffff, v1  }
0x7b: {  	v2 =	vld [tilespmem:s25+$0x1010];
	_ =	sdelay $0x7  }
0x7c: {  	[tilespmem:v2+s21+$0x0] =	vst.idx.add.f32.msk $0xffff, v1  }
0x7d: {  	v2 =	vld [tilespmem:s25+$0x20];
	_ =	sdelay $0x7  }
0x7e: {  	[tilespmem:v2+s20+$0x0] =	vst.idx.add.f32.msk $0xffff, v1  }
0x7f: {  	v2 =	vld [tilespmem:s25+$0x1020];
	_ =	sdelay $0x7  }
0x80: {  	[tilespmem:v2+s21+$0x0] =	vst.idx.add.f32.msk $0xffff, v1  }
0x81: {  	v2 =	vld [tilespmem:s25+$0x30];
	_ =	sdelay $0x7  }
0x82: {  	[tilespmem:v2+s20+$0x0] =	vst.idx.add.f32.msk $0xffff, v1  }
0x83: {  	v2 =	vld [tilespmem:s25+$0x1030];
	_ =	sdelay $0x7  }
0x84: {  	[tilespmem:v2+s21+$0x0] =	vst.idx.add.f32.msk $0xffff, v1  }
0x85: {  	v2 =	vld [tilespmem:s25+$0x40];
	_ =	sdelay $0x7  }
0x86: {  	[tilespmem:v2+s20+$0x0] =	vst.idx.add.f32.msk $0xffff, v1  }
0x87: {  	v2 =	vld [tilespmem:s25+$0x1040];
	_ =	sdelay $0x2  }
0x88: {  	p0 =	sne.s32 s24, $0x1E00  }
.Ltmp3:
0x89: {  	_ = 	snop;
	(pc) =	sbr.rel @p0 .LBB2_8-.Ltmp3, $2  }
0x8a: {  	_ =	sdelay $0x2  }
0x8b: {  	s24 =	sadd.s32 $0x140, s24;
	[tilespmem:v2+s21+$0x0] =	vst.idx.add.f32.msk $0xffff, v1  }
0x8c: {  	_ =	swait.ge [sflag:s17], $0x7D0  }
0x8d: {  	[sflag:s17] =	ssyncset.done $0x0  }
0x8e: {  	[sflag:s17] =	ssyncadd.s32 $0xFFFFF830  }
0x8f: {  	_ =	swait.ge [sflag:s17], $0x7D0  }
0x90: {  	[sflag:s17] =	ssyncset.done $0x0  }
0x91: {  	s24 =	simm.s32 $0x0;
	[sflag:s17] =	ssyncadd.s32 $0xFFFFF830  }
0x92: {  	[tilespmem:s24], [sflag:$0x1] =	stream.linear.gather [hbm4b:s11+s24], $0x7D0, $0x38;
	[tilespmem:$0x6F00] =	vst v63  }
0x93: {  	_ = 	snop  }
0x94: {  	[tilespmem:s16], [sflag:$0x1] =	stream.linear.gather [hbm4b:s12+s24], $0x7D0, $0x38;
	[tilespmem:$0x6F00] =	vst v63  }
.LBB2_10:
0x95: {  	s25 =	sshra.s32 s24, $0x2  }
0x96: {  	v2 =	vld [tilespmem:s25+$0x800];
	_ =	sdelay $0x7  }
0x97: {  	[tilespmem:v2+s20+$0x0] =	vst.idx.add.f32.msk $0xffff, v1  }
0x98: {  	v2 =	vld [tilespmem:s25+$0x1800];
	_ =	sdelay $0x7  }
0x99: {  	[tilespmem:v2+s21+$0x0] =	vst.idx.add.f32.msk $0xffff, v1  }
0x9a: {  	v2 =	vld [tilespmem:s25+$0x810];
	_ =	sdelay $0x7  }
0x9b: {  	[tilespmem:v2+s20+$0x0] =	vst.idx.add.f32.msk $0xffff, v1  }
0x9c: {  	v2 =	vld [tilespmem:s25+$0x1810];
	_ =	sdelay $0x7  }
0x9d: {  	[tilespmem:v2+s21+$0x0] =	vst.idx.add.f32.msk $0xffff, v1  }
0x9e: {  	v2 =	vld [tilespmem:s25+$0x820];
	_ =	sdelay $0x7  }
0x9f: {  	[tilespmem:v2+s20+$0x0] =	vst.idx.add.f32.msk $0xffff, v1  }
0xa0: {  	v2 =	vld [tilespmem:s25+$0x1820];
	_ =	sdelay $0x7  }
0xa1: {  	[tilespmem:v2+s21+$0x0] =	vst.idx.add.f32.msk $0xffff, v1  }
0xa2: {  	v2 =	vld [tilespmem:s25+$0x830];
	_ =	sdelay $0x7  }
0xa3: {  	[tilespmem:v2+s20+$0x0] =	vst.idx.add.f32.msk $0xffff, v1  }
0xa4: {  	v2 =	vld [tilespmem:s25+$0x1830];
	_ =	sdelay $0x7  }
0xa5: {  	[tilespmem:v2+s21+$0x0] =	vst.idx.add.f32.msk $0xffff, v1  }
0xa6: {  	v2 =	vld [tilespmem:s25+$0x840];
	_ =	sdelay $0x7  }
0xa7: {  	[tilespmem:v2+s20+$0x0] =	vst.idx.add.f32.msk $0xffff, v1  }
0xa8: {  	v2 =	vld [tilespmem:s25+$0x1840];
	_ =	sdelay $0x2  }
0xa9: {  	p0 =	sne.s32 s24, $0x1E00  }
.Ltmp4:
0xaa: {  	_ = 	snop;
	(pc) =	sbr.rel @p0 .LBB2_10-.Ltmp4, $2  }
0xab: {  	_ =	sdelay $0x2  }
0xac: {  	s24 =	sadd.s32 $0x140, s24;
	[tilespmem:v2+s21+$0x0] =	vst.idx.add.f32.msk $0xffff, v1  }
0xad: {  	_ =	swait.ge [sflag:s17], $0x7D0  }
0xae: {  	[sflag:s17] =	ssyncset.done $0x0  }
0xaf: {  	[sflag:s17] =	ssyncadd.s32 $0xFFFFF830  }
0xb0: {  	_ =	swait.ge [sflag:s17], $0x7D0  }
0xb1: {  	[sflag:s17] =	ssyncset.done $0x0  }
0xb2: {  	s24 =	simm.s32 $0x0;
	[sflag:s17] =	ssyncadd.s32 $0xFFFFF830  }
.LBB2_12:
0xb3: {  	s25 =	sshra.s32 s24, $0x2  }
0xb4: {  	v2 =	vld [tilespmem:s25+$0x0];
	_ =	sdelay $0x7  }
0xb5: {  	[tilespmem:v2+s20+$0x0] =	vst.idx.add.f32.msk $0xffff, v1  }
0xb6: {  	v2 =	vld [tilespmem:s25+$0x1000];
	_ =	sdelay $0x7  }
0xb7: {  	[tilespmem:v2+s21+$0x0] =	vst.idx.add.f32.msk $0xffff, v1  }
0xb8: {  	v2 =	vld [tilespmem:s25+$0x10];
	_ =	sdelay $0x7  }
0xb9: {  	[tilespmem:v2+s20+$0x0] =	vst.idx.add.f32.msk $0xffff, v1  }
0xba: {  	v2 =	vld [tilespmem:s25+$0x1010];
	_ =	sdelay $0x7  }
0xbb: {  	[tilespmem:v2+s21+$0x0] =	vst.idx.add.f32.msk $0xffff, v1  }
0xbc: {  	v2 =	vld [tilespmem:s25+$0x20];
	_ =	sdelay $0x7  }
0xbd: {  	[tilespmem:v2+s20+$0x0] =	vst.idx.add.f32.msk $0xffff, v1  }
0xbe: {  	v2 =	vld [tilespmem:s25+$0x1020];
	_ =	sdelay $0x7  }
0xbf: {  	[tilespmem:v2+s21+$0x0] =	vst.idx.add.f32.msk $0xffff, v1  }
0xc0: {  	v2 =	vld [tilespmem:s25+$0x30];
	_ =	sdelay $0x7  }
0xc1: {  	[tilespmem:v2+s20+$0x0] =	vst.idx.add.f32.msk $0xffff, v1  }
0xc2: {  	v2 =	vld [tilespmem:s25+$0x1030];
	_ =	sdelay $0x7  }
0xc3: {  	[tilespmem:v2+s21+$0x0] =	vst.idx.add.f32.msk $0xffff, v1  }
0xc4: {  	v2 =	vld [tilespmem:s25+$0x40];
	_ =	sdelay $0x7  }
0xc5: {  	[tilespmem:v2+s20+$0x0] =	vst.idx.add.f32.msk $0xffff, v1  }
0xc6: {  	v2 =	vld [tilespmem:s25+$0x1040];
	_ =	sdelay $0x2  }
0xc7: {  	p0 =	sne.s32 s24, $0x1E00  }
.Ltmp5:
0xc8: {  	_ = 	snop;
	(pc) =	sbr.rel @p0 .LBB2_12-.Ltmp5, $2  }
0xc9: {  	_ =	sdelay $0x2  }
0xca: {  	s24 =	sadd.s32 $0x140, s24;
	[tilespmem:v2+s21+$0x0] =	vst.idx.add.f32.msk $0xffff, v1  }
0xcb: {  	[hbm4b:s13+s2] =	stream.linear.scatter [tilespmem:s20], [sflag:$0x2], $0x2780, $0x38;
	[tilespmem:$0x6F00] =	vst v63  }
0xcc: {  	s23 =	sadd.s32 $0x1, s23;
	_ =	swait.ge [sflag:s22], $0x2780  }
0xcd: {  	p0 =	sne.s32 s23, s15;
	[sflag:s22] =	ssyncset.done $0x0  }
.Ltmp6:
0xce: {  	[sflag:s22] =	ssyncadd.s32 $0xFFFFD880;
	(pc) =	sbr.rel @p0 .LBB2_1-.Ltmp6, $4  }
0xcf: {  	[hbm4b:s14+s2] =	stream.linear.scatter [tilespmem:s21], [sflag:$0x2], $0x2780, $0x38;
	[tilespmem:$0x6F00] =	vst v63  }
0xd0: {  	_ =	swait.ge [sflag:s22], $0x2780  }
0xd1: {  	[sflag:s22] =	ssyncset.done $0x0  }
0xd2: {  	[sflag:s22] =	ssyncadd.s32 $0xFFFFD880  }
0xd3: {  	_ =	sfence.sel $0x180000  }
0xd4: {  	[bflag:$0x0] =	sbarrier.arrive $0xFFFF  }
0xd5: {  	p0 =	sne.s32 s1, $0x0;
	_ =	strace $0x90000047  }
0xd6: {  	s0 =	sadd.s32 @!p0 $0x100000, s0;
	[bflag:$0x2] =	sbarrier.arrive $0xFFFF  }
0xd7: {  	[sflag:s0] =	ssyncadd.tile.s32 @!p0 $0x1;
	_ =	shalt  }
.Lfunc_end2:
_tile_overlayer_lowered:
.L_overlay_start_2:
0xd8: {  	(tag) =	ssettag $0x2  }
0xd9: {  	s0 =	rddreg [dreg:$0x0];
	s2 =	stileid.u32  }
0xda: {  	s1 =	rddreg [dreg:$0x1];
	p0 =	sne.s32 s2, $0x0  }
0xdb: {  	s3 =	rddreg [dreg:$0x2];
	[bflag:$0x3] =	sbarrier.arrive $0xFFFF;
	s2 =	simm.s32 @!p0 $0x1C02  }
0xdc: {  	[timem:s3], [sflag:s2] =	dma.local @!p0 [hbm:s0], s1  }
0xdd: {  	s0 =	simm.s32 @!p0 $0x2  }
0xde: {  	_ =	swait.ge @!p0 [sflag:s0], s1  }
0xdf: {  	s1 =	ssub.s32 @!p0 $0x0, s1;
	[sflag:s0] =	ssyncset.done @!p0 $0x0  }
0xe0: {  	[sflag:s0] =	ssyncadd.s32 @!p0 s1  }
0xe1: {  	[bflag:$0x3] =	sbarrier.arrive $0xFFFF  }
0xe2: {  	_ =	shalt  }

</sc_bundles>
